<compile_context>
chip_gen: v7x
topology: tpu7x:2x2x1
jax: 0.10.2.dev20260603
libtpu: 0.0.44.dev20260713+nightly
codegen_flags: <defaults>
</compile_context>

<pallas_src>
import functools

import jax
import jax.numpy as jnp
from jax import lax
from jax.experimental import pallas as pl
from jax.experimental.pallas import tpu as pltpu
from jax.experimental.pallas import tpu_sc as plsc

NC = 2
NS = 16
NW = NC * NS
EPS = 1e-16


def _pad_nodes(n):
    q = NS * 8
    return -(-n // q) * q


def _proj_heads(x, W_heads, a_heads, blk):
    N, F = x.shape
    H, _, D = W_heads.shape

    NP = _pad_nodes(N)

    def body(x_ref, w_ref, a_ref, h_ref, s1_ref, s2_ref):
        xb = x_ref[...]
        s1c, s2c, hs = [], [], []
        for i in range(H):
            h = jnp.dot(xb, w_ref[i], preferred_element_type=jnp.float32)
            hs.append(h)
            s1c.append(jnp.dot(h, a_ref[i, :D], preferred_element_type=jnp.float32))
            s2c.append(jnp.dot(h, a_ref[i, D:], preferred_element_type=jnp.float32))
        for p in range(H // 2):
            h_ref[p] = jnp.concatenate([hs[2 * p], hs[2 * p + 1]], axis=1)
        z = jnp.zeros((xb.shape[0], 16 - H), jnp.float32)
        s1_ref[...] = jnp.concatenate([jnp.stack(s1c, axis=1), z], axis=1)
        s2_ref[...] = jnp.concatenate([jnp.stack(s2c, axis=1), z], axis=1)

    return pl.pallas_call(
        body,
        grid=(N // blk,),
        in_specs=[
            pl.BlockSpec((blk, F), lambda i: (i, 0)),
            pl.BlockSpec((H, F, D), lambda i: (0, 0, 0)),
            pl.BlockSpec((H, 2 * D), lambda i: (0, 0)),
        ],
        out_specs=[
            pl.BlockSpec((H // 2, blk, 2 * D), lambda i: (0, i, 0)),
            pl.BlockSpec((blk, 16), lambda i: (i, 0)),
            pl.BlockSpec((blk, 16), lambda i: (i, 0)),
        ],
        out_shape=[
            jax.ShapeDtypeStruct((H // 2, NP, 2 * D), jnp.float32),
            jax.ShapeDtypeStruct((NP, 16), jnp.float32),
            jax.ShapeDtypeStruct((NP, 16), jnp.float32),
        ],
    )(x, W_heads, a_heads)


def _edge_scores(s1p, s2p, src, dst, zeros16, k):
    N = s1p.shape[0]
    E = src.shape[0]
    ept = E // NW
    nchunk = ept // k
    rows = N // NS
    mesh = plsc.VectorSubcoreMesh(core_axis_name="c", subcore_axis_name="s")

    @functools.partial(
        pl.kernel,
        mesh=mesh,
        compiler_params=pltpu.CompilerParams(use_tc_tiling_on_sc=False),
        out_type=[
            jax.ShapeDtypeStruct((E, 16), jnp.float32),
            jax.ShapeDtypeStruct((NC * N, 16), jnp.float32),
        ],
        scratch_types=[
            pltpu.VMEM((ept,), jnp.int32),
            pltpu.VMEM((k,), jnp.int32),
            pltpu.VMEM((k, 16), jnp.float32),
            pltpu.VMEM((k, 16), jnp.float32),
            pltpu.VMEM((k, 16), jnp.float32),
            pltpu.VMEM_SHARED((N, 16), jnp.float32),
        ] + [pltpu.SemaphoreType.DMA] * 4,
    )
    def kern(s1_hbm, s2_hbm, src_hbm, dst_hbm, z_hbm, ex_hbm, den_hbm,
             srcv, dstv, s1v, s2v, exv, den_sh, sem1, sem2, semd, seme):
        c = lax.axis_index("c")
        s = lax.axis_index("s")
        wid = s * NC + c
        tbase = wid * ept
        pltpu.sync_copy(z_hbm.at[pl.ds(s * rows, rows)],
                        den_sh.at[pl.ds(s * rows, rows)])
        pltpu.sync_copy(src_hbm.at[pl.ds(tbase, ept)], srcv)
        plsc.subcore_barrier()

        def chunk(ci, carry):
            base = tbase + ci * k
            cp1 = pltpu.async_copy(s1_hbm.at[srcv.at[pl.ds(ci * k, k)]], s1v, sem1)
            d = pltpu.async_copy(dst_hbm.at[pl.ds(base, k)], dstv, semd)
            d.wait()
            cp2 = pltpu.async_copy(s2_hbm.at[dstv], s2v, sem2)
            cp1.wait()
            cp2.wait()

            def edge(j, carry2):
                e = s1v[j] + s2v[j]
                exv[j] = jnp.exp(jnp.where(e > 0, e, 0.2 * e))
                return carry2

            lax.fori_loop(0, k, edge, 0, unroll=8)
            es = pltpu.async_copy(exv, ex_hbm.at[pl.ds(base, k)], seme)
            pltpu.sync_copy(exv, den_sh.at[dstv], add=True)
            es.wait()
            return carry

        lax.fori_loop(0, nchunk, chunk, 0)
        plsc.subcore_barrier()
        pltpu.sync_copy(den_sh.at[pl.ds(s * rows, rows)],
                        den_hbm.at[pl.ds(c * N + s * rows, rows)])

    return kern(s1p, s2p, src, dst, zeros16)


def _edge_aggregate(h_tabs, ex, lanes_list, src, dst, zeros_d, k):
    P, N, D = h_tabs.shape
    E = src.shape[0]
    ept = E // NW
    nchunk = ept // k
    rows = N // NS
    mesh = plsc.VectorSubcoreMesh(core_axis_name="c", subcore_axis_name="s")

    @functools.partial(
        pl.kernel,
        mesh=mesh,
        compiler_params=pltpu.CompilerParams(use_tc_tiling_on_sc=False),
        out_type=jax.ShapeDtypeStruct((P * NC * N, D), jnp.float32),
        scratch_types=[
            pltpu.VMEM((ept,), jnp.int32),
            pltpu.VMEM((k,), jnp.int32),
            pltpu.VMEM((k, 16), jnp.float32),
            pltpu.VMEM((k, D), jnp.float32),
            pltpu.VMEM_SHARED((N, D), jnp.float32),
        ] + [pltpu.SemaphoreType.DMA] * 3,
    )
    def kern(h_hbm, ex_hbm, src_hbm, dst_hbm, z_hbm, acc_hbm,
             srcv, dstv, exv, hv, acc_sh, sg, se, sd):
        cax = lax.axis_index("c")
        sax = lax.axis_index("s")
        wid = sax * NC + cax
        tbase = wid * ept
        pltpu.sync_copy(src_hbm.at[pl.ds(tbase, ept)], srcv)
        for p in range(P):
            slice_lanes = lanes_list[p]
            pltpu.sync_copy(z_hbm.at[pl.ds(sax * rows, rows)],
                            acc_sh.at[pl.ds(sax * rows, rows)])
            plsc.subcore_barrier()

            def chunk(ci, carry, p=p, slice_lanes=slice_lanes):
                base = tbase + ci * k
                g = pltpu.async_copy(h_hbm.at[p].at[srcv.at[pl.ds(ci * k, k)]],
                                     hv, sg)
                e = pltpu.async_copy(ex_hbm.at[pl.ds(base, k)], exv, se)
                d = pltpu.async_copy(dst_hbm.at[pl.ds(base, k)], dstv, sd)
                g.wait()
                e.wait()
                d.wait()

                def edge(j, carry2):
                    exrow = exv[j]
                    ws = {}
                    for t in range(D // 16):
                        lane = slice_lanes[t]
                        if lane not in ws:
                            ws[lane] = exrow[lane]
                        hv[j, pl.ds(t * 16, 16)] = hv[j, pl.ds(t * 16, 16)] * ws[lane]
                    return carry2

                lax.fori_loop(0, k, edge, 0, unroll=4)
                pltpu.sync_copy(hv, acc_sh.at[dstv], add=True)
                return carry

            lax.fori_loop(0, nchunk, chunk, 0)
            plsc.subcore_barrier()
            pltpu.sync_copy(
                acc_sh.at[pl.ds(sax * rows, rows)],
                acc_hbm.at[pl.ds((p * NC + cax) * N + sax * rows, rows)])
            plsc.subcore_barrier()

    return kern(h_tabs, ex, src, dst, zeros_d)


def _combine_layer1(accs, denp, W_out, a_out, blk, n_real):
    HP = len(accs)
    _, NP, D2 = accs[0].shape
    hd = D2 // 2
    H = 2 * HP
    C = W_out.shape[1]
    cpad = 48

    def body(*refs):
        acc_refs = refs[:HP]
        den_ref, w_ref, a_ref, h2_ref, s1_ref, s2_ref = refs[HP:]
        den = den_ref[0] + den_ref[1]
        cols = []
        for i in range(H):
            pr = acc_refs[i // 2]
            off = (i % 2) * hd
            num = pr[0, :, off:off + hd] + pr[1, :, off:off + hd]
            o = num / (den[:, i:i + 1] + EPS)
            cols.append(jnp.where(o > 0, o, jnp.exp(jnp.minimum(o, 0.0)) - 1.0))
        hcat = jnp.concatenate(cols, axis=1)
        h2 = jnp.dot(hcat, w_ref[...], preferred_element_type=jnp.float32)
        s1 = jnp.dot(h2, a_ref[:C], preferred_element_type=jnp.float32)
        s2 = jnp.dot(h2, a_ref[C:], preferred_element_type=jnp.float32)
        zc = jnp.zeros((h2.shape[0], cpad - C), jnp.float32)
        zs = jnp.zeros((h2.shape[0], 15), jnp.float32)
        h2_ref[...] = jnp.concatenate([h2, zc], axis=1)
        s1_ref[...] = jnp.concatenate([s1[:, None], zs], axis=1)
        s2_ref[...] = jnp.concatenate([s2[:, None], zs], axis=1)

    return pl.pallas_call(
        body,
        grid=(n_real // blk,),
        in_specs=[pl.BlockSpec((NC, blk, D2), lambda i: (0, i, 0)) for _ in range(HP)]
        + [
            pl.BlockSpec((NC, blk, 16), lambda i: (0, i, 0)),
            pl.BlockSpec(W_out.shape, lambda i: (0, 0)),
            pl.BlockSpec(a_out.shape, lambda i: (0,)),
        ],
        out_specs=[
            pl.BlockSpec((blk, cpad), lambda i: (i, 0)),
            pl.BlockSpec((blk, 16), lambda i: (i, 0)),
            pl.BlockSpec((blk, 16), lambda i: (i, 0)),
        ],
        out_shape=[
            jax.ShapeDtypeStruct((NP, cpad), jnp.float32),
            jax.ShapeDtypeStruct((NP, 16), jnp.float32),
            jax.ShapeDtypeStruct((NP, 16), jnp.float32),
        ],
    )(*accs, denp, W_out, a_out)


def _finalize(acc2, den2, C, blk, n_real):
    NCN, cpad = acc2.shape
    NP = NCN // NC

    def body(acc_ref, den_ref, out_ref):
        num = acc_ref[0] + acc_ref[1]
        den = den_ref[0] + den_ref[1]
        o = num[:, :C] / (den[:, 0:1] + EPS)
        m = jnp.max(o, axis=1, keepdims=True)
        ls = o - m - jnp.log(jnp.sum(jnp.exp(o - m), axis=1, keepdims=True))
        out_ref[...] = ls

    return pl.pallas_call(
        body,
        grid=(n_real // blk,),
        in_specs=[
            pl.BlockSpec((NC, blk, cpad), lambda i: (0, i, 0)),
            pl.BlockSpec((NC, blk, 16), lambda i: (0, i, 0)),
        ],
        out_specs=pl.BlockSpec((blk, C), lambda i: (i, 0)),
        out_shape=jax.ShapeDtypeStruct((n_real, C), jnp.float32),
    )(acc2.reshape(NC, NP, cpad), den2.reshape(NC, NP, 16))


def kernel(x, edge_list, W_heads, a_heads, W_out, a_out):
    N, F = x.shape
    H, _, D = W_heads.shape
    C = W_out.shape[1]
    E = edge_list.shape[1]
    src = edge_list[0]
    dst = edge_list[1]
    blk = 1000
    k_a = 1000
    k_b = 200

    NP = _pad_nodes(N)
    zeros16 = jnp.zeros((NP, 16), jnp.float32)
    zeros48 = jnp.zeros((NP, 48), jnp.float32)

    h4, s1p, s2p = _proj_heads(x, W_heads, a_heads, blk)

    ex1, den1 = _edge_scores(s1p, s2p, src, dst, zeros16, k_a)
    zeros128 = jnp.zeros((NP, 2 * D), jnp.float32)
    lanes = [(2 * p,) * 4 + (2 * p + 1,) * 4 for p in range(H // 2)]
    acc_all = _edge_aggregate(h4, ex1, lanes, src, dst, zeros128,
                              k_b).reshape(H // 2, NC, NP, 2 * D)
    accs = [acc_all[p] for p in range(H // 2)]

    h2p, s1o, s2o = _combine_layer1(accs, den1.reshape(NC, NP, 16), W_out, a_out,
                                    blk, N)

    ex2, den2 = _edge_scores(s1o, s2o, src, dst, zeros16, k_a)
    acc2 = _edge_aggregate(h2p[None], ex2, [(0, 0, 0)], src, dst, zeros48, k_b)

    return _finalize(acc2, den2, C, blk, N)

# --- scband reference (transcript-rebuilt; emitter-appended) ---
"""Pipeline reference for scband-gat-71992241815841 (READ-ONLY COPY).

The authoritative reference and input builder live on the scoring server;
editing this copy changes nothing except your own understanding.
"""

import jax, jax.numpy as jnp
import numpy as np

N_NODES = 10000
N_EDGES = 160000
N_FEAT = 256
N_HIDDEN = 64
N_CLASS = 40
N_HEAD = 8


def setup_inputs(seed: int = 0) -> dict:
    key = jax.random.key(seed)
    ks = jax.random.split(key, 6)
    x = jax.random.normal(ks[0], (N_NODES, N_FEAT), dtype=jnp.float32)
    edge_list = jax.random.randint(ks[1], (2, N_EDGES), 0, N_NODES, dtype=jnp.int32)
    # per-head GAT parameters: W [in, out], a [2*out]
    W_heads = jax.random.normal(ks[2], (N_HEAD, N_FEAT, N_HIDDEN), dtype=jnp.float32) * 0.1
    a_heads = jax.random.normal(ks[3], (N_HEAD, 2 * N_HIDDEN), dtype=jnp.float32) * 0.1
    W_out = jax.random.normal(ks[4], (N_HEAD * N_HIDDEN, N_CLASS), dtype=jnp.float32) * 0.1
    a_out = jax.random.normal(ks[5], (2 * N_CLASS,), dtype=jnp.float32) * 0.1
    return {"x": x, "edge_list": edge_list, "W_heads": W_heads, "a_heads": a_heads, "W_out": W_out, "a_out": a_out}


def _gat_layer(x, W, a, src, dst, n_nodes, apply_elu):
    # standard sparse GraphAttentionLayer:
    # h = xW; e_ij = LeakyReLU(a^T [h_src || h_dst]); softmax over edges per dst node;
    # out_i = sum_j alpha_ij * h_j  (aggregated at dst)
    h = x @ W  # [N, out]
    d = W.shape[1]
    e = jax.nn.leaky_relu(h[src] @ a[:d] + h[dst] @ a[d:], negative_slope=0.2)  # [E]
    e_max = jax.ops.segment_max(e, dst, num_segments=n_nodes)
    e_max = jnp.where(jnp.isfinite(e_max), e_max, 0.0)
    ex = jnp.exp(e - e_max[dst])
    denom = jax.ops.segment_sum(ex, dst, num_segments=n_nodes)
    alpha = ex / (denom[dst] + 1e-16)
    out = jax.ops.segment_sum(alpha[:, None] * h[src], dst, num_segments=n_nodes)
    if apply_elu:
        out = jax.nn.elu(out)
    return out


def reference(x, edge_list, W_heads, a_heads, W_out, a_out):
    # eval mode: dropout is identity
    src = edge_list[0]
    dst = edge_list[1]
    n_nodes = x.shape[0]
    heads = [_gat_layer(x, W_heads[i], a_heads[i], src, dst, n_nodes, True) for i in range(W_heads.shape[0])]
    hcat = jnp.concatenate(heads, axis=1)  # [N, n_head * n_hidden]
    out = _gat_layer(hcat, W_out, a_out, src, dst, n_nodes, False)  # [N, n_class]
    return jax.nn.log_softmax(out, axis=1)

if __name__ == "__main__":
    import jax
    _d = setup_inputs()
    print(jax.jit(kernel)(*tuple(_d.values())))

</pallas_src>

<mosaic_0001>
#map = affine_map<(d0, d1) -> (0, 0)>
#map1 = affine_map<(d0, d1) -> (0)>
module attributes {stable_mosaic.version = 14 : i64} {
  func.func @kern(%arg0: i32, %arg1: i32, %arg2: memref<10112x16xf32, #tpu.memory_space<hbm>>, %arg3: memref<10112x16xf32, #tpu.memory_space<hbm>>, %arg4: memref<160000xi32, #tpu.memory_space<hbm>>, %arg5: memref<160000xi32, #tpu.memory_space<hbm>>, %arg6: memref<10112x16xf32, #tpu.memory_space<hbm>>, %arg7: memref<160000x16xf32, #tpu.memory_space<hbm>>, %arg8: memref<20224x16xf32, #tpu.memory_space<hbm>>, %arg9: memref<5000xi32, #tpu.memory_space<vmem>>, %arg10: memref<1000xi32, #tpu.memory_space<vmem>>, %arg11: memref<1000x16xf32, #tpu.memory_space<vmem>>, %arg12: memref<1000x16xf32, #tpu.memory_space<vmem>>, %arg13: memref<1000x16xf32, #tpu.memory_space<vmem>>, %arg14: memref<10112x16xf32, #tpu.memory_space<vmem_shared>>, %arg15: memref<!tpu.dma_semaphore, #tpu.memory_space<semaphore_mem>>, %arg16: memref<!tpu.dma_semaphore, #tpu.memory_space<semaphore_mem>>, %arg17: memref<!tpu.dma_semaphore, #tpu.memory_space<semaphore_mem>>, %arg18: memref<!tpu.dma_semaphore, #tpu.memory_space<semaphore_mem>>) attributes {dimension_semantics = [#tpu.dimension_semantics<core_parallel>, #tpu.dimension_semantics<subcore_parallel>], iteration_bounds = array<i64: 2, 16>, scalar_prefetch = 0 : i64, scratch_operands = 10 : i64, tpu.core_type = #tpu.core_type<sc_vector_subcore>, window_params = [{transform_indices = #map}, {transform_indices = #map}, {transform_indices = #map1}, {transform_indices = #map1}, {transform_indices = #map}, {transform_indices = #map}, {transform_indices = #map}]} {
    %mul3A = arith.constant 2 : i32
    %mul3A_0 = arith.muli %arg1, %mul3A : i32
    %add3A = arith.addi %mul3A_0, %arg0 : i32
    %mul3A_1 = arith.constant 5000 : i32
    %mul3A_2 = arith.muli %add3A, %mul3A_1 : i32
    %mul3A_3 = arith.constant 632 : i32
    %mul3A_4 = arith.muli %arg1, %mul3A_3 : i32
    %mul3A_5 = arith.constant 632 : i32
    %mul3A_6 = arith.muli %arg1, %mul3A_5 : i32
    "tpu.region"() ({
      %run_scoped3A = tpu.sem_alloc : memref<!tpu.dma_semaphore, #tpu.memory_space<semaphore_mem>>
      %dma_start3A = arith.constant 0 : i32
      %dma_start3A_20 = tpu.memref_slice %arg14[%mul3A_6, %dma_start3A] : memref<10112x16xf32, #tpu.memory_space<vmem_shared>> -> memref<632x16xf32, #tpu.memory_space<vmem_shared>>
      %dma_start3A_21 = arith.constant 0 : i32
      %dma_start3A_22 = tpu.memref_slice %arg6[%mul3A_4, %dma_start3A_21] : memref<10112x16xf32, #tpu.memory_space<hbm>> -> memref<632x16xf32, #tpu.memory_space<hbm>>
      tpu.enqueue_dma source(%dma_start3A_22 : memref<632x16xf32, #tpu.memory_space<hbm>>) target(%dma_start3A_20 : memref<632x16xf32, #tpu.memory_space<vmem_shared>>) target_semaphore(%run_scoped3A : memref<!tpu.dma_semaphore, #tpu.memory_space<semaphore_mem>>)
      %dma_wait3A = arith.constant 0 : i32
      %dma_wait3A_23 = tpu.memref_slice %arg14[%mul3A_6, %dma_wait3A] : memref<10112x16xf32, #tpu.memory_space<vmem_shared>> -> memref<632x16xf32, #tpu.memory_space<vmem_shared>>
      %dma_wait3A_24 = arith.constant 0 : i32
      %dma_wait3A_25 = tpu.memref_slice %arg6[%mul3A_4, %dma_wait3A_24] : memref<10112x16xf32, #tpu.memory_space<hbm>> -> memref<632x16xf32, #tpu.memory_space<hbm>>
      tpu.wait_dma2 semaphore(%run_scoped3A : memref<!tpu.dma_semaphore, #tpu.memory_space<semaphore_mem>>) src(%dma_wait3A_25 : memref<632x16xf32, #tpu.memory_space<hbm>>) dst(%dma_wait3A_23 : memref<632x16xf32, #tpu.memory_space<vmem_shared>>)
      tpu.yield
    }) : () -> ()
    "tpu.region"() ({
      %run_scoped3A = tpu.sem_alloc : memref<!tpu.dma_semaphore, #tpu.memory_space<semaphore_mem>>
      %dma_start3A = tpu.memref_slice %arg4[%mul3A_2] : memref<160000xi32, #tpu.memory_space<hbm>> -> memref<5000xi32, #tpu.memory_space<hbm>>
      %dma_start3A_20 = tpu.memref_slice %arg4[%mul3A_2] : memref<160000xi32, #tpu.memory_space<hbm>> -> memref<5000xi32, #tpu.memory_space<hbm>>
      tpu.enqueue_dma source(%dma_start3A_20 : memref<5000xi32, #tpu.memory_space<hbm>>) target(%arg9 : memref<5000xi32, #tpu.memory_space<vmem>>) target_semaphore(%run_scoped3A : memref<!tpu.dma_semaphore, #tpu.memory_space<semaphore_mem>>)
      %dma_wait3A = tpu.memref_slice %arg4[%mul3A_2] : memref<160000xi32, #tpu.memory_space<hbm>> -> memref<5000xi32, #tpu.memory_space<hbm>>
      %dma_wait3A_21 = tpu.memref_slice %arg4[%mul3A_2] : memref<160000xi32, #tpu.memory_space<hbm>> -> memref<5000xi32, #tpu.memory_space<hbm>>
      tpu.wait_dma2 semaphore(%run_scoped3A : memref<!tpu.dma_semaphore, #tpu.memory_space<semaphore_mem>>) src(%dma_wait3A_21 : memref<5000xi32, #tpu.memory_space<hbm>>) dst(%arg9 : memref<5000xi32, #tpu.memory_space<vmem>>)
      tpu.yield
    }) : () -> ()
    %barrier3A = arith.constant 0 : index
    tpu.barrier barrier_id(%barrier3A)
    %scan3A = arith.constant 0 : i32
    %scan3A_7 = arith.constant 0 : i32
    %scan3A_8 = arith.constant 5 : i32
    %scan3A_9 = arith.addi %scan3A_7, %scan3A_8 : i32
    %scan3A_10 = arith.constant 1 : i32
    scf.for %scan3A_20 = %scan3A_7 to %scan3A_9 step %scan3A_10  : i32 {
      %mul3A_21 = arith.constant 1000 : i32
      %mul3A_22 = arith.muli %scan3A_20, %mul3A_21 : i32
      %add3A_23 = arith.addi %mul3A_2, %mul3A_22 : i32
      %mul3A_24 = arith.constant 1000 : i32
      %mul3A_25 = arith.muli %scan3A_20, %mul3A_24 : i32
      %dma_start3A = tpu.memref_slice %arg9[%mul3A_25] : memref<5000xi32, #tpu.memory_space<vmem>> -> memref<1000xi32, #tpu.memory_space<vmem>>
      %dma_start3A_26 = arith.constant 0 : i32
      %dma_start3A_27 = arith.constant 0 : i32
      %dma_start3A_28 = tpu.memref_slice %arg2[%dma_start3A_26, %dma_start3A_27] : memref<10112x16xf32, #tpu.memory_space<hbm>> -> memref<10112x16xf32, #tpu.memory_space<hbm>>
      tpu.enqueue_indirect_dma source(%dma_start3A_28 : memref<10112x16xf32, #tpu.memory_space<hbm>>) target(%arg11 : memref<1000x16xf32, #tpu.memory_space<vmem>>) offsets(%dma_start3A : memref<1000xi32, #tpu.memory_space<vmem>>) semaphore(%arg15 : memref<!tpu.dma_semaphore, #tpu.memory_space<semaphore_mem>>)
      %dma_start3A_29 = tpu.memref_slice %arg5[%add3A_23] : memref<160000xi32, #tpu.memory_space<hbm>> -> memref<1000xi32, #tpu.memory_space<hbm>>
      %dma_start3A_30 = tpu.memref_slice %arg5[%add3A_23] : memref<160000xi32, #tpu.memory_space<hbm>> -> memref<1000xi32, #tpu.memory_space<hbm>>
      tpu.enqueue_dma source(%dma_start3A_30 : memref<1000xi32, #tpu.memory_space<hbm>>) target(%arg10 : memref<1000xi32, #tpu.memory_space<vmem>>) target_semaphore(%arg17 : memref<!tpu.dma_semaphore, #tpu.memory_space<semaphore_mem>>)
      %dma_wait3A = tpu.memref_slice %arg5[%add3A_23] : memref<160000xi32, #tpu.memory_space<hbm>> -> memref<1000xi32, #tpu.memory_space<hbm>>
      %dma_wait3A_31 = tpu.memref_slice %arg5[%add3A_23] : memref<160000xi32, #tpu.memory_space<hbm>> -> memref<1000xi32, #tpu.memory_space<hbm>>
      tpu.wait_dma2 semaphore(%arg17 : memref<!tpu.dma_semaphore, #tpu.memory_space<semaphore_mem>>) src(%dma_wait3A_31 : memref<1000xi32, #tpu.memory_space<hbm>>) dst(%arg10 : memref<1000xi32, #tpu.memory_space<vmem>>)
      %dma_start3A_32 = arith.constant 0 : i32
      %dma_start3A_33 = arith.constant 0 : i32
      %dma_start3A_34 = tpu.memref_slice %arg3[%dma_start3A_32, %dma_start3A_33] : memref<10112x16xf32, #tpu.memory_space<hbm>> -> memref<10112x16xf32, #tpu.memory_space<hbm>>
      tpu.enqueue_indirect_dma source(%dma_start3A_34 : memref<10112x16xf32, #tpu.memory_space<hbm>>) target(%arg12 : memref<1000x16xf32, #tpu.memory_space<vmem>>) offsets(%arg10 : memref<1000xi32, #tpu.memory_space<vmem>>) semaphore(%arg16 : memref<!tpu.dma_semaphore, #tpu.memory_space<semaphore_mem>>)
      %dma_wait3A_35 = tpu.memref_slice %arg9[%mul3A_25] : memref<5000xi32, #tpu.memory_space<vmem>> -> memref<1000xi32, #tpu.memory_space<vmem>>
      %dma_wait3A_36 = arith.constant 0 : i32
      %dma_wait3A_37 = arith.constant 0 : i32
      %dma_wait3A_38 = tpu.memref_slice %arg2[%dma_wait3A_36, %dma_wait3A_37] : memref<10112x16xf32, #tpu.memory_space<hbm>> -> memref<10112x16xf32, #tpu.memory_space<hbm>>
      tpu.wait_indirect_dma semaphore(%arg15 : memref<!tpu.dma_semaphore, #tpu.memory_space<semaphore_mem>>) src(%dma_wait3A_38 : memref<10112x16xf32, #tpu.memory_space<hbm>>) dst(%arg11 : memref<1000x16xf32, #tpu.memory_space<vmem>>)
      %dma_wait3A_39 = arith.constant 0 : i32
      %dma_wait3A_40 = arith.constant 0 : i32
      %dma_wait3A_41 = tpu.memref_slice %arg3[%dma_wait3A_39, %dma_wait3A_40] : memref<10112x16xf32, #tpu.memory_space<hbm>> -> memref<10112x16xf32, #tpu.memory_space<hbm>>
      tpu.wait_indirect_dma semaphore(%arg16 : memref<!tpu.dma_semaphore, #tpu.memory_space<semaphore_mem>>) src(%dma_wait3A_41 : memref<10112x16xf32, #tpu.memory_space<hbm>>) dst(%arg12 : memref<1000x16xf32, #tpu.memory_space<vmem>>)
      %scan3A_42 = arith.constant 0 : i32
      %scan3A_43 = arith.constant 0 : i32
      %scan3A_44 = arith.constant 1000 : i32
      %scan3A_45 = arith.addi %scan3A_43, %scan3A_44 : i32
      %scan3A_46 = arith.constant 8 : i32
      scf.for %scan3A_56 = %scan3A_43 to %scan3A_45 step %scan3A_46  : i32 {
        %get3A = arith.index_cast %scan3A_56 : i32 to index
        %get3A_57 = arith.constant 0 : index
        %get3A_58 = tpu.vector_load %arg11[%get3A, %get3A_57] {strides = array<i32>} : memref<1000x16xf32, #tpu.memory_space<vmem>>, vector<1x16xf32>,
        %get3A_59 = vector.shape_cast %get3A_58 : vector<1x16xf32> to vector<16xf32>
        %get3A_60 = arith.index_cast %scan3A_56 : i32 to index
        %get3A_61 = arith.constant 0 : index
        %get3A_62 = tpu.vector_load %arg12[%get3A_60, %get3A_61] {strides = array<i32>} : memref<1000x16xf32, #tpu.memory_space<vmem>>, vector<1x16xf32>,
        %get3A_63 = vector.shape_cast %get3A_62 : vector<1x16xf32> to vector<16xf32>
        %add3A_64 = arith.addf %get3A_59, %get3A_63 : vector<16xf32>
        %gt3A = arith.constant 0.000000e+00 : f32
        %gt3A_65 = vector.broadcast %gt3A : f32 to vector<16xf32>
        %gt3A_66 = arith.cmpf ogt, %add3A_64, %gt3A_65 : vector<16xf32>
        %mul3A_67 = arith.constant 2.000000e-01 : f32
        %mul3A_68 = vector.broadcast %mul3A_67 : f32 to vector<16xf32>
        %mul3A_69 = arith.mulf %mul3A_68, %add3A_64 : vector<16xf32>
        %select_n3A = arith.select %gt3A_66, %add3A_64, %mul3A_69 : vector<16xi1>, vector<16xf32>
        %exp3A = math.exp %select_n3A : vector<16xf32>
        %swap3A = arith.index_cast %scan3A_56 : i32 to index
        %swap3A_70 = arith.constant 0 : index
        %swap3A_71 = tpu.vector_load %arg13[%swap3A, %swap3A_70] {strides = array<i32>} : memref<1000x16xf32, #tpu.memory_space<vmem>>, vector<1x16xf32>,
        %swap3A_72 = vector.shape_cast %swap3A_71 : vector<1x16xf32> to vector<16xf32>
        %swap3A_73 = vector.shape_cast %exp3A : vector<16xf32> to vector<1x16xf32>
        tpu.vector_store %arg13[%swap3A, %swap3A_70], %swap3A_73 {strides = array<i32>} : memref<1000x16xf32, #tpu.memory_space<vmem>>, vector<1x16xf32>,
        %scan3A_74 = arith.constant 1 : i32
        %scan3A_75 = arith.addi %scan3A_56, %scan3A_74 : i32
        %get3A_76 = arith.index_cast %scan3A_75 : i32 to index
        %get3A_77 = arith.constant 0 : index
        %get3A_78 = tpu.vector_load %arg11[%get3A_76, %get3A_77] {strides = array<i32>} : memref<1000x16xf32, #tpu.memory_space<vmem>>, vector<1x16xf32>,
        %get3A_79 = vector.shape_cast %get3A_78 : vector<1x16xf32> to vector<16xf32>
        %get3A_80 = arith.index_cast %scan3A_75 : i32 to index
        %get3A_81 = arith.constant 0 : index
        %get3A_82 = tpu.vector_load %arg12[%get3A_80, %get3A_81] {strides = array<i32>} : memref<1000x16xf32, #tpu.memory_space<vmem>>, vector<1x16xf32>,
        %get3A_83 = vector.shape_cast %get3A_82 : vector<1x16xf32> to vector<16xf32>
        %add3A_84 = arith.addf %get3A_79, %get3A_83 : vector<16xf32>
        %gt3A_85 = arith.constant 0.000000e+00 : f32
        %gt3A_86 = vector.broadcast %gt3A_85 : f32 to vector<16xf32>
        %gt3A_87 = arith.cmpf ogt, %add3A_84, %gt3A_86 : vector<16xf32>
        %mul3A_88 = arith.constant 2.000000e-01 : f32
        %mul3A_89 = vector.broadcast %mul3A_88 : f32 to vector<16xf32>
        %mul3A_90 = arith.mulf %mul3A_89, %add3A_84 : vector<16xf32>
        %select_n3A_91 = arith.select %gt3A_87, %add3A_84, %mul3A_90 : vector<16xi1>, vector<16xf32>
        %exp3A_92 = math.exp %select_n3A_91 : vector<16xf32>
        %swap3A_93 = arith.index_cast %scan3A_75 : i32 to index
        %swap3A_94 = arith.constant 0 : index
        %swap3A_95 = tpu.vector_load %arg13[%swap3A_93, %swap3A_94] {strides = array<i32>} : memref<1000x16xf32, #tpu.memory_space<vmem>>, vector<1x16xf32>,
        %swap3A_96 = vector.shape_cast %swap3A_95 : vector<1x16xf32> to vector<16xf32>
        %swap3A_97 = vector.shape_cast %exp3A_92 : vector<16xf32> to vector<1x16xf32>
        tpu.vector_store %arg13[%swap3A_93, %swap3A_94], %swap3A_97 {strides = array<i32>} : memref<1000x16xf32, #tpu.memory_space<vmem>>, vector<1x16xf32>,
        %scan3A_98 = arith.constant 2 : i32
        %scan3A_99 = arith.addi %scan3A_56, %scan3A_98 : i32
        %get3A_100 = arith.index_cast %scan3A_99 : i32 to index
        %get3A_101 = arith.constant 0 : index
        %get3A_102 = tpu.vector_load %arg11[%get3A_100, %get3A_101] {strides = array<i32>} : memref<1000x16xf32, #tpu.memory_space<vmem>>, vector<1x16xf32>,
        %get3A_103 = vector.shape_cast %get3A_102 : vector<1x16xf32> to vector<16xf32>
        %get3A_104 = arith.index_cast %scan3A_99 : i32 to index
        %get3A_105 = arith.constant 0 : index
        %get3A_106 = tpu.vector_load %arg12[%get3A_104, %get3A_105] {strides = array<i32>} : memref<1000x16xf32, #tpu.memory_space<vmem>>, vector<1x16xf32>,
        %get3A_107 = vector.shape_cast %get3A_106 : vector<1x16xf32> to vector<16xf32>
        %add3A_108 = arith.addf %get3A_103, %get3A_107 : vector<16xf32>
        %gt3A_109 = arith.constant 0.000000e+00 : f32
        %gt3A_110 = vector.broadcast %gt3A_109 : f32 to vector<16xf32>
        %gt3A_111 = arith.cmpf ogt, %add3A_108, %gt3A_110 : vector<16xf32>
        %mul3A_112 = arith.constant 2.000000e-01 : f32
        %mul3A_113 = vector.broadcast %mul3A_112 : f32 to vector<16xf32>
        %mul3A_114 = arith.mulf %mul3A_113, %add3A_108 : vector<16xf32>
        %select_n3A_115 = arith.select %gt3A_111, %add3A_108, %mul3A_114 : vector<16xi1>, vector<16xf32>
        %exp3A_116 = math.exp %select_n3A_115 : vector<16xf32>
        %swap3A_117 = arith.index_cast %scan3A_99 : i32 to index
        %swap3A_118 = arith.constant 0 : index
        %swap3A_119 = tpu.vector_load %arg13[%swap3A_117, %swap3A_118] {strides = array<i32>} : memref<1000x16xf32, #tpu.memory_space<vmem>>, vector<1x16xf32>,
        %swap3A_120 = vector.shape_cast %swap3A_119 : vector<1x16xf32> to vector<16xf32>
        %swap3A_121 = vector.shape_cast %exp3A_116 : vector<16xf32> to vector<1x16xf32>
        tpu.vector_store %arg13[%swap3A_117, %swap3A_118], %swap3A_121 {strides = array<i32>} : memref<1000x16xf32, #tpu.memory_space<vmem>>, vector<1x16xf32>,
        %scan3A_122 = arith.constant 3 : i32
        %scan3A_123 = arith.addi %scan3A_56, %scan3A_122 : i32
        %get3A_124 = arith.index_cast %scan3A_123 : i32 to index
        %get3A_125 = arith.constant 0 : index
        %get3A_126 = tpu.vector_load %arg11[%get3A_124, %get3A_125] {strides = array<i32>} : memref<1000x16xf32, #tpu.memory_space<vmem>>, vector<1x16xf32>,
        %get3A_127 = vector.shape_cast %get3A_126 : vector<1x16xf32> to vector<16xf32>
        %get3A_128 = arith.index_cast %scan3A_123 : i32 to index
        %get3A_129 = arith.constant 0 : index
        %get3A_130 = tpu.vector_load %arg12[%get3A_128, %get3A_129] {strides = array<i32>} : memref<1000x16xf32, #tpu.memory_space<vmem>>, vector<1x16xf32>,
        %get3A_131 = vector.shape_cast %get3A_130 : vector<1x16xf32> to vector<16xf32>
        %add3A_132 = arith.addf %get3A_127, %get3A_131 : vector<16xf32>
        %gt3A_133 = arith.constant 0.000000e+00 : f32
        %gt3A_134 = vector.broadcast %gt3A_133 : f32 to vector<16xf32>
        %gt3A_135 = arith.cmpf ogt, %add3A_132, %gt3A_134 : vector<16xf32>
        %mul3A_136 = arith.constant 2.000000e-01 : f32
        %mul3A_137 = vector.broadcast %mul3A_136 : f32 to vector<16xf32>
        %mul3A_138 = arith.mulf %mul3A_137, %add3A_132 : vector<16xf32>
        %select_n3A_139 = arith.select %gt3A_135, %add3A_132, %mul3A_138 : vector<16xi1>, vector<16xf32>
        %exp3A_140 = math.exp %select_n3A_139 : vector<16xf32>
        %swap3A_141 = arith.index_cast %scan3A_123 : i32 to index
        %swap3A_142 = arith.constant 0 : index
        %swap3A_143 = tpu.vector_load %arg13[%swap3A_141, %swap3A_142] {strides = array<i32>} : memref<1000x16xf32, #tpu.memory_space<vmem>>, vector<1x16xf32>,
        %swap3A_144 = vector.shape_cast %swap3A_143 : vector<1x16xf32> to vector<16xf32>
        %swap3A_145 = vector.shape_cast %exp3A_140 : vector<16xf32> to vector<1x16xf32>
        tpu.vector_store %arg13[%swap3A_141, %swap3A_142], %swap3A_145 {strides = array<i32>} : memref<1000x16xf32, #tpu.memory_space<vmem>>, vector<1x16xf32>,
        %scan3A_146 = arith.constant 4 : i32
        %scan3A_147 = arith.addi %scan3A_56, %scan3A_146 : i32
        %get3A_148 = arith.index_cast %scan3A_147 : i32 to index
        %get3A_149 = arith.constant 0 : index
        %get3A_150 = tpu.vector_load %arg11[%get3A_148, %get3A_149] {strides = array<i32>} : memref<1000x16xf32, #tpu.memory_space<vmem>>, vector<1x16xf32>,
        %get3A_151 = vector.shape_cast %get3A_150 : vector<1x16xf32> to vector<16xf32>
        %get3A_152 = arith.index_cast %scan3A_147 : i32 to index
        %get3A_153 = arith.constant 0 : index
        %get3A_154 = tpu.vector_load %arg12[%get3A_152, %get3A_153] {strides = array<i32>} : memref<1000x16xf32, #tpu.memory_space<vmem>>, vector<1x16xf32>,
        %get3A_155 = vector.shape_cast %get3A_154 : vector<1x16xf32> to vector<16xf32>
        %add3A_156 = arith.addf %get3A_151, %get3A_155 : vector<16xf32>
        %gt3A_157 = arith.constant 0.000000e+00 : f32
        %gt3A_158 = vector.broadcast %gt3A_157 : f32 to vector<16xf32>
        %gt3A_159 = arith.cmpf ogt, %add3A_156, %gt3A_158 : vector<16xf32>
        %mul3A_160 = arith.constant 2.000000e-01 : f32
        %mul3A_161 = vector.broadcast %mul3A_160 : f32 to vector<16xf32>
        %mul3A_162 = arith.mulf %mul3A_161, %add3A_156 : vector<16xf32>
        %select_n3A_163 = arith.select %gt3A_159, %add3A_156, %mul3A_162 : vector<16xi1>, vector<16xf32>
        %exp3A_164 = math.exp %select_n3A_163 : vector<16xf32>
        %swap3A_165 = arith.index_cast %scan3A_147 : i32 to index
        %swap3A_166 = arith.constant 0 : index
        %swap3A_167 = tpu.vector_load %arg13[%swap3A_165, %swap3A_166] {strides = array<i32>} : memref<1000x16xf32, #tpu.memory_space<vmem>>, vector<1x16xf32>,
        %swap3A_168 = vector.shape_cast %swap3A_167 : vector<1x16xf32> to vector<16xf32>
        %swap3A_169 = vector.shape_cast %exp3A_164 : vector<16xf32> to vector<1x16xf32>
        tpu.vector_store %arg13[%swap3A_165, %swap3A_166], %swap3A_169 {strides = array<i32>} : memref<1000x16xf32, #tpu.memory_space<vmem>>, vector<1x16xf32>,
        %scan3A_170 = arith.constant 5 : i32
        %scan3A_171 = arith.addi %scan3A_56, %scan3A_170 : i32
        %get3A_172 = arith.index_cast %scan3A_171 : i32 to index
        %get3A_173 = arith.constant 0 : index
        %get3A_174 = tpu.vector_load %arg11[%get3A_172, %get3A_173] {strides = array<i32>} : memref<1000x16xf32, #tpu.memory_space<vmem>>, vector<1x16xf32>,
        %get3A_175 = vector.shape_cast %get3A_174 : vector<1x16xf32> to vector<16xf32>
        %get3A_176 = arith.index_cast %scan3A_171 : i32 to index
        %get3A_177 = arith.constant 0 : index
        %get3A_178 = tpu.vector_load %arg12[%get3A_176, %get3A_177] {strides = array<i32>} : memref<1000x16xf32, #tpu.memory_space<vmem>>, vector<1x16xf32>,
        %get3A_179 = vector.shape_cast %get3A_178 : vector<1x16xf32> to vector<16xf32>
        %add3A_180 = arith.addf %get3A_175, %get3A_179 : vector<16xf32>
        %gt3A_181 = arith.constant 0.000000e+00 : f32
        %gt3A_182 = vector.broadcast %gt3A_181 : f32 to vector<16xf32>
        %gt3A_183 = arith.cmpf ogt, %add3A_180, %gt3A_182 : vector<16xf32>
        %mul3A_184 = arith.constant 2.000000e-01 : f32
        %mul3A_185 = vector.broadcast %mul3A_184 : f32 to vector<16xf32>
        %mul3A_186 = arith.mulf %mul3A_185, %add3A_180 : vector<16xf32>
        %select_n3A_187 = arith.select %gt3A_183, %add3A_180, %mul3A_186 : vector<16xi1>, vector<16xf32>
        %exp3A_188 = math.exp %select_n3A_187 : vector<16xf32>
        %swap3A_189 = arith.index_cast %scan3A_171 : i32 to index
        %swap3A_190 = arith.constant 0 : index
        %swap3A_191 = tpu.vector_load %arg13[%swap3A_189, %swap3A_190] {strides = array<i32>} : memref<1000x16xf32, #tpu.memory_space<vmem>>, vector<1x16xf32>,
        %swap3A_192 = vector.shape_cast %swap3A_191 : vector<1x16xf32> to vector<16xf32>
        %swap3A_193 = vector.shape_cast %exp3A_188 : vector<16xf32> to vector<1x16xf32>
        tpu.vector_store %arg13[%swap3A_189, %swap3A_190], %swap3A_193 {strides = array<i32>} : memref<1000x16xf32, #tpu.memory_space<vmem>>, vector<1x16xf32>,
        %scan3A_194 = arith.constant 6 : i32
        %scan3A_195 = arith.addi %scan3A_56, %scan3A_194 : i32
        %get3A_196 = arith.index_cast %scan3A_195 : i32 to index
        %get3A_197 = arith.constant 0 : index
        %get3A_198 = tpu.vector_load %arg11[%get3A_196, %get3A_197] {strides = array<i32>} : memref<1000x16xf32, #tpu.memory_space<vmem>>, vector<1x16xf32>,
        %get3A_199 = vector.shape_cast %get3A_198 : vector<1x16xf32> to vector<16xf32>
        %get3A_200 = arith.index_cast %scan3A_195 : i32 to index
        %get3A_201 = arith.constant 0 : index
        %get3A_202 = tpu.vector_load %arg12[%get3A_200, %get3A_201] {strides = array<i32>} : memref<1000x16xf32, #tpu.memory_space<vmem>>, vector<1x16xf32>,
        %get3A_203 = vector.shape_cast %get3A_202 : vector<1x16xf32> to vector<16xf32>
        %add3A_204 = arith.addf %get3A_199, %get3A_203 : vector<16xf32>
        %gt3A_205 = arith.constant 0.000000e+00 : f32
        %gt3A_206 = vector.broadcast %gt3A_205 : f32 to vector<16xf32>
        %gt3A_207 = arith.cmpf ogt, %add3A_204, %gt3A_206 : vector<16xf32>
        %mul3A_208 = arith.constant 2.000000e-01 : f32
        %mul3A_209 = vector.broadcast %mul3A_208 : f32 to vector<16xf32>
        %mul3A_210 = arith.mulf %mul3A_209, %add3A_204 : vector<16xf32>
        %select_n3A_211 = arith.select %gt3A_207, %add3A_204, %mul3A_210 : vector<16xi1>, vector<16xf32>
        %exp3A_212 = math.exp %select_n3A_211 : vector<16xf32>
        %swap3A_213 = arith.index_cast %scan3A_195 : i32 to index
        %swap3A_214 = arith.constant 0 : index
        %swap3A_215 = tpu.vector_load %arg13[%swap3A_213, %swap3A_214] {strides = array<i32>} : memref<1000x16xf32, #tpu.memory_space<vmem>>, vector<1x16xf32>,
        %swap3A_216 = vector.shape_cast %swap3A_215 : vector<1x16xf32> to vector<16xf32>
        %swap3A_217 = vector.shape_cast %exp3A_212 : vector<16xf32> to vector<1x16xf32>
        tpu.vector_store %arg13[%swap3A_213, %swap3A_214], %swap3A_217 {strides = array<i32>} : memref<1000x16xf32, #tpu.memory_space<vmem>>, vector<1x16xf32>,
        %scan3A_218 = arith.constant 7 : i32
        %scan3A_219 = arith.addi %scan3A_56, %scan3A_218 : i32
        %get3A_220 = arith.index_cast %scan3A_219 : i32 to index
        %get3A_221 = arith.constant 0 : index
        %get3A_222 = tpu.vector_load %arg11[%get3A_220, %get3A_221] {strides = array<i32>} : memref<1000x16xf32, #tpu.memory_space<vmem>>, vector<1x16xf32>,
        %get3A_223 = vector.shape_cast %get3A_222 : vector<1x16xf32> to vector<16xf32>
        %get3A_224 = arith.index_cast %scan3A_219 : i32 to index
        %get3A_225 = arith.constant 0 : index
        %get3A_226 = tpu.vector_load %arg12[%get3A_224, %get3A_225] {strides = array<i32>} : memref<1000x16xf32, #tpu.memory_space<vmem>>, vector<1x16xf32>,
        %get3A_227 = vector.shape_cast %get3A_226 : vector<1x16xf32> to vector<16xf32>
        %add3A_228 = arith.addf %get3A_223, %get3A_227 : vector<16xf32>
        %gt3A_229 = arith.constant 0.000000e+00 : f32
        %gt3A_230 = vector.broadcast %gt3A_229 : f32 to vector<16xf32>
        %gt3A_231 = arith.cmpf ogt, %add3A_228, %gt3A_230 : vector<16xf32>
        %mul3A_232 = arith.constant 2.000000e-01 : f32
        %mul3A_233 = vector.broadcast %mul3A_232 : f32 to vector<16xf32>
        %mul3A_234 = arith.mulf %mul3A_233, %add3A_228 : vector<16xf32>
        %select_n3A_235 = arith.select %gt3A_231, %add3A_228, %mul3A_234 : vector<16xi1>, vector<16xf32>
        %exp3A_236 = math.exp %select_n3A_235 : vector<16xf32>
        %swap3A_237 = arith.index_cast %scan3A_219 : i32 to index
        %swap3A_238 = arith.constant 0 : index
        %swap3A_239 = tpu.vector_load %arg13[%swap3A_237, %swap3A_238] {strides = array<i32>} : memref<1000x16xf32, #tpu.memory_space<vmem>>, vector<1x16xf32>,
        %swap3A_240 = vector.shape_cast %swap3A_239 : vector<1x16xf32> to vector<16xf32>
        %swap3A_241 = vector.shape_cast %exp3A_236 : vector<16xf32> to vector<1x16xf32>
        tpu.vector_store %arg13[%swap3A_237, %swap3A_238], %swap3A_241 {strides = array<i32>} : memref<1000x16xf32, #tpu.memory_space<vmem>>, vector<1x16xf32>,
      }
      %scan3A_47 = arith.constant 1000 : i32
      %dma_start3A_48 = arith.constant 0 : i32
      %dma_start3A_49 = tpu.memref_slice %arg7[%add3A_23, %dma_start3A_48] : memref<160000x16xf32, #tpu.memory_space<hbm>> -> memref<1000x16xf32, #tpu.memory_space<hbm>>
      %dma_start3A_50 = arith.constant 0 : i32
      %dma_start3A_51 = tpu.memref_slice %arg7[%add3A_23, %dma_start3A_50] : memref<160000x16xf32, #tpu.memory_space<hbm>> -> memref<1000x16xf32, #tpu.memory_space<hbm>>
      tpu.enqueue_dma source(%arg13 : memref<1000x16xf32, #tpu.memory_space<vmem>>) target(%dma_start3A_51 : memref<1000x16xf32, #tpu.memory_space<hbm>>) target_semaphore(%arg18 : memref<!tpu.dma_semaphore, #tpu.memory_space<semaphore_mem>>)
      "tpu.region"() ({
        %run_scoped3A = tpu.sem_alloc : memref<!tpu.dma_semaphore, #tpu.memory_space<semaphore_mem>>
        %dma_start3A_56 = arith.constant 0 : i32
        %dma_start3A_57 = arith.constant 0 : i32
        %dma_start3A_58 = tpu.memref_slice %arg14[%dma_start3A_56, %dma_start3A_57] : memref<10112x16xf32, #tpu.memory_space<vmem_shared>> -> memref<10112x16xf32, #tpu.memory_space<vmem_shared>>
        tpu.enqueue_indirect_dma source(%arg13 : memref<1000x16xf32, #tpu.memory_space<vmem>>) target(%dma_start3A_58 : memref<10112x16xf32, #tpu.memory_space<vmem_shared>>) offsets(%arg10 : memref<1000xi32, #tpu.memory_space<vmem>>) semaphore(%run_scoped3A : memref<!tpu.dma_semaphore, #tpu.memory_space<semaphore_mem>>) {add = true}
        %dma_wait3A_59 = arith.constant 0 : i32
        %dma_wait3A_60 = arith.constant 0 : i32
        %dma_wait3A_61 = tpu.memref_slice %arg14[%dma_wait3A_59, %dma_wait3A_60] : memref<10112x16xf32, #tpu.memory_space<vmem_shared>> -> memref<10112x16xf32, #tpu.memory_space<vmem_shared>>
        tpu.wait_indirect_dma semaphore(%run_scoped3A : memref<!tpu.dma_semaphore, #tpu.memory_space<semaphore_mem>>) src(%arg13 : memref<1000x16xf32, #tpu.memory_space<vmem>>) dst(%dma_wait3A_61 : memref<10112x16xf32, #tpu.memory_space<vmem_shared>>)
        tpu.yield
      }) : () -> ()
      %dma_wait3A_52 = arith.constant 0 : i32
      %dma_wait3A_53 = tpu.memref_slice %arg7[%add3A_23, %dma_wait3A_52] : memref<160000x16xf32, #tpu.memory_space<hbm>> -> memref<1000x16xf32, #tpu.memory_space<hbm>>
      %dma_wait3A_54 = arith.constant 0 : i32
      %dma_wait3A_55 = tpu.memref_slice %arg7[%add3A_23, %dma_wait3A_54] : memref<160000x16xf32, #tpu.memory_space<hbm>> -> memref<1000x16xf32, #tpu.memory_space<hbm>>
      tpu.wait_dma2 semaphore(%arg18 : memref<!tpu.dma_semaphore, #tpu.memory_space<semaphore_mem>>) src(%arg13 : memref<1000x16xf32, #tpu.memory_space<vmem>>) dst(%dma_wait3A_55 : memref<1000x16xf32, #tpu.memory_space<hbm>>)
    }
    %scan3A_11 = arith.constant 5 : i32
    %barrier3A_12 = arith.constant 0 : index
    tpu.barrier barrier_id(%barrier3A_12)
    %mul3A_13 = arith.constant 632 : i32
    %mul3A_14 = arith.muli %arg1, %mul3A_13 : i32
    %mul3A_15 = arith.constant 10112 : i32
    %mul3A_16 = arith.muli %arg0, %mul3A_15 : i32
    %mul3A_17 = arith.constant 632 : i32
    %mul3A_18 = arith.muli %arg1, %mul3A_17 : i32
    %add3A_19 = arith.addi %mul3A_16, %mul3A_18 : i32
    "tpu.region"() ({
      %run_scoped3A = tpu.sem_alloc : memref<!tpu.dma_semaphore, #tpu.memory_space<semaphore_mem>>
      %dma_start3A = arith.constant 0 : i32
      %dma_start3A_20 = tpu.memref_slice %arg8[%add3A_19, %dma_start3A] : memref<20224x16xf32, #tpu.memory_space<hbm>> -> memref<632x16xf32, #tpu.memory_space<hbm>>
      %dma_start3A_21 = arith.constant 0 : i32
      %dma_start3A_22 = tpu.memref_slice %arg14[%mul3A_14, %dma_start3A_21] : memref<10112x16xf32, #tpu.memory_space<vmem_shared>> -> memref<632x16xf32, #tpu.memory_space<vmem_shared>>
      tpu.enqueue_dma source(%dma_start3A_22 : memref<632x16xf32, #tpu.memory_space<vmem_shared>>) target(%dma_start3A_20 : memref<632x16xf32, #tpu.memory_space<hbm>>) target_semaphore(%run_scoped3A : memref<!tpu.dma_semaphore, #tpu.memory_space<semaphore_mem>>)
      %dma_wait3A = arith.constant 0 : i32
      %dma_wait3A_23 = tpu.memref_slice %arg8[%add3A_19, %dma_wait3A] : memref<20224x16xf32, #tpu.memory_space<hbm>> -> memref<632x16xf32, #tpu.memory_space<hbm>>
      %dma_wait3A_24 = arith.constant 0 : i32
      %dma_wait3A_25 = tpu.memref_slice %arg14[%mul3A_14, %dma_wait3A_24] : memref<10112x16xf32, #tpu.memory_space<vmem_shared>> -> memref<632x16xf32, #tpu.memory_space<vmem_shared>>
      tpu.wait_dma2 semaphore(%run_scoped3A : memref<!tpu.dma_semaphore, #tpu.memory_space<semaphore_mem>>) src(%dma_wait3A_25 : memref<632x16xf32, #tpu.memory_space<vmem_shared>>) dst(%dma_wait3A_23 : memref<632x16xf32, #tpu.memory_space<hbm>>)
      tpu.yield
    }) : () -> ()
    return
  }
}

#map = affine_map<(d0, d1) -> (0, 0, 0)>
#map1 = affine_map<(d0, d1) -> (0, 0)>
#map2 = affine_map<(d0, d1) -> (0)>
module attributes {stable_mosaic.version = 14 : i64} {
  func.func @kern(%arg0: i32, %arg1: i32, %arg2: memref<4x10112x128xf32, #tpu.memory_space<hbm>>, %arg3: memref<160000x16xf32, #tpu.memory_space<hbm>>, %arg4: memref<160000xi32, #tpu.memory_space<hbm>>, %arg5: memref<160000xi32, #tpu.memory_space<hbm>>, %arg6: memref<10112x128xf32, #tpu.memory_space<hbm>>, %arg7: memref<80896x128xf32, #tpu.memory_space<hbm>>, %arg8: memref<5000xi32, #tpu.memory_space<vmem>>, %arg9: memref<200xi32, #tpu.memory_space<vmem>>, %arg10: memref<200x16xf32, #tpu.memory_space<vmem>>, %arg11: memref<200x128xf32, #tpu.memory_space<vmem>>, %arg12: memref<10112x128xf32, #tpu.memory_space<vmem_shared>>, %arg13: memref<!tpu.dma_semaphore, #tpu.memory_space<semaphore_mem>>, %arg14: memref<!tpu.dma_semaphore, #tpu.memory_space<semaphore_mem>>, %arg15: memref<!tpu.dma_semaphore, #tpu.memory_space<semaphore_mem>>) attributes {dimension_semantics = [#tpu.dimension_semantics<core_parallel>, #tpu.dimension_semantics<subcore_parallel>], iteration_bounds = array<i64: 2, 16>, scalar_prefetch = 0 : i64, scratch_operands = 8 : i64, tpu.core_type = #tpu.core_type<sc_vector_subcore>, window_params = [{transform_indices = #map}, {transform_indices = #map1}, {transform_indices = #map2}, {transform_indices = #map2}, {transform_indices = #map1}, {transform_indices = #map1}]} {
    %mul3A = arith.constant 2 : i32
    %mul3A_0 = arith.muli %arg1, %mul3A : i32
    %add3A = arith.addi %mul3A_0, %arg0 : i32
    %mul3A_1 = arith.constant 5000 : i32
    %mul3A_2 = arith.muli %add3A, %mul3A_1 : i32
    "tpu.region"() ({
      %run_scoped3A = tpu.sem_alloc : memref<!tpu.dma_semaphore, #tpu.memory_space<semaphore_mem>>
      %dma_start3A = tpu.memref_slice %arg4[%mul3A_2] : memref<160000xi32, #tpu.memory_space<hbm>> -> memref<5000xi32, #tpu.memory_space<hbm>>
      %dma_start3A_89 = tpu.memref_slice %arg4[%mul3A_2] : memref<160000xi32, #tpu.memory_space<hbm>> -> memref<5000xi32, #tpu.memory_space<hbm>>
      tpu.enqueue_dma source(%dma_start3A_89 : memref<5000xi32, #tpu.memory_space<hbm>>) target(%arg8 : memref<5000xi32, #tpu.memory_space<vmem>>) target_semaphore(%run_scoped3A : memref<!tpu.dma_semaphore, #tpu.memory_space<semaphore_mem>>)
      %dma_wait3A = tpu.memref_slice %arg4[%mul3A_2] : memref<160000xi32, #tpu.memory_space<hbm>> -> memref<5000xi32, #tpu.memory_space<hbm>>
      %dma_wait3A_90 = tpu.memref_slice %arg4[%mul3A_2] : memref<160000xi32, #tpu.memory_space<hbm>> -> memref<5000xi32, #tpu.memory_space<hbm>>
      tpu.wait_dma2 semaphore(%run_scoped3A : memref<!tpu.dma_semaphore, #tpu.memory_space<semaphore_mem>>) src(%dma_wait3A_90 : memref<5000xi32, #tpu.memory_space<hbm>>) dst(%arg8 : memref<5000xi32, #tpu.memory_space<vmem>>)
      tpu.yield
    }) : () -> ()
    %mul3A_3 = arith.constant 632 : i32
    %mul3A_4 = arith.muli %arg1, %mul3A_3 : i32
    %mul3A_5 = arith.constant 632 : i32
    %mul3A_6 = arith.muli %arg1, %mul3A_5 : i32
    "tpu.region"() ({
      %run_scoped3A = tpu.sem_alloc : memref<!tpu.dma_semaphore, #tpu.memory_space<semaphore_mem>>
      %dma_start3A = arith.constant 0 : i32
      %dma_start3A_89 = tpu.memref_slice %arg12[%mul3A_6, %dma_start3A] : memref<10112x128xf32, #tpu.memory_space<vmem_shared>> -> memref<632x128xf32, #tpu.memory_space<vmem_shared>>
      %dma_start3A_90 = arith.constant 0 : i32
      %dma_start3A_91 = tpu.memref_slice %arg6[%mul3A_4, %dma_start3A_90] : memref<10112x128xf32, #tpu.memory_space<hbm>> -> memref<632x128xf32, #tpu.memory_space<hbm>>
      tpu.enqueue_dma source(%dma_start3A_91 : memref<632x128xf32, #tpu.memory_space<hbm>>) target(%dma_start3A_89 : memref<632x128xf32, #tpu.memory_space<vmem_shared>>) target_semaphore(%run_scoped3A : memref<!tpu.dma_semaphore, #tpu.memory_space<semaphore_mem>>)
      %dma_wait3A = arith.constant 0 : i32
      %dma_wait3A_92 = tpu.memref_slice %arg12[%mul3A_6, %dma_wait3A] : memref<10112x128xf32, #tpu.memory_space<vmem_shared>> -> memref<632x128xf32, #tpu.memory_space<vmem_shared>>
      %dma_wait3A_93 = arith.constant 0 : i32
      %dma_wait3A_94 = tpu.memref_slice %arg6[%mul3A_4, %dma_wait3A_93] : memref<10112x128xf32, #tpu.memory_space<hbm>> -> memref<632x128xf32, #tpu.memory_space<hbm>>
      tpu.wait_dma2 semaphore(%run_scoped3A : memref<!tpu.dma_semaphore, #tpu.memory_space<semaphore_mem>>) src(%dma_wait3A_94 : memref<632x128xf32, #tpu.memory_space<hbm>>) dst(%dma_wait3A_92 : memref<632x128xf32, #tpu.memory_space<vmem_shared>>)
      tpu.yield
    }) : () -> ()
    %barrier3A = arith.constant 0 : index
    tpu.barrier barrier_id(%barrier3A)
    %scan3A = arith.constant 0 : i32
    %scan3A_7 = arith.constant 0 : i32
    %scan3A_8 = arith.constant 25 : i32
    %scan3A_9 = arith.addi %scan3A_7, %scan3A_8 : i32
    %scan3A_10 = arith.constant 1 : i32
    scf.for %scan3A_89 = %scan3A_7 to %scan3A_9 step %scan3A_10  : i32 {
      %mul3A_90 = arith.constant 200 : i32
      %mul3A_91 = arith.muli %scan3A_89, %mul3A_90 : i32
      %add3A_92 = arith.addi %mul3A_2, %mul3A_91 : i32
      %mul3A_93 = arith.constant 200 : i32
      %mul3A_94 = arith.muli %scan3A_89, %mul3A_93 : i32
      %dma_start3A = arith.constant 0 : i32
      %dma_start3A_95 = tpu.memref_slice %arg8[%mul3A_94] : memref<5000xi32, #tpu.memory_space<vmem>> -> memref<200xi32, #tpu.memory_space<vmem>>
      %dma_start3A_96 = arith.constant 0 : i32
      %dma_start3A_97 = arith.constant 0 : i32
      %dma_start3A_98 = tpu.memref_slice %arg2[%dma_start3A, %dma_start3A_96, %dma_start3A_97] : memref<4x10112x128xf32, #tpu.memory_space<hbm>> -> memref<1x10112x128xf32, #tpu.memory_space<hbm>>
      %dma_start3A_99 = tpu.memref_squeeze %dma_start3A_98 : memref<1x10112x128xf32, #tpu.memory_space<hbm>> -> memref<10112x128xf32, #tpu.memory_space<hbm>>
      %dma_start3A_100 = arith.constant 0 : i32
      %dma_start3A_101 = arith.constant 0 : i32
      %dma_start3A_102 = tpu.memref_slice %dma_start3A_99[%dma_start3A_100, %dma_start3A_101] : memref<10112x128xf32, #tpu.memory_space<hbm>> -> memref<10112x128xf32, #tpu.memory_space<hbm>>
      tpu.enqueue_indirect_dma source(%dma_start3A_102 : memref<10112x128xf32, #tpu.memory_space<hbm>>) target(%arg11 : memref<200x128xf32, #tpu.memory_space<vmem>>) offsets(%dma_start3A_95 : memref<200xi32, #tpu.memory_space<vmem>>) semaphore(%arg13 : memref<!tpu.dma_semaphore, #tpu.memory_space<semaphore_mem>>)
      %dma_start3A_103 = arith.constant 0 : i32
      %dma_start3A_104 = tpu.memref_slice %arg3[%add3A_92, %dma_start3A_103] : memref<160000x16xf32, #tpu.memory_space<hbm>> -> memref<200x16xf32, #tpu.memory_space<hbm>>
      %dma_start3A_105 = arith.constant 0 : i32
      %dma_start3A_106 = tpu.memref_slice %arg3[%add3A_92, %dma_start3A_105] : memref<160000x16xf32, #tpu.memory_space<hbm>> -> memref<200x16xf32, #tpu.memory_space<hbm>>
      tpu.enqueue_dma source(%dma_start3A_106 : memref<200x16xf32, #tpu.memory_space<hbm>>) target(%arg10 : memref<200x16xf32, #tpu.memory_space<vmem>>) target_semaphore(%arg14 : memref<!tpu.dma_semaphore, #tpu.memory_space<semaphore_mem>>)
      %dma_start3A_107 = tpu.memref_slice %arg5[%add3A_92] : memref<160000xi32, #tpu.memory_space<hbm>> -> memref<200xi32, #tpu.memory_space<hbm>>
      %dma_start3A_108 = tpu.memref_slice %arg5[%add3A_92] : memref<160000xi32, #tpu.memory_space<hbm>> -> memref<200xi32, #tpu.memory_space<hbm>>
      tpu.enqueue_dma source(%dma_start3A_108 : memref<200xi32, #tpu.memory_space<hbm>>) target(%arg9 : memref<200xi32, #tpu.memory_space<vmem>>) target_semaphore(%arg15 : memref<!tpu.dma_semaphore, #tpu.memory_space<semaphore_mem>>)
      %dma_wait3A = arith.constant 0 : i32
      %dma_wait3A_109 = tpu.memref_slice %arg8[%mul3A_94] : memref<5000xi32, #tpu.memory_space<vmem>> -> memref<200xi32, #tpu.memory_space<vmem>>
      %dma_wait3A_110 = arith.constant 0 : i32
      %dma_wait3A_111 = arith.constant 0 : i32
      %dma_wait3A_112 = tpu.memref_slice %arg2[%dma_wait3A, %dma_wait3A_110, %dma_wait3A_111] : memref<4x10112x128xf32, #tpu.memory_space<hbm>> -> memref<1x10112x128xf32, #tpu.memory_space<hbm>>
      %dma_wait3A_113 = tpu.memref_squeeze %dma_wait3A_112 : memref<1x10112x128xf32, #tpu.memory_space<hbm>> -> memref<10112x128xf32, #tpu.memory_space<hbm>>
      %dma_wait3A_114 = arith.constant 0 : i32
      %dma_wait3A_115 = arith.constant 0 : i32
      %dma_wait3A_116 = tpu.memref_slice %dma_wait3A_113[%dma_wait3A_114, %dma_wait3A_115] : memref<10112x128xf32, #tpu.memory_space<hbm>> -> memref<10112x128xf32, #tpu.memory_space<hbm>>
      tpu.wait_indirect_dma semaphore(%arg13 : memref<!tpu.dma_semaphore, #tpu.memory_space<semaphore_mem>>) src(%dma_wait3A_116 : memref<10112x128xf32, #tpu.memory_space<hbm>>) dst(%arg11 : memref<200x128xf32, #tpu.memory_space<vmem>>)
      %dma_wait3A_117 = arith.constant 0 : i32
      %dma_wait3A_118 = tpu.memref_slice %arg3[%add3A_92, %dma_wait3A_117] : memref<160000x16xf32, #tpu.memory_space<hbm>> -> memref<200x16xf32, #tpu.memory_space<hbm>>
      %dma_wait3A_119 = arith.constant 0 : i32
      %dma_wait3A_120 = tpu.memref_slice %arg3[%add3A_92, %dma_wait3A_119] : memref<160000x16xf32, #tpu.memory_space<hbm>> -> memref<200x16xf32, #tpu.memory_space<hbm>>
      tpu.wait_dma2 semaphore(%arg14 : memref<!tpu.dma_semaphore, #tpu.memory_space<semaphore_mem>>) src(%dma_wait3A_120 : memref<200x16xf32, #tpu.memory_space<hbm>>) dst(%arg10 : memref<200x16xf32, #tpu.memory_space<vmem>>)
      %dma_wait3A_121 = tpu.memref_slice %arg5[%add3A_92] : memref<160000xi32, #tpu.memory_space<hbm>> -> memref<200xi32, #tpu.memory_space<hbm>>
      %dma_wait3A_122 = tpu.memref_slice %arg5[%add3A_92] : memref<160000xi32, #tpu.memory_space<hbm>> -> memref<200xi32, #tpu.memory_space<hbm>>
      tpu.wait_dma2 semaphore(%arg15 : memref<!tpu.dma_semaphore, #tpu.memory_space<semaphore_mem>>) src(%dma_wait3A_122 : memref<200xi32, #tpu.memory_space<hbm>>) dst(%arg9 : memref<200xi32, #tpu.memory_space<vmem>>)
      %scan3A_123 = arith.constant 0 : i32
      %scan3A_124 = arith.constant 0 : i32
      %scan3A_125 = arith.constant 200 : i32
      %scan3A_126 = arith.addi %scan3A_124, %scan3A_125 : i32
      %scan3A_127 = arith.constant 4 : i32
      scf.for %scan3A_129 = %scan3A_124 to %scan3A_126 step %scan3A_127  : i32 {
        %get3A = arith.index_cast %scan3A_129 : i32 to index
        %get3A_130 = arith.constant 0 : index
        %get3A_131 = tpu.vector_load %arg10[%get3A, %get3A_130] {strides = array<i32>} : memref<200x16xf32, #tpu.memory_space<vmem>>, vector<1x16xf32>,
        %get3A_132 = vector.shape_cast %get3A_131 : vector<1x16xf32> to vector<16xf32>
        %slice3A = vector.extract_strided_slice %get3A_132 {offsets = [0], sizes = [1], strides = [1]} : vector<16xf32> to vector<1xf32>
        %squeeze3A = vector.extract %slice3A[0] : f32 from vector<1xf32>
        %get3A_133 = arith.index_cast %scan3A_129 : i32 to index
        %get3A_134 = arith.constant 0 : index
        %get3A_135 = tpu.vector_load %arg11[%get3A_133, %get3A_134] {strides = array<i32>} : memref<200x128xf32, #tpu.memory_space<vmem>>, vector<1x16xf32>,
        %get3A_136 = vector.shape_cast %get3A_135 : vector<1x16xf32> to vector<16xf32>
        %mul3A_137 = vector.broadcast %squeeze3A : f32 to vector<16xf32>
        %mul3A_138 = arith.mulf %get3A_136, %mul3A_137 : vector<16xf32>
        %swap3A = arith.index_cast %scan3A_129 : i32 to index
        %swap3A_139 = arith.constant 0 : index
        %swap3A_140 = tpu.vector_load %arg11[%swap3A, %swap3A_139] {strides = array<i32>} : memref<200x128xf32, #tpu.memory_space<vmem>>, vector<1x16xf32>,
        %swap3A_141 = vector.shape_cast %swap3A_140 : vector<1x16xf32> to vector<16xf32>
        %swap3A_142 = vector.shape_cast %mul3A_138 : vector<16xf32> to vector<1x16xf32>
        tpu.vector_store %arg11[%swap3A, %swap3A_139], %swap3A_142 {strides = array<i32>} : memref<200x128xf32, #tpu.memory_space<vmem>>, vector<1x16xf32>,
        %get3A_143 = arith.index_cast %scan3A_129 : i32 to index
        %get3A_144 = arith.constant 16 : index
        %get3A_145 = tpu.vector_load %arg11[%get3A_143, %get3A_144] {strides = array<i32>} : memref<200x128xf32, #tpu.memory_space<vmem>>, vector<1x16xf32>,
        %get3A_146 = vector.shape_cast %get3A_145 : vector<1x16xf32> to vector<16xf32>
        %mul3A_147 = vector.broadcast %squeeze3A : f32 to vector<16xf32>
        %mul3A_148 = arith.mulf %get3A_146, %mul3A_147 : vector<16xf32>
        %swap3A_149 = arith.index_cast %scan3A_129 : i32 to index
        %swap3A_150 = arith.constant 16 : index
        %swap3A_151 = tpu.vector_load %arg11[%swap3A_149, %swap3A_150] {strides = array<i32>} : memref<200x128xf32, #tpu.memory_space<vmem>>, vector<1x16xf32>,
        %swap3A_152 = vector.shape_cast %swap3A_151 : vector<1x16xf32> to vector<16xf32>
        %swap3A_153 = vector.shape_cast %mul3A_148 : vector<16xf32> to vector<1x16xf32>
        tpu.vector_store %arg11[%swap3A_149, %swap3A_150], %swap3A_153 {strides = array<i32>} : memref<200x128xf32, #tpu.memory_space<vmem>>, vector<1x16xf32>,
        %get3A_154 = arith.index_cast %scan3A_129 : i32 to index
        %get3A_155 = arith.constant 32 : index
        %get3A_156 = tpu.vector_load %arg11[%get3A_154, %get3A_155] {strides = array<i32>} : memref<200x128xf32, #tpu.memory_space<vmem>>, vector<1x16xf32>,
        %get3A_157 = vector.shape_cast %get3A_156 : vector<1x16xf32> to vector<16xf32>
        %mul3A_158 = vector.broadcast %squeeze3A : f32 to vector<16xf32>
        %mul3A_159 = arith.mulf %get3A_157, %mul3A_158 : vector<16xf32>
        %swap3A_160 = arith.index_cast %scan3A_129 : i32 to index
        %swap3A_161 = arith.constant 32 : index
        %swap3A_162 = tpu.vector_load %arg11[%swap3A_160, %swap3A_161] {strides = array<i32>} : memref<200x128xf32, #tpu.memory_space<vmem>>, vector<1x16xf32>,
        %swap3A_163 = vector.shape_cast %swap3A_162 : vector<1x16xf32> to vector<16xf32>
        %swap3A_164 = vector.shape_cast %mul3A_159 : vector<16xf32> to vector<1x16xf32>
        tpu.vector_store %arg11[%swap3A_160, %swap3A_161], %swap3A_164 {strides = array<i32>} : memref<200x128xf32, #tpu.memory_space<vmem>>, vector<1x16xf32>,
        %get3A_165 = arith.index_cast %scan3A_129 : i32 to index
        %get3A_166 = arith.constant 48 : index
        %get3A_167 = tpu.vector_load %arg11[%get3A_165, %get3A_166] {strides = array<i32>} : memref<200x128xf32, #tpu.memory_space<vmem>>, vector<1x16xf32>,
        %get3A_168 = vector.shape_cast %get3A_167 : vector<1x16xf32> to vector<16xf32>
        %mul3A_169 = vector.broadcast %squeeze3A : f32 to vector<16xf32>
        %mul3A_170 = arith.mulf %get3A_168, %mul3A_169 : vector<16xf32>
        %swap3A_171 = arith.index_cast %scan3A_129 : i32 to index
        %swap3A_172 = arith.constant 48 : index
        %swap3A_173 = tpu.vector_load %arg11[%swap3A_171, %swap3A_172] {strides = array<i32>} : memref<200x128xf32, #tpu.memory_space<vmem>>, vector<1x16xf32>,
        %swap3A_174 = vector.shape_cast %swap3A_173 : vector<1x16xf32> to vector<16xf32>
        %swap3A_175 = vector.shape_cast %mul3A_170 : vector<16xf32> to vector<1x16xf32>
        tpu.vector_store %arg11[%swap3A_171, %swap3A_172], %swap3A_175 {strides = array<i32>} : memref<200x128xf32, #tpu.memory_space<vmem>>, vector<1x16xf32>,
        %slice3A_176 = vector.extract_strided_slice %get3A_132 {offsets = [1], sizes = [1], strides = [1]} : vector<16xf32> to vector<1xf32>
        %squeeze3A_177 = vector.extract %slice3A_176[0] : f32 from vector<1xf32>
        %get3A_178 = arith.index_cast %scan3A_129 : i32 to index
        %get3A_179 = arith.constant 64 : index
        %get3A_180 = tpu.vector_load %arg11[%get3A_178, %get3A_179] {strides = array<i32>} : memref<200x128xf32, #tpu.memory_space<vmem>>, vector<1x16xf32>,
        %get3A_181 = vector.shape_cast %get3A_180 : vector<1x16xf32> to vector<16xf32>
        %mul3A_182 = vector.broadcast %squeeze3A_177 : f32 to vector<16xf32>
        %mul3A_183 = arith.mulf %get3A_181, %mul3A_182 : vector<16xf32>
        %swap3A_184 = arith.index_cast %scan3A_129 : i32 to index
        %swap3A_185 = arith.constant 64 : index
        %swap3A_186 = tpu.vector_load %arg11[%swap3A_184, %swap3A_185] {strides = array<i32>} : memref<200x128xf32, #tpu.memory_space<vmem>>, vector<1x16xf32>,
        %swap3A_187 = vector.shape_cast %swap3A_186 : vector<1x16xf32> to vector<16xf32>
        %swap3A_188 = vector.shape_cast %mul3A_183 : vector<16xf32> to vector<1x16xf32>
        tpu.vector_store %arg11[%swap3A_184, %swap3A_185], %swap3A_188 {strides = array<i32>} : memref<200x128xf32, #tpu.memory_space<vmem>>, vector<1x16xf32>,
        %get3A_189 = arith.index_cast %scan3A_129 : i32 to index
        %get3A_190 = arith.constant 80 : index
        %get3A_191 = tpu.vector_load %arg11[%get3A_189, %get3A_190] {strides = array<i32>} : memref<200x128xf32, #tpu.memory_space<vmem>>, vector<1x16xf32>,
        %get3A_192 = vector.shape_cast %get3A_191 : vector<1x16xf32> to vector<16xf32>
        %mul3A_193 = vector.broadcast %squeeze3A_177 : f32 to vector<16xf32>
        %mul3A_194 = arith.mulf %get3A_192, %mul3A_193 : vector<16xf32>
        %swap3A_195 = arith.index_cast %scan3A_129 : i32 to index
        %swap3A_196 = arith.constant 80 : index
        %swap3A_197 = tpu.vector_load %arg11[%swap3A_195, %swap3A_196] {strides = array<i32>} : memref<200x128xf32, #tpu.memory_space<vmem>>, vector<1x16xf32>,
        %swap3A_198 = vector.shape_cast %swap3A_197 : vector<1x16xf32> to vector<16xf32>
        %swap3A_199 = vector.shape_cast %mul3A_194 : vector<16xf32> to vector<1x16xf32>
        tpu.vector_store %arg11[%swap3A_195, %swap3A_196], %swap3A_199 {strides = array<i32>} : memref<200x128xf32, #tpu.memory_space<vmem>>, vector<1x16xf32>,
        %get3A_200 = arith.index_cast %scan3A_129 : i32 to index
        %get3A_201 = arith.constant 96 : index
        %get3A_202 = tpu.vector_load %arg11[%get3A_200, %get3A_201] {strides = array<i32>} : memref<200x128xf32, #tpu.memory_space<vmem>>, vector<1x16xf32>,
        %get3A_203 = vector.shape_cast %get3A_202 : vector<1x16xf32> to vector<16xf32>
        %mul3A_204 = vector.broadcast %squeeze3A_177 : f32 to vector<16xf32>
        %mul3A_205 = arith.mulf %get3A_203, %mul3A_204 : vector<16xf32>
        %swap3A_206 = arith.index_cast %scan3A_129 : i32 to index
        %swap3A_207 = arith.constant 96 : index
        %swap3A_208 = tpu.vector_load %arg11[%swap3A_206, %swap3A_207] {strides = array<i32>} : memref<200x128xf32, #tpu.memory_space<vmem>>, vector<1x16xf32>,
        %swap3A_209 = vector.shape_cast %swap3A_208 : vector<1x16xf32> to vector<16xf32>
        %swap3A_210 = vector.shape_cast %mul3A_205 : vector<16xf32> to vector<1x16xf32>
        tpu.vector_store %arg11[%swap3A_206, %swap3A_207], %swap3A_210 {strides = array<i32>} : memref<200x128xf32, #tpu.memory_space<vmem>>, vector<1x16xf32>,
        %get3A_211 = arith.index_cast %scan3A_129 : i32 to index
        %get3A_212 = arith.constant 112 : index
        %get3A_213 = tpu.vector_load %arg11[%get3A_211, %get3A_212] {strides = array<i32>} : memref<200x128xf32, #tpu.memory_space<vmem>>, vector<1x16xf32>,
        %get3A_214 = vector.shape_cast %get3A_213 : vector<1x16xf32> to vector<16xf32>
        %mul3A_215 = vector.broadcast %squeeze3A_177 : f32 to vector<16xf32>
        %mul3A_216 = arith.mulf %get3A_214, %mul3A_215 : vector<16xf32>
        %swap3A_217 = arith.index_cast %scan3A_129 : i32 to index
        %swap3A_218 = arith.constant 112 : index
        %swap3A_219 = tpu.vector_load %arg11[%swap3A_217, %swap3A_218] {strides = array<i32>} : memref<200x128xf32, #tpu.memory_space<vmem>>, vector<1x16xf32>,
        %swap3A_220 = vector.shape_cast %swap3A_219 : vector<1x16xf32> to vector<16xf32>
        %swap3A_221 = vector.shape_cast %mul3A_216 : vector<16xf32> to vector<1x16xf32>
        tpu.vector_store %arg11[%swap3A_217, %swap3A_218], %swap3A_221 {strides = array<i32>} : memref<200x128xf32, #tpu.memory_space<vmem>>, vector<1x16xf32>,
        %scan3A_222 = arith.constant 1 : i32
        %scan3A_223 = arith.addi %scan3A_129, %scan3A_222 : i32
        %get3A_224 = arith.index_cast %scan3A_223 : i32 to index
        %get3A_225 = arith.constant 0 : index
        %get3A_226 = tpu.vector_load %arg10[%get3A_224, %get3A_225] {strides = array<i32>} : memref<200x16xf32, #tpu.memory_space<vmem>>, vector<1x16xf32>,
        %get3A_227 = vector.shape_cast %get3A_226 : vector<1x16xf32> to vector<16xf32>
        %slice3A_228 = vector.extract_strided_slice %get3A_227 {offsets = [0], sizes = [1], strides = [1]} : vector<16xf32> to vector<1xf32>
        %squeeze3A_229 = vector.extract %slice3A_228[0] : f32 from vector<1xf32>
        %get3A_230 = arith.index_cast %scan3A_223 : i32 to index
        %get3A_231 = arith.constant 0 : index
        %get3A_232 = tpu.vector_load %arg11[%get3A_230, %get3A_231] {strides = array<i32>} : memref<200x128xf32, #tpu.memory_space<vmem>>, vector<1x16xf32>,
        %get3A_233 = vector.shape_cast %get3A_232 : vector<1x16xf32> to vector<16xf32>
        %mul3A_234 = vector.broadcast %squeeze3A_229 : f32 to vector<16xf32>
        %mul3A_235 = arith.mulf %get3A_233, %mul3A_234 : vector<16xf32>
        %swap3A_236 = arith.index_cast %scan3A_223 : i32 to index
        %swap3A_237 = arith.constant 0 : index
        %swap3A_238 = tpu.vector_load %arg11[%swap3A_236, %swap3A_237] {strides = array<i32>} : memref<200x128xf32, #tpu.memory_space<vmem>>, vector<1x16xf32>,
        %swap3A_239 = vector.shape_cast %swap3A_238 : vector<1x16xf32> to vector<16xf32>
        %swap3A_240 = vector.shape_cast %mul3A_235 : vector<16xf32> to vector<1x16xf32>
        tpu.vector_store %arg11[%swap3A_236, %swap3A_237], %swap3A_240 {strides = array<i32>} : memref<200x128xf32, #tpu.memory_space<vmem>>, vector<1x16xf32>,
        %get3A_241 = arith.index_cast %scan3A_223 : i32 to index
        %get3A_242 = arith.constant 16 : index
        %get3A_243 = tpu.vector_load %arg11[%get3A_241, %get3A_242] {strides = array<i32>} : memref<200x128xf32, #tpu.memory_space<vmem>>, vector<1x16xf32>,
        %get3A_244 = vector.shape_cast %get3A_243 : vector<1x16xf32> to vector<16xf32>
        %mul3A_245 = vector.broadcast %squeeze3A_229 : f32 to vector<16xf32>
        %mul3A_246 = arith.mulf %get3A_244, %mul3A_245 : vector<16xf32>
        %swap3A_247 = arith.index_cast %scan3A_223 : i32 to index
        %swap3A_248 = arith.constant 16 : index
        %swap3A_249 = tpu.vector_load %arg11[%swap3A_247, %swap3A_248] {strides = array<i32>} : memref<200x128xf32, #tpu.memory_space<vmem>>, vector<1x16xf32>,
        %swap3A_250 = vector.shape_cast %swap3A_249 : vector<1x16xf32> to vector<16xf32>
        %swap3A_251 = vector.shape_cast %mul3A_246 : vector<16xf32> to vector<1x16xf32>
        tpu.vector_store %arg11[%swap3A_247, %swap3A_248], %swap3A_251 {strides = array<i32>} : memref<200x128xf32, #tpu.memory_space<vmem>>, vector<1x16xf32>,
        %get3A_252 = arith.index_cast %scan3A_223 : i32 to index
        %get3A_253 = arith.constant 32 : index
        %get3A_254 = tpu.vector_load %arg11[%get3A_252, %get3A_253] {strides = array<i32>} : memref<200x128xf32, #tpu.memory_space<vmem>>, vector<1x16xf32>,
        %get3A_255 = vector.shape_cast %get3A_254 : vector<1x16xf32> to vector<16xf32>
        %mul3A_256 = vector.broadcast %squeeze3A_229 : f32 to vector<16xf32>
        %mul3A_257 = arith.mulf %get3A_255, %mul3A_256 : vector<16xf32>
        %swap3A_258 = arith.index_cast %scan3A_223 : i32 to index
        %swap3A_259 = arith.constant 32 : index
        %swap3A_260 = tpu.vector_load %arg11[%swap3A_258, %swap3A_259] {strides = array<i32>} : memref<200x128xf32, #tpu.memory_space<vmem>>, vector<1x16xf32>,
        %swap3A_261 = vector.shape_cast %swap3A_260 : vector<1x16xf32> to vector<16xf32>
        %swap3A_262 = vector.shape_cast %mul3A_257 : vector<16xf32> to vector<1x16xf32>
        tpu.vector_store %arg11[%swap3A_258, %swap3A_259], %swap3A_262 {strides = array<i32>} : memref<200x128xf32, #tpu.memory_space<vmem>>, vector<1x16xf32>,
        %get3A_263 = arith.index_cast %scan3A_223 : i32 to index
        %get3A_264 = arith.constant 48 : index
        %get3A_265 = tpu.vector_load %arg11[%get3A_263, %get3A_264] {strides = array<i32>} : memref<200x128xf32, #tpu.memory_space<vmem>>, vector<1x16xf32>,
        %get3A_266 = vector.shape_cast %get3A_265 : vector<1x16xf32> to vector<16xf32>
        %mul3A_267 = vector.broadcast %squeeze3A_229 : f32 to vector<16xf32>
        %mul3A_268 = arith.mulf %get3A_266, %mul3A_267 : vector<16xf32>
        %swap3A_269 = arith.index_cast %scan3A_223 : i32 to index
        %swap3A_270 = arith.constant 48 : index
        %swap3A_271 = tpu.vector_load %arg11[%swap3A_269, %swap3A_270] {strides = array<i32>} : memref<200x128xf32, #tpu.memory_space<vmem>>, vector<1x16xf32>,
        %swap3A_272 = vector.shape_cast %swap3A_271 : vector<1x16xf32> to vector<16xf32>
        %swap3A_273 = vector.shape_cast %mul3A_268 : vector<16xf32> to vector<1x16xf32>
        tpu.vector_store %arg11[%swap3A_269, %swap3A_270], %swap3A_273 {strides = array<i32>} : memref<200x128xf32, #tpu.memory_space<vmem>>, vector<1x16xf32>,
        %slice3A_274 = vector.extract_strided_slice %get3A_227 {offsets = [1], sizes = [1], strides = [1]} : vector<16xf32> to vector<1xf32>
        %squeeze3A_275 = vector.extract %slice3A_274[0] : f32 from vector<1xf32>
        %get3A_276 = arith.index_cast %scan3A_223 : i32 to index
        %get3A_277 = arith.constant 64 : index
        %get3A_278 = tpu.vector_load %arg11[%get3A_276, %get3A_277] {strides = array<i32>} : memref<200x128xf32, #tpu.memory_space<vmem>>, vector<1x16xf32>,
        %get3A_279 = vector.shape_cast %get3A_278 : vector<1x16xf32> to vector<16xf32>
        %mul3A_280 = vector.broadcast %squeeze3A_275 : f32 to vector<16xf32>
        %mul3A_281 = arith.mulf %get3A_279, %mul3A_280 : vector<16xf32>
        %swap3A_282 = arith.index_cast %scan3A_223 : i32 to index
        %swap3A_283 = arith.constant 64 : index
        %swap3A_284 = tpu.vector_load %arg11[%swap3A_282, %swap3A_283] {strides = array<i32>} : memref<200x128xf32, #tpu.memory_space<vmem>>, vector<1x16xf32>,
        %swap3A_285 = vector.shape_cast %swap3A_284 : vector<1x16xf32> to vector<16xf32>
        %swap3A_286 = vector.shape_cast %mul3A_281 : vector<16xf32> to vector<1x16xf32>
        tpu.vector_store %arg11[%swap3A_282, %swap3A_283], %swap3A_286 {strides = array<i32>} : memref<200x128xf32, #tpu.memory_space<vmem>>, vector<1x16xf32>,
        %get3A_287 = arith.index_cast %scan3A_223 : i32 to index
        %get3A_288 = arith.constant 80 : index
        %get3A_289 = tpu.vector_load %arg11[%get3A_287, %get3A_288] {strides = array<i32>} : memref<200x128xf32, #tpu.memory_space<vmem>>, vector<1x16xf32>,
        %get3A_290 = vector.shape_cast %get3A_289 : vector<1x16xf32> to vector<16xf32>
        %mul3A_291 = vector.broadcast %squeeze3A_275 : f32 to vector<16xf32>
        %mul3A_292 = arith.mulf %get3A_290, %mul3A_291 : vector<16xf32>
        %swap3A_293 = arith.index_cast %scan3A_223 : i32 to index
        %swap3A_294 = arith.constant 80 : index
        %swap3A_295 = tpu.vector_load %arg11[%swap3A_293, %swap3A_294] {strides = array<i32>} : memref<200x128xf32, #tpu.memory_space<vmem>>, vector<1x16xf32>,
        %swap3A_296 = vector.shape_cast %swap3A_295 : vector<1x16xf32> to vector<16xf32>
        %swap3A_297 = vector.shape_cast %mul3A_292 : vector<16xf32> to vector<1x16xf32>
        tpu.vector_store %arg11[%swap3A_293, %swap3A_294], %swap3A_297 {strides = array<i32>} : memref<200x128xf32, #tpu.memory_space<vmem>>, vector<1x16xf32>,
        %get3A_298 = arith.index_cast %scan3A_223 : i32 to index
        %get3A_299 = arith.constant 96 : index
        %get3A_300 = tpu.vector_load %arg11[%get3A_298, %get3A_299] {strides = array<i32>} : memref<200x128xf32, #tpu.memory_space<vmem>>, vector<1x16xf32>,
        %get3A_301 = vector.shape_cast %get3A_300 : vector<1x16xf32> to vector<16xf32>
        %mul3A_302 = vector.broadcast %squeeze3A_275 : f32 to vector<16xf32>
        %mul3A_303 = arith.mulf %get3A_301, %mul3A_302 : vector<16xf32>
        %swap3A_304 = arith.index_cast %scan3A_223 : i32 to index
        %swap3A_305 = arith.constant 96 : index
        %swap3A_306 = tpu.vector_load %arg11[%swap3A_304, %swap3A_305] {strides = array<i32>} : memref<200x128xf32, #tpu.memory_space<vmem>>, vector<1x16xf32>,
        %swap3A_307 = vector.shape_cast %swap3A_306 : vector<1x16xf32> to vector<16xf32>
        %swap3A_308 = vector.shape_cast %mul3A_303 : vector<16xf32> to vector<1x16xf32>
        tpu.vector_store %arg11[%swap3A_304, %swap3A_305], %swap3A_308 {strides = array<i32>} : memref<200x128xf32, #tpu.memory_space<vmem>>, vector<1x16xf32>,
        %get3A_309 = arith.index_cast %scan3A_223 : i32 to index
        %get3A_310 = arith.constant 112 : index
        %get3A_311 = tpu.vector_load %arg11[%get3A_309, %get3A_310] {strides = array<i32>} : memref<200x128xf32, #tpu.memory_space<vmem>>, vector<1x16xf32>,
        %get3A_312 = vector.shape_cast %get3A_311 : vector<1x16xf32> to vector<16xf32>
        %mul3A_313 = vector.broadcast %squeeze3A_275 : f32 to vector<16xf32>
        %mul3A_314 = arith.mulf %get3A_312, %mul3A_313 : vector<16xf32>
        %swap3A_315 = arith.index_cast %scan3A_223 : i32 to index
        %swap3A_316 = arith.constant 112 : index
        %swap3A_317 = tpu.vector_load %arg11[%swap3A_315, %swap3A_316] {strides = array<i32>} : memref<200x128xf32, #tpu.memory_space<vmem>>, vector<1x16xf32>,
        %swap3A_318 = vector.shape_cast %swap3A_317 : vector<1x16xf32> to vector<16xf32>
        %swap3A_319 = vector.shape_cast %mul3A_314 : vector<16xf32> to vector<1x16xf32>
        tpu.vector_store %arg11[%swap3A_315, %swap3A_316], %swap3A_319 {strides = array<i32>} : memref<200x128xf32, #tpu.memory_space<vmem>>, vector<1x16xf32>,
        %scan3A_320 = arith.constant 2 : i32
        %scan3A_321 = arith.addi %scan3A_129, %scan3A_320 : i32
        %get3A_322 = arith.index_cast %scan3A_321 : i32 to index
        %get3A_323 = arith.constant 0 : index
        %get3A_324 = tpu.vector_load %arg10[%get3A_322, %get3A_323] {strides = array<i32>} : memref<200x16xf32, #tpu.memory_space<vmem>>, vector<1x16xf32>,
        %get3A_325 = vector.shape_cast %get3A_324 : vector<1x16xf32> to vector<16xf32>
        %slice3A_326 = vector.extract_strided_slice %get3A_325 {offsets = [0], sizes = [1], strides = [1]} : vector<16xf32> to vector<1xf32>
        %squeeze3A_327 = vector.extract %slice3A_326[0] : f32 from vector<1xf32>
        %get3A_328 = arith.index_cast %scan3A_321 : i32 to index
        %get3A_329 = arith.constant 0 : index
        %get3A_330 = tpu.vector_load %arg11[%get3A_328, %get3A_329] {strides = array<i32>} : memref<200x128xf32, #tpu.memory_space<vmem>>, vector<1x16xf32>,
        %get3A_331 = vector.shape_cast %get3A_330 : vector<1x16xf32> to vector<16xf32>
        %mul3A_332 = vector.broadcast %squeeze3A_327 : f32 to vector<16xf32>
        %mul3A_333 = arith.mulf %get3A_331, %mul3A_332 : vector<16xf32>
        %swap3A_334 = arith.index_cast %scan3A_321 : i32 to index
        %swap3A_335 = arith.constant 0 : index
        %swap3A_336 = tpu.vector_load %arg11[%swap3A_334, %swap3A_335] {strides = array<i32>} : memref<200x128xf32, #tpu.memory_space<vmem>>, vector<1x16xf32>,
        %swap3A_337 = vector.shape_cast %swap3A_336 : vector<1x16xf32> to vector<16xf32>
        %swap3A_338 = vector.shape_cast %mul3A_333 : vector<16xf32> to vector<1x16xf32>
        tpu.vector_store %arg11[%swap3A_334, %swap3A_335], %swap3A_338 {strides = array<i32>} : memref<200x128xf32, #tpu.memory_space<vmem>>, vector<1x16xf32>,
        %get3A_339 = arith.index_cast %scan3A_321 : i32 to index
        %get3A_340 = arith.constant 16 : index
        %get3A_341 = tpu.vector_load %arg11[%get3A_339, %get3A_340] {strides = array<i32>} : memref<200x128xf32, #tpu.memory_space<vmem>>, vector<1x16xf32>,
        %get3A_342 = vector.shape_cast %get3A_341 : vector<1x16xf32> to vector<16xf32>
        %mul3A_343 = vector.broadcast %squeeze3A_327 : f32 to vector<16xf32>
        %mul3A_344 = arith.mulf %get3A_342, %mul3A_343 : vector<16xf32>
        %swap3A_345 = arith.index_cast %scan3A_321 : i32 to index
        %swap3A_346 = arith.constant 16 : index
        %swap3A_347 = tpu.vector_load %arg11[%swap3A_345, %swap3A_346] {strides = array<i32>} : memref<200x128xf32, #tpu.memory_space<vmem>>, vector<1x16xf32>,
        %swap3A_348 = vector.shape_cast %swap3A_347 : vector<1x16xf32> to vector<16xf32>
        %swap3A_349 = vector.shape_cast %mul3A_344 : vector<16xf32> to vector<1x16xf32>
        tpu.vector_store %arg11[%swap3A_345, %swap3A_346], %swap3A_349 {strides = array<i32>} : memref<200x128xf32, #tpu.memory_space<vmem>>, vector<1x16xf32>,
        %get3A_350 = arith.index_cast %scan3A_321 : i32 to index
        %get3A_351 = arith.constant 32 : index
        %get3A_352 = tpu.vector_load %arg11[%get3A_350, %get3A_351] {strides = array<i32>} : memref<200x128xf32, #tpu.memory_space<vmem>>, vector<1x16xf32>,
        %get3A_353 = vector.shape_cast %get3A_352 : vector<1x16xf32> to vector<16xf32>
        %mul3A_354 = vector.broadcast %squeeze3A_327 : f32 to vector<16xf32>
        %mul3A_355 = arith.mulf %get3A_353, %mul3A_354 : vector<16xf32>
        %swap3A_356 = arith.index_cast %scan3A_321 : i32 to index
        %swap3A_357 = arith.constant 32 : index
        %swap3A_358 = tpu.vector_load %arg11[%swap3A_356, %swap3A_357] {strides = array<i32>} : memref<200x128xf32, #tpu.memory_space<vmem>>, vector<1x16xf32>,
        %swap3A_359 = vector.shape_cast %swap3A_358 : vector<1x16xf32> to vector<16xf32>
        %swap3A_360 = vector.shape_cast %mul3A_355 : vector<16xf32> to vector<1x16xf32>
        tpu.vector_store %arg11[%swap3A_356, %swap3A_357], %swap3A_360 {strides = array<i32>} : memref<200x128xf32, #tpu.memory_space<vmem>>, vector<1x16xf32>,
        %get3A_361 = arith.index_cast %scan3A_321 : i32 to index
        %get3A_362 = arith.constant 48 : index
        %get3A_363 = tpu.vector_load %arg11[%get3A_361, %get3A_362] {strides = array<i32>} : memref<200x128xf32, #tpu.memory_space<vmem>>, vector<1x16xf32>,
        %get3A_364 = vector.shape_cast %get3A_363 : vector<1x16xf32> to vector<16xf32>
        %mul3A_365 = vector.broadcast %squeeze3A_327 : f32 to vector<16xf32>
        %mul3A_366 = arith.mulf %get3A_364, %mul3A_365 : vector<16xf32>
        %swap3A_367 = arith.index_cast %scan3A_321 : i32 to index
        %swap3A_368 = arith.constant 48 : index
        %swap3A_369 = tpu.vector_load %arg11[%swap3A_367, %swap3A_368] {strides = array<i32>} : memref<200x128xf32, #tpu.memory_space<vmem>>, vector<1x16xf32>,
        %swap3A_370 = vector.shape_cast %swap3A_369 : vector<1x16xf32> to vector<16xf32>
        %swap3A_371 = vector.shape_cast %mul3A_366 : vector<16xf32> to vector<1x16xf32>
        tpu.vector_store %arg11[%swap3A_367, %swap3A_368], %swap3A_371 {strides = array<i32>} : memref<200x128xf32, #tpu.memory_space<vmem>>, vector<1x16xf32>,
        %slice3A_372 = vector.extract_strided_slice %get3A_325 {offsets = [1], sizes = [1], strides = [1]} : vector<16xf32> to vector<1xf32>
        %squeeze3A_373 = vector.extract %slice3A_372[0] : f32 from vector<1xf32>
        %get3A_374 = arith.index_cast %scan3A_321 : i32 to index
        %get3A_375 = arith.constant 64 : index
        %get3A_376 = tpu.vector_load %arg11[%get3A_374, %get3A_375] {strides = array<i32>} : memref<200x128xf32, #tpu.memory_space<vmem>>, vector<1x16xf32>,
        %get3A_377 = vector.shape_cast %get3A_376 : vector<1x16xf32> to vector<16xf32>
        %mul3A_378 = vector.broadcast %squeeze3A_373 : f32 to vector<16xf32>
        %mul3A_379 = arith.mulf %get3A_377, %mul3A_378 : vector<16xf32>
        %swap3A_380 = arith.index_cast %scan3A_321 : i32 to index
        %swap3A_381 = arith.constant 64 : index
        %swap3A_382 = tpu.vector_load %arg11[%swap3A_380, %swap3A_381] {strides = array<i32>} : memref<200x128xf32, #tpu.memory_space<vmem>>, vector<1x16xf32>,
        %swap3A_383 = vector.shape_cast %swap3A_382 : vector<1x16xf32> to vector<16xf32>
        %swap3A_384 = vector.shape_cast %mul3A_379 : vector<16xf32> to vector<1x16xf32>
        tpu.vector_store %arg11[%swap3A_380, %swap3A_381], %swap3A_384 {strides = array<i32>} : memref<200x128xf32, #tpu.memory_space<vmem>>, vector<1x16xf32>,
        %get3A_385 = arith.index_cast %scan3A_321 : i32 to index
        %get3A_386 = arith.constant 80 : index
        %get3A_387 = tpu.vector_load %arg11[%get3A_385, %get3A_386] {strides = array<i32>} : memref<200x128xf32, #tpu.memory_space<vmem>>, vector<1x16xf32>,
        %get3A_388 = vector.shape_cast %get3A_387 : vector<1x16xf32> to vector<16xf32>
        %mul3A_389 = vector.broadcast %squeeze3A_373 : f32 to vector<16xf32>
        %mul3A_390 = arith.mulf %get3A_388, %mul3A_389 : vector<16xf32>
        %swap3A_391 = arith.index_cast %scan3A_321 : i32 to index
        %swap3A_392 = arith.constant 80 : index
        %swap3A_393 = tpu.vector_load %arg11[%swap3A_391, %swap3A_392] {strides = array<i32>} : memref<200x128xf32, #tpu.memory_space<vmem>>, vector<1x16xf32>,
        %swap3A_394 = vector.shape_cast %swap3A_393 : vector<1x16xf32> to vector<16xf32>
        %swap3A_395 = vector.shape_cast %mul3A_390 : vector<16xf32> to vector<1x16xf32>
        tpu.vector_store %arg11[%swap3A_391, %swap3A_392], %swap3A_395 {strides = array<i32>} : memref<200x128xf32, #tpu.memory_space<vmem>>, vector<1x16xf32>,
        %get3A_396 = arith.index_cast %scan3A_321 : i32 to index
        %get3A_397 = arith.constant 96 : index
        %get3A_398 = tpu.vector_load %arg11[%get3A_396, %get3A_397] {strides = array<i32>} : memref<200x128xf32, #tpu.memory_space<vmem>>, vector<1x16xf32>,
        %get3A_399 = vector.shape_cast %get3A_398 : vector<1x16xf32> to vector<16xf32>
        %mul3A_400 = vector.broadcast %squeeze3A_373 : f32 to vector<16xf32>
        %mul3A_401 = arith.mulf %get3A_399, %mul3A_400 : vector<16xf32>
        %swap3A_402 = arith.index_cast %scan3A_321 : i32 to index
        %swap3A_403 = arith.constant 96 : index
        %swap3A_404 = tpu.vector_load %arg11[%swap3A_402, %swap3A_403] {strides = array<i32>} : memref<200x128xf32, #tpu.memory_space<vmem>>, vector<1x16xf32>,
        %swap3A_405 = vector.shape_cast %swap3A_404 : vector<1x16xf32> to vector<16xf32>
        %swap3A_406 = vector.shape_cast %mul3A_401 : vector<16xf32> to vector<1x16xf32>
        tpu.vector_store %arg11[%swap3A_402, %swap3A_403], %swap3A_406 {strides = array<i32>} : memref<200x128xf32, #tpu.memory_space<vmem>>, vector<1x16xf32>,
        %get3A_407 = arith.index_cast %scan3A_321 : i32 to index
        %get3A_408 = arith.constant 112 : index
        %get3A_409 = tpu.vector_load %arg11[%get3A_407, %get3A_408] {strides = array<i32>} : memref<200x128xf32, #tpu.memory_space<vmem>>, vector<1x16xf32>,
        %get3A_410 = vector.shape_cast %get3A_409 : vector<1x16xf32> to vector<16xf32>
        %mul3A_411 = vector.broadcast %squeeze3A_373 : f32 to vector<16xf32>
        %mul3A_412 = arith.mulf %get3A_410, %mul3A_411 : vector<16xf32>
        %swap3A_413 = arith.index_cast %scan3A_321 : i32 to index
        %swap3A_414 = arith.constant 112 : index
        %swap3A_415 = tpu.vector_load %arg11[%swap3A_413, %swap3A_414] {strides = array<i32>} : memref<200x128xf32, #tpu.memory_space<vmem>>, vector<1x16xf32>,
        %swap3A_416 = vector.shape_cast %swap3A_415 : vector<1x16xf32> to vector<16xf32>
        %swap3A_417 = vector.shape_cast %mul3A_412 : vector<16xf32> to vector<1x16xf32>
        tpu.vector_store %arg11[%swap3A_413, %swap3A_414], %swap3A_417 {strides = array<i32>} : memref<200x128xf32, #tpu.memory_space<vmem>>, vector<1x16xf32>,
        %scan3A_418 = arith.constant 3 : i32
        %scan3A_419 = arith.addi %scan3A_129, %scan3A_418 : i32
        %get3A_420 = arith.index_cast %scan3A_419 : i32 to index
        %get3A_421 = arith.constant 0 : index
        %get3A_422 = tpu.vector_load %arg10[%get3A_420, %get3A_421] {strides = array<i32>} : memref<200x16xf32, #tpu.memory_space<vmem>>, vector<1x16xf32>,
        %get3A_423 = vector.shape_cast %get3A_422 : vector<1x16xf32> to vector<16xf32>
        %slice3A_424 = vector.extract_strided_slice %get3A_423 {offsets = [0], sizes = [1], strides = [1]} : vector<16xf32> to vector<1xf32>
        %squeeze3A_425 = vector.extract %slice3A_424[0] : f32 from vector<1xf32>
        %get3A_426 = arith.index_cast %scan3A_419 : i32 to index
        %get3A_427 = arith.constant 0 : index
        %get3A_428 = tpu.vector_load %arg11[%get3A_426, %get3A_427] {strides = array<i32>} : memref<200x128xf32, #tpu.memory_space<vmem>>, vector<1x16xf32>,
        %get3A_429 = vector.shape_cast %get3A_428 : vector<1x16xf32> to vector<16xf32>
        %mul3A_430 = vector.broadcast %squeeze3A_425 : f32 to vector<16xf32>
        %mul3A_431 = arith.mulf %get3A_429, %mul3A_430 : vector<16xf32>
        %swap3A_432 = arith.index_cast %scan3A_419 : i32 to index
        %swap3A_433 = arith.constant 0 : index
        %swap3A_434 = tpu.vector_load %arg11[%swap3A_432, %swap3A_433] {strides = array<i32>} : memref<200x128xf32, #tpu.memory_space<vmem>>, vector<1x16xf32>,
        %swap3A_435 = vector.shape_cast %swap3A_434 : vector<1x16xf32> to vector<16xf32>
        %swap3A_436 = vector.shape_cast %mul3A_431 : vector<16xf32> to vector<1x16xf32>
        tpu.vector_store %arg11[%swap3A_432, %swap3A_433], %swap3A_436 {strides = array<i32>} : memref<200x128xf32, #tpu.memory_space<vmem>>, vector<1x16xf32>,
        %get3A_437 = arith.index_cast %scan3A_419 : i32 to index
        %get3A_438 = arith.constant 16 : index
        %get3A_439 = tpu.vector_load %arg11[%get3A_437, %get3A_438] {strides = array<i32>} : memref<200x128xf32, #tpu.memory_space<vmem>>, vector<1x16xf32>,
        %get3A_440 = vector.shape_cast %get3A_439 : vector<1x16xf32> to vector<16xf32>
        %mul3A_441 = vector.broadcast %squeeze3A_425 : f32 to vector<16xf32>
        %mul3A_442 = arith.mulf %get3A_440, %mul3A_441 : vector<16xf32>
        %swap3A_443 = arith.index_cast %scan3A_419 : i32 to index
        %swap3A_444 = arith.constant 16 : index
        %swap3A_445 = tpu.vector_load %arg11[%swap3A_443, %swap3A_444] {strides = array<i32>} : memref<200x128xf32, #tpu.memory_space<vmem>>, vector<1x16xf32>,
        %swap3A_446 = vector.shape_cast %swap3A_445 : vector<1x16xf32> to vector<16xf32>
        %swap3A_447 = vector.shape_cast %mul3A_442 : vector<16xf32> to vector<1x16xf32>
        tpu.vector_store %arg11[%swap3A_443, %swap3A_444], %swap3A_447 {strides = array<i32>} : memref<200x128xf32, #tpu.memory_space<vmem>>, vector<1x16xf32>,
        %get3A_448 = arith.index_cast %scan3A_419 : i32 to index
        %get3A_449 = arith.constant 32 : index
        %get3A_450 = tpu.vector_load %arg11[%get3A_448, %get3A_449] {strides = array<i32>} : memref<200x128xf32, #tpu.memory_space<vmem>>, vector<1x16xf32>,
        %get3A_451 = vector.shape_cast %get3A_450 : vector<1x16xf32> to vector<16xf32>
        %mul3A_452 = vector.broadcast %squeeze3A_425 : f32 to vector<16xf32>
        %mul3A_453 = arith.mulf %get3A_451, %mul3A_452 : vector<16xf32>
        %swap3A_454 = arith.index_cast %scan3A_419 : i32 to index
        %swap3A_455 = arith.constant 32 : index
        %swap3A_456 = tpu.vector_load %arg11[%swap3A_454, %swap3A_455] {strides = array<i32>} : memref<200x128xf32, #tpu.memory_space<vmem>>, vector<1x16xf32>,
        %swap3A_457 = vector.shape_cast %swap3A_456 : vector<1x16xf32> to vector<16xf32>
        %swap3A_458 = vector.shape_cast %mul3A_453 : vector<16xf32> to vector<1x16xf32>
        tpu.vector_store %arg11[%swap3A_454, %swap3A_455], %swap3A_458 {strides = array<i32>} : memref<200x128xf32, #tpu.memory_space<vmem>>, vector<1x16xf32>,
        %get3A_459 = arith.index_cast %scan3A_419 : i32 to index
        %get3A_460 = arith.constant 48 : index
        %get3A_461 = tpu.vector_load %arg11[%get3A_459, %get3A_460] {strides = array<i32>} : memref<200x128xf32, #tpu.memory_space<vmem>>, vector<1x16xf32>,
        %get3A_462 = vector.shape_cast %get3A_461 : vector<1x16xf32> to vector<16xf32>
        %mul3A_463 = vector.broadcast %squeeze3A_425 : f32 to vector<16xf32>
        %mul3A_464 = arith.mulf %get3A_462, %mul3A_463 : vector<16xf32>
        %swap3A_465 = arith.index_cast %scan3A_419 : i32 to index
        %swap3A_466 = arith.constant 48 : index
        %swap3A_467 = tpu.vector_load %arg11[%swap3A_465, %swap3A_466] {strides = array<i32>} : memref<200x128xf32, #tpu.memory_space<vmem>>, vector<1x16xf32>,
        %swap3A_468 = vector.shape_cast %swap3A_467 : vector<1x16xf32> to vector<16xf32>
        %swap3A_469 = vector.shape_cast %mul3A_464 : vector<16xf32> to vector<1x16xf32>
        tpu.vector_store %arg11[%swap3A_465, %swap3A_466], %swap3A_469 {strides = array<i32>} : memref<200x128xf32, #tpu.memory_space<vmem>>, vector<1x16xf32>,
        %slice3A_470 = vector.extract_strided_slice %get3A_423 {offsets = [1], sizes = [1], strides = [1]} : vector<16xf32> to vector<1xf32>
        %squeeze3A_471 = vector.extract %slice3A_470[0] : f32 from vector<1xf32>
        %get3A_472 = arith.index_cast %scan3A_419 : i32 to index
        %get3A_473 = arith.constant 64 : index
        %get3A_474 = tpu.vector_load %arg11[%get3A_472, %get3A_473] {strides = array<i32>} : memref<200x128xf32, #tpu.memory_space<vmem>>, vector<1x16xf32>,
        %get3A_475 = vector.shape_cast %get3A_474 : vector<1x16xf32> to vector<16xf32>
        %mul3A_476 = vector.broadcast %squeeze3A_471 : f32 to vector<16xf32>
        %mul3A_477 = arith.mulf %get3A_475, %mul3A_476 : vector<16xf32>
        %swap3A_478 = arith.index_cast %scan3A_419 : i32 to index
        %swap3A_479 = arith.constant 64 : index
        %swap3A_480 = tpu.vector_load %arg11[%swap3A_478, %swap3A_479] {strides = array<i32>} : memref<200x128xf32, #tpu.memory_space<vmem>>, vector<1x16xf32>,
        %swap3A_481 = vector.shape_cast %swap3A_480 : vector<1x16xf32> to vector<16xf32>
        %swap3A_482 = vector.shape_cast %mul3A_477 : vector<16xf32> to vector<1x16xf32>
        tpu.vector_store %arg11[%swap3A_478, %swap3A_479], %swap3A_482 {strides = array<i32>} : memref<200x128xf32, #tpu.memory_space<vmem>>, vector<1x16xf32>,
        %get3A_483 = arith.index_cast %scan3A_419 : i32 to index
        %get3A_484 = arith.constant 80 : index
        %get3A_485 = tpu.vector_load %arg11[%get3A_483, %get3A_484] {strides = array<i32>} : memref<200x128xf32, #tpu.memory_space<vmem>>, vector<1x16xf32>,
        %get3A_486 = vector.shape_cast %get3A_485 : vector<1x16xf32> to vector<16xf32>
        %mul3A_487 = vector.broadcast %squeeze3A_471 : f32 to vector<16xf32>
        %mul3A_488 = arith.mulf %get3A_486, %mul3A_487 : vector<16xf32>
        %swap3A_489 = arith.index_cast %scan3A_419 : i32 to index
        %swap3A_490 = arith.constant 80 : index
        %swap3A_491 = tpu.vector_load %arg11[%swap3A_489, %swap3A_490] {strides = array<i32>} : memref<200x128xf32, #tpu.memory_space<vmem>>, vector<1x16xf32>,
        %swap3A_492 = vector.shape_cast %swap3A_491 : vector<1x16xf32> to vector<16xf32>
        %swap3A_493 = vector.shape_cast %mul3A_488 : vector<16xf32> to vector<1x16xf32>
        tpu.vector_store %arg11[%swap3A_489, %swap3A_490], %swap3A_493 {strides = array<i32>} : memref<200x128xf32, #tpu.memory_space<vmem>>, vector<1x16xf32>,
        %get3A_494 = arith.index_cast %scan3A_419 : i32 to index
        %get3A_495 = arith.constant 96 : index
        %get3A_496 = tpu.vector_load %arg11[%get3A_494, %get3A_495] {strides = array<i32>} : memref<200x128xf32, #tpu.memory_space<vmem>>, vector<1x16xf32>,
        %get3A_497 = vector.shape_cast %get3A_496 : vector<1x16xf32> to vector<16xf32>
        %mul3A_498 = vector.broadcast %squeeze3A_471 : f32 to vector<16xf32>
        %mul3A_499 = arith.mulf %get3A_497, %mul3A_498 : vector<16xf32>
        %swap3A_500 = arith.index_cast %scan3A_419 : i32 to index
        %swap3A_501 = arith.constant 96 : index
        %swap3A_502 = tpu.vector_load %arg11[%swap3A_500, %swap3A_501] {strides = array<i32>} : memref<200x128xf32, #tpu.memory_space<vmem>>, vector<1x16xf32>,
        %swap3A_503 = vector.shape_cast %swap3A_502 : vector<1x16xf32> to vector<16xf32>
        %swap3A_504 = vector.shape_cast %mul3A_499 : vector<16xf32> to vector<1x16xf32>
        tpu.vector_store %arg11[%swap3A_500, %swap3A_501], %swap3A_504 {strides = array<i32>} : memref<200x128xf32, #tpu.memory_space<vmem>>, vector<1x16xf32>,
        %get3A_505 = arith.index_cast %scan3A_419 : i32 to index
        %get3A_506 = arith.constant 112 : index
        %get3A_507 = tpu.vector_load %arg11[%get3A_505, %get3A_506] {strides = array<i32>} : memref<200x128xf32, #tpu.memory_space<vmem>>, vector<1x16xf32>,
        %get3A_508 = vector.shape_cast %get3A_507 : vector<1x16xf32> to vector<16xf32>
        %mul3A_509 = vector.broadcast %squeeze3A_471 : f32 to vector<16xf32>
        %mul3A_510 = arith.mulf %get3A_508, %mul3A_509 : vector<16xf32>
        %swap3A_511 = arith.index_cast %scan3A_419 : i32 to index
        %swap3A_512 = arith.constant 112 : index
        %swap3A_513 = tpu.vector_load %arg11[%swap3A_511, %swap3A_512] {strides = array<i32>} : memref<200x128xf32, #tpu.memory_space<vmem>>, vector<1x16xf32>,
        %swap3A_514 = vector.shape_cast %swap3A_513 : vector<1x16xf32> to vector<16xf32>
        %swap3A_515 = vector.shape_cast %mul3A_510 : vector<16xf32> to vector<1x16xf32>
        tpu.vector_store %arg11[%swap3A_511, %swap3A_512], %swap3A_515 {strides = array<i32>} : memref<200x128xf32, #tpu.memory_space<vmem>>, vector<1x16xf32>,
      }
      %scan3A_128 = arith.constant 200 : i32
      "tpu.region"() ({
        %run_scoped3A = tpu.sem_alloc : memref<!tpu.dma_semaphore, #tpu.memory_space<semaphore_mem>>
        %dma_start3A_129 = arith.constant 0 : i32
        %dma_start3A_130 = arith.constant 0 : i32
        %dma_start3A_131 = tpu.memref_slice %arg12[%dma_start3A_129, %dma_start3A_130] : memref<10112x128xf32, #tpu.memory_space<vmem_shared>> -> memref<10112x128xf32, #tpu.memory_space<vmem_shared>>
        tpu.enqueue_indirect_dma source(%arg11 : memref<200x128xf32, #tpu.memory_space<vmem>>) target(%dma_start3A_131 : memref<10112x128xf32, #tpu.memory_space<vmem_shared>>) offsets(%arg9 : memref<200xi32, #tpu.memory_space<vmem>>) semaphore(%run_scoped3A : memref<!tpu.dma_semaphore, #tpu.memory_space<semaphore_mem>>) {add = true}
        %dma_wait3A_132 = arith.constant 0 : i32
        %dma_wait3A_133 = arith.constant 0 : i32
        %dma_wait3A_134 = tpu.memref_slice %arg12[%dma_wait3A_132, %dma_wait3A_133] : memref<10112x128xf32, #tpu.memory_space<vmem_shared>> -> memref<10112x128xf32, #tpu.memory_space<vmem_shared>>
        tpu.wait_indirect_dma semaphore(%run_scoped3A : memref<!tpu.dma_semaphore, #tpu.memory_space<semaphore_mem>>) src(%arg11 : memref<200x128xf32, #tpu.memory_space<vmem>>) dst(%dma_wait3A_134 : memref<10112x128xf32, #tpu.memory_space<vmem_shared>>)
        tpu.yield
      }) : () -> ()
    }
    %scan3A_11 = arith.constant 25 : i32
    %barrier3A_12 = arith.constant 0 : index
    tpu.barrier barrier_id(%barrier3A_12)
    %mul3A_13 = arith.constant 632 : i32
    %mul3A_14 = arith.muli %arg1, %mul3A_13 : i32
    %add3A_15 = arith.constant 0 : i32
    %add3A_16 = arith.addi %add3A_15, %arg0 : i32
    %mul3A_17 = arith.constant 10112 : i32
    %mul3A_18 = arith.muli %add3A_16, %mul3A_17 : i32
    %mul3A_19 = arith.constant 632 : i32
    %mul3A_20 = arith.muli %arg1, %mul3A_19 : i32
    %add3A_21 = arith.addi %mul3A_18, %mul3A_20 : i32
    "tpu.region"() ({
      %run_scoped3A = tpu.sem_alloc : memref<!tpu.dma_semaphore, #tpu.memory_space<semaphore_mem>>
      %dma_start3A = arith.constant 0 : i32
      %dma_start3A_89 = tpu.memref_slice %arg7[%add3A_21, %dma_start3A] : memref<80896x128xf32, #tpu.memory_space<hbm>> -> memref<632x128xf32, #tpu.memory_space<hbm>>
      %dma_start3A_90 = arith.constant 0 : i32
      %dma_start3A_91 = tpu.memref_slice %arg12[%mul3A_14, %dma_start3A_90] : memref<10112x128xf32, #tpu.memory_space<vmem_shared>> -> memref<632x128xf32, #tpu.memory_space<vmem_shared>>
      tpu.enqueue_dma source(%dma_start3A_91 : memref<632x128xf32, #tpu.memory_space<vmem_shared>>) target(%dma_start3A_89 : memref<632x128xf32, #tpu.memory_space<hbm>>) target_semaphore(%run_scoped3A : memref<!tpu.dma_semaphore, #tpu.memory_space<semaphore_mem>>)
      %dma_wait3A = arith.constant 0 : i32
      %dma_wait3A_92 = tpu.memref_slice %arg7[%add3A_21, %dma_wait3A] : memref<80896x128xf32, #tpu.memory_space<hbm>> -> memref<632x128xf32, #tpu.memory_space<hbm>>
      %dma_wait3A_93 = arith.constant 0 : i32
      %dma_wait3A_94 = tpu.memref_slice %arg12[%mul3A_14, %dma_wait3A_93] : memref<10112x128xf32, #tpu.memory_space<vmem_shared>> -> memref<632x128xf32, #tpu.memory_space<vmem_shared>>
      tpu.wait_dma2 semaphore(%run_scoped3A : memref<!tpu.dma_semaphore, #tpu.memory_space<semaphore_mem>>) src(%dma_wait3A_94 : memref<632x128xf32, #tpu.memory_space<vmem_shared>>) dst(%dma_wait3A_92 : memref<632x128xf32, #tpu.memory_space<hbm>>)
      tpu.yield
    }) : () -> ()
    %barrier3A_22 = arith.constant 0 : index
    tpu.barrier barrier_id(%barrier3A_22)
    %mul3A_23 = arith.constant 632 : i32
    %mul3A_24 = arith.muli %arg1, %mul3A_23 : i32
    %mul3A_25 = arith.constant 632 : i32
    %mul3A_26 = arith.muli %arg1, %mul3A_25 : i32
    "tpu.region"() ({
      %run_scoped3A = tpu.sem_alloc : memref<!tpu.dma_semaphore, #tpu.memory_space<semaphore_mem>>
      %dma_start3A = arith.constant 0 : i32
      %dma_start3A_89 = tpu.memref_slice %arg12[%mul3A_26, %dma_start3A] : memref<10112x128xf32, #tpu.memory_space<vmem_shared>> -> memref<632x128xf32, #tpu.memory_space<vmem_shared>>
      %dma_start3A_90 = arith.constant 0 : i32
      %dma_start3A_91 = tpu.memref_slice %arg6[%mul3A_24, %dma_start3A_90] : memref<10112x128xf32, #tpu.memory_space<hbm>> -> memref<632x128xf32, #tpu.memory_space<hbm>>
      tpu.enqueue_dma source(%dma_start3A_91 : memref<632x128xf32, #tpu.memory_space<hbm>>) target(%dma_start3A_89 : memref<632x128xf32, #tpu.memory_space<vmem_shared>>) target_semaphore(%run_scoped3A : memref<!tpu.dma_semaphore, #tpu.memory_space<semaphore_mem>>)
      %dma_wait3A = arith.constant 0 : i32
      %dma_wait3A_92 = tpu.memref_slice %arg12[%mul3A_26, %dma_wait3A] : memref<10112x128xf32, #tpu.memory_space<vmem_shared>> -> memref<632x128xf32, #tpu.memory_space<vmem_shared>>
      %dma_wait3A_93 = arith.constant 0 : i32
      %dma_wait3A_94 = tpu.memref_slice %arg6[%mul3A_24, %dma_wait3A_93] : memref<10112x128xf32, #tpu.memory_space<hbm>> -> memref<632x128xf32, #tpu.memory_space<hbm>>
      tpu.wait_dma2 semaphore(%run_scoped3A : memref<!tpu.dma_semaphore, #tpu.memory_space<semaphore_mem>>) src(%dma_wait3A_94 : memref<632x128xf32, #tpu.memory_space<hbm>>) dst(%dma_wait3A_92 : memref<632x128xf32, #tpu.memory_space<vmem_shared>>)
      tpu.yield
    }) : () -> ()
    %barrier3A_27 = arith.constant 0 : index
    tpu.barrier barrier_id(%barrier3A_27)
    %scan3A_28 = arith.constant 0 : i32
    %scan3A_29 = arith.constant 0 : i32
    %scan3A_30 = arith.constant 25 : i32
    %scan3A_31 = arith.addi %scan3A_29, %scan3A_30 : i32
    %scan3A_32 = arith.constant 1 : i32
    scf.for %scan3A_89 = %scan3A_29 to %scan3A_31 step %scan3A_32  : i32 {
      %mul3A_90 = arith.constant 200 : i32
      %mul3A_91 = arith.muli %scan3A_89, %mul3A_90 : i32
      %add3A_92 = arith.addi %mul3A_2, %mul3A_91 : i32
      %mul3A_93 = arith.constant 200 : i32
      %mul3A_94 = arith.muli %scan3A_89, %mul3A_93 : i32
      %dma_start3A = arith.constant 1 : i32
      %dma_start3A_95 = tpu.memref_slice %arg8[%mul3A_94] : memref<5000xi32, #tpu.memory_space<vmem>> -> memref<200xi32, #tpu.memory_space<vmem>>
      %dma_start3A_96 = arith.constant 0 : i32
      %dma_start3A_97 = arith.constant 0 : i32
      %dma_start3A_98 = tpu.memref_slice %arg2[%dma_start3A, %dma_start3A_96, %dma_start3A_97] : memref<4x10112x128xf32, #tpu.memory_space<hbm>> -> memref<1x10112x128xf32, #tpu.memory_space<hbm>>
      %dma_start3A_99 = tpu.memref_squeeze %dma_start3A_98 : memref<1x10112x128xf32, #tpu.memory_space<hbm>> -> memref<10112x128xf32, #tpu.memory_space<hbm>>
      %dma_start3A_100 = arith.constant 0 : i32
      %dma_start3A_101 = arith.constant 0 : i32
      %dma_start3A_102 = tpu.memref_slice %dma_start3A_99[%dma_start3A_100, %dma_start3A_101] : memref<10112x128xf32, #tpu.memory_space<hbm>> -> memref<10112x128xf32, #tpu.memory_space<hbm>>
      tpu.enqueue_indirect_dma source(%dma_start3A_102 : memref<10112x128xf32, #tpu.memory_space<hbm>>) target(%arg11 : memref<200x128xf32, #tpu.memory_space<vmem>>) offsets(%dma_start3A_95 : memref<200xi32, #tpu.memory_space<vmem>>) semaphore(%arg13 : memref<!tpu.dma_semaphore, #tpu.memory_space<semaphore_mem>>)
      %dma_start3A_103 = arith.constant 0 : i32
      %dma_start3A_104 = tpu.memref_slice %arg3[%add3A_92, %dma_start3A_103] : memref<160000x16xf32, #tpu.memory_space<hbm>> -> memref<200x16xf32, #tpu.memory_space<hbm>>
      %dma_start3A_105 = arith.constant 0 : i32
      %dma_start3A_106 = tpu.memref_slice %arg3[%add3A_92, %dma_start3A_105] : memref<160000x16xf32, #tpu.memory_space<hbm>> -> memref<200x16xf32, #tpu.memory_space<hbm>>
      tpu.enqueue_dma source(%dma_start3A_106 : memref<200x16xf32, #tpu.memory_space<hbm>>) target(%arg10 : memref<200x16xf32, #tpu.memory_space<vmem>>) target_semaphore(%arg14 : memref<!tpu.dma_semaphore, #tpu.memory_space<semaphore_mem>>)
      %dma_start3A_107 = tpu.memref_slice %arg5[%add3A_92] : memref<160000xi32, #tpu.memory_space<hbm>> -> memref<200xi32, #tpu.memory_space<hbm>>
      %dma_start3A_108 = tpu.memref_slice %arg5[%add3A_92] : memref<160000xi32, #tpu.memory_space<hbm>> -> memref<200xi32, #tpu.memory_space<hbm>>
      tpu.enqueue_dma source(%dma_start3A_108 : memref<200xi32, #tpu.memory_space<hbm>>) target(%arg9 : memref<200xi32, #tpu.memory_space<vmem>>) target_semaphore(%arg15 : memref<!tpu.dma_semaphore, #tpu.memory_space<semaphore_mem>>)
      %dma_wait3A = arith.constant 1 : i32
      %dma_wait3A_109 = tpu.memref_slice %arg8[%mul3A_94] : memref<5000xi32, #tpu.memory_space<vmem>> -> memref<200xi32, #tpu.memory_space<vmem>>
      %dma_wait3A_110 = arith.constant 0 : i32
      %dma_wait3A_111 = arith.constant 0 : i32
      %dma_wait3A_112 = tpu.memref_slice %arg2[%dma_wait3A, %dma_wait3A_110, %dma_wait3A_111] : memref<4x10112x128xf32, #tpu.memory_space<hbm>> -> memref<1x10112x128xf32, #tpu.memory_space<hbm>>
      %dma_wait3A_113 = tpu.memref_squeeze %dma_wait3A_112 : memref<1x10112x128xf32, #tpu.memory_space<hbm>> -> memref<10112x128xf32, #tpu.memory_space<hbm>>
      %dma_wait3A_114 = arith.constant 0 : i32
      %dma_wait3A_115 = arith.constant 0 : i32
      %dma_wait3A_116 = tpu.memref_slice %dma_wait3A_113[%dma_wait3A_114, %dma_wait3A_115] : memref<10112x128xf32, #tpu.memory_space<hbm>> -> memref<10112x128xf32, #tpu.memory_space<hbm>>
      tpu.wait_indirect_dma semaphore(%arg13 : memref<!tpu.dma_semaphore, #tpu.memory_space<semaphore_mem>>) src(%dma_wait3A_116 : memref<10112x128xf32, #tpu.memory_space<hbm>>) dst(%arg11 : memref<200x128xf32, #tpu.memory_space<vmem>>)
      %dma_wait3A_117 = arith.constant 0 : i32
      %dma_wait3A_118 = tpu.memref_slice %arg3[%add3A_92, %dma_wait3A_117] : memref<160000x16xf32, #tpu.memory_space<hbm>> -> memref<200x16xf32, #tpu.memory_space<hbm>>
      %dma_wait3A_119 = arith.constant 0 : i32
      %dma_wait3A_120 = tpu.memref_slice %arg3[%add3A_92, %dma_wait3A_119] : memref<160000x16xf32, #tpu.memory_space<hbm>> -> memref<200x16xf32, #tpu.memory_space<hbm>>
      tpu.wait_dma2 semaphore(%arg14 : memref<!tpu.dma_semaphore, #tpu.memory_space<semaphore_mem>>) src(%dma_wait3A_120 : memref<200x16xf32, #tpu.memory_space<hbm>>) dst(%arg10 : memref<200x16xf32, #tpu.memory_space<vmem>>)
      %dma_wait3A_121 = tpu.memref_slice %arg5[%add3A_92] : memref<160000xi32, #tpu.memory_space<hbm>> -> memref<200xi32, #tpu.memory_space<hbm>>
      %dma_wait3A_122 = tpu.memref_slice %arg5[%add3A_92] : memref<160000xi32, #tpu.memory_space<hbm>> -> memref<200xi32, #tpu.memory_space<hbm>>
      tpu.wait_dma2 semaphore(%arg15 : memref<!tpu.dma_semaphore, #tpu.memory_space<semaphore_mem>>) src(%dma_wait3A_122 : memref<200xi32, #tpu.memory_space<hbm>>) dst(%arg9 : memref<200xi32, #tpu.memory_space<vmem>>)
      %scan3A_123 = arith.constant 0 : i32
      %scan3A_124 = arith.constant 0 : i32
      %scan3A_125 = arith.constant 200 : i32
      %scan3A_126 = arith.addi %scan3A_124, %scan3A_125 : i32
      %scan3A_127 = arith.constant 4 : i32
      scf.for %scan3A_129 = %scan3A_124 to %scan3A_126 step %scan3A_127  : i32 {
        %get3A = arith.index_cast %scan3A_129 : i32 to index
        %get3A_130 = arith.constant 0 : index
        %get3A_131 = tpu.vector_load %arg10[%get3A, %get3A_130] {strides = array<i32>} : memref<200x16xf32, #tpu.memory_space<vmem>>, vector<1x16xf32>,
        %get3A_132 = vector.shape_cast %get3A_131 : vector<1x16xf32> to vector<16xf32>
        %slice3A = vector.extract_strided_slice %get3A_132 {offsets = [2], sizes = [1], strides = [1]} : vector<16xf32> to vector<1xf32>
        %squeeze3A = vector.extract %slice3A[0] : f32 from vector<1xf32>
        %get3A_133 = arith.index_cast %scan3A_129 : i32 to index
        %get3A_134 = arith.constant 0 : index
        %get3A_135 = tpu.vector_load %arg11[%get3A_133, %get3A_134] {strides = array<i32>} : memref<200x128xf32, #tpu.memory_space<vmem>>, vector<1x16xf32>,
        %get3A_136 = vector.shape_cast %get3A_135 : vector<1x16xf32> to vector<16xf32>
        %mul3A_137 = vector.broadcast %squeeze3A : f32 to vector<16xf32>
        %mul3A_138 = arith.mulf %get3A_136, %mul3A_137 : vector<16xf32>
        %swap3A = arith.index_cast %scan3A_129 : i32 to index
        %swap3A_139 = arith.constant 0 : index
        %swap3A_140 = tpu.vector_load %arg11[%swap3A, %swap3A_139] {strides = array<i32>} : memref<200x128xf32, #tpu.memory_space<vmem>>, vector<1x16xf32>,
        %swap3A_141 = vector.shape_cast %swap3A_140 : vector<1x16xf32> to vector<16xf32>
        %swap3A_142 = vector.shape_cast %mul3A_138 : vector<16xf32> to vector<1x16xf32>
        tpu.vector_store %arg11[%swap3A, %swap3A_139], %swap3A_142 {strides = array<i32>} : memref<200x128xf32, #tpu.memory_space<vmem>>, vector<1x16xf32>,
        %get3A_143 = arith.index_cast %scan3A_129 : i32 to index
        %get3A_144 = arith.constant 16 : index
        %get3A_145 = tpu.vector_load %arg11[%get3A_143, %get3A_144] {strides = array<i32>} : memref<200x128xf32, #tpu.memory_space<vmem>>, vector<1x16xf32>,
        %get3A_146 = vector.shape_cast %get3A_145 : vector<1x16xf32> to vector<16xf32>
        %mul3A_147 = vector.broadcast %squeeze3A : f32 to vector<16xf32>
        %mul3A_148 = arith.mulf %get3A_146, %mul3A_147 : vector<16xf32>
        %swap3A_149 = arith.index_cast %scan3A_129 : i32 to index
        %swap3A_150 = arith.constant 16 : index
        %swap3A_151 = tpu.vector_load %arg11[%swap3A_149, %swap3A_150] {strides = array<i32>} : memref<200x128xf32, #tpu.memory_space<vmem>>, vector<1x16xf32>,
        %swap3A_152 = vector.shape_cast %swap3A_151 : vector<1x16xf32> to vector<16xf32>
        %swap3A_153 = vector.shape_cast %mul3A_148 : vector<16xf32> to vector<1x16xf32>
        tpu.vector_store %arg11[%swap3A_149, %swap3A_150], %swap3A_153 {strides = array<i32>} : memref<200x128xf32, #tpu.memory_space<vmem>>, vector<1x16xf32>,
        %get3A_154 = arith.index_cast %scan3A_129 : i32 to index
        %get3A_155 = arith.constant 32 : index
        %get3A_156 = tpu.vector_load %arg11[%get3A_154, %get3A_155] {strides = array<i32>} : memref<200x128xf32, #tpu.memory_space<vmem>>, vector<1x16xf32>,
        %get3A_157 = vector.shape_cast %get3A_156 : vector<1x16xf32> to vector<16xf32>
        %mul3A_158 = vector.broadcast %squeeze3A : f32 to vector<16xf32>
        %mul3A_159 = arith.mulf %get3A_157, %mul3A_158 : vector<16xf32>
        %swap3A_160 = arith.index_cast %scan3A_129 : i32 to index
        %swap3A_161 = arith.constant 32 : index
        %swap3A_162 = tpu.vector_load %arg11[%swap3A_160, %swap3A_161] {strides = array<i32>} : memref<200x128xf32, #tpu.memory_space<vmem>>, vector<1x16xf32>,
        %swap3A_163 = vector.shape_cast %swap3A_162 : vector<1x16xf32> to vector<16xf32>
        %swap3A_164 = vector.shape_cast %mul3A_159 : vector<16xf32> to vector<1x16xf32>
        tpu.vector_store %arg11[%swap3A_160, %swap3A_161], %swap3A_164 {strides = array<i32>} : memref<200x128xf32, #tpu.memory_space<vmem>>, vector<1x16xf32>,
        %get3A_165 = arith.index_cast %scan3A_129 : i32 to index
        %get3A_166 = arith.constant 48 : index
        %get3A_167 = tpu.vector_load %arg11[%get3A_165, %get3A_166] {strides = array<i32>} : memref<200x128xf32, #tpu.memory_space<vmem>>, vector<1x16xf32>,
        %get3A_168 = vector.shape_cast %get3A_167 : vector<1x16xf32> to vector<16xf32>
        %mul3A_169 = vector.broadcast %squeeze3A : f32 to vector<16xf32>
        %mul3A_170 = arith.mulf %get3A_168, %mul3A_169 : vector<16xf32>
        %swap3A_171 = arith.index_cast %scan3A_129 : i32 to index
        %swap3A_172 = arith.constant 48 : index
        %swap3A_173 = tpu.vector_load %arg11[%swap3A_171, %swap3A_172] {strides = array<i32>} : memref<200x128xf32, #tpu.memory_space<vmem>>, vector<1x16xf32>,
        %swap3A_174 = vector.shape_cast %swap3A_173 : vector<1x16xf32> to vector<16xf32>
        %swap3A_175 = vector.shape_cast %mul3A_170 : vector<16xf32> to vector<1x16xf32>
        tpu.vector_store %arg11[%swap3A_171, %swap3A_172], %swap3A_175 {strides = array<i32>} : memref<200x128xf32, #tpu.memory_space<vmem>>, vector<1x16xf32>,
        %slice3A_176 = vector.extract_strided_slice %get3A_132 {offsets = [3], sizes = [1], strides = [1]} : vector<16xf32> to vector<1xf32>
        %squeeze3A_177 = vector.extract %slice3A_176[0] : f32 from vector<1xf32>
        %get3A_178 = arith.index_cast %scan3A_129 : i32 to index
        %get3A_179 = arith.constant 64 : index
        %get3A_180 = tpu.vector_load %arg11[%get3A_178, %get3A_179] {strides = array<i32>} : memref<200x128xf32, #tpu.memory_space<vmem>>, vector<1x16xf32>,
        %get3A_181 = vector.shape_cast %get3A_180 : vector<1x16xf32> to vector<16xf32>
        %mul3A_182 = vector.broadcast %squeeze3A_177 : f32 to vector<16xf32>
        %mul3A_183 = arith.mulf %get3A_181, %mul3A_182 : vector<16xf32>
        %swap3A_184 = arith.index_cast %scan3A_129 : i32 to index
        %swap3A_185 = arith.constant 64 : index
        %swap3A_186 = tpu.vector_load %arg11[%swap3A_184, %swap3A_185] {strides = array<i32>} : memref<200x128xf32, #tpu.memory_space<vmem>>, vector<1x16xf32>,
        %swap3A_187 = vector.shape_cast %swap3A_186 : vector<1x16xf32> to vector<16xf32>
        %swap3A_188 = vector.shape_cast %mul3A_183 : vector<16xf32> to vector<1x16xf32>
        tpu.vector_store %arg11[%swap3A_184, %swap3A_185], %swap3A_188 {strides = array<i32>} : memref<200x128xf32, #tpu.memory_space<vmem>>, vector<1x16xf32>,
        %get3A_189 = arith.index_cast %scan3A_129 : i32 to index
        %get3A_190 = arith.constant 80 : index
        %get3A_191 = tpu.vector_load %arg11[%get3A_189, %get3A_190] {strides = array<i32>} : memref<200x128xf32, #tpu.memory_space<vmem>>, vector<1x16xf32>,
        %get3A_192 = vector.shape_cast %get3A_191 : vector<1x16xf32> to vector<16xf32>
        %mul3A_193 = vector.broadcast %squeeze3A_177 : f32 to vector<16xf32>
        %mul3A_194 = arith.mulf %get3A_192, %mul3A_193 : vector<16xf32>
        %swap3A_195 = arith.index_cast %scan3A_129 : i32 to index
        %swap3A_196 = arith.constant 80 : index
        %swap3A_197 = tpu.vector_load %arg11[%swap3A_195, %swap3A_196] {strides = array<i32>} : memref<200x128xf32, #tpu.memory_space<vmem>>, vector<1x16xf32>,
        %swap3A_198 = vector.shape_cast %swap3A_197 : vector<1x16xf32> to vector<16xf32>
        %swap3A_199 = vector.shape_cast %mul3A_194 : vector<16xf32> to vector<1x16xf32>
        tpu.vector_store %arg11[%swap3A_195, %swap3A_196], %swap3A_199 {strides = array<i32>} : memref<200x128xf32, #tpu.memory_space<vmem>>, vector<1x16xf32>,
        %get3A_200 = arith.index_cast %scan3A_129 : i32 to index
        %get3A_201 = arith.constant 96 : index
        %get3A_202 = tpu.vector_load %arg11[%get3A_200, %get3A_201] {strides = array<i32>} : memref<200x128xf32, #tpu.memory_space<vmem>>, vector<1x16xf32>,
        %get3A_203 = vector.shape_cast %get3A_202 : vector<1x16xf32> to vector<16xf32>
        %mul3A_204 = vector.broadcast %squeeze3A_177 : f32 to vector<16xf32>
        %mul3A_205 = arith.mulf %get3A_203, %mul3A_204 : vector<16xf32>
        %swap3A_206 = arith.index_cast %scan3A_129 : i32 to index
        %swap3A_207 = arith.constant 96 : index
        %swap3A_208 = tpu.vector_load %arg11[%swap3A_206, %swap3A_207] {strides = array<i32>} : memref<200x128xf32, #tpu.memory_space<vmem>>, vector<1x16xf32>,
        %swap3A_209 = vector.shape_cast %swap3A_208 : vector<1x16xf32> to vector<16xf32>
        %swap3A_210 = vector.shape_cast %mul3A_205 : vector<16xf32> to vector<1x16xf32>
        tpu.vector_store %arg11[%swap3A_206, %swap3A_207], %swap3A_210 {strides = array<i32>} : memref<200x128xf32, #tpu.memory_space<vmem>>, vector<1x16xf32>,
        %get3A_211 = arith.index_cast %scan3A_129 : i32 to index
        %get3A_212 = arith.constant 112 : index
        %get3A_213 = tpu.vector_load %arg11[%get3A_211, %get3A_212] {strides = array<i32>} : memref<200x128xf32, #tpu.memory_space<vmem>>, vector<1x16xf32>,
        %get3A_214 = vector.shape_cast %get3A_213 : vector<1x16xf32> to vector<16xf32>
        %mul3A_215 = vector.broadcast %squeeze3A_177 : f32 to vector<16xf32>
        %mul3A_216 = arith.mulf %get3A_214, %mul3A_215 : vector<16xf32>
        %swap3A_217 = arith.index_cast %scan3A_129 : i32 to index
        %swap3A_218 = arith.constant 112 : index
        %swap3A_219 = tpu.vector_load %arg11[%swap3A_217, %swap3A_218] {strides = array<i32>} : memref<200x128xf32, #tpu.memory_space<vmem>>, vector<1x16xf32>,
        %swap3A_220 = vector.shape_cast %swap3A_219 : vector<1x16xf32> to vector<16xf32>
        %swap3A_221 = vector.shape_cast %mul3A_216 : vector<16xf32> to vector<1x16xf32>
        tpu.vector_store %arg11[%swap3A_217, %swap3A_218], %swap3A_221 {strides = array<i32>} : memref<200x128xf32, #tpu.memory_space<vmem>>, vector<1x16xf32>,
        %scan3A_222 = arith.constant 1 : i32
        %scan3A_223 = arith.addi %scan3A_129, %scan3A_222 : i32
        %get3A_224 = arith.index_cast %scan3A_223 : i32 to index
        %get3A_225 = arith.constant 0 : index
        %get3A_226 = tpu.vector_load %arg10[%get3A_224, %get3A_225] {strides = array<i32>} : memref<200x16xf32, #tpu.memory_space<vmem>>, vector<1x16xf32>,
        %get3A_227 = vector.shape_cast %get3A_226 : vector<1x16xf32> to vector<16xf32>
        %slice3A_228 = vector.extract_strided_slice %get3A_227 {offsets = [2], sizes = [1], strides = [1]} : vector<16xf32> to vector<1xf32>
        %squeeze3A_229 = vector.extract %slice3A_228[0] : f32 from vector<1xf32>
        %get3A_230 = arith.index_cast %scan3A_223 : i32 to index
        %get3A_231 = arith.constant 0 : index
        %get3A_232 = tpu.vector_load %arg11[%get3A_230, %get3A_231] {strides = array<i32>} : memref<200x128xf32, #tpu.memory_space<vmem>>, vector<1x16xf32>,
        %get3A_233 = vector.shape_cast %get3A_232 : vector<1x16xf32> to vector<16xf32>
        %mul3A_234 = vector.broadcast %squeeze3A_229 : f32 to vector<16xf32>
        %mul3A_235 = arith.mulf %get3A_233, %mul3A_234 : vector<16xf32>
        %swap3A_236 = arith.index_cast %scan3A_223 : i32 to index
        %swap3A_237 = arith.constant 0 : index
        %swap3A_238 = tpu.vector_load %arg11[%swap3A_236, %swap3A_237] {strides = array<i32>} : memref<200x128xf32, #tpu.memory_space<vmem>>, vector<1x16xf32>,
        %swap3A_239 = vector.shape_cast %swap3A_238 : vector<1x16xf32> to vector<16xf32>
        %swap3A_240 = vector.shape_cast %mul3A_235 : vector<16xf32> to vector<1x16xf32>
        tpu.vector_store %arg11[%swap3A_236, %swap3A_237], %swap3A_240 {strides = array<i32>} : memref<200x128xf32, #tpu.memory_space<vmem>>, vector<1x16xf32>,
        %get3A_241 = arith.index_cast %scan3A_223 : i32 to index
        %get3A_242 = arith.constant 16 : index
        %get3A_243 = tpu.vector_load %arg11[%get3A_241, %get3A_242] {strides = array<i32>} : memref<200x128xf32, #tpu.memory_space<vmem>>, vector<1x16xf32>,
        %get3A_244 = vector.shape_cast %get3A_243 : vector<1x16xf32> to vector<16xf32>
        %mul3A_245 = vector.broadcast %squeeze3A_229 : f32 to vector<16xf32>
        %mul3A_246 = arith.mulf %get3A_244, %mul3A_245 : vector<16xf32>
        %swap3A_247 = arith.index_cast %scan3A_223 : i32 to index
        %swap3A_248 = arith.constant 16 : index
        %swap3A_249 = tpu.vector_load %arg11[%swap3A_247, %swap3A_248] {strides = array<i32>} : memref<200x128xf32, #tpu.memory_space<vmem>>, vector<1x16xf32>,
        %swap3A_250 = vector.shape_cast %swap3A_249 : vector<1x16xf32> to vector<16xf32>
        %swap3A_251 = vector.shape_cast %mul3A_246 : vector<16xf32> to vector<1x16xf32>
        tpu.vector_store %arg11[%swap3A_247, %swap3A_248], %swap3A_251 {strides = array<i32>} : memref<200x128xf32, #tpu.memory_space<vmem>>, vector<1x16xf32>,
        %get3A_252 = arith.index_cast %scan3A_223 : i32 to index
        %get3A_253 = arith.constant 32 : index
        %get3A_254 = tpu.vector_load %arg11[%get3A_252, %get3A_253] {strides = array<i32>} : memref<200x128xf32, #tpu.memory_space<vmem>>, vector<1x16xf32>,
        %get3A_255 = vector.shape_cast %get3A_254 : vector<1x16xf32> to vector<16xf32>
        %mul3A_256 = vector.broadcast %squeeze3A_229 : f32 to vector<16xf32>
        %mul3A_257 = arith.mulf %get3A_255, %mul3A_256 : vector<16xf32>
        %swap3A_258 = arith.index_cast %scan3A_223 : i32 to index
        %swap3A_259 = arith.constant 32 : index
        %swap3A_260 = tpu.vector_load %arg11[%swap3A_258, %swap3A_259] {strides = array<i32>} : memref<200x128xf32, #tpu.memory_space<vmem>>, vector<1x16xf32>,
        %swap3A_261 = vector.shape_cast %swap3A_260 : vector<1x16xf32> to vector<16xf32>
        %swap3A_262 = vector.shape_cast %mul3A_257 : vector<16xf32> to vector<1x16xf32>
        tpu.vector_store %arg11[%swap3A_258, %swap3A_259], %swap3A_262 {strides = array<i32>} : memref<200x128xf32, #tpu.memory_space<vmem>>, vector<1x16xf32>,
        %get3A_263 = arith.index_cast %scan3A_223 : i32 to index
        %get3A_264 = arith.constant 48 : index
        %get3A_265 = tpu.vector_load %arg11[%get3A_263, %get3A_264] {strides = array<i32>} : memref<200x128xf32, #tpu.memory_space<vmem>>, vector<1x16xf32>,
        %get3A_266 = vector.shape_cast %get3A_265 : vector<1x16xf32> to vector<16xf32>
        %mul3A_267 = vector.broadcast %squeeze3A_229 : f32 to vector<16xf32>
        %mul3A_268 = arith.mulf %get3A_266, %mul3A_267 : vector<16xf32>
        %swap3A_269 = arith.index_cast %scan3A_223 : i32 to index
        %swap3A_270 = arith.constant 48 : index
        %swap3A_271 = tpu.vector_load %arg11[%swap3A_269, %swap3A_270] {strides = array<i32>} : memref<200x128xf32, #tpu.memory_space<vmem>>, vector<1x16xf32>,
        %swap3A_272 = vector.shape_cast %swap3A_271 : vector<1x16xf32> to vector<16xf32>
        %swap3A_273 = vector.shape_cast %mul3A_268 : vector<16xf32> to vector<1x16xf32>
        tpu.vector_store %arg11[%swap3A_269, %swap3A_270], %swap3A_273 {strides = array<i32>} : memref<200x128xf32, #tpu.memory_space<vmem>>, vector<1x16xf32>,
        %slice3A_274 = vector.extract_strided_slice %get3A_227 {offsets = [3], sizes = [1], strides = [1]} : vector<16xf32> to vector<1xf32>
        %squeeze3A_275 = vector.extract %slice3A_274[0] : f32 from vector<1xf32>
        %get3A_276 = arith.index_cast %scan3A_223 : i32 to index
        %get3A_277 = arith.constant 64 : index
        %get3A_278 = tpu.vector_load %arg11[%get3A_276, %get3A_277] {strides = array<i32>} : memref<200x128xf32, #tpu.memory_space<vmem>>, vector<1x16xf32>,
        %get3A_279 = vector.shape_cast %get3A_278 : vector<1x16xf32> to vector<16xf32>
        %mul3A_280 = vector.broadcast %squeeze3A_275 : f32 to vector<16xf32>
        %mul3A_281 = arith.mulf %get3A_279, %mul3A_280 : vector<16xf32>
        %swap3A_282 = arith.index_cast %scan3A_223 : i32 to index
        %swap3A_283 = arith.constant 64 : index
        %swap3A_284 = tpu.vector_load %arg11[%swap3A_282, %swap3A_283] {strides = array<i32>} : memref<200x128xf32, #tpu.memory_space<vmem>>, vector<1x16xf32>,
        %swap3A_285 = vector.shape_cast %swap3A_284 : vector<1x16xf32> to vector<16xf32>
        %swap3A_286 = vector.shape_cast %mul3A_281 : vector<16xf32> to vector<1x16xf32>
        tpu.vector_store %arg11[%swap3A_282, %swap3A_283], %swap3A_286 {strides = array<i32>} : memref<200x128xf32, #tpu.memory_space<vmem>>, vector<1x16xf32>,
        %get3A_287 = arith.index_cast %scan3A_223 : i32 to index
        %get3A_288 = arith.constant 80 : index
        %get3A_289 = tpu.vector_load %arg11[%get3A_287, %get3A_288] {strides = array<i32>} : memref<200x128xf32, #tpu.memory_space<vmem>>, vector<1x16xf32>,
        %get3A_290 = vector.shape_cast %get3A_289 : vector<1x16xf32> to vector<16xf32>
        %mul3A_291 = vector.broadcast %squeeze3A_275 : f32 to vector<16xf32>
        %mul3A_292 = arith.mulf %get3A_290, %mul3A_291 : vector<16xf32>
        %swap3A_293 = arith.index_cast %scan3A_223 : i32 to index
        %swap3A_294 = arith.constant 80 : index
        %swap3A_295 = tpu.vector_load %arg11[%swap3A_293, %swap3A_294] {strides = array<i32>} : memref<200x128xf32, #tpu.memory_space<vmem>>, vector<1x16xf32>,
        %swap3A_296 = vector.shape_cast %swap3A_295 : vector<1x16xf32> to vector<16xf32>
        %swap3A_297 = vector.shape_cast %mul3A_292 : vector<16xf32> to vector<1x16xf32>
        tpu.vector_store %arg11[%swap3A_293, %swap3A_294], %swap3A_297 {strides = array<i32>} : memref<200x128xf32, #tpu.memory_space<vmem>>, vector<1x16xf32>,
        %get3A_298 = arith.index_cast %scan3A_223 : i32 to index
        %get3A_299 = arith.constant 96 : index
        %get3A_300 = tpu.vector_load %arg11[%get3A_298, %get3A_299] {strides = array<i32>} : memref<200x128xf32, #tpu.memory_space<vmem>>, vector<1x16xf32>,
        %get3A_301 = vector.shape_cast %get3A_300 : vector<1x16xf32> to vector<16xf32>
        %mul3A_302 = vector.broadcast %squeeze3A_275 : f32 to vector<16xf32>
        %mul3A_303 = arith.mulf %get3A_301, %mul3A_302 : vector<16xf32>
        %swap3A_304 = arith.index_cast %scan3A_223 : i32 to index
        %swap3A_305 = arith.constant 96 : index
        %swap3A_306 = tpu.vector_load %arg11[%swap3A_304, %swap3A_305] {strides = array<i32>} : memref<200x128xf32, #tpu.memory_space<vmem>>, vector<1x16xf32>,
        %swap3A_307 = vector.shape_cast %swap3A_306 : vector<1x16xf32> to vector<16xf32>
        %swap3A_308 = vector.shape_cast %mul3A_303 : vector<16xf32> to vector<1x16xf32>
        tpu.vector_store %arg11[%swap3A_304, %swap3A_305], %swap3A_308 {strides = array<i32>} : memref<200x128xf32, #tpu.memory_space<vmem>>, vector<1x16xf32>,
        %get3A_309 = arith.index_cast %scan3A_223 : i32 to index
        %get3A_310 = arith.constant 112 : index
        %get3A_311 = tpu.vector_load %arg11[%get3A_309, %get3A_310] {strides = array<i32>} : memref<200x128xf32, #tpu.memory_space<vmem>>, vector<1x16xf32>,
        %get3A_312 = vector.shape_cast %get3A_311 : vector<1x16xf32> to vector<16xf32>
        %mul3A_313 = vector.broadcast %squeeze3A_275 : f32 to vector<16xf32>
        %mul3A_314 = arith.mulf %get3A_312, %mul3A_313 : vector<16xf32>
        %swap3A_315 = arith.index_cast %scan3A_223 : i32 to index
        %swap3A_316 = arith.constant 112 : index
        %swap3A_317 = tpu.vector_load %arg11[%swap3A_315, %swap3A_316] {strides = array<i32>} : memref<200x128xf32, #tpu.memory_space<vmem>>, vector<1x16xf32>,
        %swap3A_318 = vector.shape_cast %swap3A_317 : vector<1x16xf32> to vector<16xf32>
        %swap3A_319 = vector.shape_cast %mul3A_314 : vector<16xf32> to vector<1x16xf32>
        tpu.vector_store %arg11[%swap3A_315, %swap3A_316], %swap3A_319 {strides = array<i32>} : memref<200x128xf32, #tpu.memory_space<vmem>>, vector<1x16xf32>,
        %scan3A_320 = arith.constant 2 : i32
        %scan3A_321 = arith.addi %scan3A_129, %scan3A_320 : i32
        %get3A_322 = arith.index_cast %scan3A_321 : i32 to index
        %get3A_323 = arith.constant 0 : index
        %get3A_324 = tpu.vector_load %arg10[%get3A_322, %get3A_323] {strides = array<i32>} : memref<200x16xf32, #tpu.memory_space<vmem>>, vector<1x16xf32>,
        %get3A_325 = vector.shape_cast %get3A_324 : vector<1x16xf32> to vector<16xf32>
        %slice3A_326 = vector.extract_strided_slice %get3A_325 {offsets = [2], sizes = [1], strides = [1]} : vector<16xf32> to vector<1xf32>
        %squeeze3A_327 = vector.extract %slice3A_326[0] : f32 from vector<1xf32>
        %get3A_328 = arith.index_cast %scan3A_321 : i32 to index
        %get3A_329 = arith.constant 0 : index
        %get3A_330 = tpu.vector_load %arg11[%get3A_328, %get3A_329] {strides = array<i32>} : memref<200x128xf32, #tpu.memory_space<vmem>>, vector<1x16xf32>,
        %get3A_331 = vector.shape_cast %get3A_330 : vector<1x16xf32> to vector<16xf32>
        %mul3A_332 = vector.broadcast %squeeze3A_327 : f32 to vector<16xf32>
        %mul3A_333 = arith.mulf %get3A_331, %mul3A_332 : vector<16xf32>
        %swap3A_334 = arith.index_cast %scan3A_321 : i32 to index
        %swap3A_335 = arith.constant 0 : index
        %swap3A_336 = tpu.vector_load %arg11[%swap3A_334, %swap3A_335] {strides = array<i32>} : memref<200x128xf32, #tpu.memory_space<vmem>>, vector<1x16xf32>,
        %swap3A_337 = vector.shape_cast %swap3A_336 : vector<1x16xf32> to vector<16xf32>
        %swap3A_338 = vector.shape_cast %mul3A_333 : vector<16xf32> to vector<1x16xf32>
        tpu.vector_store %arg11[%swap3A_334, %swap3A_335], %swap3A_338 {strides = array<i32>} : memref<200x128xf32, #tpu.memory_space<vmem>>, vector<1x16xf32>,
        %get3A_339 = arith.index_cast %scan3A_321 : i32 to index
        %get3A_340 = arith.constant 16 : index
        %get3A_341 = tpu.vector_load %arg11[%get3A_339, %get3A_340] {strides = array<i32>} : memref<200x128xf32, #tpu.memory_space<vmem>>, vector<1x16xf32>,
        %get3A_342 = vector.shape_cast %get3A_341 : vector<1x16xf32> to vector<16xf32>
        %mul3A_343 = vector.broadcast %squeeze3A_327 : f32 to vector<16xf32>
        %mul3A_344 = arith.mulf %get3A_342, %mul3A_343 : vector<16xf32>
        %swap3A_345 = arith.index_cast %scan3A_321 : i32 to index
        %swap3A_346 = arith.constant 16 : index
        %swap3A_347 = tpu.vector_load %arg11[%swap3A_345, %swap3A_346] {strides = array<i32>} : memref<200x128xf32, #tpu.memory_space<vmem>>, vector<1x16xf32>,
        %swap3A_348 = vector.shape_cast %swap3A_347 : vector<1x16xf32> to vector<16xf32>
        %swap3A_349 = vector.shape_cast %mul3A_344 : vector<16xf32> to vector<1x16xf32>
        tpu.vector_store %arg11[%swap3A_345, %swap3A_346], %swap3A_349 {strides = array<i32>} : memref<200x128xf32, #tpu.memory_space<vmem>>, vector<1x16xf32>,
        %get3A_350 = arith.index_cast %scan3A_321 : i32 to index
        %get3A_351 = arith.constant 32 : index
        %get3A_352 = tpu.vector_load %arg11[%get3A_350, %get3A_351] {strides = array<i32>} : memref<200x128xf32, #tpu.memory_space<vmem>>, vector<1x16xf32>,
        %get3A_353 = vector.shape_cast %get3A_352 : vector<1x16xf32> to vector<16xf32>
        %mul3A_354 = vector.broadcast %squeeze3A_327 : f32 to vector<16xf32>
        %mul3A_355 = arith.mulf %get3A_353, %mul3A_354 : vector<16xf32>
        %swap3A_356 = arith.index_cast %scan3A_321 : i32 to index
        %swap3A_357 = arith.constant 32 : index
        %swap3A_358 = tpu.vector_load %arg11[%swap3A_356, %swap3A_357] {strides = array<i32>} : memref<200x128xf32, #tpu.memory_space<vmem>>, vector<1x16xf32>,
        %swap3A_359 = vector.shape_cast %swap3A_358 : vector<1x16xf32> to vector<16xf32>
        %swap3A_360 = vector.shape_cast %mul3A_355 : vector<16xf32> to vector<1x16xf32>
        tpu.vector_store %arg11[%swap3A_356, %swap3A_357], %swap3A_360 {strides = array<i32>} : memref<200x128xf32, #tpu.memory_space<vmem>>, vector<1x16xf32>,
        %get3A_361 = arith.index_cast %scan3A_321 : i32 to index
        %get3A_362 = arith.constant 48 : index
        %get3A_363 = tpu.vector_load %arg11[%get3A_361, %get3A_362] {strides = array<i32>} : memref<200x128xf32, #tpu.memory_space<vmem>>, vector<1x16xf32>,
        %get3A_364 = vector.shape_cast %get3A_363 : vector<1x16xf32> to vector<16xf32>
        %mul3A_365 = vector.broadcast %squeeze3A_327 : f32 to vector<16xf32>
        %mul3A_366 = arith.mulf %get3A_364, %mul3A_365 : vector<16xf32>
        %swap3A_367 = arith.index_cast %scan3A_321 : i32 to index
        %swap3A_368 = arith.constant 48 : index
        %swap3A_369 = tpu.vector_load %arg11[%swap3A_367, %swap3A_368] {strides = array<i32>} : memref<200x128xf32, #tpu.memory_space<vmem>>, vector<1x16xf32>,
        %swap3A_370 = vector.shape_cast %swap3A_369 : vector<1x16xf32> to vector<16xf32>
        %swap3A_371 = vector.shape_cast %mul3A_366 : vector<16xf32> to vector<1x16xf32>
        tpu.vector_store %arg11[%swap3A_367, %swap3A_368], %swap3A_371 {strides = array<i32>} : memref<200x128xf32, #tpu.memory_space<vmem>>, vector<1x16xf32>,
        %slice3A_372 = vector.extract_strided_slice %get3A_325 {offsets = [3], sizes = [1], strides = [1]} : vector<16xf32> to vector<1xf32>
        %squeeze3A_373 = vector.extract %slice3A_372[0] : f32 from vector<1xf32>
        %get3A_374 = arith.index_cast %scan3A_321 : i32 to index
        %get3A_375 = arith.constant 64 : index
        %get3A_376 = tpu.vector_load %arg11[%get3A_374, %get3A_375] {strides = array<i32>} : memref<200x128xf32, #tpu.memory_space<vmem>>, vector<1x16xf32>,
        %get3A_377 = vector.shape_cast %get3A_376 : vector<1x16xf32> to vector<16xf32>
        %mul3A_378 = vector.broadcast %squeeze3A_373 : f32 to vector<16xf32>
        %mul3A_379 = arith.mulf %get3A_377, %mul3A_378 : vector<16xf32>
        %swap3A_380 = arith.index_cast %scan3A_321 : i32 to index
        %swap3A_381 = arith.constant 64 : index
        %swap3A_382 = tpu.vector_load %arg11[%swap3A_380, %swap3A_381] {strides = array<i32>} : memref<200x128xf32, #tpu.memory_space<vmem>>, vector<1x16xf32>,
        %swap3A_383 = vector.shape_cast %swap3A_382 : vector<1x16xf32> to vector<16xf32>
        %swap3A_384 = vector.shape_cast %mul3A_379 : vector<16xf32> to vector<1x16xf32>
        tpu.vector_store %arg11[%swap3A_380, %swap3A_381], %swap3A_384 {strides = array<i32>} : memref<200x128xf32, #tpu.memory_space<vmem>>, vector<1x16xf32>,
        %get3A_385 = arith.index_cast %scan3A_321 : i32 to index
        %get3A_386 = arith.constant 80 : index
        %get3A_387 = tpu.vector_load %arg11[%get3A_385, %get3A_386] {strides = array<i32>} : memref<200x128xf32, #tpu.memory_space<vmem>>, vector<1x16xf32>,
        %get3A_388 = vector.shape_cast %get3A_387 : vector<1x16xf32> to vector<16xf32>
        %mul3A_389 = vector.broadcast %squeeze3A_373 : f32 to vector<16xf32>
        %mul3A_390 = arith.mulf %get3A_388, %mul3A_389 : vector<16xf32>
        %swap3A_391 = arith.index_cast %scan3A_321 : i32 to index
        %swap3A_392 = arith.constant 80 : index
        %swap3A_393 = tpu.vector_load %arg11[%swap3A_391, %swap3A_392] {strides = array<i32>} : memref<200x128xf32, #tpu.memory_space<vmem>>, vector<1x16xf32>,
        %swap3A_394 = vector.shape_cast %swap3A_393 : vector<1x16xf32> to vector<16xf32>
        %swap3A_395 = vector.shape_cast %mul3A_390 : vector<16xf32> to vector<1x16xf32>
        tpu.vector_store %arg11[%swap3A_391, %swap3A_392], %swap3A_395 {strides = array<i32>} : memref<200x128xf32, #tpu.memory_space<vmem>>, vector<1x16xf32>,
        %get3A_396 = arith.index_cast %scan3A_321 : i32 to index
        %get3A_397 = arith.constant 96 : index
        %get3A_398 = tpu.vector_load %arg11[%get3A_396, %get3A_397] {strides = array<i32>} : memref<200x128xf32, #tpu.memory_space<vmem>>, vector<1x16xf32>,
        %get3A_399 = vector.shape_cast %get3A_398 : vector<1x16xf32> to vector<16xf32>
        %mul3A_400 = vector.broadcast %squeeze3A_373 : f32 to vector<16xf32>
        %mul3A_401 = arith.mulf %get3A_399, %mul3A_400 : vector<16xf32>
        %swap3A_402 = arith.index_cast %scan3A_321 : i32 to index
        %swap3A_403 = arith.constant 96 : index
        %swap3A_404 = tpu.vector_load %arg11[%swap3A_402, %swap3A_403] {strides = array<i32>} : memref<200x128xf32, #tpu.memory_space<vmem>>, vector<1x16xf32>,
        %swap3A_405 = vector.shape_cast %swap3A_404 : vector<1x16xf32> to vector<16xf32>
        %swap3A_406 = vector.shape_cast %mul3A_401 : vector<16xf32> to vector<1x16xf32>
        tpu.vector_store %arg11[%swap3A_402, %swap3A_403], %swap3A_406 {strides = array<i32>} : memref<200x128xf32, #tpu.memory_space<vmem>>, vector<1x16xf32>,
        %get3A_407 = arith.index_cast %scan3A_321 : i32 to index
        %get3A_408 = arith.constant 112 : index
        %get3A_409 = tpu.vector_load %arg11[%get3A_407, %get3A_408] {strides = array<i32>} : memref<200x128xf32, #tpu.memory_space<vmem>>, vector<1x16xf32>,
        %get3A_410 = vector.shape_cast %get3A_409 : vector<1x16xf32> to vector<16xf32>
        %mul3A_411 = vector.broadcast %squeeze3A_373 : f32 to vector<16xf32>
        %mul3A_412 = arith.mulf %get3A_410, %mul3A_411 : vector<16xf32>
        %swap3A_413 = arith.index_cast %scan3A_321 : i32 to index
        %swap3A_414 = arith.constant 112 : index
        %swap3A_415 = tpu.vector_load %arg11[%swap3A_413, %swap3A_414] {strides = array<i32>} : memref<200x128xf32, #tpu.memory_space<vmem>>, vector<1x16xf32>,
        %swap3A_416 = vector.shape_cast %swap3A_415 : vector<1x16xf32> to vector<16xf32>
        %swap3A_417 = vector.shape_cast %mul3A_412 : vector<16xf32> to vector<1x16xf32>
        tpu.vector_store %arg11[%swap3A_413, %swap3A_414], %swap3A_417 {strides = array<i32>} : memref<200x128xf32, #tpu.memory_space<vmem>>, vector<1x16xf32>,
        %scan3A_418 = arith.constant 3 : i32
        %scan3A_419 = arith.addi %scan3A_129, %scan3A_418 : i32
        %get3A_420 = arith.index_cast %scan3A_419 : i32 to index
        %get3A_421 = arith.constant 0 : index
        %get3A_422 = tpu.vector_load %arg10[%get3A_420, %get3A_421] {strides = array<i32>} : memref<200x16xf32, #tpu.memory_space<vmem>>, vector<1x16xf32>,
        %get3A_423 = vector.shape_cast %get3A_422 : vector<1x16xf32> to vector<16xf32>
        %slice3A_424 = vector.extract_strided_slice %get3A_423 {offsets = [2], sizes = [1], strides = [1]} : vector<16xf32> to vector<1xf32>
        %squeeze3A_425 = vector.extract %slice3A_424[0] : f32 from vector<1xf32>
        %get3A_426 = arith.index_cast %scan3A_419 : i32 to index
        %get3A_427 = arith.constant 0 : index
        %get3A_428 = tpu.vector_load %arg11[%get3A_426, %get3A_427] {strides = array<i32>} : memref<200x128xf32, #tpu.memory_space<vmem>>, vector<1x16xf32>,
        %get3A_429 = vector.shape_cast %get3A_428 : vector<1x16xf32> to vector<16xf32>
        %mul3A_430 = vector.broadcast %squeeze3A_425 : f32 to vector<16xf32>
        %mul3A_431 = arith.mulf %get3A_429, %mul3A_430 : vector<16xf32>
        %swap3A_432 = arith.index_cast %scan3A_419 : i32 to index
        %swap3A_433 = arith.constant 0 : index
        %swap3A_434 = tpu.vector_load %arg11[%swap3A_432, %swap3A_433] {strides = array<i32>} : memref<200x128xf32, #tpu.memory_space<vmem>>, vector<1x16xf32>,
        %swap3A_435 = vector.shape_cast %swap3A_434 : vector<1x16xf32> to vector<16xf32>
        %swap3A_436 = vector.shape_cast %mul3A_431 : vector<16xf32> to vector<1x16xf32>
        tpu.vector_store %arg11[%swap3A_432, %swap3A_433], %swap3A_436 {strides = array<i32>} : memref<200x128xf32, #tpu.memory_space<vmem>>, vector<1x16xf32>,
        %get3A_437 = arith.index_cast %scan3A_419 : i32 to index
        %get3A_438 = arith.constant 16 : index
        %get3A_439 = tpu.vector_load %arg11[%get3A_437, %get3A_438] {strides = array<i32>} : memref<200x128xf32, #tpu.memory_space<vmem>>, vector<1x16xf32>,
        %get3A_440 = vector.shape_cast %get3A_439 : vector<1x16xf32> to vector<16xf32>
        %mul3A_441 = vector.broadcast %squeeze3A_425 : f32 to vector<16xf32>
        %mul3A_442 = arith.mulf %get3A_440, %mul3A_441 : vector<16xf32>
        %swap3A_443 = arith.index_cast %scan3A_419 : i32 to index
        %swap3A_444 = arith.constant 16 : index
        %swap3A_445 = tpu.vector_load %arg11[%swap3A_443, %swap3A_444] {strides = array<i32>} : memref<200x128xf32, #tpu.memory_space<vmem>>, vector<1x16xf32>,
        %swap3A_446 = vector.shape_cast %swap3A_445 : vector<1x16xf32> to vector<16xf32>
        %swap3A_447 = vector.shape_cast %mul3A_442 : vector<16xf32> to vector<1x16xf32>
        tpu.vector_store %arg11[%swap3A_443, %swap3A_444], %swap3A_447 {strides = array<i32>} : memref<200x128xf32, #tpu.memory_space<vmem>>, vector<1x16xf32>,
        %get3A_448 = arith.index_cast %scan3A_419 : i32 to index
        %get3A_449 = arith.constant 32 : index
        %get3A_450 = tpu.vector_load %arg11[%get3A_448, %get3A_449] {strides = array<i32>} : memref<200x128xf32, #tpu.memory_space<vmem>>, vector<1x16xf32>,
        %get3A_451 = vector.shape_cast %get3A_450 : vector<1x16xf32> to vector<16xf32>
        %mul3A_452 = vector.broadcast %squeeze3A_425 : f32 to vector<16xf32>
        %mul3A_453 = arith.mulf %get3A_451, %mul3A_452 : vector<16xf32>
        %swap3A_454 = arith.index_cast %scan3A_419 : i32 to index
        %swap3A_455 = arith.constant 32 : index
        %swap3A_456 = tpu.vector_load %arg11[%swap3A_454, %swap3A_455] {strides = array<i32>} : memref<200x128xf32, #tpu.memory_space<vmem>>, vector<1x16xf32>,
        %swap3A_457 = vector.shape_cast %swap3A_456 : vector<1x16xf32> to vector<16xf32>
        %swap3A_458 = vector.shape_cast %mul3A_453 : vector<16xf32> to vector<1x16xf32>
        tpu.vector_store %arg11[%swap3A_454, %swap3A_455], %swap3A_458 {strides = array<i32>} : memref<200x128xf32, #tpu.memory_space<vmem>>, vector<1x16xf32>,
        %get3A_459 = arith.index_cast %scan3A_419 : i32 to index
        %get3A_460 = arith.constant 48 : index
        %get3A_461 = tpu.vector_load %arg11[%get3A_459, %get3A_460] {strides = array<i32>} : memref<200x128xf32, #tpu.memory_space<vmem>>, vector<1x16xf32>,
        %get3A_462 = vector.shape_cast %get3A_461 : vector<1x16xf32> to vector<16xf32>
        %mul3A_463 = vector.broadcast %squeeze3A_425 : f32 to vector<16xf32>
        %mul3A_464 = arith.mulf %get3A_462, %mul3A_463 : vector<16xf32>
        %swap3A_465 = arith.index_cast %scan3A_419 : i32 to index
        %swap3A_466 = arith.constant 48 : index
        %swap3A_467 = tpu.vector_load %arg11[%swap3A_465, %swap3A_466] {strides = array<i32>} : memref<200x128xf32, #tpu.memory_space<vmem>>, vector<1x16xf32>,
        %swap3A_468 = vector.shape_cast %swap3A_467 : vector<1x16xf32> to vector<16xf32>
        %swap3A_469 = vector.shape_cast %mul3A_464 : vector<16xf32> to vector<1x16xf32>
        tpu.vector_store %arg11[%swap3A_465, %swap3A_466], %swap3A_469 {strides = array<i32>} : memref<200x128xf32, #tpu.memory_space<vmem>>, vector<1x16xf32>,
        %slice3A_470 = vector.extract_strided_slice %get3A_423 {offsets = [3], sizes = [1], strides = [1]} : vector<16xf32> to vector<1xf32>
        %squeeze3A_471 = vector.extract %slice3A_470[0] : f32 from vector<1xf32>
        %get3A_472 = arith.index_cast %scan3A_419 : i32 to index
        %get3A_473 = arith.constant 64 : index
        %get3A_474 = tpu.vector_load %arg11[%get3A_472, %get3A_473] {strides = array<i32>} : memref<200x128xf32, #tpu.memory_space<vmem>>, vector<1x16xf32>,
        %get3A_475 = vector.shape_cast %get3A_474 : vector<1x16xf32> to vector<16xf32>
        %mul3A_476 = vector.broadcast %squeeze3A_471 : f32 to vector<16xf32>
        %mul3A_477 = arith.mulf %get3A_475, %mul3A_476 : vector<16xf32>
        %swap3A_478 = arith.index_cast %scan3A_419 : i32 to index
        %swap3A_479 = arith.constant 64 : index
        %swap3A_480 = tpu.vector_load %arg11[%swap3A_478, %swap3A_479] {strides = array<i32>} : memref<200x128xf32, #tpu.memory_space<vmem>>, vector<1x16xf32>,
        %swap3A_481 = vector.shape_cast %swap3A_480 : vector<1x16xf32> to vector<16xf32>
        %swap3A_482 = vector.shape_cast %mul3A_477 : vector<16xf32> to vector<1x16xf32>
        tpu.vector_store %arg11[%swap3A_478, %swap3A_479], %swap3A_482 {strides = array<i32>} : memref<200x128xf32, #tpu.memory_space<vmem>>, vector<1x16xf32>,
        %get3A_483 = arith.index_cast %scan3A_419 : i32 to index
        %get3A_484 = arith.constant 80 : index
        %get3A_485 = tpu.vector_load %arg11[%get3A_483, %get3A_484] {strides = array<i32>} : memref<200x128xf32, #tpu.memory_space<vmem>>, vector<1x16xf32>,
        %get3A_486 = vector.shape_cast %get3A_485 : vector<1x16xf32> to vector<16xf32>
        %mul3A_487 = vector.broadcast %squeeze3A_471 : f32 to vector<16xf32>
        %mul3A_488 = arith.mulf %get3A_486, %mul3A_487 : vector<16xf32>
        %swap3A_489 = arith.index_cast %scan3A_419 : i32 to index
        %swap3A_490 = arith.constant 80 : index
        %swap3A_491 = tpu.vector_load %arg11[%swap3A_489, %swap3A_490] {strides = array<i32>} : memref<200x128xf32, #tpu.memory_space<vmem>>, vector<1x16xf32>,
        %swap3A_492 = vector.shape_cast %swap3A_491 : vector<1x16xf32> to vector<16xf32>
        %swap3A_493 = vector.shape_cast %mul3A_488 : vector<16xf32> to vector<1x16xf32>
        tpu.vector_store %arg11[%swap3A_489, %swap3A_490], %swap3A_493 {strides = array<i32>} : memref<200x128xf32, #tpu.memory_space<vmem>>, vector<1x16xf32>,
        %get3A_494 = arith.index_cast %scan3A_419 : i32 to index
        %get3A_495 = arith.constant 96 : index
        %get3A_496 = tpu.vector_load %arg11[%get3A_494, %get3A_495] {strides = array<i32>} : memref<200x128xf32, #tpu.memory_space<vmem>>, vector<1x16xf32>,
        %get3A_497 = vector.shape_cast %get3A_496 : vector<1x16xf32> to vector<16xf32>
        %mul3A_498 = vector.broadcast %squeeze3A_471 : f32 to vector<16xf32>
        %mul3A_499 = arith.mulf %get3A_497, %mul3A_498 : vector<16xf32>
        %swap3A_500 = arith.index_cast %scan3A_419 : i32 to index
        %swap3A_501 = arith.constant 96 : index
        %swap3A_502 = tpu.vector_load %arg11[%swap3A_500, %swap3A_501] {strides = array<i32>} : memref<200x128xf32, #tpu.memory_space<vmem>>, vector<1x16xf32>,
        %swap3A_503 = vector.shape_cast %swap3A_502 : vector<1x16xf32> to vector<16xf32>
        %swap3A_504 = vector.shape_cast %mul3A_499 : vector<16xf32> to vector<1x16xf32>
        tpu.vector_store %arg11[%swap3A_500, %swap3A_501], %swap3A_504 {strides = array<i32>} : memref<200x128xf32, #tpu.memory_space<vmem>>, vector<1x16xf32>,
        %get3A_505 = arith.index_cast %scan3A_419 : i32 to index
        %get3A_506 = arith.constant 112 : index
        %get3A_507 = tpu.vector_load %arg11[%get3A_505, %get3A_506] {strides = array<i32>} : memref<200x128xf32, #tpu.memory_space<vmem>>, vector<1x16xf32>,
        %get3A_508 = vector.shape_cast %get3A_507 : vector<1x16xf32> to vector<16xf32>
        %mul3A_509 = vector.broadcast %squeeze3A_471 : f32 to vector<16xf32>
        %mul3A_510 = arith.mulf %get3A_508, %mul3A_509 : vector<16xf32>
        %swap3A_511 = arith.index_cast %scan3A_419 : i32 to index
        %swap3A_512 = arith.constant 112 : index
        %swap3A_513 = tpu.vector_load %arg11[%swap3A_511, %swap3A_512] {strides = array<i32>} : memref<200x128xf32, #tpu.memory_space<vmem>>, vector<1x16xf32>,
        %swap3A_514 = vector.shape_cast %swap3A_513 : vector<1x16xf32> to vector<16xf32>
        %swap3A_515 = vector.shape_cast %mul3A_510 : vector<16xf32> to vector<1x16xf32>
        tpu.vector_store %arg11[%swap3A_511, %swap3A_512], %swap3A_515 {strides = array<i32>} : memref<200x128xf32, #tpu.memory_space<vmem>>, vector<1x16xf32>,
      }
      %scan3A_128 = arith.constant 200 : i32
      "tpu.region"() ({
        %run_scoped3A = tpu.sem_alloc : memref<!tpu.dma_semaphore, #tpu.memory_space<semaphore_mem>>
        %dma_start3A_129 = arith.constant 0 : i32
        %dma_start3A_130 = arith.constant 0 : i32
        %dma_start3A_131 = tpu.memref_slice %arg12[%dma_start3A_129, %dma_start3A_130] : memref<10112x128xf32, #tpu.memory_space<vmem_shared>> -> memref<10112x128xf32, #tpu.memory_space<vmem_shared>>
        tpu.enqueue_indirect_dma source(%arg11 : memref<200x128xf32, #tpu.memory_space<vmem>>) target(%dma_start3A_131 : memref<10112x128xf32, #tpu.memory_space<vmem_shared>>) offsets(%arg9 : memref<200xi32, #tpu.memory_space<vmem>>) semaphore(%run_scoped3A : memref<!tpu.dma_semaphore, #tpu.memory_space<semaphore_mem>>) {add = true}
        %dma_wait3A_132 = arith.constant 0 : i32
        %dma_wait3A_133 = arith.constant 0 : i32
        %dma_wait3A_134 = tpu.memref_slice %arg12[%dma_wait3A_132, %dma_wait3A_133] : memref<10112x128xf32, #tpu.memory_space<vmem_shared>> -> memref<10112x128xf32, #tpu.memory_space<vmem_shared>>
        tpu.wait_indirect_dma semaphore(%run_scoped3A : memref<!tpu.dma_semaphore, #tpu.memory_space<semaphore_mem>>) src(%arg11 : memref<200x128xf32, #tpu.memory_space<vmem>>) dst(%dma_wait3A_134 : memref<10112x128xf32, #tpu.memory_space<vmem_shared>>)
        tpu.yield
      }) : () -> ()
    }
    %scan3A_33 = arith.constant 25 : i32
    %barrier3A_34 = arith.constant 0 : index
    tpu.barrier barrier_id(%barrier3A_34)
    %mul3A_35 = arith.constant 632 : i32
    %mul3A_36 = arith.muli %arg1, %mul3A_35 : i32
    %add3A_37 = arith.constant 2 : i32
    %add3A_38 = arith.addi %add3A_37, %arg0 : i32
    %mul3A_39 = arith.constant 10112 : i32
    %mul3A_40 = arith.muli %add3A_38, %mul3A_39 : i32
    %mul3A_41 = arith.constant 632 : i32
    %mul3A_42 = arith.muli %arg1, %mul3A_41 : i32
    %add3A_43 = arith.addi %mul3A_40, %mul3A_42 : i32
    "tpu.region"() ({
      %run_scoped3A = tpu.sem_alloc : memref<!tpu.dma_semaphore, #tpu.memory_space<semaphore_mem>>
      %dma_start3A = arith.constant 0 : i32
      %dma_start3A_89 = tpu.memref_slice %arg7[%add3A_43, %dma_start3A] : memref<80896x128xf32, #tpu.memory_space<hbm>> -> memref<632x128xf32, #tpu.memory_space<hbm>>
      %dma_start3A_90 = arith.constant 0 : i32
      %dma_start3A_91 = tpu.memref_slice %arg12[%mul3A_36, %dma_start3A_90] : memref<10112x128xf32, #tpu.memory_space<vmem_shared>> -> memref<632x128xf32, #tpu.memory_space<vmem_shared>>
      tpu.enqueue_dma source(%dma_start3A_91 : memref<632x128xf32, #tpu.memory_space<vmem_shared>>) target(%dma_start3A_89 : memref<632x128xf32, #tpu.memory_space<hbm>>) target_semaphore(%run_scoped3A : memref<!tpu.dma_semaphore, #tpu.memory_space<semaphore_mem>>)
      %dma_wait3A = arith.constant 0 : i32
      %dma_wait3A_92 = tpu.memref_slice %arg7[%add3A_43, %dma_wait3A] : memref<80896x128xf32, #tpu.memory_space<hbm>> -> memref<632x128xf32, #tpu.memory_space<hbm>>
      %dma_wait3A_93 = arith.constant 0 : i32
      %dma_wait3A_94 = tpu.memref_slice %arg12[%mul3A_36, %dma_wait3A_93] : memref<10112x128xf32, #tpu.memory_space<vmem_shared>> -> memref<632x128xf32, #tpu.memory_space<vmem_shared>>
      tpu.wait_dma2 semaphore(%run_scoped3A : memref<!tpu.dma_semaphore, #tpu.memory_space<semaphore_mem>>) src(%dma_wait3A_94 : memref<632x128xf32, #tpu.memory_space<vmem_shared>>) dst(%dma_wait3A_92 : memref<632x128xf32, #tpu.memory_space<hbm>>)
      tpu.yield
    }) : () -> ()
    %barrier3A_44 = arith.constant 0 : index
    tpu.barrier barrier_id(%barrier3A_44)
    %mul3A_45 = arith.constant 632 : i32
    %mul3A_46 = arith.muli %arg1, %mul3A_45 : i32
    %mul3A_47 = arith.constant 632 : i32
    %mul3A_48 = arith.muli %arg1, %mul3A_47 : i32
    "tpu.region"() ({
      %run_scoped3A = tpu.sem_alloc : memref<!tpu.dma_semaphore, #tpu.memory_space<semaphore_mem>>
      %dma_start3A = arith.constant 0 : i32
      %dma_start3A_89 = tpu.memref_slice %arg12[%mul3A_48, %dma_start3A] : memref<10112x128xf32, #tpu.memory_space<vmem_shared>> -> memref<632x128xf32, #tpu.memory_space<vmem_shared>>
      %dma_start3A_90 = arith.constant 0 : i32
      %dma_start3A_91 = tpu.memref_slice %arg6[%mul3A_46, %dma_start3A_90] : memref<10112x128xf32, #tpu.memory_space<hbm>> -> memref<632x128xf32, #tpu.memory_space<hbm>>
      tpu.enqueue_dma source(%dma_start3A_91 : memref<632x128xf32, #tpu.memory_space<hbm>>) target(%dma_start3A_89 : memref<632x128xf32, #tpu.memory_space<vmem_shared>>) target_semaphore(%run_scoped3A : memref<!tpu.dma_semaphore, #tpu.memory_space<semaphore_mem>>)
      %dma_wait3A = arith.constant 0 : i32
      %dma_wait3A_92 = tpu.memref_slice %arg12[%mul3A_48, %dma_wait3A] : memref<10112x128xf32, #tpu.memory_space<vmem_shared>> -> memref<632x128xf32, #tpu.memory_space<vmem_shared>>
      %dma_wait3A_93 = arith.constant 0 : i32
      %dma_wait3A_94 = tpu.memref_slice %arg6[%mul3A_46, %dma_wait3A_93] : memref<10112x128xf32, #tpu.memory_space<hbm>> -> memref<632x128xf32, #tpu.memory_space<hbm>>
      tpu.wait_dma2 semaphore(%run_scoped3A : memref<!tpu.dma_semaphore, #tpu.memory_space<semaphore_mem>>) src(%dma_wait3A_94 : memref<632x128xf32, #tpu.memory_space<hbm>>) dst(%dma_wait3A_92 : memref<632x128xf32, #tpu.memory_space<vmem_shared>>)
      tpu.yield
    }) : () -> ()
    %barrier3A_49 = arith.constant 0 : index
    tpu.barrier barrier_id(%barrier3A_49)
    %scan3A_50 = arith.constant 0 : i32
    %scan3A_51 = arith.constant 0 : i32
    %scan3A_52 = arith.constant 25 : i32
    %scan3A_53 = arith.addi %scan3A_51, %scan3A_52 : i32
    %scan3A_54 = arith.constant 1 : i32
    scf.for %scan3A_89 = %scan3A_51 to %scan3A_53 step %scan3A_54  : i32 {
      %mul3A_90 = arith.constant 200 : i32
      %mul3A_91 = arith.muli %scan3A_89, %mul3A_90 : i32
      %add3A_92 = arith.addi %mul3A_2, %mul3A_91 : i32
      %mul3A_93 = arith.constant 200 : i32
      %mul3A_94 = arith.muli %scan3A_89, %mul3A_93 : i32
      %dma_start3A = arith.constant 2 : i32
      %dma_start3A_95 = tpu.memref_slice %arg8[%mul3A_94] : memref<5000xi32, #tpu.memory_space<vmem>> -> memref<200xi32, #tpu.memory_space<vmem>>
      %dma_start3A_96 = arith.constant 0 : i32
      %dma_start3A_97 = arith.constant 0 : i32
      %dma_start3A_98 = tpu.memref_slice %arg2[%dma_start3A, %dma_start3A_96, %dma_start3A_97] : memref<4x10112x128xf32, #tpu.memory_space<hbm>> -> memref<1x10112x128xf32, #tpu.memory_space<hbm>>
      %dma_start3A_99 = tpu.memref_squeeze %dma_start3A_98 : memref<1x10112x128xf32, #tpu.memory_space<hbm>> -> memref<10112x128xf32, #tpu.memory_space<hbm>>
      %dma_start3A_100 = arith.constant 0 : i32
      %dma_start3A_101 = arith.constant 0 : i32
      %dma_start3A_102 = tpu.memref_slice %dma_start3A_99[%dma_start3A_100, %dma_start3A_101] : memref<10112x128xf32, #tpu.memory_space<hbm>> -> memref<10112x128xf32, #tpu.memory_space<hbm>>
      tpu.enqueue_indirect_dma source(%dma_start3A_102 : memref<10112x128xf32, #tpu.memory_space<hbm>>) target(%arg11 : memref<200x128xf32, #tpu.memory_space<vmem>>) offsets(%dma_start3A_95 : memref<200xi32, #tpu.memory_space<vmem>>) semaphore(%arg13 : memref<!tpu.dma_semaphore, #tpu.memory_space<semaphore_mem>>)
      %dma_start3A_103 = arith.constant 0 : i32
      %dma_start3A_104 = tpu.memref_slice %arg3[%add3A_92, %dma_start3A_103] : memref<160000x16xf32, #tpu.memory_space<hbm>> -> memref<200x16xf32, #tpu.memory_space<hbm>>
      %dma_start3A_105 = arith.constant 0 : i32
      %dma_start3A_106 = tpu.memref_slice %arg3[%add3A_92, %dma_start3A_105] : memref<160000x16xf32, #tpu.memory_space<hbm>> -> memref<200x16xf32, #tpu.memory_space<hbm>>
      tpu.enqueue_dma source(%dma_start3A_106 : memref<200x16xf32, #tpu.memory_space<hbm>>) target(%arg10 : memref<200x16xf32, #tpu.memory_space<vmem>>) target_semaphore(%arg14 : memref<!tpu.dma_semaphore, #tpu.memory_space<semaphore_mem>>)
      %dma_start3A_107 = tpu.memref_slice %arg5[%add3A_92] : memref<160000xi32, #tpu.memory_space<hbm>> -> memref<200xi32, #tpu.memory_space<hbm>>
      %dma_start3A_108 = tpu.memref_slice %arg5[%add3A_92] : memref<160000xi32, #tpu.memory_space<hbm>> -> memref<200xi32, #tpu.memory_space<hbm>>
      tpu.enqueue_dma source(%dma_start3A_108 : memref<200xi32, #tpu.memory_space<hbm>>) target(%arg9 : memref<200xi32, #tpu.memory_space<vmem>>) target_semaphore(%arg15 : memref<!tpu.dma_semaphore, #tpu.memory_space<semaphore_mem>>)
      %dma_wait3A = arith.constant 2 : i32
      %dma_wait3A_109 = tpu.memref_slice %arg8[%mul3A_94] : memref<5000xi32, #tpu.memory_space<vmem>> -> memref<200xi32, #tpu.memory_space<vmem>>
      %dma_wait3A_110 = arith.constant 0 : i32
      %dma_wait3A_111 = arith.constant 0 : i32
      %dma_wait3A_112 = tpu.memref_slice %arg2[%dma_wait3A, %dma_wait3A_110, %dma_wait3A_111] : memref<4x10112x128xf32, #tpu.memory_space<hbm>> -> memref<1x10112x128xf32, #tpu.memory_space<hbm>>
      %dma_wait3A_113 = tpu.memref_squeeze %dma_wait3A_112 : memref<1x10112x128xf32, #tpu.memory_space<hbm>> -> memref<10112x128xf32, #tpu.memory_space<hbm>>
      %dma_wait3A_114 = arith.constant 0 : i32
      %dma_wait3A_115 = arith.constant 0 : i32
      %dma_wait3A_116 = tpu.memref_slice %dma_wait3A_113[%dma_wait3A_114, %dma_wait3A_115] : memref<10112x128xf32, #tpu.memory_space<hbm>> -> memref<10112x128xf32, #tpu.memory_space<hbm>>
      tpu.wait_indirect_dma semaphore(%arg13 : memref<!tpu.dma_semaphore, #tpu.memory_space<semaphore_mem>>) src(%dma_wait3A_116 : memref<10112x128xf32, #tpu.memory_space<hbm>>) dst(%arg11 : memref<200x128xf32, #tpu.memory_space<vmem>>)
      %dma_wait3A_117 = arith.constant 0 : i32
      %dma_wait3A_118 = tpu.memref_slice %arg3[%add3A_92, %dma_wait3A_117] : memref<160000x16xf32, #tpu.memory_space<hbm>> -> memref<200x16xf32, #tpu.memory_space<hbm>>
      %dma_wait3A_119 = arith.constant 0 : i32
      %dma_wait3A_120 = tpu.memref_slice %arg3[%add3A_92, %dma_wait3A_119] : memref<160000x16xf32, #tpu.memory_space<hbm>> -> memref<200x16xf32, #tpu.memory_space<hbm>>
      tpu.wait_dma2 semaphore(%arg14 : memref<!tpu.dma_semaphore, #tpu.memory_space<semaphore_mem>>) src(%dma_wait3A_120 : memref<200x16xf32, #tpu.memory_space<hbm>>) dst(%arg10 : memref<200x16xf32, #tpu.memory_space<vmem>>)
      %dma_wait3A_121 = tpu.memref_slice %arg5[%add3A_92] : memref<160000xi32, #tpu.memory_space<hbm>> -> memref<200xi32, #tpu.memory_space<hbm>>
      %dma_wait3A_122 = tpu.memref_slice %arg5[%add3A_92] : memref<160000xi32, #tpu.memory_space<hbm>> -> memref<200xi32, #tpu.memory_space<hbm>>
      tpu.wait_dma2 semaphore(%arg15 : memref<!tpu.dma_semaphore, #tpu.memory_space<semaphore_mem>>) src(%dma_wait3A_122 : memref<200xi32, #tpu.memory_space<hbm>>) dst(%arg9 : memref<200xi32, #tpu.memory_space<vmem>>)
      %scan3A_123 = arith.constant 0 : i32
      %scan3A_124 = arith.constant 0 : i32
      %scan3A_125 = arith.constant 200 : i32
      %scan3A_126 = arith.addi %scan3A_124, %scan3A_125 : i32
      %scan3A_127 = arith.constant 4 : i32
      scf.for %scan3A_129 = %scan3A_124 to %scan3A_126 step %scan3A_127  : i32 {
        %get3A = arith.index_cast %scan3A_129 : i32 to index
        %get3A_130 = arith.constant 0 : index
        %get3A_131 = tpu.vector_load %arg10[%get3A, %get3A_130] {strides = array<i32>} : memref<200x16xf32, #tpu.memory_space<vmem>>, vector<1x16xf32>,
        %get3A_132 = vector.shape_cast %get3A_131 : vector<1x16xf32> to vector<16xf32>
        %slice3A = vector.extract_strided_slice %get3A_132 {offsets = [4], sizes = [1], strides = [1]} : vector<16xf32> to vector<1xf32>
        %squeeze3A = vector.extract %slice3A[0] : f32 from vector<1xf32>
        %get3A_133 = arith.index_cast %scan3A_129 : i32 to index
        %get3A_134 = arith.constant 0 : index
        %get3A_135 = tpu.vector_load %arg11[%get3A_133, %get3A_134] {strides = array<i32>} : memref<200x128xf32, #tpu.memory_space<vmem>>, vector<1x16xf32>,
        %get3A_136 = vector.shape_cast %get3A_135 : vector<1x16xf32> to vector<16xf32>
        %mul3A_137 = vector.broadcast %squeeze3A : f32 to vector<16xf32>
        %mul3A_138 = arith.mulf %get3A_136, %mul3A_137 : vector<16xf32>
        %swap3A = arith.index_cast %scan3A_129 : i32 to index
        %swap3A_139 = arith.constant 0 : index
        %swap3A_140 = tpu.vector_load %arg11[%swap3A, %swap3A_139] {strides = array<i32>} : memref<200x128xf32, #tpu.memory_space<vmem>>, vector<1x16xf32>,
        %swap3A_141 = vector.shape_cast %swap3A_140 : vector<1x16xf32> to vector<16xf32>
        %swap3A_142 = vector.shape_cast %mul3A_138 : vector<16xf32> to vector<1x16xf32>
        tpu.vector_store %arg11[%swap3A, %swap3A_139], %swap3A_142 {strides = array<i32>} : memref<200x128xf32, #tpu.memory_space<vmem>>, vector<1x16xf32>,
        %get3A_143 = arith.index_cast %scan3A_129 : i32 to index
        %get3A_144 = arith.constant 16 : index
        %get3A_145 = tpu.vector_load %arg11[%get3A_143, %get3A_144] {strides = array<i32>} : memref<200x128xf32, #tpu.memory_space<vmem>>, vector<1x16xf32>,
        %get3A_146 = vector.shape_cast %get3A_145 : vector<1x16xf32> to vector<16xf32>
        %mul3A_147 = vector.broadcast %squeeze3A : f32 to vector<16xf32>
        %mul3A_148 = arith.mulf %get3A_146, %mul3A_147 : vector<16xf32>
        %swap3A_149 = arith.index_cast %scan3A_129 : i32 to index
        %swap3A_150 = arith.constant 16 : index
        %swap3A_151 = tpu.vector_load %arg11[%swap3A_149, %swap3A_150] {strides = array<i32>} : memref<200x128xf32, #tpu.memory_space<vmem>>, vector<1x16xf32>,
        %swap3A_152 = vector.shape_cast %swap3A_151 : vector<1x16xf32> to vector<16xf32>
        %swap3A_153 = vector.shape_cast %mul3A_148 : vector<16xf32> to vector<1x16xf32>
        tpu.vector_store %arg11[%swap3A_149, %swap3A_150], %swap3A_153 {strides = array<i32>} : memref<200x128xf32, #tpu.memory_space<vmem>>, vector<1x16xf32>,
        %get3A_154 = arith.index_cast %scan3A_129 : i32 to index
        %get3A_155 = arith.constant 32 : index
        %get3A_156 = tpu.vector_load %arg11[%get3A_154, %get3A_155] {strides = array<i32>} : memref<200x128xf32, #tpu.memory_space<vmem>>, vector<1x16xf32>,
        %get3A_157 = vector.shape_cast %get3A_156 : vector<1x16xf32> to vector<16xf32>
        %mul3A_158 = vector.broadcast %squeeze3A : f32 to vector<16xf32>
        %mul3A_159 = arith.mulf %get3A_157, %mul3A_158 : vector<16xf32>
        %swap3A_160 = arith.index_cast %scan3A_129 : i32 to index
        %swap3A_161 = arith.constant 32 : index
        %swap3A_162 = tpu.vector_load %arg11[%swap3A_160, %swap3A_161] {strides = array<i32>} : memref<200x128xf32, #tpu.memory_space<vmem>>, vector<1x16xf32>,
        %swap3A_163 = vector.shape_cast %swap3A_162 : vector<1x16xf32> to vector<16xf32>
        %swap3A_164 = vector.shape_cast %mul3A_159 : vector<16xf32> to vector<1x16xf32>
        tpu.vector_store %arg11[%swap3A_160, %swap3A_161], %swap3A_164 {strides = array<i32>} : memref<200x128xf32, #tpu.memory_space<vmem>>, vector<1x16xf32>,
        %get3A_165 = arith.index_cast %scan3A_129 : i32 to index
        %get3A_166 = arith.constant 48 : index
        %get3A_167 = tpu.vector_load %arg11[%get3A_165, %get3A_166] {strides = array<i32>} : memref<200x128xf32, #tpu.memory_space<vmem>>, vector<1x16xf32>,
        %get3A_168 = vector.shape_cast %get3A_167 : vector<1x16xf32> to vector<16xf32>
        %mul3A_169 = vector.broadcast %squeeze3A : f32 to vector<16xf32>
        %mul3A_170 = arith.mulf %get3A_168, %mul3A_169 : vector<16xf32>
        %swap3A_171 = arith.index_cast %scan3A_129 : i32 to index
        %swap3A_172 = arith.constant 48 : index
        %swap3A_173 = tpu.vector_load %arg11[%swap3A_171, %swap3A_172] {strides = array<i32>} : memref<200x128xf32, #tpu.memory_space<vmem>>, vector<1x16xf32>,
        %swap3A_174 = vector.shape_cast %swap3A_173 : vector<1x16xf32> to vector<16xf32>
        %swap3A_175 = vector.shape_cast %mul3A_170 : vector<16xf32> to vector<1x16xf32>
        tpu.vector_store %arg11[%swap3A_171, %swap3A_172], %swap3A_175 {strides = array<i32>} : memref<200x128xf32, #tpu.memory_space<vmem>>, vector<1x16xf32>,
        %slice3A_176 = vector.extract_strided_slice %get3A_132 {offsets = [5], sizes = [1], strides = [1]} : vector<16xf32> to vector<1xf32>
        %squeeze3A_177 = vector.extract %slice3A_176[0] : f32 from vector<1xf32>
        %get3A_178 = arith.index_cast %scan3A_129 : i32 to index
        %get3A_179 = arith.constant 64 : index
        %get3A_180 = tpu.vector_load %arg11[%get3A_178, %get3A_179] {strides = array<i32>} : memref<200x128xf32, #tpu.memory_space<vmem>>, vector<1x16xf32>,
        %get3A_181 = vector.shape_cast %get3A_180 : vector<1x16xf32> to vector<16xf32>
        %mul3A_182 = vector.broadcast %squeeze3A_177 : f32 to vector<16xf32>
        %mul3A_183 = arith.mulf %get3A_181, %mul3A_182 : vector<16xf32>
        %swap3A_184 = arith.index_cast %scan3A_129 : i32 to index
        %swap3A_185 = arith.constant 64 : index
        %swap3A_186 = tpu.vector_load %arg11[%swap3A_184, %swap3A_185] {strides = array<i32>} : memref<200x128xf32, #tpu.memory_space<vmem>>, vector<1x16xf32>,
        %swap3A_187 = vector.shape_cast %swap3A_186 : vector<1x16xf32> to vector<16xf32>
        %swap3A_188 = vector.shape_cast %mul3A_183 : vector<16xf32> to vector<1x16xf32>
        tpu.vector_store %arg11[%swap3A_184, %swap3A_185], %swap3A_188 {strides = array<i32>} : memref<200x128xf32, #tpu.memory_space<vmem>>, vector<1x16xf32>,
        %get3A_189 = arith.index_cast %scan3A_129 : i32 to index
        %get3A_190 = arith.constant 80 : index
        %get3A_191 = tpu.vector_load %arg11[%get3A_189, %get3A_190] {strides = array<i32>} : memref<200x128xf32, #tpu.memory_space<vmem>>, vector<1x16xf32>,
        %get3A_192 = vector.shape_cast %get3A_191 : vector<1x16xf32> to vector<16xf32>
        %mul3A_193 = vector.broadcast %squeeze3A_177 : f32 to vector<16xf32>
        %mul3A_194 = arith.mulf %get3A_192, %mul3A_193 : vector<16xf32>
        %swap3A_195 = arith.index_cast %scan3A_129 : i32 to index
        %swap3A_196 = arith.constant 80 : index
        %swap3A_197 = tpu.vector_load %arg11[%swap3A_195, %swap3A_196] {strides = array<i32>} : memref<200x128xf32, #tpu.memory_space<vmem>>, vector<1x16xf32>,
        %swap3A_198 = vector.shape_cast %swap3A_197 : vector<1x16xf32> to vector<16xf32>
        %swap3A_199 = vector.shape_cast %mul3A_194 : vector<16xf32> to vector<1x16xf32>
        tpu.vector_store %arg11[%swap3A_195, %swap3A_196], %swap3A_199 {strides = array<i32>} : memref<200x128xf32, #tpu.memory_space<vmem>>, vector<1x16xf32>,
        %get3A_200 = arith.index_cast %scan3A_129 : i32 to index
        %get3A_201 = arith.constant 96 : index
        %get3A_202 = tpu.vector_load %arg11[%get3A_200, %get3A_201] {strides = array<i32>} : memref<200x128xf32, #tpu.memory_space<vmem>>, vector<1x16xf32>,
        %get3A_203 = vector.shape_cast %get3A_202 : vector<1x16xf32> to vector<16xf32>
        %mul3A_204 = vector.broadcast %squeeze3A_177 : f32 to vector<16xf32>
        %mul3A_205 = arith.mulf %get3A_203, %mul3A_204 : vector<16xf32>
        %swap3A_206 = arith.index_cast %scan3A_129 : i32 to index
        %swap3A_207 = arith.constant 96 : index
        %swap3A_208 = tpu.vector_load %arg11[%swap3A_206, %swap3A_207] {strides = array<i32>} : memref<200x128xf32, #tpu.memory_space<vmem>>, vector<1x16xf32>,
        %swap3A_209 = vector.shape_cast %swap3A_208 : vector<1x16xf32> to vector<16xf32>
        %swap3A_210 = vector.shape_cast %mul3A_205 : vector<16xf32> to vector<1x16xf32>
        tpu.vector_store %arg11[%swap3A_206, %swap3A_207], %swap3A_210 {strides = array<i32>} : memref<200x128xf32, #tpu.memory_space<vmem>>, vector<1x16xf32>,
        %get3A_211 = arith.index_cast %scan3A_129 : i32 to index
        %get3A_212 = arith.constant 112 : index
        %get3A_213 = tpu.vector_load %arg11[%get3A_211, %get3A_212] {strides = array<i32>} : memref<200x128xf32, #tpu.memory_space<vmem>>, vector<1x16xf32>,
        %get3A_214 = vector.shape_cast %get3A_213 : vector<1x16xf32> to vector<16xf32>
        %mul3A_215 = vector.broadcast %squeeze3A_177 : f32 to vector<16xf32>
        %mul3A_216 = arith.mulf %get3A_214, %mul3A_215 : vector<16xf32>
        %swap3A_217 = arith.index_cast %scan3A_129 : i32 to index
        %swap3A_218 = arith.constant 112 : index
        %swap3A_219 = tpu.vector_load %arg11[%swap3A_217, %swap3A_218] {strides = array<i32>} : memref<200x128xf32, #tpu.memory_space<vmem>>, vector<1x16xf32>,
        %swap3A_220 = vector.shape_cast %swap3A_219 : vector<1x16xf32> to vector<16xf32>
        %swap3A_221 = vector.shape_cast %mul3A_216 : vector<16xf32> to vector<1x16xf32>
        tpu.vector_store %arg11[%swap3A_217, %swap3A_218], %swap3A_221 {strides = array<i32>} : memref<200x128xf32, #tpu.memory_space<vmem>>, vector<1x16xf32>,
        %scan3A_222 = arith.constant 1 : i32
        %scan3A_223 = arith.addi %scan3A_129, %scan3A_222 : i32
        %get3A_224 = arith.index_cast %scan3A_223 : i32 to index
        %get3A_225 = arith.constant 0 : index
        %get3A_226 = tpu.vector_load %arg10[%get3A_224, %get3A_225] {strides = array<i32>} : memref<200x16xf32, #tpu.memory_space<vmem>>, vector<1x16xf32>,
        %get3A_227 = vector.shape_cast %get3A_226 : vector<1x16xf32> to vector<16xf32>
        %slice3A_228 = vector.extract_strided_slice %get3A_227 {offsets = [4], sizes = [1], strides = [1]} : vector<16xf32> to vector<1xf32>
        %squeeze3A_229 = vector.extract %slice3A_228[0] : f32 from vector<1xf32>
        %get3A_230 = arith.index_cast %scan3A_223 : i32 to index
        %get3A_231 = arith.constant 0 : index
        %get3A_232 = tpu.vector_load %arg11[%get3A_230, %get3A_231] {strides = array<i32>} : memref<200x128xf32, #tpu.memory_space<vmem>>, vector<1x16xf32>,
        %get3A_233 = vector.shape_cast %get3A_232 : vector<1x16xf32> to vector<16xf32>
        %mul3A_234 = vector.broadcast %squeeze3A_229 : f32 to vector<16xf32>
        %mul3A_235 = arith.mulf %get3A_233, %mul3A_234 : vector<16xf32>
        %swap3A_236 = arith.index_cast %scan3A_223 : i32 to index
        %swap3A_237 = arith.constant 0 : index
        %swap3A_238 = tpu.vector_load %arg11[%swap3A_236, %swap3A_237] {strides = array<i32>} : memref<200x128xf32, #tpu.memory_space<vmem>>, vector<1x16xf32>,
        %swap3A_239 = vector.shape_cast %swap3A_238 : vector<1x16xf32> to vector<16xf32>
        %swap3A_240 = vector.shape_cast %mul3A_235 : vector<16xf32> to vector<1x16xf32>
        tpu.vector_store %arg11[%swap3A_236, %swap3A_237], %swap3A_240 {strides = array<i32>} : memref<200x128xf32, #tpu.memory_space<vmem>>, vector<1x16xf32>,
        %get3A_241 = arith.index_cast %scan3A_223 : i32 to index
        %get3A_242 = arith.constant 16 : index
        %get3A_243 = tpu.vector_load %arg11[%get3A_241, %get3A_242] {strides = array<i32>} : memref<200x128xf32, #tpu.memory_space<vmem>>, vector<1x16xf32>,
        %get3A_244 = vector.shape_cast %get3A_243 : vector<1x16xf32> to vector<16xf32>
        %mul3A_245 = vector.broadcast %squeeze3A_229 : f32 to vector<16xf32>
        %mul3A_246 = arith.mulf %get3A_244, %mul3A_245 : vector<16xf32>
        %swap3A_247 = arith.index_cast %scan3A_223 : i32 to index
        %swap3A_248 = arith.constant 16 : index
        %swap3A_249 = tpu.vector_load %arg11[%swap3A_247, %swap3A_248] {strides = array<i32>} : memref<200x128xf32, #tpu.memory_space<vmem>>, vector<1x16xf32>,
        %swap3A_250 = vector.shape_cast %swap3A_249 : vector<1x16xf32> to vector<16xf32>
        %swap3A_251 = vector.shape_cast %mul3A_246 : vector<16xf32> to vector<1x16xf32>
        tpu.vector_store %arg11[%swap3A_247, %swap3A_248], %swap3A_251 {strides = array<i32>} : memref<200x128xf32, #tpu.memory_space<vmem>>, vector<1x16xf32>,
        %get3A_252 = arith.index_cast %scan3A_223 : i32 to index
        %get3A_253 = arith.constant 32 : index
        %get3A_254 = tpu.vector_load %arg11[%get3A_252, %get3A_253] {strides = array<i32>} : memref<200x128xf32, #tpu.memory_space<vmem>>, vector<1x16xf32>,
        %get3A_255 = vector.shape_cast %get3A_254 : vector<1x16xf32> to vector<16xf32>
        %mul3A_256 = vector.broadcast %squeeze3A_229 : f32 to vector<16xf32>
        %mul3A_257 = arith.mulf %get3A_255, %mul3A_256 : vector<16xf32>
        %swap3A_258 = arith.index_cast %scan3A_223 : i32 to index
        %swap3A_259 = arith.constant 32 : index
        %swap3A_260 = tpu.vector_load %arg11[%swap3A_258, %swap3A_259] {strides = array<i32>} : memref<200x128xf32, #tpu.memory_space<vmem>>, vector<1x16xf32>,
        %swap3A_261 = vector.shape_cast %swap3A_260 : vector<1x16xf32> to vector<16xf32>
        %swap3A_262 = vector.shape_cast %mul3A_257 : vector<16xf32> to vector<1x16xf32>
        tpu.vector_store %arg11[%swap3A_258, %swap3A_259], %swap3A_262 {strides = array<i32>} : memref<200x128xf32, #tpu.memory_space<vmem>>, vector<1x16xf32>,
        %get3A_263 = arith.index_cast %scan3A_223 : i32 to index
        %get3A_264 = arith.constant 48 : index
        %get3A_265 = tpu.vector_load %arg11[%get3A_263, %get3A_264] {strides = array<i32>} : memref<200x128xf32, #tpu.memory_space<vmem>>, vector<1x16xf32>,
        %get3A_266 = vector.shape_cast %get3A_265 : vector<1x16xf32> to vector<16xf32>
        %mul3A_267 = vector.broadcast %squeeze3A_229 : f32 to vector<16xf32>
        %mul3A_268 = arith.mulf %get3A_266, %mul3A_267 : vector<16xf32>
        %swap3A_269 = arith.index_cast %scan3A_223 : i32 to index
        %swap3A_270 = arith.constant 48 : index
        %swap3A_271 = tpu.vector_load %arg11[%swap3A_269, %swap3A_270] {strides = array<i32>} : memref<200x128xf32, #tpu.memory_space<vmem>>, vector<1x16xf32>,
        %swap3A_272 = vector.shape_cast %swap3A_271 : vector<1x16xf32> to vector<16xf32>
        %swap3A_273 = vector.shape_cast %mul3A_268 : vector<16xf32> to vector<1x16xf32>
        tpu.vector_store %arg11[%swap3A_269, %swap3A_270], %swap3A_273 {strides = array<i32>} : memref<200x128xf32, #tpu.memory_space<vmem>>, vector<1x16xf32>,
        %slice3A_274 = vector.extract_strided_slice %get3A_227 {offsets = [5], sizes = [1], strides = [1]} : vector<16xf32> to vector<1xf32>
        %squeeze3A_275 = vector.extract %slice3A_274[0] : f32 from vector<1xf32>
        %get3A_276 = arith.index_cast %scan3A_223 : i32 to index
        %get3A_277 = arith.constant 64 : index
        %get3A_278 = tpu.vector_load %arg11[%get3A_276, %get3A_277] {strides = array<i32>} : memref<200x128xf32, #tpu.memory_space<vmem>>, vector<1x16xf32>,
        %get3A_279 = vector.shape_cast %get3A_278 : vector<1x16xf32> to vector<16xf32>
        %mul3A_280 = vector.broadcast %squeeze3A_275 : f32 to vector<16xf32>
        %mul3A_281 = arith.mulf %get3A_279, %mul3A_280 : vector<16xf32>
        %swap3A_282 = arith.index_cast %scan3A_223 : i32 to index
        %swap3A_283 = arith.constant 64 : index
        %swap3A_284 = tpu.vector_load %arg11[%swap3A_282, %swap3A_283] {strides = array<i32>} : memref<200x128xf32, #tpu.memory_space<vmem>>, vector<1x16xf32>,
        %swap3A_285 = vector.shape_cast %swap3A_284 : vector<1x16xf32> to vector<16xf32>
        %swap3A_286 = vector.shape_cast %mul3A_281 : vector<16xf32> to vector<1x16xf32>
        tpu.vector_store %arg11[%swap3A_282, %swap3A_283], %swap3A_286 {strides = array<i32>} : memref<200x128xf32, #tpu.memory_space<vmem>>, vector<1x16xf32>,
        %get3A_287 = arith.index_cast %scan3A_223 : i32 to index
        %get3A_288 = arith.constant 80 : index
        %get3A_289 = tpu.vector_load %arg11[%get3A_287, %get3A_288] {strides = array<i32>} : memref<200x128xf32, #tpu.memory_space<vmem>>, vector<1x16xf32>,
        %get3A_290 = vector.shape_cast %get3A_289 : vector<1x16xf32> to vector<16xf32>
        %mul3A_291 = vector.broadcast %squeeze3A_275 : f32 to vector<16xf32>
        %mul3A_292 = arith.mulf %get3A_290, %mul3A_291 : vector<16xf32>
        %swap3A_293 = arith.index_cast %scan3A_223 : i32 to index
        %swap3A_294 = arith.constant 80 : index
        %swap3A_295 = tpu.vector_load %arg11[%swap3A_293, %swap3A_294] {strides = array<i32>} : memref<200x128xf32, #tpu.memory_space<vmem>>, vector<1x16xf32>,
        %swap3A_296 = vector.shape_cast %swap3A_295 : vector<1x16xf32> to vector<16xf32>
        %swap3A_297 = vector.shape_cast %mul3A_292 : vector<16xf32> to vector<1x16xf32>
        tpu.vector_store %arg11[%swap3A_293, %swap3A_294], %swap3A_297 {strides = array<i32>} : memref<200x128xf32, #tpu.memory_space<vmem>>, vector<1x16xf32>,
        %get3A_298 = arith.index_cast %scan3A_223 : i32 to index
        %get3A_299 = arith.constant 96 : index
        %get3A_300 = tpu.vector_load %arg11[%get3A_298, %get3A_299] {strides = array<i32>} : memref<200x128xf32, #tpu.memory_space<vmem>>, vector<1x16xf32>,
        %get3A_301 = vector.shape_cast %get3A_300 : vector<1x16xf32> to vector<16xf32>
        %mul3A_302 = vector.broadcast %squeeze3A_275 : f32 to vector<16xf32>
        %mul3A_303 = arith.mulf %get3A_301, %mul3A_302 : vector<16xf32>
        %swap3A_304 = arith.index_cast %scan3A_223 : i32 to index
        %swap3A_305 = arith.constant 96 : index
        %swap3A_306 = tpu.vector_load %arg11[%swap3A_304, %swap3A_305] {strides = array<i32>} : memref<200x128xf32, #tpu.memory_space<vmem>>, vector<1x16xf32>,
        %swap3A_307 = vector.shape_cast %swap3A_306 : vector<1x16xf32> to vector<16xf32>
        %swap3A_308 = vector.shape_cast %mul3A_303 : vector<16xf32> to vector<1x16xf32>
        tpu.vector_store %arg11[%swap3A_304, %swap3A_305], %swap3A_308 {strides = array<i32>} : memref<200x128xf32, #tpu.memory_space<vmem>>, vector<1x16xf32>,
        %get3A_309 = arith.index_cast %scan3A_223 : i32 to index
        %get3A_310 = arith.constant 112 : index
        %get3A_311 = tpu.vector_load %arg11[%get3A_309, %get3A_310] {strides = array<i32>} : memref<200x128xf32, #tpu.memory_space<vmem>>, vector<1x16xf32>,
        %get3A_312 = vector.shape_cast %get3A_311 : vector<1x16xf32> to vector<16xf32>
        %mul3A_313 = vector.broadcast %squeeze3A_275 : f32 to vector<16xf32>
        %mul3A_314 = arith.mulf %get3A_312, %mul3A_313 : vector<16xf32>
        %swap3A_315 = arith.index_cast %scan3A_223 : i32 to index
        %swap3A_316 = arith.constant 112 : index
        %swap3A_317 = tpu.vector_load %arg11[%swap3A_315, %swap3A_316] {strides = array<i32>} : memref<200x128xf32, #tpu.memory_space<vmem>>, vector<1x16xf32>,
        %swap3A_318 = vector.shape_cast %swap3A_317 : vector<1x16xf32> to vector<16xf32>
        %swap3A_319 = vector.shape_cast %mul3A_314 : vector<16xf32> to vector<1x16xf32>
        tpu.vector_store %arg11[%swap3A_315, %swap3A_316], %swap3A_319 {strides = array<i32>} : memref<200x128xf32, #tpu.memory_space<vmem>>, vector<1x16xf32>,
        %scan3A_320 = arith.constant 2 : i32
        %scan3A_321 = arith.addi %scan3A_129, %scan3A_320 : i32
        %get3A_322 = arith.index_cast %scan3A_321 : i32 to index
        %get3A_323 = arith.constant 0 : index
        %get3A_324 = tpu.vector_load %arg10[%get3A_322, %get3A_323] {strides = array<i32>} : memref<200x16xf32, #tpu.memory_space<vmem>>, vector<1x16xf32>,
        %get3A_325 = vector.shape_cast %get3A_324 : vector<1x16xf32> to vector<16xf32>
        %slice3A_326 = vector.extract_strided_slice %get3A_325 {offsets = [4], sizes = [1], strides = [1]} : vector<16xf32> to vector<1xf32>
        %squeeze3A_327 = vector.extract %slice3A_326[0] : f32 from vector<1xf32>
        %get3A_328 = arith.index_cast %scan3A_321 : i32 to index
        %get3A_329 = arith.constant 0 : index
        %get3A_330 = tpu.vector_load %arg11[%get3A_328, %get3A_329] {strides = array<i32>} : memref<200x128xf32, #tpu.memory_space<vmem>>, vector<1x16xf32>,
        %get3A_331 = vector.shape_cast %get3A_330 : vector<1x16xf32> to vector<16xf32>
        %mul3A_332 = vector.broadcast %squeeze3A_327 : f32 to vector<16xf32>
        %mul3A_333 = arith.mulf %get3A_331, %mul3A_332 : vector<16xf32>
        %swap3A_334 = arith.index_cast %scan3A_321 : i32 to index
        %swap3A_335 = arith.constant 0 : index
        %swap3A_336 = tpu.vector_load %arg11[%swap3A_334, %swap3A_335] {strides = array<i32>} : memref<200x128xf32, #tpu.memory_space<vmem>>, vector<1x16xf32>,
        %swap3A_337 = vector.shape_cast %swap3A_336 : vector<1x16xf32> to vector<16xf32>
        %swap3A_338 = vector.shape_cast %mul3A_333 : vector<16xf32> to vector<1x16xf32>
        tpu.vector_store %arg11[%swap3A_334, %swap3A_335], %swap3A_338 {strides = array<i32>} : memref<200x128xf32, #tpu.memory_space<vmem>>, vector<1x16xf32>,
        %get3A_339 = arith.index_cast %scan3A_321 : i32 to index
        %get3A_340 = arith.constant 16 : index
        %get3A_341 = tpu.vector_load %arg11[%get3A_339, %get3A_340] {strides = array<i32>} : memref<200x128xf32, #tpu.memory_space<vmem>>, vector<1x16xf32>,
        %get3A_342 = vector.shape_cast %get3A_341 : vector<1x16xf32> to vector<16xf32>
        %mul3A_343 = vector.broadcast %squeeze3A_327 : f32 to vector<16xf32>
        %mul3A_344 = arith.mulf %get3A_342, %mul3A_343 : vector<16xf32>
        %swap3A_345 = arith.index_cast %scan3A_321 : i32 to index
        %swap3A_346 = arith.constant 16 : index
        %swap3A_347 = tpu.vector_load %arg11[%swap3A_345, %swap3A_346] {strides = array<i32>} : memref<200x128xf32, #tpu.memory_space<vmem>>, vector<1x16xf32>,
        %swap3A_348 = vector.shape_cast %swap3A_347 : vector<1x16xf32> to vector<16xf32>
        %swap3A_349 = vector.shape_cast %mul3A_344 : vector<16xf32> to vector<1x16xf32>
        tpu.vector_store %arg11[%swap3A_345, %swap3A_346], %swap3A_349 {strides = array<i32>} : memref<200x128xf32, #tpu.memory_space<vmem>>, vector<1x16xf32>,
        %get3A_350 = arith.index_cast %scan3A_321 : i32 to index
        %get3A_351 = arith.constant 32 : index
        %get3A_352 = tpu.vector_load %arg11[%get3A_350, %get3A_351] {strides = array<i32>} : memref<200x128xf32, #tpu.memory_space<vmem>>, vector<1x16xf32>,
        %get3A_353 = vector.shape_cast %get3A_352 : vector<1x16xf32> to vector<16xf32>
        %mul3A_354 = vector.broadcast %squeeze3A_327 : f32 to vector<16xf32>
        %mul3A_355 = arith.mulf %get3A_353, %mul3A_354 : vector<16xf32>
        %swap3A_356 = arith.index_cast %scan3A_321 : i32 to index
        %swap3A_357 = arith.constant 32 : index
        %swap3A_358 = tpu.vector_load %arg11[%swap3A_356, %swap3A_357] {strides = array<i32>} : memref<200x128xf32, #tpu.memory_space<vmem>>, vector<1x16xf32>,
        %swap3A_359 = vector.shape_cast %swap3A_358 : vector<1x16xf32> to vector<16xf32>
        %swap3A_360 = vector.shape_cast %mul3A_355 : vector<16xf32> to vector<1x16xf32>
        tpu.vector_store %arg11[%swap3A_356, %swap3A_357], %swap3A_360 {strides = array<i32>} : memref<200x128xf32, #tpu.memory_space<vmem>>, vector<1x16xf32>,
        %get3A_361 = arith.index_cast %scan3A_321 : i32 to index
        %get3A_362 = arith.constant 48 : index
        %get3A_363 = tpu.vector_load %arg11[%get3A_361, %get3A_362] {strides = array<i32>} : memref<200x128xf32, #tpu.memory_space<vmem>>, vector<1x16xf32>,
        %get3A_364 = vector.shape_cast %get3A_363 : vector<1x16xf32> to vector<16xf32>
        %mul3A_365 = vector.broadcast %squeeze3A_327 : f32 to vector<16xf32>
        %mul3A_366 = arith.mulf %get3A_364, %mul3A_365 : vector<16xf32>
        %swap3A_367 = arith.index_cast %scan3A_321 : i32 to index
        %swap3A_368 = arith.constant 48 : index
        %swap3A_369 = tpu.vector_load %arg11[%swap3A_367, %swap3A_368] {strides = array<i32>} : memref<200x128xf32, #tpu.memory_space<vmem>>, vector<1x16xf32>,
        %swap3A_370 = vector.shape_cast %swap3A_369 : vector<1x16xf32> to vector<16xf32>
        %swap3A_371 = vector.shape_cast %mul3A_366 : vector<16xf32> to vector<1x16xf32>
        tpu.vector_store %arg11[%swap3A_367, %swap3A_368], %swap3A_371 {strides = array<i32>} : memref<200x128xf32, #tpu.memory_space<vmem>>, vector<1x16xf32>,
        %slice3A_372 = vector.extract_strided_slice %get3A_325 {offsets = [5], sizes = [1], strides = [1]} : vector<16xf32> to vector<1xf32>
        %squeeze3A_373 = vector.extract %slice3A_372[0] : f32 from vector<1xf32>
        %get3A_374 = arith.index_cast %scan3A_321 : i32 to index
        %get3A_375 = arith.constant 64 : index
        %get3A_376 = tpu.vector_load %arg11[%get3A_374, %get3A_375] {strides = array<i32>} : memref<200x128xf32, #tpu.memory_space<vmem>>, vector<1x16xf32>,
        %get3A_377 = vector.shape_cast %get3A_376 : vector<1x16xf32> to vector<16xf32>
        %mul3A_378 = vector.broadcast %squeeze3A_373 : f32 to vector<16xf32>
        %mul3A_379 = arith.mulf %get3A_377, %mul3A_378 : vector<16xf32>
        %swap3A_380 = arith.index_cast %scan3A_321 : i32 to index
        %swap3A_381 = arith.constant 64 : index
        %swap3A_382 = tpu.vector_load %arg11[%swap3A_380, %swap3A_381] {strides = array<i32>} : memref<200x128xf32, #tpu.memory_space<vmem>>, vector<1x16xf32>,
        %swap3A_383 = vector.shape_cast %swap3A_382 : vector<1x16xf32> to vector<16xf32>
        %swap3A_384 = vector.shape_cast %mul3A_379 : vector<16xf32> to vector<1x16xf32>
        tpu.vector_store %arg11[%swap3A_380, %swap3A_381], %swap3A_384 {strides = array<i32>} : memref<200x128xf32, #tpu.memory_space<vmem>>, vector<1x16xf32>,
        %get3A_385 = arith.index_cast %scan3A_321 : i32 to index
        %get3A_386 = arith.constant 80 : index
        %get3A_387 = tpu.vector_load %arg11[%get3A_385, %get3A_386] {strides = array<i32>} : memref<200x128xf32, #tpu.memory_space<vmem>>, vector<1x16xf32>,
        %get3A_388 = vector.shape_cast %get3A_387 : vector<1x16xf32> to vector<16xf32>
        %mul3A_389 = vector.broadcast %squeeze3A_373 : f32 to vector<16xf32>
        %mul3A_390 = arith.mulf %get3A_388, %mul3A_389 : vector<16xf32>
        %swap3A_391 = arith.index_cast %scan3A_321 : i32 to index
        %swap3A_392 = arith.constant 80 : index
        %swap3A_393 = tpu.vector_load %arg11[%swap3A_391, %swap3A_392] {strides = array<i32>} : memref<200x128xf32, #tpu.memory_space<vmem>>, vector<1x16xf32>,
        %swap3A_394 = vector.shape_cast %swap3A_393 : vector<1x16xf32> to vector<16xf32>
        %swap3A_395 = vector.shape_cast %mul3A_390 : vector<16xf32> to vector<1x16xf32>
        tpu.vector_store %arg11[%swap3A_391, %swap3A_392], %swap3A_395 {strides = array<i32>} : memref<200x128xf32, #tpu.memory_space<vmem>>, vector<1x16xf32>,
        %get3A_396 = arith.index_cast %scan3A_321 : i32 to index
        %get3A_397 = arith.constant 96 : index
        %get3A_398 = tpu.vector_load %arg11[%get3A_396, %get3A_397] {strides = array<i32>} : memref<200x128xf32, #tpu.memory_space<vmem>>, vector<1x16xf32>,
        %get3A_399 = vector.shape_cast %get3A_398 : vector<1x16xf32> to vector<16xf32>
        %mul3A_400 = vector.broadcast %squeeze3A_373 : f32 to vector<16xf32>
        %mul3A_401 = arith.mulf %get3A_399, %mul3A_400 : vector<16xf32>
        %swap3A_402 = arith.index_cast %scan3A_321 : i32 to index
        %swap3A_403 = arith.constant 96 : index
        %swap3A_404 = tpu.vector_load %arg11[%swap3A_402, %swap3A_403] {strides = array<i32>} : memref<200x128xf32, #tpu.memory_space<vmem>>, vector<1x16xf32>,
        %swap3A_405 = vector.shape_cast %swap3A_404 : vector<1x16xf32> to vector<16xf32>
        %swap3A_406 = vector.shape_cast %mul3A_401 : vector<16xf32> to vector<1x16xf32>
        tpu.vector_store %arg11[%swap3A_402, %swap3A_403], %swap3A_406 {strides = array<i32>} : memref<200x128xf32, #tpu.memory_space<vmem>>, vector<1x16xf32>,
        %get3A_407 = arith.index_cast %scan3A_321 : i32 to index
        %get3A_408 = arith.constant 112 : index
        %get3A_409 = tpu.vector_load %arg11[%get3A_407, %get3A_408] {strides = array<i32>} : memref<200x128xf32, #tpu.memory_space<vmem>>, vector<1x16xf32>,
        %get3A_410 = vector.shape_cast %get3A_409 : vector<1x16xf32> to vector<16xf32>
        %mul3A_411 = vector.broadcast %squeeze3A_373 : f32 to vector<16xf32>
        %mul3A_412 = arith.mulf %get3A_410, %mul3A_411 : vector<16xf32>
        %swap3A_413 = arith.index_cast %scan3A_321 : i32 to index
        %swap3A_414 = arith.constant 112 : index
        %swap3A_415 = tpu.vector_load %arg11[%swap3A_413, %swap3A_414] {strides = array<i32>} : memref<200x128xf32, #tpu.memory_space<vmem>>, vector<1x16xf32>,
        %swap3A_416 = vector.shape_cast %swap3A_415 : vector<1x16xf32> to vector<16xf32>
        %swap3A_417 = vector.shape_cast %mul3A_412 : vector<16xf32> to vector<1x16xf32>
        tpu.vector_store %arg11[%swap3A_413, %swap3A_414], %swap3A_417 {strides = array<i32>} : memref<200x128xf32, #tpu.memory_space<vmem>>, vector<1x16xf32>,
        %scan3A_418 = arith.constant 3 : i32
        %scan3A_419 = arith.addi %scan3A_129, %scan3A_418 : i32
        %get3A_420 = arith.index_cast %scan3A_419 : i32 to index
        %get3A_421 = arith.constant 0 : index
        %get3A_422 = tpu.vector_load %arg10[%get3A_420, %get3A_421] {strides = array<i32>} : memref<200x16xf32, #tpu.memory_space<vmem>>, vector<1x16xf32>,
        %get3A_423 = vector.shape_cast %get3A_422 : vector<1x16xf32> to vector<16xf32>
        %slice3A_424 = vector.extract_strided_slice %get3A_423 {offsets = [4], sizes = [1], strides = [1]} : vector<16xf32> to vector<1xf32>
        %squeeze3A_425 = vector.extract %slice3A_424[0] : f32 from vector<1xf32>
        %get3A_426 = arith.index_cast %scan3A_419 : i32 to index
        %get3A_427 = arith.constant 0 : index
        %get3A_428 = tpu.vector_load %arg11[%get3A_426, %get3A_427] {strides = array<i32>} : memref<200x128xf32, #tpu.memory_space<vmem>>, vector<1x16xf32>,
        %get3A_429 = vector.shape_cast %get3A_428 : vector<1x16xf32> to vector<16xf32>
        %mul3A_430 = vector.broadcast %squeeze3A_425 : f32 to vector<16xf32>
        %mul3A_431 = arith.mulf %get3A_429, %mul3A_430 : vector<16xf32>
        %swap3A_432 = arith.index_cast %scan3A_419 : i32 to index
        %swap3A_433 = arith.constant 0 : index
        %swap3A_434 = tpu.vector_load %arg11[%swap3A_432, %swap3A_433] {strides = array<i32>} : memref<200x128xf32, #tpu.memory_space<vmem>>, vector<1x16xf32>,
        %swap3A_435 = vector.shape_cast %swap3A_434 : vector<1x16xf32> to vector<16xf32>
        %swap3A_436 = vector.shape_cast %mul3A_431 : vector<16xf32> to vector<1x16xf32>
        tpu.vector_store %arg11[%swap3A_432, %swap3A_433], %swap3A_436 {strides = array<i32>} : memref<200x128xf32, #tpu.memory_space<vmem>>, vector<1x16xf32>,
        %get3A_437 = arith.index_cast %scan3A_419 : i32 to index
        %get3A_438 = arith.constant 16 : index
        %get3A_439 = tpu.vector_load %arg11[%get3A_437, %get3A_438] {strides = array<i32>} : memref<200x128xf32, #tpu.memory_space<vmem>>, vector<1x16xf32>,
        %get3A_440 = vector.shape_cast %get3A_439 : vector<1x16xf32> to vector<16xf32>
        %mul3A_441 = vector.broadcast %squeeze3A_425 : f32 to vector<16xf32>
        %mul3A_442 = arith.mulf %get3A_440, %mul3A_441 : vector<16xf32>
        %swap3A_443 = arith.index_cast %scan3A_419 : i32 to index
        %swap3A_444 = arith.constant 16 : index
        %swap3A_445 = tpu.vector_load %arg11[%swap3A_443, %swap3A_444] {strides = array<i32>} : memref<200x128xf32, #tpu.memory_space<vmem>>, vector<1x16xf32>,
        %swap3A_446 = vector.shape_cast %swap3A_445 : vector<1x16xf32> to vector<16xf32>
        %swap3A_447 = vector.shape_cast %mul3A_442 : vector<16xf32> to vector<1x16xf32>
        tpu.vector_store %arg11[%swap3A_443, %swap3A_444], %swap3A_447 {strides = array<i32>} : memref<200x128xf32, #tpu.memory_space<vmem>>, vector<1x16xf32>,
        %get3A_448 = arith.index_cast %scan3A_419 : i32 to index
        %get3A_449 = arith.constant 32 : index
        %get3A_450 = tpu.vector_load %arg11[%get3A_448, %get3A_449] {strides = array<i32>} : memref<200x128xf32, #tpu.memory_space<vmem>>, vector<1x16xf32>,
        %get3A_451 = vector.shape_cast %get3A_450 : vector<1x16xf32> to vector<16xf32>
        %mul3A_452 = vector.broadcast %squeeze3A_425 : f32 to vector<16xf32>
        %mul3A_453 = arith.mulf %get3A_451, %mul3A_452 : vector<16xf32>
        %swap3A_454 = arith.index_cast %scan3A_419 : i32 to index
        %swap3A_455 = arith.constant 32 : index
        %swap3A_456 = tpu.vector_load %arg11[%swap3A_454, %swap3A_455] {strides = array<i32>} : memref<200x128xf32, #tpu.memory_space<vmem>>, vector<1x16xf32>,
        %swap3A_457 = vector.shape_cast %swap3A_456 : vector<1x16xf32> to vector<16xf32>
        %swap3A_458 = vector.shape_cast %mul3A_453 : vector<16xf32> to vector<1x16xf32>
        tpu.vector_store %arg11[%swap3A_454, %swap3A_455], %swap3A_458 {strides = array<i32>} : memref<200x128xf32, #tpu.memory_space<vmem>>, vector<1x16xf32>,
        %get3A_459 = arith.index_cast %scan3A_419 : i32 to index
        %get3A_460 = arith.constant 48 : index
        %get3A_461 = tpu.vector_load %arg11[%get3A_459, %get3A_460] {strides = array<i32>} : memref<200x128xf32, #tpu.memory_space<vmem>>, vector<1x16xf32>,
        %get3A_462 = vector.shape_cast %get3A_461 : vector<1x16xf32> to vector<16xf32>
        %mul3A_463 = vector.broadcast %squeeze3A_425 : f32 to vector<16xf32>
        %mul3A_464 = arith.mulf %get3A_462, %mul3A_463 : vector<16xf32>
        %swap3A_465 = arith.index_cast %scan3A_419 : i32 to index
        %swap3A_466 = arith.constant 48 : index
        %swap3A_467 = tpu.vector_load %arg11[%swap3A_465, %swap3A_466] {strides = array<i32>} : memref<200x128xf32, #tpu.memory_space<vmem>>, vector<1x16xf32>,
        %swap3A_468 = vector.shape_cast %swap3A_467 : vector<1x16xf32> to vector<16xf32>
        %swap3A_469 = vector.shape_cast %mul3A_464 : vector<16xf32> to vector<1x16xf32>
        tpu.vector_store %arg11[%swap3A_465, %swap3A_466], %swap3A_469 {strides = array<i32>} : memref<200x128xf32, #tpu.memory_space<vmem>>, vector<1x16xf32>,
        %slice3A_470 = vector.extract_strided_slice %get3A_423 {offsets = [5], sizes = [1], strides = [1]} : vector<16xf32> to vector<1xf32>
        %squeeze3A_471 = vector.extract %slice3A_470[0] : f32 from vector<1xf32>
        %get3A_472 = arith.index_cast %scan3A_419 : i32 to index
        %get3A_473 = arith.constant 64 : index
        %get3A_474 = tpu.vector_load %arg11[%get3A_472, %get3A_473] {strides = array<i32>} : memref<200x128xf32, #tpu.memory_space<vmem>>, vector<1x16xf32>,
        %get3A_475 = vector.shape_cast %get3A_474 : vector<1x16xf32> to vector<16xf32>
        %mul3A_476 = vector.broadcast %squeeze3A_471 : f32 to vector<16xf32>
        %mul3A_477 = arith.mulf %get3A_475, %mul3A_476 : vector<16xf32>
        %swap3A_478 = arith.index_cast %scan3A_419 : i32 to index
        %swap3A_479 = arith.constant 64 : index
        %swap3A_480 = tpu.vector_load %arg11[%swap3A_478, %swap3A_479] {strides = array<i32>} : memref<200x128xf32, #tpu.memory_space<vmem>>, vector<1x16xf32>,
        %swap3A_481 = vector.shape_cast %swap3A_480 : vector<1x16xf32> to vector<16xf32>
        %swap3A_482 = vector.shape_cast %mul3A_477 : vector<16xf32> to vector<1x16xf32>
        tpu.vector_store %arg11[%swap3A_478, %swap3A_479], %swap3A_482 {strides = array<i32>} : memref<200x128xf32, #tpu.memory_space<vmem>>, vector<1x16xf32>,
        %get3A_483 = arith.index_cast %scan3A_419 : i32 to index
        %get3A_484 = arith.constant 80 : index
        %get3A_485 = tpu.vector_load %arg11[%get3A_483, %get3A_484] {strides = array<i32>} : memref<200x128xf32, #tpu.memory_space<vmem>>, vector<1x16xf32>,
        %get3A_486 = vector.shape_cast %get3A_485 : vector<1x16xf32> to vector<16xf32>
        %mul3A_487 = vector.broadcast %squeeze3A_471 : f32 to vector<16xf32>
        %mul3A_488 = arith.mulf %get3A_486, %mul3A_487 : vector<16xf32>
        %swap3A_489 = arith.index_cast %scan3A_419 : i32 to index
        %swap3A_490 = arith.constant 80 : index
        %swap3A_491 = tpu.vector_load %arg11[%swap3A_489, %swap3A_490] {strides = array<i32>} : memref<200x128xf32, #tpu.memory_space<vmem>>, vector<1x16xf32>,
        %swap3A_492 = vector.shape_cast %swap3A_491 : vector<1x16xf32> to vector<16xf32>
        %swap3A_493 = vector.shape_cast %mul3A_488 : vector<16xf32> to vector<1x16xf32>
        tpu.vector_store %arg11[%swap3A_489, %swap3A_490], %swap3A_493 {strides = array<i32>} : memref<200x128xf32, #tpu.memory_space<vmem>>, vector<1x16xf32>,
        %get3A_494 = arith.index_cast %scan3A_419 : i32 to index
        %get3A_495 = arith.constant 96 : index
        %get3A_496 = tpu.vector_load %arg11[%get3A_494, %get3A_495] {strides = array<i32>} : memref<200x128xf32, #tpu.memory_space<vmem>>, vector<1x16xf32>,
        %get3A_497 = vector.shape_cast %get3A_496 : vector<1x16xf32> to vector<16xf32>
        %mul3A_498 = vector.broadcast %squeeze3A_471 : f32 to vector<16xf32>
        %mul3A_499 = arith.mulf %get3A_497, %mul3A_498 : vector<16xf32>
        %swap3A_500 = arith.index_cast %scan3A_419 : i32 to index
        %swap3A_501 = arith.constant 96 : index
        %swap3A_502 = tpu.vector_load %arg11[%swap3A_500, %swap3A_501] {strides = array<i32>} : memref<200x128xf32, #tpu.memory_space<vmem>>, vector<1x16xf32>,
        %swap3A_503 = vector.shape_cast %swap3A_502 : vector<1x16xf32> to vector<16xf32>
        %swap3A_504 = vector.shape_cast %mul3A_499 : vector<16xf32> to vector<1x16xf32>
        tpu.vector_store %arg11[%swap3A_500, %swap3A_501], %swap3A_504 {strides = array<i32>} : memref<200x128xf32, #tpu.memory_space<vmem>>, vector<1x16xf32>,
        %get3A_505 = arith.index_cast %scan3A_419 : i32 to index
        %get3A_506 = arith.constant 112 : index
        %get3A_507 = tpu.vector_load %arg11[%get3A_505, %get3A_506] {strides = array<i32>} : memref<200x128xf32, #tpu.memory_space<vmem>>, vector<1x16xf32>,
        %get3A_508 = vector.shape_cast %get3A_507 : vector<1x16xf32> to vector<16xf32>
        %mul3A_509 = vector.broadcast %squeeze3A_471 : f32 to vector<16xf32>
        %mul3A_510 = arith.mulf %get3A_508, %mul3A_509 : vector<16xf32>
        %swap3A_511 = arith.index_cast %scan3A_419 : i32 to index
        %swap3A_512 = arith.constant 112 : index
        %swap3A_513 = tpu.vector_load %arg11[%swap3A_511, %swap3A_512] {strides = array<i32>} : memref<200x128xf32, #tpu.memory_space<vmem>>, vector<1x16xf32>,
        %swap3A_514 = vector.shape_cast %swap3A_513 : vector<1x16xf32> to vector<16xf32>
        %swap3A_515 = vector.shape_cast %mul3A_510 : vector<16xf32> to vector<1x16xf32>
        tpu.vector_store %arg11[%swap3A_511, %swap3A_512], %swap3A_515 {strides = array<i32>} : memref<200x128xf32, #tpu.memory_space<vmem>>, vector<1x16xf32>,
      }
      %scan3A_128 = arith.constant 200 : i32
      "tpu.region"() ({
        %run_scoped3A = tpu.sem_alloc : memref<!tpu.dma_semaphore, #tpu.memory_space<semaphore_mem>>
        %dma_start3A_129 = arith.constant 0 : i32
        %dma_start3A_130 = arith.constant 0 : i32
        %dma_start3A_131 = tpu.memref_slice %arg12[%dma_start3A_129, %dma_start3A_130] : memref<10112x128xf32, #tpu.memory_space<vmem_shared>> -> memref<10112x128xf32, #tpu.memory_space<vmem_shared>>
        tpu.enqueue_indirect_dma source(%arg11 : memref<200x128xf32, #tpu.memory_space<vmem>>) target(%dma_start3A_131 : memref<10112x128xf32, #tpu.memory_space<vmem_shared>>) offsets(%arg9 : memref<200xi32, #tpu.memory_space<vmem>>) semaphore(%run_scoped3A : memref<!tpu.dma_semaphore, #tpu.memory_space<semaphore_mem>>) {add = true}
        %dma_wait3A_132 = arith.constant 0 : i32
        %dma_wait3A_133 = arith.constant 0 : i32
        %dma_wait3A_134 = tpu.memref_slice %arg12[%dma_wait3A_132, %dma_wait3A_133] : memref<10112x128xf32, #tpu.memory_space<vmem_shared>> -> memref<10112x128xf32, #tpu.memory_space<vmem_shared>>
        tpu.wait_indirect_dma semaphore(%run_scoped3A : memref<!tpu.dma_semaphore, #tpu.memory_space<semaphore_mem>>) src(%arg11 : memref<200x128xf32, #tpu.memory_space<vmem>>) dst(%dma_wait3A_134 : memref<10112x128xf32, #tpu.memory_space<vmem_shared>>)
        tpu.yield
      }) : () -> ()
    }
    %scan3A_55 = arith.constant 25 : i32
    %barrier3A_56 = arith.constant 0 : index
    tpu.barrier barrier_id(%barrier3A_56)
    %mul3A_57 = arith.constant 632 : i32
    %mul3A_58 = arith.muli %arg1, %mul3A_57 : i32
    %add3A_59 = arith.constant 4 : i32
    %add3A_60 = arith.addi %add3A_59, %arg0 : i32
    %mul3A_61 = arith.constant 10112 : i32
    %mul3A_62 = arith.muli %add3A_60, %mul3A_61 : i32
    %mul3A_63 = arith.constant 632 : i32
    %mul3A_64 = arith.muli %arg1, %mul3A_63 : i32
    %add3A_65 = arith.addi %mul3A_62, %mul3A_64 : i32
    "tpu.region"() ({
      %run_scoped3A = tpu.sem_alloc : memref<!tpu.dma_semaphore, #tpu.memory_space<semaphore_mem>>
      %dma_start3A = arith.constant 0 : i32
      %dma_start3A_89 = tpu.memref_slice %arg7[%add3A_65, %dma_start3A] : memref<80896x128xf32, #tpu.memory_space<hbm>> -> memref<632x128xf32, #tpu.memory_space<hbm>>
      %dma_start3A_90 = arith.constant 0 : i32
      %dma_start3A_91 = tpu.memref_slice %arg12[%mul3A_58, %dma_start3A_90] : memref<10112x128xf32, #tpu.memory_space<vmem_shared>> -> memref<632x128xf32, #tpu.memory_space<vmem_shared>>
      tpu.enqueue_dma source(%dma_start3A_91 : memref<632x128xf32, #tpu.memory_space<vmem_shared>>) target(%dma_start3A_89 : memref<632x128xf32, #tpu.memory_space<hbm>>) target_semaphore(%run_scoped3A : memref<!tpu.dma_semaphore, #tpu.memory_space<semaphore_mem>>)
      %dma_wait3A = arith.constant 0 : i32
      %dma_wait3A_92 = tpu.memref_slice %arg7[%add3A_65, %dma_wait3A] : memref<80896x128xf32, #tpu.memory_space<hbm>> -> memref<632x128xf32, #tpu.memory_space<hbm>>
      %dma_wait3A_93 = arith.constant 0 : i32
      %dma_wait3A_94 = tpu.memref_slice %arg12[%mul3A_58, %dma_wait3A_93] : memref<10112x128xf32, #tpu.memory_space<vmem_shared>> -> memref<632x128xf32, #tpu.memory_space<vmem_shared>>
      tpu.wait_dma2 semaphore(%run_scoped3A : memref<!tpu.dma_semaphore, #tpu.memory_space<semaphore_mem>>) src(%dma_wait3A_94 : memref<632x128xf32, #tpu.memory_space<vmem_shared>>) dst(%dma_wait3A_92 : memref<632x128xf32, #tpu.memory_space<hbm>>)
      tpu.yield
    }) : () -> ()
    %barrier3A_66 = arith.constant 0 : index
    tpu.barrier barrier_id(%barrier3A_66)
    %mul3A_67 = arith.constant 632 : i32
    %mul3A_68 = arith.muli %arg1, %mul3A_67 : i32
    %mul3A_69 = arith.constant 632 : i32
    %mul3A_70 = arith.muli %arg1, %mul3A_69 : i32
    "tpu.region"() ({
      %run_scoped3A = tpu.sem_alloc : memref<!tpu.dma_semaphore, #tpu.memory_space<semaphore_mem>>
      %dma_start3A = arith.constant 0 : i32
      %dma_start3A_89 = tpu.memref_slice %arg12[%mul3A_70, %dma_start3A] : memref<10112x128xf32, #tpu.memory_space<vmem_shared>> -> memref<632x128xf32, #tpu.memory_space<vmem_shared>>
      %dma_start3A_90 = arith.constant 0 : i32
      %dma_start3A_91 = tpu.memref_slice %arg6[%mul3A_68, %dma_start3A_90] : memref<10112x128xf32, #tpu.memory_space<hbm>> -> memref<632x128xf32, #tpu.memory_space<hbm>>
      tpu.enqueue_dma source(%dma_start3A_91 : memref<632x128xf32, #tpu.memory_space<hbm>>) target(%dma_start3A_89 : memref<632x128xf32, #tpu.memory_space<vmem_shared>>) target_semaphore(%run_scoped3A : memref<!tpu.dma_semaphore, #tpu.memory_space<semaphore_mem>>)
      %dma_wait3A = arith.constant 0 : i32
      %dma_wait3A_92 = tpu.memref_slice %arg12[%mul3A_70, %dma_wait3A] : memref<10112x128xf32, #tpu.memory_space<vmem_shared>> -> memref<632x128xf32, #tpu.memory_space<vmem_shared>>
      %dma_wait3A_93 = arith.constant 0 : i32
      %dma_wait3A_94 = tpu.memref_slice %arg6[%mul3A_68, %dma_wait3A_93] : memref<10112x128xf32, #tpu.memory_space<hbm>> -> memref<632x128xf32, #tpu.memory_space<hbm>>
      tpu.wait_dma2 semaphore(%run_scoped3A : memref<!tpu.dma_semaphore, #tpu.memory_space<semaphore_mem>>) src(%dma_wait3A_94 : memref<632x128xf32, #tpu.memory_space<hbm>>) dst(%dma_wait3A_92 : memref<632x128xf32, #tpu.memory_space<vmem_shared>>)
      tpu.yield
    }) : () -> ()
    %barrier3A_71 = arith.constant 0 : index
    tpu.barrier barrier_id(%barrier3A_71)
    %scan3A_72 = arith.constant 0 : i32
    %scan3A_73 = arith.constant 0 : i32
    %scan3A_74 = arith.constant 25 : i32
    %scan3A_75 = arith.addi %scan3A_73, %scan3A_74 : i32
    %scan3A_76 = arith.constant 1 : i32
    scf.for %scan3A_89 = %scan3A_73 to %scan3A_75 step %scan3A_76  : i32 {
      %mul3A_90 = arith.constant 200 : i32
      %mul3A_91 = arith.muli %scan3A_89, %mul3A_90 : i32
      %add3A_92 = arith.addi %mul3A_2, %mul3A_91 : i32
      %mul3A_93 = arith.constant 200 : i32
      %mul3A_94 = arith.muli %scan3A_89, %mul3A_93 : i32
      %dma_start3A = arith.constant 3 : i32
      %dma_start3A_95 = tpu.memref_slice %arg8[%mul3A_94] : memref<5000xi32, #tpu.memory_space<vmem>> -> memref<200xi32, #tpu.memory_space<vmem>>
      %dma_start3A_96 = arith.constant 0 : i32
      %dma_start3A_97 = arith.constant 0 : i32
      %dma_start3A_98 = tpu.memref_slice %arg2[%dma_start3A, %dma_start3A_96, %dma_start3A_97] : memref<4x10112x128xf32, #tpu.memory_space<hbm>> -> memref<1x10112x128xf32, #tpu.memory_space<hbm>>
      %dma_start3A_99 = tpu.memref_squeeze %dma_start3A_98 : memref<1x10112x128xf32, #tpu.memory_space<hbm>> -> memref<10112x128xf32, #tpu.memory_space<hbm>>
      %dma_start3A_100 = arith.constant 0 : i32
      %dma_start3A_101 = arith.constant 0 : i32
      %dma_start3A_102 = tpu.memref_slice %dma_start3A_99[%dma_start3A_100, %dma_start3A_101] : memref<10112x128xf32, #tpu.memory_space<hbm>> -> memref<10112x128xf32, #tpu.memory_space<hbm>>
      tpu.enqueue_indirect_dma source(%dma_start3A_102 : memref<10112x128xf32, #tpu.memory_space<hbm>>) target(%arg11 : memref<200x128xf32, #tpu.memory_space<vmem>>) offsets(%dma_start3A_95 : memref<200xi32, #tpu.memory_space<vmem>>) semaphore(%arg13 : memref<!tpu.dma_semaphore, #tpu.memory_space<semaphore_mem>>)
      %dma_start3A_103 = arith.constant 0 : i32
      %dma_start3A_104 = tpu.memref_slice %arg3[%add3A_92, %dma_start3A_103] : memref<160000x16xf32, #tpu.memory_space<hbm>> -> memref<200x16xf32, #tpu.memory_space<hbm>>
      %dma_start3A_105 = arith.constant 0 : i32
      %dma_start3A_106 = tpu.memref_slice %arg3[%add3A_92, %dma_start3A_105] : memref<160000x16xf32, #tpu.memory_space<hbm>> -> memref<200x16xf32, #tpu.memory_space<hbm>>
      tpu.enqueue_dma source(%dma_start3A_106 : memref<200x16xf32, #tpu.memory_space<hbm>>) target(%arg10 : memref<200x16xf32, #tpu.memory_space<vmem>>) target_semaphore(%arg14 : memref<!tpu.dma_semaphore, #tpu.memory_space<semaphore_mem>>)
      %dma_start3A_107 = tpu.memref_slice %arg5[%add3A_92] : memref<160000xi32, #tpu.memory_space<hbm>> -> memref<200xi32, #tpu.memory_space<hbm>>
      %dma_start3A_108 = tpu.memref_slice %arg5[%add3A_92] : memref<160000xi32, #tpu.memory_space<hbm>> -> memref<200xi32, #tpu.memory_space<hbm>>
      tpu.enqueue_dma source(%dma_start3A_108 : memref<200xi32, #tpu.memory_space<hbm>>) target(%arg9 : memref<200xi32, #tpu.memory_space<vmem>>) target_semaphore(%arg15 : memref<!tpu.dma_semaphore, #tpu.memory_space<semaphore_mem>>)
      %dma_wait3A = arith.constant 3 : i32
      %dma_wait3A_109 = tpu.memref_slice %arg8[%mul3A_94] : memref<5000xi32, #tpu.memory_space<vmem>> -> memref<200xi32, #tpu.memory_space<vmem>>
      %dma_wait3A_110 = arith.constant 0 : i32
      %dma_wait3A_111 = arith.constant 0 : i32
      %dma_wait3A_112 = tpu.memref_slice %arg2[%dma_wait3A, %dma_wait3A_110, %dma_wait3A_111] : memref<4x10112x128xf32, #tpu.memory_space<hbm>> -> memref<1x10112x128xf32, #tpu.memory_space<hbm>>
      %dma_wait3A_113 = tpu.memref_squeeze %dma_wait3A_112 : memref<1x10112x128xf32, #tpu.memory_space<hbm>> -> memref<10112x128xf32, #tpu.memory_space<hbm>>
      %dma_wait3A_114 = arith.constant 0 : i32
      %dma_wait3A_115 = arith.constant 0 : i32
      %dma_wait3A_116 = tpu.memref_slice %dma_wait3A_113[%dma_wait3A_114, %dma_wait3A_115] : memref<10112x128xf32, #tpu.memory_space<hbm>> -> memref<10112x128xf32, #tpu.memory_space<hbm>>
      tpu.wait_indirect_dma semaphore(%arg13 : memref<!tpu.dma_semaphore, #tpu.memory_space<semaphore_mem>>) src(%dma_wait3A_116 : memref<10112x128xf32, #tpu.memory_space<hbm>>) dst(%arg11 : memref<200x128xf32, #tpu.memory_space<vmem>>)
      %dma_wait3A_117 = arith.constant 0 : i32
      %dma_wait3A_118 = tpu.memref_slice %arg3[%add3A_92, %dma_wait3A_117] : memref<160000x16xf32, #tpu.memory_space<hbm>> -> memref<200x16xf32, #tpu.memory_space<hbm>>
      %dma_wait3A_119 = arith.constant 0 : i32
      %dma_wait3A_120 = tpu.memref_slice %arg3[%add3A_92, %dma_wait3A_119] : memref<160000x16xf32, #tpu.memory_space<hbm>> -> memref<200x16xf32, #tpu.memory_space<hbm>>
      tpu.wait_dma2 semaphore(%arg14 : memref<!tpu.dma_semaphore, #tpu.memory_space<semaphore_mem>>) src(%dma_wait3A_120 : memref<200x16xf32, #tpu.memory_space<hbm>>) dst(%arg10 : memref<200x16xf32, #tpu.memory_space<vmem>>)
      %dma_wait3A_121 = tpu.memref_slice %arg5[%add3A_92] : memref<160000xi32, #tpu.memory_space<hbm>> -> memref<200xi32, #tpu.memory_space<hbm>>
      %dma_wait3A_122 = tpu.memref_slice %arg5[%add3A_92] : memref<160000xi32, #tpu.memory_space<hbm>> -> memref<200xi32, #tpu.memory_space<hbm>>
      tpu.wait_dma2 semaphore(%arg15 : memref<!tpu.dma_semaphore, #tpu.memory_space<semaphore_mem>>) src(%dma_wait3A_122 : memref<200xi32, #tpu.memory_space<hbm>>) dst(%arg9 : memref<200xi32, #tpu.memory_space<vmem>>)
      %scan3A_123 = arith.constant 0 : i32
      %scan3A_124 = arith.constant 0 : i32
      %scan3A_125 = arith.constant 200 : i32
      %scan3A_126 = arith.addi %scan3A_124, %scan3A_125 : i32
      %scan3A_127 = arith.constant 4 : i32
      scf.for %scan3A_129 = %scan3A_124 to %scan3A_126 step %scan3A_127  : i32 {
        %get3A = arith.index_cast %scan3A_129 : i32 to index
        %get3A_130 = arith.constant 0 : index
        %get3A_131 = tpu.vector_load %arg10[%get3A, %get3A_130] {strides = array<i32>} : memref<200x16xf32, #tpu.memory_space<vmem>>, vector<1x16xf32>,
        %get3A_132 = vector.shape_cast %get3A_131 : vector<1x16xf32> to vector<16xf32>
        %slice3A = vector.extract_strided_slice %get3A_132 {offsets = [6], sizes = [1], strides = [1]} : vector<16xf32> to vector<1xf32>
        %squeeze3A = vector.extract %slice3A[0] : f32 from vector<1xf32>
        %get3A_133 = arith.index_cast %scan3A_129 : i32 to index
        %get3A_134 = arith.constant 0 : index
        %get3A_135 = tpu.vector_load %arg11[%get3A_133, %get3A_134] {strides = array<i32>} : memref<200x128xf32, #tpu.memory_space<vmem>>, vector<1x16xf32>,
        %get3A_136 = vector.shape_cast %get3A_135 : vector<1x16xf32> to vector<16xf32>
        %mul3A_137 = vector.broadcast %squeeze3A : f32 to vector<16xf32>
        %mul3A_138 = arith.mulf %get3A_136, %mul3A_137 : vector<16xf32>
        %swap3A = arith.index_cast %scan3A_129 : i32 to index
        %swap3A_139 = arith.constant 0 : index
        %swap3A_140 = tpu.vector_load %arg11[%swap3A, %swap3A_139] {strides = array<i32>} : memref<200x128xf32, #tpu.memory_space<vmem>>, vector<1x16xf32>,
        %swap3A_141 = vector.shape_cast %swap3A_140 : vector<1x16xf32> to vector<16xf32>
        %swap3A_142 = vector.shape_cast %mul3A_138 : vector<16xf32> to vector<1x16xf32>
        tpu.vector_store %arg11[%swap3A, %swap3A_139], %swap3A_142 {strides = array<i32>} : memref<200x128xf32, #tpu.memory_space<vmem>>, vector<1x16xf32>,
        %get3A_143 = arith.index_cast %scan3A_129 : i32 to index
        %get3A_144 = arith.constant 16 : index
        %get3A_145 = tpu.vector_load %arg11[%get3A_143, %get3A_144] {strides = array<i32>} : memref<200x128xf32, #tpu.memory_space<vmem>>, vector<1x16xf32>,
        %get3A_146 = vector.shape_cast %get3A_145 : vector<1x16xf32> to vector<16xf32>
        %mul3A_147 = vector.broadcast %squeeze3A : f32 to vector<16xf32>
        %mul3A_148 = arith.mulf %get3A_146, %mul3A_147 : vector<16xf32>
        %swap3A_149 = arith.index_cast %scan3A_129 : i32 to index
        %swap3A_150 = arith.constant 16 : index
        %swap3A_151 = tpu.vector_load %arg11[%swap3A_149, %swap3A_150] {strides = array<i32>} : memref<200x128xf32, #tpu.memory_space<vmem>>, vector<1x16xf32>,
        %swap3A_152 = vector.shape_cast %swap3A_151 : vector<1x16xf32> to vector<16xf32>
        %swap3A_153 = vector.shape_cast %mul3A_148 : vector<16xf32> to vector<1x16xf32>
        tpu.vector_store %arg11[%swap3A_149, %swap3A_150], %swap3A_153 {strides = array<i32>} : memref<200x128xf32, #tpu.memory_space<vmem>>, vector<1x16xf32>,
        %get3A_154 = arith.index_cast %scan3A_129 : i32 to index
        %get3A_155 = arith.constant 32 : index
        %get3A_156 = tpu.vector_load %arg11[%get3A_154, %get3A_155] {strides = array<i32>} : memref<200x128xf32, #tpu.memory_space<vmem>>, vector<1x16xf32>,
        %get3A_157 = vector.shape_cast %get3A_156 : vector<1x16xf32> to vector<16xf32>
        %mul3A_158 = vector.broadcast %squeeze3A : f32 to vector<16xf32>
        %mul3A_159 = arith.mulf %get3A_157, %mul3A_158 : vector<16xf32>
        %swap3A_160 = arith.index_cast %scan3A_129 : i32 to index
        %swap3A_161 = arith.constant 32 : index
        %swap3A_162 = tpu.vector_load %arg11[%swap3A_160, %swap3A_161] {strides = array<i32>} : memref<200x128xf32, #tpu.memory_space<vmem>>, vector<1x16xf32>,
        %swap3A_163 = vector.shape_cast %swap3A_162 : vector<1x16xf32> to vector<16xf32>
        %swap3A_164 = vector.shape_cast %mul3A_159 : vector<16xf32> to vector<1x16xf32>
        tpu.vector_store %arg11[%swap3A_160, %swap3A_161], %swap3A_164 {strides = array<i32>} : memref<200x128xf32, #tpu.memory_space<vmem>>, vector<1x16xf32>,
        %get3A_165 = arith.index_cast %scan3A_129 : i32 to index
        %get3A_166 = arith.constant 48 : index
        %get3A_167 = tpu.vector_load %arg11[%get3A_165, %get3A_166] {strides = array<i32>} : memref<200x128xf32, #tpu.memory_space<vmem>>, vector<1x16xf32>,
        %get3A_168 = vector.shape_cast %get3A_167 : vector<1x16xf32> to vector<16xf32>
        %mul3A_169 = vector.broadcast %squeeze3A : f32 to vector<16xf32>
        %mul3A_170 = arith.mulf %get3A_168, %mul3A_169 : vector<16xf32>
        %swap3A_171 = arith.index_cast %scan3A_129 : i32 to index
        %swap3A_172 = arith.constant 48 : index
        %swap3A_173 = tpu.vector_load %arg11[%swap3A_171, %swap3A_172] {strides = array<i32>} : memref<200x128xf32, #tpu.memory_space<vmem>>, vector<1x16xf32>,
        %swap3A_174 = vector.shape_cast %swap3A_173 : vector<1x16xf32> to vector<16xf32>
        %swap3A_175 = vector.shape_cast %mul3A_170 : vector<16xf32> to vector<1x16xf32>
        tpu.vector_store %arg11[%swap3A_171, %swap3A_172], %swap3A_175 {strides = array<i32>} : memref<200x128xf32, #tpu.memory_space<vmem>>, vector<1x16xf32>,
        %slice3A_176 = vector.extract_strided_slice %get3A_132 {offsets = [7], sizes = [1], strides = [1]} : vector<16xf32> to vector<1xf32>
        %squeeze3A_177 = vector.extract %slice3A_176[0] : f32 from vector<1xf32>
        %get3A_178 = arith.index_cast %scan3A_129 : i32 to index
        %get3A_179 = arith.constant 64 : index
        %get3A_180 = tpu.vector_load %arg11[%get3A_178, %get3A_179] {strides = array<i32>} : memref<200x128xf32, #tpu.memory_space<vmem>>, vector<1x16xf32>,
        %get3A_181 = vector.shape_cast %get3A_180 : vector<1x16xf32> to vector<16xf32>
        %mul3A_182 = vector.broadcast %squeeze3A_177 : f32 to vector<16xf32>
        %mul3A_183 = arith.mulf %get3A_181, %mul3A_182 : vector<16xf32>
        %swap3A_184 = arith.index_cast %scan3A_129 : i32 to index
        %swap3A_185 = arith.constant 64 : index
        %swap3A_186 = tpu.vector_load %arg11[%swap3A_184, %swap3A_185] {strides = array<i32>} : memref<200x128xf32, #tpu.memory_space<vmem>>, vector<1x16xf32>,
        %swap3A_187 = vector.shape_cast %swap3A_186 : vector<1x16xf32> to vector<16xf32>
        %swap3A_188 = vector.shape_cast %mul3A_183 : vector<16xf32> to vector<1x16xf32>
        tpu.vector_store %arg11[%swap3A_184, %swap3A_185], %swap3A_188 {strides = array<i32>} : memref<200x128xf32, #tpu.memory_space<vmem>>, vector<1x16xf32>,
        %get3A_189 = arith.index_cast %scan3A_129 : i32 to index
        %get3A_190 = arith.constant 80 : index
        %get3A_191 = tpu.vector_load %arg11[%get3A_189, %get3A_190] {strides = array<i32>} : memref<200x128xf32, #tpu.memory_space<vmem>>, vector<1x16xf32>,
        %get3A_192 = vector.shape_cast %get3A_191 : vector<1x16xf32> to vector<16xf32>
        %mul3A_193 = vector.broadcast %squeeze3A_177 : f32 to vector<16xf32>
        %mul3A_194 = arith.mulf %get3A_192, %mul3A_193 : vector<16xf32>
        %swap3A_195 = arith.index_cast %scan3A_129 : i32 to index
        %swap3A_196 = arith.constant 80 : index
        %swap3A_197 = tpu.vector_load %arg11[%swap3A_195, %swap3A_196] {strides = array<i32>} : memref<200x128xf32, #tpu.memory_space<vmem>>, vector<1x16xf32>,
        %swap3A_198 = vector.shape_cast %swap3A_197 : vector<1x16xf32> to vector<16xf32>
        %swap3A_199 = vector.shape_cast %mul3A_194 : vector<16xf32> to vector<1x16xf32>
        tpu.vector_store %arg11[%swap3A_195, %swap3A_196], %swap3A_199 {strides = array<i32>} : memref<200x128xf32, #tpu.memory_space<vmem>>, vector<1x16xf32>,
        %get3A_200 = arith.index_cast %scan3A_129 : i32 to index
        %get3A_201 = arith.constant 96 : index
        %get3A_202 = tpu.vector_load %arg11[%get3A_200, %get3A_201] {strides = array<i32>} : memref<200x128xf32, #tpu.memory_space<vmem>>, vector<1x16xf32>,
        %get3A_203 = vector.shape_cast %get3A_202 : vector<1x16xf32> to vector<16xf32>
        %mul3A_204 = vector.broadcast %squeeze3A_177 : f32 to vector<16xf32>
        %mul3A_205 = arith.mulf %get3A_203, %mul3A_204 : vector<16xf32>
        %swap3A_206 = arith.index_cast %scan3A_129 : i32 to index
        %swap3A_207 = arith.constant 96 : index
        %swap3A_208 = tpu.vector_load %arg11[%swap3A_206, %swap3A_207] {strides = array<i32>} : memref<200x128xf32, #tpu.memory_space<vmem>>, vector<1x16xf32>,
        %swap3A_209 = vector.shape_cast %swap3A_208 : vector<1x16xf32> to vector<16xf32>
        %swap3A_210 = vector.shape_cast %mul3A_205 : vector<16xf32> to vector<1x16xf32>
        tpu.vector_store %arg11[%swap3A_206, %swap3A_207], %swap3A_210 {strides = array<i32>} : memref<200x128xf32, #tpu.memory_space<vmem>>, vector<1x16xf32>,
        %get3A_211 = arith.index_cast %scan3A_129 : i32 to index
        %get3A_212 = arith.constant 112 : index
        %get3A_213 = tpu.vector_load %arg11[%get3A_211, %get3A_212] {strides = array<i32>} : memref<200x128xf32, #tpu.memory_space<vmem>>, vector<1x16xf32>,
        %get3A_214 = vector.shape_cast %get3A_213 : vector<1x16xf32> to vector<16xf32>
        %mul3A_215 = vector.broadcast %squeeze3A_177 : f32 to vector<16xf32>
        %mul3A_216 = arith.mulf %get3A_214, %mul3A_215 : vector<16xf32>
        %swap3A_217 = arith.index_cast %scan3A_129 : i32 to index
        %swap3A_218 = arith.constant 112 : index
        %swap3A_219 = tpu.vector_load %arg11[%swap3A_217, %swap3A_218] {strides = array<i32>} : memref<200x128xf32, #tpu.memory_space<vmem>>, vector<1x16xf32>,
        %swap3A_220 = vector.shape_cast %swap3A_219 : vector<1x16xf32> to vector<16xf32>
        %swap3A_221 = vector.shape_cast %mul3A_216 : vector<16xf32> to vector<1x16xf32>
        tpu.vector_store %arg11[%swap3A_217, %swap3A_218], %swap3A_221 {strides = array<i32>} : memref<200x128xf32, #tpu.memory_space<vmem>>, vector<1x16xf32>,
        %scan3A_222 = arith.constant 1 : i32
        %scan3A_223 = arith.addi %scan3A_129, %scan3A_222 : i32
        %get3A_224 = arith.index_cast %scan3A_223 : i32 to index
        %get3A_225 = arith.constant 0 : index
        %get3A_226 = tpu.vector_load %arg10[%get3A_224, %get3A_225] {strides = array<i32>} : memref<200x16xf32, #tpu.memory_space<vmem>>, vector<1x16xf32>,
        %get3A_227 = vector.shape_cast %get3A_226 : vector<1x16xf32> to vector<16xf32>
        %slice3A_228 = vector.extract_strided_slice %get3A_227 {offsets = [6], sizes = [1], strides = [1]} : vector<16xf32> to vector<1xf32>
        %squeeze3A_229 = vector.extract %slice3A_228[0] : f32 from vector<1xf32>
        %get3A_230 = arith.index_cast %scan3A_223 : i32 to index
        %get3A_231 = arith.constant 0 : index
        %get3A_232 = tpu.vector_load %arg11[%get3A_230, %get3A_231] {strides = array<i32>} : memref<200x128xf32, #tpu.memory_space<vmem>>, vector<1x16xf32>,
        %get3A_233 = vector.shape_cast %get3A_232 : vector<1x16xf32> to vector<16xf32>
        %mul3A_234 = vector.broadcast %squeeze3A_229 : f32 to vector<16xf32>
        %mul3A_235 = arith.mulf %get3A_233, %mul3A_234 : vector<16xf32>
        %swap3A_236 = arith.index_cast %scan3A_223 : i32 to index
        %swap3A_237 = arith.constant 0 : index
        %swap3A_238 = tpu.vector_load %arg11[%swap3A_236, %swap3A_237] {strides = array<i32>} : memref<200x128xf32, #tpu.memory_space<vmem>>, vector<1x16xf32>,
        %swap3A_239 = vector.shape_cast %swap3A_238 : vector<1x16xf32> to vector<16xf32>
        %swap3A_240 = vector.shape_cast %mul3A_235 : vector<16xf32> to vector<1x16xf32>
        tpu.vector_store %arg11[%swap3A_236, %swap3A_237], %swap3A_240 {strides = array<i32>} : memref<200x128xf32, #tpu.memory_space<vmem>>, vector<1x16xf32>,
        %get3A_241 = arith.index_cast %scan3A_223 : i32 to index
        %get3A_242 = arith.constant 16 : index
        %get3A_243 = tpu.vector_load %arg11[%get3A_241, %get3A_242] {strides = array<i32>} : memref<200x128xf32, #tpu.memory_space<vmem>>, vector<1x16xf32>,
        %get3A_244 = vector.shape_cast %get3A_243 : vector<1x16xf32> to vector<16xf32>
        %mul3A_245 = vector.broadcast %squeeze3A_229 : f32 to vector<16xf32>
        %mul3A_246 = arith.mulf %get3A_244, %mul3A_245 : vector<16xf32>
        %swap3A_247 = arith.index_cast %scan3A_223 : i32 to index
        %swap3A_248 = arith.constant 16 : index
        %swap3A_249 = tpu.vector_load %arg11[%swap3A_247, %swap3A_248] {strides = array<i32>} : memref<200x128xf32, #tpu.memory_space<vmem>>, vector<1x16xf32>,
        %swap3A_250 = vector.shape_cast %swap3A_249 : vector<1x16xf32> to vector<16xf32>
        %swap3A_251 = vector.shape_cast %mul3A_246 : vector<16xf32> to vector<1x16xf32>
        tpu.vector_store %arg11[%swap3A_247, %swap3A_248], %swap3A_251 {strides = array<i32>} : memref<200x128xf32, #tpu.memory_space<vmem>>, vector<1x16xf32>,
        %get3A_252 = arith.index_cast %scan3A_223 : i32 to index
        %get3A_253 = arith.constant 32 : index
        %get3A_254 = tpu.vector_load %arg11[%get3A_252, %get3A_253] {strides = array<i32>} : memref<200x128xf32, #tpu.memory_space<vmem>>, vector<1x16xf32>,
        %get3A_255 = vector.shape_cast %get3A_254 : vector<1x16xf32> to vector<16xf32>
        %mul3A_256 = vector.broadcast %squeeze3A_229 : f32 to vector<16xf32>
        %mul3A_257 = arith.mulf %get3A_255, %mul3A_256 : vector<16xf32>
        %swap3A_258 = arith.index_cast %scan3A_223 : i32 to index
        %swap3A_259 = arith.constant 32 : index
        %swap3A_260 = tpu.vector_load %arg11[%swap3A_258, %swap3A_259] {strides = array<i32>} : memref<200x128xf32, #tpu.memory_space<vmem>>, vector<1x16xf32>,
        %swap3A_261 = vector.shape_cast %swap3A_260 : vector<1x16xf32> to vector<16xf32>
        %swap3A_262 = vector.shape_cast %mul3A_257 : vector<16xf32> to vector<1x16xf32>
        tpu.vector_store %arg11[%swap3A_258, %swap3A_259], %swap3A_262 {strides = array<i32>} : memref<200x128xf32, #tpu.memory_space<vmem>>, vector<1x16xf32>,
        %get3A_263 = arith.index_cast %scan3A_223 : i32 to index
        %get3A_264 = arith.constant 48 : index
        %get3A_265 = tpu.vector_load %arg11[%get3A_263, %get3A_264] {strides = array<i32>} : memref<200x128xf32, #tpu.memory_space<vmem>>, vector<1x16xf32>,
        %get3A_266 = vector.shape_cast %get3A_265 : vector<1x16xf32> to vector<16xf32>
        %mul3A_267 = vector.broadcast %squeeze3A_229 : f32 to vector<16xf32>
        %mul3A_268 = arith.mulf %get3A_266, %mul3A_267 : vector<16xf32>
        %swap3A_269 = arith.index_cast %scan3A_223 : i32 to index
        %swap3A_270 = arith.constant 48 : index
        %swap3A_271 = tpu.vector_load %arg11[%swap3A_269, %swap3A_270] {strides = array<i32>} : memref<200x128xf32, #tpu.memory_space<vmem>>, vector<1x16xf32>,
        %swap3A_272 = vector.shape_cast %swap3A_271 : vector<1x16xf32> to vector<16xf32>
        %swap3A_273 = vector.shape_cast %mul3A_268 : vector<16xf32> to vector<1x16xf32>
        tpu.vector_store %arg11[%swap3A_269, %swap3A_270], %swap3A_273 {strides = array<i32>} : memref<200x128xf32, #tpu.memory_space<vmem>>, vector<1x16xf32>,
        %slice3A_274 = vector.extract_strided_slice %get3A_227 {offsets = [7], sizes = [1], strides = [1]} : vector<16xf32> to vector<1xf32>
        %squeeze3A_275 = vector.extract %slice3A_274[0] : f32 from vector<1xf32>
        %get3A_276 = arith.index_cast %scan3A_223 : i32 to index
        %get3A_277 = arith.constant 64 : index
        %get3A_278 = tpu.vector_load %arg11[%get3A_276, %get3A_277] {strides = array<i32>} : memref<200x128xf32, #tpu.memory_space<vmem>>, vector<1x16xf32>,
        %get3A_279 = vector.shape_cast %get3A_278 : vector<1x16xf32> to vector<16xf32>
        %mul3A_280 = vector.broadcast %squeeze3A_275 : f32 to vector<16xf32>
        %mul3A_281 = arith.mulf %get3A_279, %mul3A_280 : vector<16xf32>
        %swap3A_282 = arith.index_cast %scan3A_223 : i32 to index
        %swap3A_283 = arith.constant 64 : index
        %swap3A_284 = tpu.vector_load %arg11[%swap3A_282, %swap3A_283] {strides = array<i32>} : memref<200x128xf32, #tpu.memory_space<vmem>>, vector<1x16xf32>,
        %swap3A_285 = vector.shape_cast %swap3A_284 : vector<1x16xf32> to vector<16xf32>
        %swap3A_286 = vector.shape_cast %mul3A_281 : vector<16xf32> to vector<1x16xf32>
        tpu.vector_store %arg11[%swap3A_282, %swap3A_283], %swap3A_286 {strides = array<i32>} : memref<200x128xf32, #tpu.memory_space<vmem>>, vector<1x16xf32>,
        %get3A_287 = arith.index_cast %scan3A_223 : i32 to index
        %get3A_288 = arith.constant 80 : index
        %get3A_289 = tpu.vector_load %arg11[%get3A_287, %get3A_288] {strides = array<i32>} : memref<200x128xf32, #tpu.memory_space<vmem>>, vector<1x16xf32>,
        %get3A_290 = vector.shape_cast %get3A_289 : vector<1x16xf32> to vector<16xf32>
        %mul3A_291 = vector.broadcast %squeeze3A_275 : f32 to vector<16xf32>
        %mul3A_292 = arith.mulf %get3A_290, %mul3A_291 : vector<16xf32>
        %swap3A_293 = arith.index_cast %scan3A_223 : i32 to index
        %swap3A_294 = arith.constant 80 : index
        %swap3A_295 = tpu.vector_load %arg11[%swap3A_293, %swap3A_294] {strides = array<i32>} : memref<200x128xf32, #tpu.memory_space<vmem>>, vector<1x16xf32>,
        %swap3A_296 = vector.shape_cast %swap3A_295 : vector<1x16xf32> to vector<16xf32>
        %swap3A_297 = vector.shape_cast %mul3A_292 : vector<16xf32> to vector<1x16xf32>
        tpu.vector_store %arg11[%swap3A_293, %swap3A_294], %swap3A_297 {strides = array<i32>} : memref<200x128xf32, #tpu.memory_space<vmem>>, vector<1x16xf32>,
        %get3A_298 = arith.index_cast %scan3A_223 : i32 to index
        %get3A_299 = arith.constant 96 : index
        %get3A_300 = tpu.vector_load %arg11[%get3A_298, %get3A_299] {strides = array<i32>} : memref<200x128xf32, #tpu.memory_space<vmem>>, vector<1x16xf32>,
        %get3A_301 = vector.shape_cast %get3A_300 : vector<1x16xf32> to vector<16xf32>
        %mul3A_302 = vector.broadcast %squeeze3A_275 : f32 to vector<16xf32>
        %mul3A_303 = arith.mulf %get3A_301, %mul3A_302 : vector<16xf32>
        %swap3A_304 = arith.index_cast %scan3A_223 : i32 to index
        %swap3A_305 = arith.constant 96 : index
        %swap3A_306 = tpu.vector_load %arg11[%swap3A_304, %swap3A_305] {strides = array<i32>} : memref<200x128xf32, #tpu.memory_space<vmem>>, vector<1x16xf32>,
        %swap3A_307 = vector.shape_cast %swap3A_306 : vector<1x16xf32> to vector<16xf32>
        %swap3A_308 = vector.shape_cast %mul3A_303 : vector<16xf32> to vector<1x16xf32>
        tpu.vector_store %arg11[%swap3A_304, %swap3A_305], %swap3A_308 {strides = array<i32>} : memref<200x128xf32, #tpu.memory_space<vmem>>, vector<1x16xf32>,
        %get3A_309 = arith.index_cast %scan3A_223 : i32 to index
        %get3A_310 = arith.constant 112 : index
        %get3A_311 = tpu.vector_load %arg11[%get3A_309, %get3A_310] {strides = array<i32>} : memref<200x128xf32, #tpu.memory_space<vmem>>, vector<1x16xf32>,
        %get3A_312 = vector.shape_cast %get3A_311 : vector<1x16xf32> to vector<16xf32>
        %mul3A_313 = vector.broadcast %squeeze3A_275 : f32 to vector<16xf32>
        %mul3A_314 = arith.mulf %get3A_312, %mul3A_313 : vector<16xf32>
        %swap3A_315 = arith.index_cast %scan3A_223 : i32 to index
        %swap3A_316 = arith.constant 112 : index
        %swap3A_317 = tpu.vector_load %arg11[%swap3A_315, %swap3A_316] {strides = array<i32>} : memref<200x128xf32, #tpu.memory_space<vmem>>, vector<1x16xf32>,
        %swap3A_318 = vector.shape_cast %swap3A_317 : vector<1x16xf32> to vector<16xf32>
        %swap3A_319 = vector.shape_cast %mul3A_314 : vector<16xf32> to vector<1x16xf32>
        tpu.vector_store %arg11[%swap3A_315, %swap3A_316], %swap3A_319 {strides = array<i32>} : memref<200x128xf32, #tpu.memory_space<vmem>>, vector<1x16xf32>,
        %scan3A_320 = arith.constant 2 : i32
        %scan3A_321 = arith.addi %scan3A_129, %scan3A_320 : i32
        %get3A_322 = arith.index_cast %scan3A_321 : i32 to index
        %get3A_323 = arith.constant 0 : index
        %get3A_324 = tpu.vector_load %arg10[%get3A_322, %get3A_323] {strides = array<i32>} : memref<200x16xf32, #tpu.memory_space<vmem>>, vector<1x16xf32>,
        %get3A_325 = vector.shape_cast %get3A_324 : vector<1x16xf32> to vector<16xf32>
        %slice3A_326 = vector.extract_strided_slice %get3A_325 {offsets = [6], sizes = [1], strides = [1]} : vector<16xf32> to vector<1xf32>
        %squeeze3A_327 = vector.extract %slice3A_326[0] : f32 from vector<1xf32>
        %get3A_328 = arith.index_cast %scan3A_321 : i32 to index
        %get3A_329 = arith.constant 0 : index
        %get3A_330 = tpu.vector_load %arg11[%get3A_328, %get3A_329] {strides = array<i32>} : memref<200x128xf32, #tpu.memory_space<vmem>>, vector<1x16xf32>,
        %get3A_331 = vector.shape_cast %get3A_330 : vector<1x16xf32> to vector<16xf32>
        %mul3A_332 = vector.broadcast %squeeze3A_327 : f32 to vector<16xf32>
        %mul3A_333 = arith.mulf %get3A_331, %mul3A_332 : vector<16xf32>
        %swap3A_334 = arith.index_cast %scan3A_321 : i32 to index
        %swap3A_335 = arith.constant 0 : index
        %swap3A_336 = tpu.vector_load %arg11[%swap3A_334, %swap3A_335] {strides = array<i32>} : memref<200x128xf32, #tpu.memory_space<vmem>>, vector<1x16xf32>,
        %swap3A_337 = vector.shape_cast %swap3A_336 : vector<1x16xf32> to vector<16xf32>
        %swap3A_338 = vector.shape_cast %mul3A_333 : vector<16xf32> to vector<1x16xf32>
        tpu.vector_store %arg11[%swap3A_334, %swap3A_335], %swap3A_338 {strides = array<i32>} : memref<200x128xf32, #tpu.memory_space<vmem>>, vector<1x16xf32>,
        %get3A_339 = arith.index_cast %scan3A_321 : i32 to index
        %get3A_340 = arith.constant 16 : index
        %get3A_341 = tpu.vector_load %arg11[%get3A_339, %get3A_340] {strides = array<i32>} : memref<200x128xf32, #tpu.memory_space<vmem>>, vector<1x16xf32>,
        %get3A_342 = vector.shape_cast %get3A_341 : vector<1x16xf32> to vector<16xf32>
        %mul3A_343 = vector.broadcast %squeeze3A_327 : f32 to vector<16xf32>
        %mul3A_344 = arith.mulf %get3A_342, %mul3A_343 : vector<16xf32>
        %swap3A_345 = arith.index_cast %scan3A_321 : i32 to index
        %swap3A_346 = arith.constant 16 : index
        %swap3A_347 = tpu.vector_load %arg11[%swap3A_345, %swap3A_346] {strides = array<i32>} : memref<200x128xf32, #tpu.memory_space<vmem>>, vector<1x16xf32>,
        %swap3A_348 = vector.shape_cast %swap3A_347 : vector<1x16xf32> to vector<16xf32>
        %swap3A_349 = vector.shape_cast %mul3A_344 : vector<16xf32> to vector<1x16xf32>
        tpu.vector_store %arg11[%swap3A_345, %swap3A_346], %swap3A_349 {strides = array<i32>} : memref<200x128xf32, #tpu.memory_space<vmem>>, vector<1x16xf32>,
        %get3A_350 = arith.index_cast %scan3A_321 : i32 to index
        %get3A_351 = arith.constant 32 : index
        %get3A_352 = tpu.vector_load %arg11[%get3A_350, %get3A_351] {strides = array<i32>} : memref<200x128xf32, #tpu.memory_space<vmem>>, vector<1x16xf32>,
        %get3A_353 = vector.shape_cast %get3A_352 : vector<1x16xf32> to vector<16xf32>
        %mul3A_354 = vector.broadcast %squeeze3A_327 : f32 to vector<16xf32>
        %mul3A_355 = arith.mulf %get3A_353, %mul3A_354 : vector<16xf32>
        %swap3A_356 = arith.index_cast %scan3A_321 : i32 to index
        %swap3A_357 = arith.constant 32 : index
        %swap3A_358 = tpu.vector_load %arg11[%swap3A_356, %swap3A_357] {strides = array<i32>} : memref<200x128xf32, #tpu.memory_space<vmem>>, vector<1x16xf32>,
        %swap3A_359 = vector.shape_cast %swap3A_358 : vector<1x16xf32> to vector<16xf32>
        %swap3A_360 = vector.shape_cast %mul3A_355 : vector<16xf32> to vector<1x16xf32>
        tpu.vector_store %arg11[%swap3A_356, %swap3A_357], %swap3A_360 {strides = array<i32>} : memref<200x128xf32, #tpu.memory_space<vmem>>, vector<1x16xf32>,
        %get3A_361 = arith.index_cast %scan3A_321 : i32 to index
        %get3A_362 = arith.constant 48 : index
        %get3A_363 = tpu.vector_load %arg11[%get3A_361, %get3A_362] {strides = array<i32>} : memref<200x128xf32, #tpu.memory_space<vmem>>, vector<1x16xf32>,
        %get3A_364 = vector.shape_cast %get3A_363 : vector<1x16xf32> to vector<16xf32>
        %mul3A_365 = vector.broadcast %squeeze3A_327 : f32 to vector<16xf32>
        %mul3A_366 = arith.mulf %get3A_364, %mul3A_365 : vector<16xf32>
        %swap3A_367 = arith.index_cast %scan3A_321 : i32 to index
        %swap3A_368 = arith.constant 48 : index
        %swap3A_369 = tpu.vector_load %arg11[%swap3A_367, %swap3A_368] {strides = array<i32>} : memref<200x128xf32, #tpu.memory_space<vmem>>, vector<1x16xf32>,
        %swap3A_370 = vector.shape_cast %swap3A_369 : vector<1x16xf32> to vector<16xf32>
        %swap3A_371 = vector.shape_cast %mul3A_366 : vector<16xf32> to vector<1x16xf32>
        tpu.vector_store %arg11[%swap3A_367, %swap3A_368], %swap3A_371 {strides = array<i32>} : memref<200x128xf32, #tpu.memory_space<vmem>>, vector<1x16xf32>,
        %slice3A_372 = vector.extract_strided_slice %get3A_325 {offsets = [7], sizes = [1], strides = [1]} : vector<16xf32> to vector<1xf32>
        %squeeze3A_373 = vector.extract %slice3A_372[0] : f32 from vector<1xf32>
        %get3A_374 = arith.index_cast %scan3A_321 : i32 to index
        %get3A_375 = arith.constant 64 : index
        %get3A_376 = tpu.vector_load %arg11[%get3A_374, %get3A_375] {strides = array<i32>} : memref<200x128xf32, #tpu.memory_space<vmem>>, vector<1x16xf32>,
        %get3A_377 = vector.shape_cast %get3A_376 : vector<1x16xf32> to vector<16xf32>
        %mul3A_378 = vector.broadcast %squeeze3A_373 : f32 to vector<16xf32>
        %mul3A_379 = arith.mulf %get3A_377, %mul3A_378 : vector<16xf32>
        %swap3A_380 = arith.index_cast %scan3A_321 : i32 to index
        %swap3A_381 = arith.constant 64 : index
        %swap3A_382 = tpu.vector_load %arg11[%swap3A_380, %swap3A_381] {strides = array<i32>} : memref<200x128xf32, #tpu.memory_space<vmem>>, vector<1x16xf32>,
        %swap3A_383 = vector.shape_cast %swap3A_382 : vector<1x16xf32> to vector<16xf32>
        %swap3A_384 = vector.shape_cast %mul3A_379 : vector<16xf32> to vector<1x16xf32>
        tpu.vector_store %arg11[%swap3A_380, %swap3A_381], %swap3A_384 {strides = array<i32>} : memref<200x128xf32, #tpu.memory_space<vmem>>, vector<1x16xf32>,
        %get3A_385 = arith.index_cast %scan3A_321 : i32 to index
        %get3A_386 = arith.constant 80 : index
        %get3A_387 = tpu.vector_load %arg11[%get3A_385, %get3A_386] {strides = array<i32>} : memref<200x128xf32, #tpu.memory_space<vmem>>, vector<1x16xf32>,
        %get3A_388 = vector.shape_cast %get3A_387 : vector<1x16xf32> to vector<16xf32>
        %mul3A_389 = vector.broadcast %squeeze3A_373 : f32 to vector<16xf32>
        %mul3A_390 = arith.mulf %get3A_388, %mul3A_389 : vector<16xf32>
        %swap3A_391 = arith.index_cast %scan3A_321 : i32 to index
        %swap3A_392 = arith.constant 80 : index
        %swap3A_393 = tpu.vector_load %arg11[%swap3A_391, %swap3A_392] {strides = array<i32>} : memref<200x128xf32, #tpu.memory_space<vmem>>, vector<1x16xf32>,
        %swap3A_394 = vector.shape_cast %swap3A_393 : vector<1x16xf32> to vector<16xf32>
        %swap3A_395 = vector.shape_cast %mul3A_390 : vector<16xf32> to vector<1x16xf32>
        tpu.vector_store %arg11[%swap3A_391, %swap3A_392], %swap3A_395 {strides = array<i32>} : memref<200x128xf32, #tpu.memory_space<vmem>>, vector<1x16xf32>,
        %get3A_396 = arith.index_cast %scan3A_321 : i32 to index
        %get3A_397 = arith.constant 96 : index
        %get3A_398 = tpu.vector_load %arg11[%get3A_396, %get3A_397] {strides = array<i32>} : memref<200x128xf32, #tpu.memory_space<vmem>>, vector<1x16xf32>,
        %get3A_399 = vector.shape_cast %get3A_398 : vector<1x16xf32> to vector<16xf32>
        %mul3A_400 = vector.broadcast %squeeze3A_373 : f32 to vector<16xf32>
        %mul3A_401 = arith.mulf %get3A_399, %mul3A_400 : vector<16xf32>
        %swap3A_402 = arith.index_cast %scan3A_321 : i32 to index
        %swap3A_403 = arith.constant 96 : index
        %swap3A_404 = tpu.vector_load %arg11[%swap3A_402, %swap3A_403] {strides = array<i32>} : memref<200x128xf32, #tpu.memory_space<vmem>>, vector<1x16xf32>,
        %swap3A_405 = vector.shape_cast %swap3A_404 : vector<1x16xf32> to vector<16xf32>
        %swap3A_406 = vector.shape_cast %mul3A_401 : vector<16xf32> to vector<1x16xf32>
        tpu.vector_store %arg11[%swap3A_402, %swap3A_403], %swap3A_406 {strides = array<i32>} : memref<200x128xf32, #tpu.memory_space<vmem>>, vector<1x16xf32>,
        %get3A_407 = arith.index_cast %scan3A_321 : i32 to index
        %get3A_408 = arith.constant 112 : index
        %get3A_409 = tpu.vector_load %arg11[%get3A_407, %get3A_408] {strides = array<i32>} : memref<200x128xf32, #tpu.memory_space<vmem>>, vector<1x16xf32>,
        %get3A_410 = vector.shape_cast %get3A_409 : vector<1x16xf32> to vector<16xf32>
        %mul3A_411 = vector.broadcast %squeeze3A_373 : f32 to vector<16xf32>
        %mul3A_412 = arith.mulf %get3A_410, %mul3A_411 : vector<16xf32>
        %swap3A_413 = arith.index_cast %scan3A_321 : i32 to index
        %swap3A_414 = arith.constant 112 : index
        %swap3A_415 = tpu.vector_load %arg11[%swap3A_413, %swap3A_414] {strides = array<i32>} : memref<200x128xf32, #tpu.memory_space<vmem>>, vector<1x16xf32>,
        %swap3A_416 = vector.shape_cast %swap3A_415 : vector<1x16xf32> to vector<16xf32>
        %swap3A_417 = vector.shape_cast %mul3A_412 : vector<16xf32> to vector<1x16xf32>
        tpu.vector_store %arg11[%swap3A_413, %swap3A_414], %swap3A_417 {strides = array<i32>} : memref<200x128xf32, #tpu.memory_space<vmem>>, vector<1x16xf32>,
        %scan3A_418 = arith.constant 3 : i32
        %scan3A_419 = arith.addi %scan3A_129, %scan3A_418 : i32
        %get3A_420 = arith.index_cast %scan3A_419 : i32 to index
        %get3A_421 = arith.constant 0 : index
        %get3A_422 = tpu.vector_load %arg10[%get3A_420, %get3A_421] {strides = array<i32>} : memref<200x16xf32, #tpu.memory_space<vmem>>, vector<1x16xf32>,
        %get3A_423 = vector.shape_cast %get3A_422 : vector<1x16xf32> to vector<16xf32>
        %slice3A_424 = vector.extract_strided_slice %get3A_423 {offsets = [6], sizes = [1], strides = [1]} : vector<16xf32> to vector<1xf32>
        %squeeze3A_425 = vector.extract %slice3A_424[0] : f32 from vector<1xf32>
        %get3A_426 = arith.index_cast %scan3A_419 : i32 to index
        %get3A_427 = arith.constant 0 : index
        %get3A_428 = tpu.vector_load %arg11[%get3A_426, %get3A_427] {strides = array<i32>} : memref<200x128xf32, #tpu.memory_space<vmem>>, vector<1x16xf32>,
        %get3A_429 = vector.shape_cast %get3A_428 : vector<1x16xf32> to vector<16xf32>
        %mul3A_430 = vector.broadcast %squeeze3A_425 : f32 to vector<16xf32>
        %mul3A_431 = arith.mulf %get3A_429, %mul3A_430 : vector<16xf32>
        %swap3A_432 = arith.index_cast %scan3A_419 : i32 to index
        %swap3A_433 = arith.constant 0 : index
        %swap3A_434 = tpu.vector_load %arg11[%swap3A_432, %swap3A_433] {strides = array<i32>} : memref<200x128xf32, #tpu.memory_space<vmem>>, vector<1x16xf32>,
        %swap3A_435 = vector.shape_cast %swap3A_434 : vector<1x16xf32> to vector<16xf32>
        %swap3A_436 = vector.shape_cast %mul3A_431 : vector<16xf32> to vector<1x16xf32>
        tpu.vector_store %arg11[%swap3A_432, %swap3A_433], %swap3A_436 {strides = array<i32>} : memref<200x128xf32, #tpu.memory_space<vmem>>, vector<1x16xf32>,
        %get3A_437 = arith.index_cast %scan3A_419 : i32 to index
        %get3A_438 = arith.constant 16 : index
        %get3A_439 = tpu.vector_load %arg11[%get3A_437, %get3A_438] {strides = array<i32>} : memref<200x128xf32, #tpu.memory_space<vmem>>, vector<1x16xf32>,
        %get3A_440 = vector.shape_cast %get3A_439 : vector<1x16xf32> to vector<16xf32>
        %mul3A_441 = vector.broadcast %squeeze3A_425 : f32 to vector<16xf32>
        %mul3A_442 = arith.mulf %get3A_440, %mul3A_441 : vector<16xf32>
        %swap3A_443 = arith.index_cast %scan3A_419 : i32 to index
        %swap3A_444 = arith.constant 16 : index
        %swap3A_445 = tpu.vector_load %arg11[%swap3A_443, %swap3A_444] {strides = array<i32>} : memref<200x128xf32, #tpu.memory_space<vmem>>, vector<1x16xf32>,
        %swap3A_446 = vector.shape_cast %swap3A_445 : vector<1x16xf32> to vector<16xf32>
        %swap3A_447 = vector.shape_cast %mul3A_442 : vector<16xf32> to vector<1x16xf32>
        tpu.vector_store %arg11[%swap3A_443, %swap3A_444], %swap3A_447 {strides = array<i32>} : memref<200x128xf32, #tpu.memory_space<vmem>>, vector<1x16xf32>,
        %get3A_448 = arith.index_cast %scan3A_419 : i32 to index
        %get3A_449 = arith.constant 32 : index
        %get3A_450 = tpu.vector_load %arg11[%get3A_448, %get3A_449] {strides = array<i32>} : memref<200x128xf32, #tpu.memory_space<vmem>>, vector<1x16xf32>,
        %get3A_451 = vector.shape_cast %get3A_450 : vector<1x16xf32> to vector<16xf32>
        %mul3A_452 = vector.broadcast %squeeze3A_425 : f32 to vector<16xf32>
        %mul3A_453 = arith.mulf %get3A_451, %mul3A_452 : vector<16xf32>
        %swap3A_454 = arith.index_cast %scan3A_419 : i32 to index
        %swap3A_455 = arith.constant 32 : index
        %swap3A_456 = tpu.vector_load %arg11[%swap3A_454, %swap3A_455] {strides = array<i32>} : memref<200x128xf32, #tpu.memory_space<vmem>>, vector<1x16xf32>,
        %swap3A_457 = vector.shape_cast %swap3A_456 : vector<1x16xf32> to vector<16xf32>
        %swap3A_458 = vector.shape_cast %mul3A_453 : vector<16xf32> to vector<1x16xf32>
        tpu.vector_store %arg11[%swap3A_454, %swap3A_455], %swap3A_458 {strides = array<i32>} : memref<200x128xf32, #tpu.memory_space<vmem>>, vector<1x16xf32>,
        %get3A_459 = arith.index_cast %scan3A_419 : i32 to index
        %get3A_460 = arith.constant 48 : index
        %get3A_461 = tpu.vector_load %arg11[%get3A_459, %get3A_460] {strides = array<i32>} : memref<200x128xf32, #tpu.memory_space<vmem>>, vector<1x16xf32>,
        %get3A_462 = vector.shape_cast %get3A_461 : vector<1x16xf32> to vector<16xf32>
        %mul3A_463 = vector.broadcast %squeeze3A_425 : f32 to vector<16xf32>
        %mul3A_464 = arith.mulf %get3A_462, %mul3A_463 : vector<16xf32>
        %swap3A_465 = arith.index_cast %scan3A_419 : i32 to index
        %swap3A_466 = arith.constant 48 : index
        %swap3A_467 = tpu.vector_load %arg11[%swap3A_465, %swap3A_466] {strides = array<i32>} : memref<200x128xf32, #tpu.memory_space<vmem>>, vector<1x16xf32>,
        %swap3A_468 = vector.shape_cast %swap3A_467 : vector<1x16xf32> to vector<16xf32>
        %swap3A_469 = vector.shape_cast %mul3A_464 : vector<16xf32> to vector<1x16xf32>
        tpu.vector_store %arg11[%swap3A_465, %swap3A_466], %swap3A_469 {strides = array<i32>} : memref<200x128xf32, #tpu.memory_space<vmem>>, vector<1x16xf32>,
        %slice3A_470 = vector.extract_strided_slice %get3A_423 {offsets = [7], sizes = [1], strides = [1]} : vector<16xf32> to vector<1xf32>
        %squeeze3A_471 = vector.extract %slice3A_470[0] : f32 from vector<1xf32>
        %get3A_472 = arith.index_cast %scan3A_419 : i32 to index
        %get3A_473 = arith.constant 64 : index
        %get3A_474 = tpu.vector_load %arg11[%get3A_472, %get3A_473] {strides = array<i32>} : memref<200x128xf32, #tpu.memory_space<vmem>>, vector<1x16xf32>,
        %get3A_475 = vector.shape_cast %get3A_474 : vector<1x16xf32> to vector<16xf32>
        %mul3A_476 = vector.broadcast %squeeze3A_471 : f32 to vector<16xf32>
        %mul3A_477 = arith.mulf %get3A_475, %mul3A_476 : vector<16xf32>
        %swap3A_478 = arith.index_cast %scan3A_419 : i32 to index
        %swap3A_479 = arith.constant 64 : index
        %swap3A_480 = tpu.vector_load %arg11[%swap3A_478, %swap3A_479] {strides = array<i32>} : memref<200x128xf32, #tpu.memory_space<vmem>>, vector<1x16xf32>,
        %swap3A_481 = vector.shape_cast %swap3A_480 : vector<1x16xf32> to vector<16xf32>
        %swap3A_482 = vector.shape_cast %mul3A_477 : vector<16xf32> to vector<1x16xf32>
        tpu.vector_store %arg11[%swap3A_478, %swap3A_479], %swap3A_482 {strides = array<i32>} : memref<200x128xf32, #tpu.memory_space<vmem>>, vector<1x16xf32>,
        %get3A_483 = arith.index_cast %scan3A_419 : i32 to index
        %get3A_484 = arith.constant 80 : index
        %get3A_485 = tpu.vector_load %arg11[%get3A_483, %get3A_484] {strides = array<i32>} : memref<200x128xf32, #tpu.memory_space<vmem>>, vector<1x16xf32>,
        %get3A_486 = vector.shape_cast %get3A_485 : vector<1x16xf32> to vector<16xf32>
        %mul3A_487 = vector.broadcast %squeeze3A_471 : f32 to vector<16xf32>
        %mul3A_488 = arith.mulf %get3A_486, %mul3A_487 : vector<16xf32>
        %swap3A_489 = arith.index_cast %scan3A_419 : i32 to index
        %swap3A_490 = arith.constant 80 : index
        %swap3A_491 = tpu.vector_load %arg11[%swap3A_489, %swap3A_490] {strides = array<i32>} : memref<200x128xf32, #tpu.memory_space<vmem>>, vector<1x16xf32>,
        %swap3A_492 = vector.shape_cast %swap3A_491 : vector<1x16xf32> to vector<16xf32>
        %swap3A_493 = vector.shape_cast %mul3A_488 : vector<16xf32> to vector<1x16xf32>
        tpu.vector_store %arg11[%swap3A_489, %swap3A_490], %swap3A_493 {strides = array<i32>} : memref<200x128xf32, #tpu.memory_space<vmem>>, vector<1x16xf32>,
        %get3A_494 = arith.index_cast %scan3A_419 : i32 to index
        %get3A_495 = arith.constant 96 : index
        %get3A_496 = tpu.vector_load %arg11[%get3A_494, %get3A_495] {strides = array<i32>} : memref<200x128xf32, #tpu.memory_space<vmem>>, vector<1x16xf32>,
        %get3A_497 = vector.shape_cast %get3A_496 : vector<1x16xf32> to vector<16xf32>
        %mul3A_498 = vector.broadcast %squeeze3A_471 : f32 to vector<16xf32>
        %mul3A_499 = arith.mulf %get3A_497, %mul3A_498 : vector<16xf32>
        %swap3A_500 = arith.index_cast %scan3A_419 : i32 to index
        %swap3A_501 = arith.constant 96 : index
        %swap3A_502 = tpu.vector_load %arg11[%swap3A_500, %swap3A_501] {strides = array<i32>} : memref<200x128xf32, #tpu.memory_space<vmem>>, vector<1x16xf32>,
        %swap3A_503 = vector.shape_cast %swap3A_502 : vector<1x16xf32> to vector<16xf32>
        %swap3A_504 = vector.shape_cast %mul3A_499 : vector<16xf32> to vector<1x16xf32>
        tpu.vector_store %arg11[%swap3A_500, %swap3A_501], %swap3A_504 {strides = array<i32>} : memref<200x128xf32, #tpu.memory_space<vmem>>, vector<1x16xf32>,
        %get3A_505 = arith.index_cast %scan3A_419 : i32 to index
        %get3A_506 = arith.constant 112 : index
        %get3A_507 = tpu.vector_load %arg11[%get3A_505, %get3A_506] {strides = array<i32>} : memref<200x128xf32, #tpu.memory_space<vmem>>, vector<1x16xf32>,
        %get3A_508 = vector.shape_cast %get3A_507 : vector<1x16xf32> to vector<16xf32>
        %mul3A_509 = vector.broadcast %squeeze3A_471 : f32 to vector<16xf32>
        %mul3A_510 = arith.mulf %get3A_508, %mul3A_509 : vector<16xf32>
        %swap3A_511 = arith.index_cast %scan3A_419 : i32 to index
        %swap3A_512 = arith.constant 112 : index
        %swap3A_513 = tpu.vector_load %arg11[%swap3A_511, %swap3A_512] {strides = array<i32>} : memref<200x128xf32, #tpu.memory_space<vmem>>, vector<1x16xf32>,
        %swap3A_514 = vector.shape_cast %swap3A_513 : vector<1x16xf32> to vector<16xf32>
        %swap3A_515 = vector.shape_cast %mul3A_510 : vector<16xf32> to vector<1x16xf32>
        tpu.vector_store %arg11[%swap3A_511, %swap3A_512], %swap3A_515 {strides = array<i32>} : memref<200x128xf32, #tpu.memory_space<vmem>>, vector<1x16xf32>,
      }
      %scan3A_128 = arith.constant 200 : i32
      "tpu.region"() ({
        %run_scoped3A = tpu.sem_alloc : memref<!tpu.dma_semaphore, #tpu.memory_space<semaphore_mem>>
        %dma_start3A_129 = arith.constant 0 : i32
        %dma_start3A_130 = arith.constant 0 : i32
        %dma_start3A_131 = tpu.memref_slice %arg12[%dma_start3A_129, %dma_start3A_130] : memref<10112x128xf32, #tpu.memory_space<vmem_shared>> -> memref<10112x128xf32, #tpu.memory_space<vmem_shared>>
        tpu.enqueue_indirect_dma source(%arg11 : memref<200x128xf32, #tpu.memory_space<vmem>>) target(%dma_start3A_131 : memref<10112x128xf32, #tpu.memory_space<vmem_shared>>) offsets(%arg9 : memref<200xi32, #tpu.memory_space<vmem>>) semaphore(%run_scoped3A : memref<!tpu.dma_semaphore, #tpu.memory_space<semaphore_mem>>) {add = true}
        %dma_wait3A_132 = arith.constant 0 : i32
        %dma_wait3A_133 = arith.constant 0 : i32
        %dma_wait3A_134 = tpu.memref_slice %arg12[%dma_wait3A_132, %dma_wait3A_133] : memref<10112x128xf32, #tpu.memory_space<vmem_shared>> -> memref<10112x128xf32, #tpu.memory_space<vmem_shared>>
        tpu.wait_indirect_dma semaphore(%run_scoped3A : memref<!tpu.dma_semaphore, #tpu.memory_space<semaphore_mem>>) src(%arg11 : memref<200x128xf32, #tpu.memory_space<vmem>>) dst(%dma_wait3A_134 : memref<10112x128xf32, #tpu.memory_space<vmem_shared>>)
        tpu.yield
      }) : () -> ()
    }
    %scan3A_77 = arith.constant 25 : i32
    %barrier3A_78 = arith.constant 0 : index
    tpu.barrier barrier_id(%barrier3A_78)
    %mul3A_79 = arith.constant 632 : i32
    %mul3A_80 = arith.muli %arg1, %mul3A_79 : i32
    %add3A_81 = arith.constant 6 : i32
    %add3A_82 = arith.addi %add3A_81, %arg0 : i32
    %mul3A_83 = arith.constant 10112 : i32
    %mul3A_84 = arith.muli %add3A_82, %mul3A_83 : i32
    %mul3A_85 = arith.constant 632 : i32
    %mul3A_86 = arith.muli %arg1, %mul3A_85 : i32
    %add3A_87 = arith.addi %mul3A_84, %mul3A_86 : i32
    "tpu.region"() ({
      %run_scoped3A = tpu.sem_alloc : memref<!tpu.dma_semaphore, #tpu.memory_space<semaphore_mem>>
      %dma_start3A = arith.constant 0 : i32
      %dma_start3A_89 = tpu.memref_slice %arg7[%add3A_87, %dma_start3A] : memref<80896x128xf32, #tpu.memory_space<hbm>> -> memref<632x128xf32, #tpu.memory_space<hbm>>
      %dma_start3A_90 = arith.constant 0 : i32
      %dma_start3A_91 = tpu.memref_slice %arg12[%mul3A_80, %dma_start3A_90] : memref<10112x128xf32, #tpu.memory_space<vmem_shared>> -> memref<632x128xf32, #tpu.memory_space<vmem_shared>>
      tpu.enqueue_dma source(%dma_start3A_91 : memref<632x128xf32, #tpu.memory_space<vmem_shared>>) target(%dma_start3A_89 : memref<632x128xf32, #tpu.memory_space<hbm>>) target_semaphore(%run_scoped3A : memref<!tpu.dma_semaphore, #tpu.memory_space<semaphore_mem>>)
      %dma_wait3A = arith.constant 0 : i32
      %dma_wait3A_92 = tpu.memref_slice %arg7[%add3A_87, %dma_wait3A] : memref<80896x128xf32, #tpu.memory_space<hbm>> -> memref<632x128xf32, #tpu.memory_space<hbm>>
      %dma_wait3A_93 = arith.constant 0 : i32
      %dma_wait3A_94 = tpu.memref_slice %arg12[%mul3A_80, %dma_wait3A_93] : memref<10112x128xf32, #tpu.memory_space<vmem_shared>> -> memref<632x128xf32, #tpu.memory_space<vmem_shared>>
      tpu.wait_dma2 semaphore(%run_scoped3A : memref<!tpu.dma_semaphore, #tpu.memory_space<semaphore_mem>>) src(%dma_wait3A_94 : memref<632x128xf32, #tpu.memory_space<vmem_shared>>) dst(%dma_wait3A_92 : memref<632x128xf32, #tpu.memory_space<hbm>>)
      tpu.yield
    }) : () -> ()
    %barrier3A_88 = arith.constant 0 : index
    tpu.barrier barrier_id(%barrier3A_88)
    return
  }
}

#map = affine_map<(d0, d1) -> (0, 0, 0)>
#map1 = affine_map<(d0, d1) -> (0, 0)>
#map2 = affine_map<(d0, d1) -> (0)>
module attributes {stable_mosaic.version = 14 : i64} {
  func.func @kern(%arg0: i32, %arg1: i32, %arg2: memref<1x10112x48xf32, #tpu.memory_space<hbm>>, %arg3: memref<160000x16xf32, #tpu.memory_space<hbm>>, %arg4: memref<160000xi32, #tpu.memory_space<hbm>>, %arg5: memref<160000xi32, #tpu.memory_space<hbm>>, %arg6: memref<10112x48xf32, #tpu.memory_space<hbm>>, %arg7: memref<20224x48xf32, #tpu.memory_space<hbm>>, %arg8: memref<5000xi32, #tpu.memory_space<vmem>>, %arg9: memref<200xi32, #tpu.memory_space<vmem>>, %arg10: memref<200x16xf32, #tpu.memory_space<vmem>>, %arg11: memref<200x48xf32, #tpu.memory_space<vmem>>, %arg12: memref<10112x48xf32, #tpu.memory_space<vmem_shared>>, %arg13: memref<!tpu.dma_semaphore, #tpu.memory_space<semaphore_mem>>, %arg14: memref<!tpu.dma_semaphore, #tpu.memory_space<semaphore_mem>>, %arg15: memref<!tpu.dma_semaphore, #tpu.memory_space<semaphore_mem>>) attributes {dimension_semantics = [#tpu.dimension_semantics<core_parallel>, #tpu.dimension_semantics<subcore_parallel>], iteration_bounds = array<i64: 2, 16>, scalar_prefetch = 0 : i64, scratch_operands = 8 : i64, tpu.core_type = #tpu.core_type<sc_vector_subcore>, window_params = [{transform_indices = #map}, {transform_indices = #map1}, {transform_indices = #map2}, {transform_indices = #map2}, {transform_indices = #map1}, {transform_indices = #map1}]} {
    %mul3A = arith.constant 2 : i32
    %mul3A_0 = arith.muli %arg1, %mul3A : i32
    %add3A = arith.addi %mul3A_0, %arg0 : i32
    %mul3A_1 = arith.constant 5000 : i32
    %mul3A_2 = arith.muli %add3A, %mul3A_1 : i32
    "tpu.region"() ({
      %run_scoped3A = tpu.sem_alloc : memref<!tpu.dma_semaphore, #tpu.memory_space<semaphore_mem>>
      %dma_start3A = tpu.memref_slice %arg4[%mul3A_2] : memref<160000xi32, #tpu.memory_space<hbm>> -> memref<5000xi32, #tpu.memory_space<hbm>>
      %dma_start3A_23 = tpu.memref_slice %arg4[%mul3A_2] : memref<160000xi32, #tpu.memory_space<hbm>> -> memref<5000xi32, #tpu.memory_space<hbm>>
      tpu.enqueue_dma source(%dma_start3A_23 : memref<5000xi32, #tpu.memory_space<hbm>>) target(%arg8 : memref<5000xi32, #tpu.memory_space<vmem>>) target_semaphore(%run_scoped3A : memref<!tpu.dma_semaphore, #tpu.memory_space<semaphore_mem>>)
      %dma_wait3A = tpu.memref_slice %arg4[%mul3A_2] : memref<160000xi32, #tpu.memory_space<hbm>> -> memref<5000xi32, #tpu.memory_space<hbm>>
      %dma_wait3A_24 = tpu.memref_slice %arg4[%mul3A_2] : memref<160000xi32, #tpu.memory_space<hbm>> -> memref<5000xi32, #tpu.memory_space<hbm>>
      tpu.wait_dma2 semaphore(%run_scoped3A : memref<!tpu.dma_semaphore, #tpu.memory_space<semaphore_mem>>) src(%dma_wait3A_24 : memref<5000xi32, #tpu.memory_space<hbm>>) dst(%arg8 : memref<5000xi32, #tpu.memory_space<vmem>>)
      tpu.yield
    }) : () -> ()
    %mul3A_3 = arith.constant 632 : i32
    %mul3A_4 = arith.muli %arg1, %mul3A_3 : i32
    %mul3A_5 = arith.constant 632 : i32
    %mul3A_6 = arith.muli %arg1, %mul3A_5 : i32
    "tpu.region"() ({
      %run_scoped3A = tpu.sem_alloc : memref<!tpu.dma_semaphore, #tpu.memory_space<semaphore_mem>>
      %dma_start3A = arith.constant 0 : i32
      %dma_start3A_23 = tpu.memref_slice %arg12[%mul3A_6, %dma_start3A] : memref<10112x48xf32, #tpu.memory_space<vmem_shared>> -> memref<632x48xf32, #tpu.memory_space<vmem_shared>>
      %dma_start3A_24 = arith.constant 0 : i32
      %dma_start3A_25 = tpu.memref_slice %arg6[%mul3A_4, %dma_start3A_24] : memref<10112x48xf32, #tpu.memory_space<hbm>> -> memref<632x48xf32, #tpu.memory_space<hbm>>
      tpu.enqueue_dma source(%dma_start3A_25 : memref<632x48xf32, #tpu.memory_space<hbm>>) target(%dma_start3A_23 : memref<632x48xf32, #tpu.memory_space<vmem_shared>>) target_semaphore(%run_scoped3A : memref<!tpu.dma_semaphore, #tpu.memory_space<semaphore_mem>>)
      %dma_wait3A = arith.constant 0 : i32
      %dma_wait3A_26 = tpu.memref_slice %arg12[%mul3A_6, %dma_wait3A] : memref<10112x48xf32, #tpu.memory_space<vmem_shared>> -> memref<632x48xf32, #tpu.memory_space<vmem_shared>>
      %dma_wait3A_27 = arith.constant 0 : i32
      %dma_wait3A_28 = tpu.memref_slice %arg6[%mul3A_4, %dma_wait3A_27] : memref<10112x48xf32, #tpu.memory_space<hbm>> -> memref<632x48xf32, #tpu.memory_space<hbm>>
      tpu.wait_dma2 semaphore(%run_scoped3A : memref<!tpu.dma_semaphore, #tpu.memory_space<semaphore_mem>>) src(%dma_wait3A_28 : memref<632x48xf32, #tpu.memory_space<hbm>>) dst(%dma_wait3A_26 : memref<632x48xf32, #tpu.memory_space<vmem_shared>>)
      tpu.yield
    }) : () -> ()
    %barrier3A = arith.constant 0 : index
    tpu.barrier barrier_id(%barrier3A)
    %scan3A = arith.constant 0 : i32
    %scan3A_7 = arith.constant 0 : i32
    %scan3A_8 = arith.constant 25 : i32
    %scan3A_9 = arith.addi %scan3A_7, %scan3A_8 : i32
    %scan3A_10 = arith.constant 1 : i32
    scf.for %scan3A_23 = %scan3A_7 to %scan3A_9 step %scan3A_10  : i32 {
      %mul3A_24 = arith.constant 200 : i32
      %mul3A_25 = arith.muli %scan3A_23, %mul3A_24 : i32
      %add3A_26 = arith.addi %mul3A_2, %mul3A_25 : i32
      %mul3A_27 = arith.constant 200 : i32
      %mul3A_28 = arith.muli %scan3A_23, %mul3A_27 : i32
      %dma_start3A = arith.constant 0 : i32
      %dma_start3A_29 = tpu.memref_slice %arg8[%mul3A_28] : memref<5000xi32, #tpu.memory_space<vmem>> -> memref<200xi32, #tpu.memory_space<vmem>>
      %dma_start3A_30 = arith.constant 0 : i32
      %dma_start3A_31 = arith.constant 0 : i32
      %dma_start3A_32 = tpu.memref_slice %arg2[%dma_start3A, %dma_start3A_30, %dma_start3A_31] : memref<1x10112x48xf32, #tpu.memory_space<hbm>> -> memref<1x10112x48xf32, #tpu.memory_space<hbm>>
      %dma_start3A_33 = tpu.memref_squeeze %dma_start3A_32 : memref<1x10112x48xf32, #tpu.memory_space<hbm>> -> memref<10112x48xf32, #tpu.memory_space<hbm>>
      %dma_start3A_34 = arith.constant 0 : i32
      %dma_start3A_35 = arith.constant 0 : i32
      %dma_start3A_36 = tpu.memref_slice %dma_start3A_33[%dma_start3A_34, %dma_start3A_35] : memref<10112x48xf32, #tpu.memory_space<hbm>> -> memref<10112x48xf32, #tpu.memory_space<hbm>>
      tpu.enqueue_indirect_dma source(%dma_start3A_36 : memref<10112x48xf32, #tpu.memory_space<hbm>>) target(%arg11 : memref<200x48xf32, #tpu.memory_space<vmem>>) offsets(%dma_start3A_29 : memref<200xi32, #tpu.memory_space<vmem>>) semaphore(%arg13 : memref<!tpu.dma_semaphore, #tpu.memory_space<semaphore_mem>>)
      %dma_start3A_37 = arith.constant 0 : i32
      %dma_start3A_38 = tpu.memref_slice %arg3[%add3A_26, %dma_start3A_37] : memref<160000x16xf32, #tpu.memory_space<hbm>> -> memref<200x16xf32, #tpu.memory_space<hbm>>
      %dma_start3A_39 = arith.constant 0 : i32
      %dma_start3A_40 = tpu.memref_slice %arg3[%add3A_26, %dma_start3A_39] : memref<160000x16xf32, #tpu.memory_space<hbm>> -> memref<200x16xf32, #tpu.memory_space<hbm>>
      tpu.enqueue_dma source(%dma_start3A_40 : memref<200x16xf32, #tpu.memory_space<hbm>>) target(%arg10 : memref<200x16xf32, #tpu.memory_space<vmem>>) target_semaphore(%arg14 : memref<!tpu.dma_semaphore, #tpu.memory_space<semaphore_mem>>)
      %dma_start3A_41 = tpu.memref_slice %arg5[%add3A_26] : memref<160000xi32, #tpu.memory_space<hbm>> -> memref<200xi32, #tpu.memory_space<hbm>>
      %dma_start3A_42 = tpu.memref_slice %arg5[%add3A_26] : memref<160000xi32, #tpu.memory_space<hbm>> -> memref<200xi32, #tpu.memory_space<hbm>>
      tpu.enqueue_dma source(%dma_start3A_42 : memref<200xi32, #tpu.memory_space<hbm>>) target(%arg9 : memref<200xi32, #tpu.memory_space<vmem>>) target_semaphore(%arg15 : memref<!tpu.dma_semaphore, #tpu.memory_space<semaphore_mem>>)
      %dma_wait3A = arith.constant 0 : i32
      %dma_wait3A_43 = tpu.memref_slice %arg8[%mul3A_28] : memref<5000xi32, #tpu.memory_space<vmem>> -> memref<200xi32, #tpu.memory_space<vmem>>
      %dma_wait3A_44 = arith.constant 0 : i32
      %dma_wait3A_45 = arith.constant 0 : i32
      %dma_wait3A_46 = tpu.memref_slice %arg2[%dma_wait3A, %dma_wait3A_44, %dma_wait3A_45] : memref<1x10112x48xf32, #tpu.memory_space<hbm>> -> memref<1x10112x48xf32, #tpu.memory_space<hbm>>
      %dma_wait3A_47 = tpu.memref_squeeze %dma_wait3A_46 : memref<1x10112x48xf32, #tpu.memory_space<hbm>> -> memref<10112x48xf32, #tpu.memory_space<hbm>>
      %dma_wait3A_48 = arith.constant 0 : i32
      %dma_wait3A_49 = arith.constant 0 : i32
      %dma_wait3A_50 = tpu.memref_slice %dma_wait3A_47[%dma_wait3A_48, %dma_wait3A_49] : memref<10112x48xf32, #tpu.memory_space<hbm>> -> memref<10112x48xf32, #tpu.memory_space<hbm>>
      tpu.wait_indirect_dma semaphore(%arg13 : memref<!tpu.dma_semaphore, #tpu.memory_space<semaphore_mem>>) src(%dma_wait3A_50 : memref<10112x48xf32, #tpu.memory_space<hbm>>) dst(%arg11 : memref<200x48xf32, #tpu.memory_space<vmem>>)
      %dma_wait3A_51 = arith.constant 0 : i32
      %dma_wait3A_52 = tpu.memref_slice %arg3[%add3A_26, %dma_wait3A_51] : memref<160000x16xf32, #tpu.memory_space<hbm>> -> memref<200x16xf32, #tpu.memory_space<hbm>>
      %dma_wait3A_53 = arith.constant 0 : i32
      %dma_wait3A_54 = tpu.memref_slice %arg3[%add3A_26, %dma_wait3A_53] : memref<160000x16xf32, #tpu.memory_space<hbm>> -> memref<200x16xf32, #tpu.memory_space<hbm>>
      tpu.wait_dma2 semaphore(%arg14 : memref<!tpu.dma_semaphore, #tpu.memory_space<semaphore_mem>>) src(%dma_wait3A_54 : memref<200x16xf32, #tpu.memory_space<hbm>>) dst(%arg10 : memref<200x16xf32, #tpu.memory_space<vmem>>)
      %dma_wait3A_55 = tpu.memref_slice %arg5[%add3A_26] : memref<160000xi32, #tpu.memory_space<hbm>> -> memref<200xi32, #tpu.memory_space<hbm>>
      %dma_wait3A_56 = tpu.memref_slice %arg5[%add3A_26] : memref<160000xi32, #tpu.memory_space<hbm>> -> memref<200xi32, #tpu.memory_space<hbm>>
      tpu.wait_dma2 semaphore(%arg15 : memref<!tpu.dma_semaphore, #tpu.memory_space<semaphore_mem>>) src(%dma_wait3A_56 : memref<200xi32, #tpu.memory_space<hbm>>) dst(%arg9 : memref<200xi32, #tpu.memory_space<vmem>>)
      %scan3A_57 = arith.constant 0 : i32
      %scan3A_58 = arith.constant 0 : i32
      %scan3A_59 = arith.constant 200 : i32
      %scan3A_60 = arith.addi %scan3A_58, %scan3A_59 : i32
      %scan3A_61 = arith.constant 4 : i32
      scf.for %scan3A_63 = %scan3A_58 to %scan3A_60 step %scan3A_61  : i32 {
        %get3A = arith.index_cast %scan3A_63 : i32 to index
        %get3A_64 = arith.constant 0 : index
        %get3A_65 = tpu.vector_load %arg10[%get3A, %get3A_64] {strides = array<i32>} : memref<200x16xf32, #tpu.memory_space<vmem>>, vector<1x16xf32>,
        %get3A_66 = vector.shape_cast %get3A_65 : vector<1x16xf32> to vector<16xf32>
        %slice3A = vector.extract_strided_slice %get3A_66 {offsets = [0], sizes = [1], strides = [1]} : vector<16xf32> to vector<1xf32>
        %squeeze3A = vector.extract %slice3A[0] : f32 from vector<1xf32>
        %get3A_67 = arith.index_cast %scan3A_63 : i32 to index
        %get3A_68 = arith.constant 0 : index
        %get3A_69 = tpu.vector_load %arg11[%get3A_67, %get3A_68] {strides = array<i32>} : memref<200x48xf32, #tpu.memory_space<vmem>>, vector<1x16xf32>,
        %get3A_70 = vector.shape_cast %get3A_69 : vector<1x16xf32> to vector<16xf32>
        %mul3A_71 = vector.broadcast %squeeze3A : f32 to vector<16xf32>
        %mul3A_72 = arith.mulf %get3A_70, %mul3A_71 : vector<16xf32>
        %swap3A = arith.index_cast %scan3A_63 : i32 to index
        %swap3A_73 = arith.constant 0 : index
        %swap3A_74 = tpu.vector_load %arg11[%swap3A, %swap3A_73] {strides = array<i32>} : memref<200x48xf32, #tpu.memory_space<vmem>>, vector<1x16xf32>,
        %swap3A_75 = vector.shape_cast %swap3A_74 : vector<1x16xf32> to vector<16xf32>
        %swap3A_76 = vector.shape_cast %mul3A_72 : vector<16xf32> to vector<1x16xf32>
        tpu.vector_store %arg11[%swap3A, %swap3A_73], %swap3A_76 {strides = array<i32>} : memref<200x48xf32, #tpu.memory_space<vmem>>, vector<1x16xf32>,
        %get3A_77 = arith.index_cast %scan3A_63 : i32 to index
        %get3A_78 = arith.constant 16 : index
        %get3A_79 = tpu.vector_load %arg11[%get3A_77, %get3A_78] {strides = array<i32>} : memref<200x48xf32, #tpu.memory_space<vmem>>, vector<1x16xf32>,
        %get3A_80 = vector.shape_cast %get3A_79 : vector<1x16xf32> to vector<16xf32>
        %mul3A_81 = vector.broadcast %squeeze3A : f32 to vector<16xf32>
        %mul3A_82 = arith.mulf %get3A_80, %mul3A_81 : vector<16xf32>
        %swap3A_83 = arith.index_cast %scan3A_63 : i32 to index
        %swap3A_84 = arith.constant 16 : index
        %swap3A_85 = tpu.vector_load %arg11[%swap3A_83, %swap3A_84] {strides = array<i32>} : memref<200x48xf32, #tpu.memory_space<vmem>>, vector<1x16xf32>,
        %swap3A_86 = vector.shape_cast %swap3A_85 : vector<1x16xf32> to vector<16xf32>
        %swap3A_87 = vector.shape_cast %mul3A_82 : vector<16xf32> to vector<1x16xf32>
        tpu.vector_store %arg11[%swap3A_83, %swap3A_84], %swap3A_87 {strides = array<i32>} : memref<200x48xf32, #tpu.memory_space<vmem>>, vector<1x16xf32>,
        %get3A_88 = arith.index_cast %scan3A_63 : i32 to index
        %get3A_89 = arith.constant 32 : index
        %get3A_90 = tpu.vector_load %arg11[%get3A_88, %get3A_89] {strides = array<i32>} : memref<200x48xf32, #tpu.memory_space<vmem>>, vector<1x16xf32>,
        %get3A_91 = vector.shape_cast %get3A_90 : vector<1x16xf32> to vector<16xf32>
        %mul3A_92 = vector.broadcast %squeeze3A : f32 to vector<16xf32>
        %mul3A_93 = arith.mulf %get3A_91, %mul3A_92 : vector<16xf32>
        %swap3A_94 = arith.index_cast %scan3A_63 : i32 to index
        %swap3A_95 = arith.constant 32 : index
        %swap3A_96 = tpu.vector_load %arg11[%swap3A_94, %swap3A_95] {strides = array<i32>} : memref<200x48xf32, #tpu.memory_space<vmem>>, vector<1x16xf32>,
        %swap3A_97 = vector.shape_cast %swap3A_96 : vector<1x16xf32> to vector<16xf32>
        %swap3A_98 = vector.shape_cast %mul3A_93 : vector<16xf32> to vector<1x16xf32>
        tpu.vector_store %arg11[%swap3A_94, %swap3A_95], %swap3A_98 {strides = array<i32>} : memref<200x48xf32, #tpu.memory_space<vmem>>, vector<1x16xf32>,
        %scan3A_99 = arith.constant 1 : i32
        %scan3A_100 = arith.addi %scan3A_63, %scan3A_99 : i32
        %get3A_101 = arith.index_cast %scan3A_100 : i32 to index
        %get3A_102 = arith.constant 0 : index
        %get3A_103 = tpu.vector_load %arg10[%get3A_101, %get3A_102] {strides = array<i32>} : memref<200x16xf32, #tpu.memory_space<vmem>>, vector<1x16xf32>,
        %get3A_104 = vector.shape_cast %get3A_103 : vector<1x16xf32> to vector<16xf32>
        %slice3A_105 = vector.extract_strided_slice %get3A_104 {offsets = [0], sizes = [1], strides = [1]} : vector<16xf32> to vector<1xf32>
        %squeeze3A_106 = vector.extract %slice3A_105[0] : f32 from vector<1xf32>
        %get3A_107 = arith.index_cast %scan3A_100 : i32 to index
        %get3A_108 = arith.constant 0 : index
        %get3A_109 = tpu.vector_load %arg11[%get3A_107, %get3A_108] {strides = array<i32>} : memref<200x48xf32, #tpu.memory_space<vmem>>, vector<1x16xf32>,
        %get3A_110 = vector.shape_cast %get3A_109 : vector<1x16xf32> to vector<16xf32>
        %mul3A_111 = vector.broadcast %squeeze3A_106 : f32 to vector<16xf32>
        %mul3A_112 = arith.mulf %get3A_110, %mul3A_111 : vector<16xf32>
        %swap3A_113 = arith.index_cast %scan3A_100 : i32 to index
        %swap3A_114 = arith.constant 0 : index
        %swap3A_115 = tpu.vector_load %arg11[%swap3A_113, %swap3A_114] {strides = array<i32>} : memref<200x48xf32, #tpu.memory_space<vmem>>, vector<1x16xf32>,
        %swap3A_116 = vector.shape_cast %swap3A_115 : vector<1x16xf32> to vector<16xf32>
        %swap3A_117 = vector.shape_cast %mul3A_112 : vector<16xf32> to vector<1x16xf32>
        tpu.vector_store %arg11[%swap3A_113, %swap3A_114], %swap3A_117 {strides = array<i32>} : memref<200x48xf32, #tpu.memory_space<vmem>>, vector<1x16xf32>,
        %get3A_118 = arith.index_cast %scan3A_100 : i32 to index
        %get3A_119 = arith.constant 16 : index
        %get3A_120 = tpu.vector_load %arg11[%get3A_118, %get3A_119] {strides = array<i32>} : memref<200x48xf32, #tpu.memory_space<vmem>>, vector<1x16xf32>,
        %get3A_121 = vector.shape_cast %get3A_120 : vector<1x16xf32> to vector<16xf32>
        %mul3A_122 = vector.broadcast %squeeze3A_106 : f32 to vector<16xf32>
        %mul3A_123 = arith.mulf %get3A_121, %mul3A_122 : vector<16xf32>
        %swap3A_124 = arith.index_cast %scan3A_100 : i32 to index
        %swap3A_125 = arith.constant 16 : index
        %swap3A_126 = tpu.vector_load %arg11[%swap3A_124, %swap3A_125] {strides = array<i32>} : memref<200x48xf32, #tpu.memory_space<vmem>>, vector<1x16xf32>,
        %swap3A_127 = vector.shape_cast %swap3A_126 : vector<1x16xf32> to vector<16xf32>
        %swap3A_128 = vector.shape_cast %mul3A_123 : vector<16xf32> to vector<1x16xf32>
        tpu.vector_store %arg11[%swap3A_124, %swap3A_125], %swap3A_128 {strides = array<i32>} : memref<200x48xf32, #tpu.memory_space<vmem>>, vector<1x16xf32>,
        %get3A_129 = arith.index_cast %scan3A_100 : i32 to index
        %get3A_130 = arith.constant 32 : index
        %get3A_131 = tpu.vector_load %arg11[%get3A_129, %get3A_130] {strides = array<i32>} : memref<200x48xf32, #tpu.memory_space<vmem>>, vector<1x16xf32>,
        %get3A_132 = vector.shape_cast %get3A_131 : vector<1x16xf32> to vector<16xf32>
        %mul3A_133 = vector.broadcast %squeeze3A_106 : f32 to vector<16xf32>
        %mul3A_134 = arith.mulf %get3A_132, %mul3A_133 : vector<16xf32>
        %swap3A_135 = arith.index_cast %scan3A_100 : i32 to index
        %swap3A_136 = arith.constant 32 : index
        %swap3A_137 = tpu.vector_load %arg11[%swap3A_135, %swap3A_136] {strides = array<i32>} : memref<200x48xf32, #tpu.memory_space<vmem>>, vector<1x16xf32>,
        %swap3A_138 = vector.shape_cast %swap3A_137 : vector<1x16xf32> to vector<16xf32>
        %swap3A_139 = vector.shape_cast %mul3A_134 : vector<16xf32> to vector<1x16xf32>
        tpu.vector_store %arg11[%swap3A_135, %swap3A_136], %swap3A_139 {strides = array<i32>} : memref<200x48xf32, #tpu.memory_space<vmem>>, vector<1x16xf32>,
        %scan3A_140 = arith.constant 2 : i32
        %scan3A_141 = arith.addi %scan3A_63, %scan3A_140 : i32
        %get3A_142 = arith.index_cast %scan3A_141 : i32 to index
        %get3A_143 = arith.constant 0 : index
        %get3A_144 = tpu.vector_load %arg10[%get3A_142, %get3A_143] {strides = array<i32>} : memref<200x16xf32, #tpu.memory_space<vmem>>, vector<1x16xf32>,
        %get3A_145 = vector.shape_cast %get3A_144 : vector<1x16xf32> to vector<16xf32>
        %slice3A_146 = vector.extract_strided_slice %get3A_145 {offsets = [0], sizes = [1], strides = [1]} : vector<16xf32> to vector<1xf32>
        %squeeze3A_147 = vector.extract %slice3A_146[0] : f32 from vector<1xf32>
        %get3A_148 = arith.index_cast %scan3A_141 : i32 to index
        %get3A_149 = arith.constant 0 : index
        %get3A_150 = tpu.vector_load %arg11[%get3A_148, %get3A_149] {strides = array<i32>} : memref<200x48xf32, #tpu.memory_space<vmem>>, vector<1x16xf32>,
        %get3A_151 = vector.shape_cast %get3A_150 : vector<1x16xf32> to vector<16xf32>
        %mul3A_152 = vector.broadcast %squeeze3A_147 : f32 to vector<16xf32>
        %mul3A_153 = arith.mulf %get3A_151, %mul3A_152 : vector<16xf32>
        %swap3A_154 = arith.index_cast %scan3A_141 : i32 to index
        %swap3A_155 = arith.constant 0 : index
        %swap3A_156 = tpu.vector_load %arg11[%swap3A_154, %swap3A_155] {strides = array<i32>} : memref<200x48xf32, #tpu.memory_space<vmem>>, vector<1x16xf32>,
        %swap3A_157 = vector.shape_cast %swap3A_156 : vector<1x16xf32> to vector<16xf32>
        %swap3A_158 = vector.shape_cast %mul3A_153 : vector<16xf32> to vector<1x16xf32>
        tpu.vector_store %arg11[%swap3A_154, %swap3A_155], %swap3A_158 {strides = array<i32>} : memref<200x48xf32, #tpu.memory_space<vmem>>, vector<1x16xf32>,
        %get3A_159 = arith.index_cast %scan3A_141 : i32 to index
        %get3A_160 = arith.constant 16 : index
        %get3A_161 = tpu.vector_load %arg11[%get3A_159, %get3A_160] {strides = array<i32>} : memref<200x48xf32, #tpu.memory_space<vmem>>, vector<1x16xf32>,
        %get3A_162 = vector.shape_cast %get3A_161 : vector<1x16xf32> to vector<16xf32>
        %mul3A_163 = vector.broadcast %squeeze3A_147 : f32 to vector<16xf32>
        %mul3A_164 = arith.mulf %get3A_162, %mul3A_163 : vector<16xf32>
        %swap3A_165 = arith.index_cast %scan3A_141 : i32 to index
        %swap3A_166 = arith.constant 16 : index
        %swap3A_167 = tpu.vector_load %arg11[%swap3A_165, %swap3A_166] {strides = array<i32>} : memref<200x48xf32, #tpu.memory_space<vmem>>, vector<1x16xf32>,
        %swap3A_168 = vector.shape_cast %swap3A_167 : vector<1x16xf32> to vector<16xf32>
        %swap3A_169 = vector.shape_cast %mul3A_164 : vector<16xf32> to vector<1x16xf32>
        tpu.vector_store %arg11[%swap3A_165, %swap3A_166], %swap3A_169 {strides = array<i32>} : memref<200x48xf32, #tpu.memory_space<vmem>>, vector<1x16xf32>,
        %get3A_170 = arith.index_cast %scan3A_141 : i32 to index
        %get3A_171 = arith.constant 32 : index
        %get3A_172 = tpu.vector_load %arg11[%get3A_170, %get3A_171] {strides = array<i32>} : memref<200x48xf32, #tpu.memory_space<vmem>>, vector<1x16xf32>,
        %get3A_173 = vector.shape_cast %get3A_172 : vector<1x16xf32> to vector<16xf32>
        %mul3A_174 = vector.broadcast %squeeze3A_147 : f32 to vector<16xf32>
        %mul3A_175 = arith.mulf %get3A_173, %mul3A_174 : vector<16xf32>
        %swap3A_176 = arith.index_cast %scan3A_141 : i32 to index
        %swap3A_177 = arith.constant 32 : index
        %swap3A_178 = tpu.vector_load %arg11[%swap3A_176, %swap3A_177] {strides = array<i32>} : memref<200x48xf32, #tpu.memory_space<vmem>>, vector<1x16xf32>,
        %swap3A_179 = vector.shape_cast %swap3A_178 : vector<1x16xf32> to vector<16xf32>
        %swap3A_180 = vector.shape_cast %mul3A_175 : vector<16xf32> to vector<1x16xf32>
        tpu.vector_store %arg11[%swap3A_176, %swap3A_177], %swap3A_180 {strides = array<i32>} : memref<200x48xf32, #tpu.memory_space<vmem>>, vector<1x16xf32>,
        %scan3A_181 = arith.constant 3 : i32
        %scan3A_182 = arith.addi %scan3A_63, %scan3A_181 : i32
        %get3A_183 = arith.index_cast %scan3A_182 : i32 to index
        %get3A_184 = arith.constant 0 : index
        %get3A_185 = tpu.vector_load %arg10[%get3A_183, %get3A_184] {strides = array<i32>} : memref<200x16xf32, #tpu.memory_space<vmem>>, vector<1x16xf32>,
        %get3A_186 = vector.shape_cast %get3A_185 : vector<1x16xf32> to vector<16xf32>
        %slice3A_187 = vector.extract_strided_slice %get3A_186 {offsets = [0], sizes = [1], strides = [1]} : vector<16xf32> to vector<1xf32>
        %squeeze3A_188 = vector.extract %slice3A_187[0] : f32 from vector<1xf32>
        %get3A_189 = arith.index_cast %scan3A_182 : i32 to index
        %get3A_190 = arith.constant 0 : index
        %get3A_191 = tpu.vector_load %arg11[%get3A_189, %get3A_190] {strides = array<i32>} : memref<200x48xf32, #tpu.memory_space<vmem>>, vector<1x16xf32>,
        %get3A_192 = vector.shape_cast %get3A_191 : vector<1x16xf32> to vector<16xf32>
        %mul3A_193 = vector.broadcast %squeeze3A_188 : f32 to vector<16xf32>
        %mul3A_194 = arith.mulf %get3A_192, %mul3A_193 : vector<16xf32>
        %swap3A_195 = arith.index_cast %scan3A_182 : i32 to index
        %swap3A_196 = arith.constant 0 : index
        %swap3A_197 = tpu.vector_load %arg11[%swap3A_195, %swap3A_196] {strides = array<i32>} : memref<200x48xf32, #tpu.memory_space<vmem>>, vector<1x16xf32>,
        %swap3A_198 = vector.shape_cast %swap3A_197 : vector<1x16xf32> to vector<16xf32>
        %swap3A_199 = vector.shape_cast %mul3A_194 : vector<16xf32> to vector<1x16xf32>
        tpu.vector_store %arg11[%swap3A_195, %swap3A_196], %swap3A_199 {strides = array<i32>} : memref<200x48xf32, #tpu.memory_space<vmem>>, vector<1x16xf32>,
        %get3A_200 = arith.index_cast %scan3A_182 : i32 to index
        %get3A_201 = arith.constant 16 : index
        %get3A_202 = tpu.vector_load %arg11[%get3A_200, %get3A_201] {strides = array<i32>} : memref<200x48xf32, #tpu.memory_space<vmem>>, vector<1x16xf32>,
        %get3A_203 = vector.shape_cast %get3A_202 : vector<1x16xf32> to vector<16xf32>
        %mul3A_204 = vector.broadcast %squeeze3A_188 : f32 to vector<16xf32>
        %mul3A_205 = arith.mulf %get3A_203, %mul3A_204 : vector<16xf32>
        %swap3A_206 = arith.index_cast %scan3A_182 : i32 to index
        %swap3A_207 = arith.constant 16 : index
        %swap3A_208 = tpu.vector_load %arg11[%swap3A_206, %swap3A_207] {strides = array<i32>} : memref<200x48xf32, #tpu.memory_space<vmem>>, vector<1x16xf32>,
        %swap3A_209 = vector.shape_cast %swap3A_208 : vector<1x16xf32> to vector<16xf32>
        %swap3A_210 = vector.shape_cast %mul3A_205 : vector<16xf32> to vector<1x16xf32>
        tpu.vector_store %arg11[%swap3A_206, %swap3A_207], %swap3A_210 {strides = array<i32>} : memref<200x48xf32, #tpu.memory_space<vmem>>, vector<1x16xf32>,
        %get3A_211 = arith.index_cast %scan3A_182 : i32 to index
        %get3A_212 = arith.constant 32 : index
        %get3A_213 = tpu.vector_load %arg11[%get3A_211, %get3A_212] {strides = array<i32>} : memref<200x48xf32, #tpu.memory_space<vmem>>, vector<1x16xf32>,
        %get3A_214 = vector.shape_cast %get3A_213 : vector<1x16xf32> to vector<16xf32>
        %mul3A_215 = vector.broadcast %squeeze3A_188 : f32 to vector<16xf32>
        %mul3A_216 = arith.mulf %get3A_214, %mul3A_215 : vector<16xf32>
        %swap3A_217 = arith.index_cast %scan3A_182 : i32 to index
        %swap3A_218 = arith.constant 32 : index
        %swap3A_219 = tpu.vector_load %arg11[%swap3A_217, %swap3A_218] {strides = array<i32>} : memref<200x48xf32, #tpu.memory_space<vmem>>, vector<1x16xf32>,
        %swap3A_220 = vector.shape_cast %swap3A_219 : vector<1x16xf32> to vector<16xf32>
        %swap3A_221 = vector.shape_cast %mul3A_216 : vector<16xf32> to vector<1x16xf32>
        tpu.vector_store %arg11[%swap3A_217, %swap3A_218], %swap3A_221 {strides = array<i32>} : memref<200x48xf32, #tpu.memory_space<vmem>>, vector<1x16xf32>,
      }
      %scan3A_62 = arith.constant 200 : i32
      "tpu.region"() ({
        %run_scoped3A = tpu.sem_alloc : memref<!tpu.dma_semaphore, #tpu.memory_space<semaphore_mem>>
        %dma_start3A_63 = arith.constant 0 : i32
        %dma_start3A_64 = arith.constant 0 : i32
        %dma_start3A_65 = tpu.memref_slice %arg12[%dma_start3A_63, %dma_start3A_64] : memref<10112x48xf32, #tpu.memory_space<vmem_shared>> -> memref<10112x48xf32, #tpu.memory_space<vmem_shared>>
        tpu.enqueue_indirect_dma source(%arg11 : memref<200x48xf32, #tpu.memory_space<vmem>>) target(%dma_start3A_65 : memref<10112x48xf32, #tpu.memory_space<vmem_shared>>) offsets(%arg9 : memref<200xi32, #tpu.memory_space<vmem>>) semaphore(%run_scoped3A : memref<!tpu.dma_semaphore, #tpu.memory_space<semaphore_mem>>) {add = true}
        %dma_wait3A_66 = arith.constant 0 : i32
        %dma_wait3A_67 = arith.constant 0 : i32
        %dma_wait3A_68 = tpu.memref_slice %arg12[%dma_wait3A_66, %dma_wait3A_67] : memref<10112x48xf32, #tpu.memory_space<vmem_shared>> -> memref<10112x48xf32, #tpu.memory_space<vmem_shared>>
        tpu.wait_indirect_dma semaphore(%run_scoped3A : memref<!tpu.dma_semaphore, #tpu.memory_space<semaphore_mem>>) src(%arg11 : memref<200x48xf32, #tpu.memory_space<vmem>>) dst(%dma_wait3A_68 : memref<10112x48xf32, #tpu.memory_space<vmem_shared>>)
        tpu.yield
      }) : () -> ()
    }
    %scan3A_11 = arith.constant 25 : i32
    %barrier3A_12 = arith.constant 0 : index
    tpu.barrier barrier_id(%barrier3A_12)
    %mul3A_13 = arith.constant 632 : i32
    %mul3A_14 = arith.muli %arg1, %mul3A_13 : i32
    %add3A_15 = arith.constant 0 : i32
    %add3A_16 = arith.addi %add3A_15, %arg0 : i32
    %mul3A_17 = arith.constant 10112 : i32
    %mul3A_18 = arith.muli %add3A_16, %mul3A_17 : i32
    %mul3A_19 = arith.constant 632 : i32
    %mul3A_20 = arith.muli %arg1, %mul3A_19 : i32
    %add3A_21 = arith.addi %mul3A_18, %mul3A_20 : i32
    "tpu.region"() ({
      %run_scoped3A = tpu.sem_alloc : memref<!tpu.dma_semaphore, #tpu.memory_space<semaphore_mem>>
      %dma_start3A = arith.constant 0 : i32
      %dma_start3A_23 = tpu.memref_slice %arg7[%add3A_21, %dma_start3A] : memref<20224x48xf32, #tpu.memory_space<hbm>> -> memref<632x48xf32, #tpu.memory_space<hbm>>
      %dma_start3A_24 = arith.constant 0 : i32
      %dma_start3A_25 = tpu.memref_slice %arg12[%mul3A_14, %dma_start3A_24] : memref<10112x48xf32, #tpu.memory_space<vmem_shared>> -> memref<632x48xf32, #tpu.memory_space<vmem_shared>>
      tpu.enqueue_dma source(%dma_start3A_25 : memref<632x48xf32, #tpu.memory_space<vmem_shared>>) target(%dma_start3A_23 : memref<632x48xf32, #tpu.memory_space<hbm>>) target_semaphore(%run_scoped3A : memref<!tpu.dma_semaphore, #tpu.memory_space<semaphore_mem>>)
      %dma_wait3A = arith.constant 0 : i32
      %dma_wait3A_26 = tpu.memref_slice %arg7[%add3A_21, %dma_wait3A] : memref<20224x48xf32, #tpu.memory_space<hbm>> -> memref<632x48xf32, #tpu.memory_space<hbm>>
      %dma_wait3A_27 = arith.constant 0 : i32
      %dma_wait3A_28 = tpu.memref_slice %arg12[%mul3A_14, %dma_wait3A_27] : memref<10112x48xf32, #tpu.memory_space<vmem_shared>> -> memref<632x48xf32, #tpu.memory_space<vmem_shared>>
      tpu.wait_dma2 semaphore(%run_scoped3A : memref<!tpu.dma_semaphore, #tpu.memory_space<semaphore_mem>>) src(%dma_wait3A_28 : memref<632x48xf32, #tpu.memory_space<vmem_shared>>) dst(%dma_wait3A_26 : memref<632x48xf32, #tpu.memory_space<hbm>>)
      tpu.yield
    }) : () -> ()
    %barrier3A_22 = arith.constant 0 : index
    tpu.barrier barrier_id(%barrier3A_22)
    return
  }
}

#map = affine_map<(d0, d1) -> (0, 0)>
#map1 = affine_map<(d0, d1) -> (0)>
module attributes {stable_mosaic.version = 14 : i64} {
  func.func @kern(%arg0: i32, %arg1: i32, %arg2: memref<10112x16xf32, #tpu.memory_space<hbm>>, %arg3: memref<10112x16xf32, #tpu.memory_space<hbm>>, %arg4: memref<160000xi32, #tpu.memory_space<hbm>>, %arg5: memref<160000xi32, #tpu.memory_space<hbm>>, %arg6: memref<10112x16xf32, #tpu.memory_space<hbm>>, %arg7: memref<160000x16xf32, #tpu.memory_space<hbm>>, %arg8: memref<20224x16xf32, #tpu.memory_space<hbm>>, %arg9: memref<5000xi32, #tpu.memory_space<vmem>>, %arg10: memref<1000xi32, #tpu.memory_space<vmem>>, %arg11: memref<1000x16xf32, #tpu.memory_space<vmem>>, %arg12: memref<1000x16xf32, #tpu.memory_space<vmem>>, %arg13: memref<1000x16xf32, #tpu.memory_space<vmem>>, %arg14: memref<10112x16xf32, #tpu.memory_space<vmem_shared>>, %arg15: memref<!tpu.dma_semaphore, #tpu.memory_space<semaphore_mem>>, %arg16: memref<!tpu.dma_semaphore, #tpu.memory_space<semaphore_mem>>, %arg17: memref<!tpu.dma_semaphore, #tpu.memory_space<semaphore_mem>>, %arg18: memref<!tpu.dma_semaphore, #tpu.memory_space<semaphore_mem>>) attributes {dimension_semantics = [#tpu.dimension_semantics<core_parallel>, #tpu.dimension_semantics<subcore_parallel>], iteration_bounds = array<i64: 2, 16>, scalar_prefetch = 0 : i64, scratch_operands = 10 : i64, tpu.core_type = #tpu.core_type<sc_vector_subcore>, window_params = [{transform_indices = #map}, {transform_indices = #map}, {transform_indices = #map1}, {transform_indices = #map1}, {transform_indices = #map}, {transform_indices = #map}, {transform_indices = #map}]} {
    %mul3A = arith.constant 2 : i32
    %mul3A_0 = arith.muli %arg1, %mul3A : i32
    %add3A = arith.addi %mul3A_0, %arg0 : i32
    %mul3A_1 = arith.constant 5000 : i32
    %mul3A_2 = arith.muli %add3A, %mul3A_1 : i32
    %mul3A_3 = arith.constant 632 : i32
    %mul3A_4 = arith.muli %arg1, %mul3A_3 : i32
    %mul3A_5 = arith.constant 632 : i32
    %mul3A_6 = arith.muli %arg1, %mul3A_5 : i32
    "tpu.region"() ({
      %run_scoped3A = tpu.sem_alloc : memref<!tpu.dma_semaphore, #tpu.memory_space<semaphore_mem>>
      %dma_start3A = arith.constant 0 : i32
      %dma_start3A_20 = tpu.memref_slice %arg14[%mul3A_6, %dma_start3A] : memref<10112x16xf32, #tpu.memory_space<vmem_shared>> -> memref<632x16xf32, #tpu.memory_space<vmem_shared>>
      %dma_start3A_21 = arith.constant 0 : i32
      %dma_start3A_22 = tpu.memref_slice %arg6[%mul3A_4, %dma_start3A_21] : memref<10112x16xf32, #tpu.memory_space<hbm>> -> memref<632x16xf32, #tpu.memory_space<hbm>>
      tpu.enqueue_dma source(%dma_start3A_22 : memref<632x16xf32, #tpu.memory_space<hbm>>) target(%dma_start3A_20 : memref<632x16xf32, #tpu.memory_space<vmem_shared>>) target_semaphore(%run_scoped3A : memref<!tpu.dma_semaphore, #tpu.memory_space<semaphore_mem>>)
      %dma_wait3A = arith.constant 0 : i32
      %dma_wait3A_23 = tpu.memref_slice %arg14[%mul3A_6, %dma_wait3A] : memref<10112x16xf32, #tpu.memory_space<vmem_shared>> -> memref<632x16xf32, #tpu.memory_space<vmem_shared>>
      %dma_wait3A_24 = arith.constant 0 : i32
      %dma_wait3A_25 = tpu.memref_slice %arg6[%mul3A_4, %dma_wait3A_24] : memref<10112x16xf32, #tpu.memory_space<hbm>> -> memref<632x16xf32, #tpu.memory_space<hbm>>
      tpu.wait_dma2 semaphore(%run_scoped3A : memref<!tpu.dma_semaphore, #tpu.memory_space<semaphore_mem>>) src(%dma_wait3A_25 : memref<632x16xf32, #tpu.memory_space<hbm>>) dst(%dma_wait3A_23 : memref<632x16xf32, #tpu.memory_space<vmem_shared>>)
      tpu.yield
    }) : () -> ()
    "tpu.region"() ({
      %run_scoped3A = tpu.sem_alloc : memref<!tpu.dma_semaphore, #tpu.memory_space<semaphore_mem>>
      %dma_start3A = tpu.memref_slice %arg4[%mul3A_2] : memref<160000xi32, #tpu.memory_space<hbm>> -> memref<5000xi32, #tpu.memory_space<hbm>>
      %dma_start3A_20 = tpu.memref_slice %arg4[%mul3A_2] : memref<160000xi32, #tpu.memory_space<hbm>> -> memref<5000xi32, #tpu.memory_space<hbm>>
      tpu.enqueue_dma source(%dma_start3A_20 : memref<5000xi32, #tpu.memory_space<hbm>>) target(%arg9 : memref<5000xi32, #tpu.memory_space<vmem>>) target_semaphore(%run_scoped3A : memref<!tpu.dma_semaphore, #tpu.memory_space<semaphore_mem>>)
      %dma_wait3A = tpu.memref_slice %arg4[%mul3A_2] : memref<160000xi32, #tpu.memory_space<hbm>> -> memref<5000xi32, #tpu.memory_space<hbm>>
      %dma_wait3A_21 = tpu.memref_slice %arg4[%mul3A_2] : memref<160000xi32, #tpu.memory_space<hbm>> -> memref<5000xi32, #tpu.memory_space<hbm>>
      tpu.wait_dma2 semaphore(%run_scoped3A : memref<!tpu.dma_semaphore, #tpu.memory_space<semaphore_mem>>) src(%dma_wait3A_21 : memref<5000xi32, #tpu.memory_space<hbm>>) dst(%arg9 : memref<5000xi32, #tpu.memory_space<vmem>>)
      tpu.yield
    }) : () -> ()
    %barrier3A = arith.constant 0 : index
    tpu.barrier barrier_id(%barrier3A)
    %scan3A = arith.constant 0 : i32
    %scan3A_7 = arith.constant 0 : i32
    %scan3A_8 = arith.constant 5 : i32
    %scan3A_9 = arith.addi %scan3A_7, %scan3A_8 : i32
    %scan3A_10 = arith.constant 1 : i32
    scf.for %scan3A_20 = %scan3A_7 to %scan3A_9 step %scan3A_10  : i32 {
      %mul3A_21 = arith.constant 1000 : i32
      %mul3A_22 = arith.muli %scan3A_20, %mul3A_21 : i32
      %add3A_23 = arith.addi %mul3A_2, %mul3A_22 : i32
      %mul3A_24 = arith.constant 1000 : i32
      %mul3A_25 = arith.muli %scan3A_20, %mul3A_24 : i32
      %dma_start3A = tpu.memref_slice %arg9[%mul3A_25] : memref<5000xi32, #tpu.memory_space<vmem>> -> memref<1000xi32, #tpu.memory_space<vmem>>
      %dma_start3A_26 = arith.constant 0 : i32
      %dma_start3A_27 = arith.constant 0 : i32
      %dma_start3A_28 = tpu.memref_slice %arg2[%dma_start3A_26, %dma_start3A_27] : memref<10112x16xf32, #tpu.memory_space<hbm>> -> memref<10112x16xf32, #tpu.memory_space<hbm>>
      tpu.enqueue_indirect_dma source(%dma_start3A_28 : memref<10112x16xf32, #tpu.memory_space<hbm>>) target(%arg11 : memref<1000x16xf32, #tpu.memory_space<vmem>>) offsets(%dma_start3A : memref<1000xi32, #tpu.memory_space<vmem>>) semaphore(%arg15 : memref<!tpu.dma_semaphore, #tpu.memory_space<semaphore_mem>>)
      %dma_start3A_29 = tpu.memref_slice %arg5[%add3A_23] : memref<160000xi32, #tpu.memory_space<hbm>> -> memref<1000xi32, #tpu.memory_space<hbm>>
      %dma_start3A_30 = tpu.memref_slice %arg5[%add3A_23] : memref<160000xi32, #tpu.memory_space<hbm>> -> memref<1000xi32, #tpu.memory_space<hbm>>
      tpu.enqueue_dma source(%dma_start3A_30 : memref<1000xi32, #tpu.memory_space<hbm>>) target(%arg10 : memref<1000xi32, #tpu.memory_space<vmem>>) target_semaphore(%arg17 : memref<!tpu.dma_semaphore, #tpu.memory_space<semaphore_mem>>)
      %dma_wait3A = tpu.memref_slice %arg5[%add3A_23] : memref<160000xi32, #tpu.memory_space<hbm>> -> memref<1000xi32, #tpu.memory_space<hbm>>
      %dma_wait3A_31 = tpu.memref_slice %arg5[%add3A_23] : memref<160000xi32, #tpu.memory_space<hbm>> -> memref<1000xi32, #tpu.memory_space<hbm>>
      tpu.wait_dma2 semaphore(%arg17 : memref<!tpu.dma_semaphore, #tpu.memory_space<semaphore_mem>>) src(%dma_wait3A_31 : memref<1000xi32, #tpu.memory_space<hbm>>) dst(%arg10 : memref<1000xi32, #tpu.memory_space<vmem>>)
      %dma_start3A_32 = arith.constant 0 : i32
      %dma_start3A_33 = arith.constant 0 : i32
      %dma_start3A_34 = tpu.memref_slice %arg3[%dma_start3A_32, %dma_start3A_33] : memref<10112x16xf32, #tpu.memory_space<hbm>> -> memref<10112x16xf32, #tpu.memory_space<hbm>>
      tpu.enqueue_indirect_dma source(%dma_start3A_34 : memref<10112x16xf32, #tpu.memory_space<hbm>>) target(%arg12 : memref<1000x16xf32, #tpu.memory_space<vmem>>) offsets(%arg10 : memref<1000xi32, #tpu.memory_space<vmem>>) semaphore(%arg16 : memref<!tpu.dma_semaphore, #tpu.memory_space<semaphore_mem>>)
      %dma_wait3A_35 = tpu.memref_slice %arg9[%mul3A_25] : memref<5000xi32, #tpu.memory_space<vmem>> -> memref<1000xi32, #tpu.memory_space<vmem>>
      %dma_wait3A_36 = arith.constant 0 : i32
      %dma_wait3A_37 = arith.constant 0 : i32
      %dma_wait3A_38 = tpu.memref_slice %arg2[%dma_wait3A_36, %dma_wait3A_37] : memref<10112x16xf32, #tpu.memory_space<hbm>> -> memref<10112x16xf32, #tpu.memory_space<hbm>>
      tpu.wait_indirect_dma semaphore(%arg15 : memref<!tpu.dma_semaphore, #tpu.memory_space<semaphore_mem>>) src(%dma_wait3A_38 : memref<10112x16xf32, #tpu.memory_space<hbm>>) dst(%arg11 : memref<1000x16xf32, #tpu.memory_space<vmem>>)
      %dma_wait3A_39 = arith.constant 0 : i32
      %dma_wait3A_40 = arith.constant 0 : i32
      %dma_wait3A_41 = tpu.memref_slice %arg3[%dma_wait3A_39, %dma_wait3A_40] : memref<10112x16xf32, #tpu.memory_space<hbm>> -> memref<10112x16xf32, #tpu.memory_space<hbm>>
      tpu.wait_indirect_dma semaphore(%arg16 : memref<!tpu.dma_semaphore, #tpu.memory_space<semaphore_mem>>) src(%dma_wait3A_41 : memref<10112x16xf32, #tpu.memory_space<hbm>>) dst(%arg12 : memref<1000x16xf32, #tpu.memory_space<vmem>>)
      %scan3A_42 = arith.constant 0 : i32
      %scan3A_43 = arith.constant 0 : i32
      %scan3A_44 = arith.constant 1000 : i32
      %scan3A_45 = arith.addi %scan3A_43, %scan3A_44 : i32
      %scan3A_46 = arith.constant 8 : i32
      scf.for %scan3A_56 = %scan3A_43 to %scan3A_45 step %scan3A_46  : i32 {
        %get3A = arith.index_cast %scan3A_56 : i32 to index
        %get3A_57 = arith.constant 0 : index
        %get3A_58 = tpu.vector_load %arg11[%get3A, %get3A_57] {strides = array<i32>} : memref<1000x16xf32, #tpu.memory_space<vmem>>, vector<1x16xf32>,
        %get3A_59 = vector.shape_cast %get3A_58 : vector<1x16xf32> to vector<16xf32>
        %get3A_60 = arith.index_cast %scan3A_56 : i32 to index
        %get3A_61 = arith.constant 0 : index
        %get3A_62 = tpu.vector_load %arg12[%get3A_60, %get3A_61] {strides = array<i32>} : memref<1000x16xf32, #tpu.memory_space<vmem>>, vector<1x16xf32>,
        %get3A_63 = vector.shape_cast %get3A_62 : vector<1x16xf32> to vector<16xf32>
        %add3A_64 = arith.addf %get3A_59, %get3A_63 : vector<16xf32>
        %gt3A = arith.constant 0.000000e+00 : f32
        %gt3A_65 = vector.broadcast %gt3A : f32 to vector<16xf32>
        %gt3A_66 = arith.cmpf ogt, %add3A_64, %gt3A_65 : vector<16xf32>
        %mul3A_67 = arith.constant 2.000000e-01 : f32
        %mul3A_68 = vector.broadcast %mul3A_67 : f32 to vector<16xf32>
        %mul3A_69 = arith.mulf %mul3A_68, %add3A_64 : vector<16xf32>
        %select_n3A = arith.select %gt3A_66, %add3A_64, %mul3A_69 : vector<16xi1>, vector<16xf32>
        %exp3A = math.exp %select_n3A : vector<16xf32>
        %swap3A = arith.index_cast %scan3A_56 : i32 to index
        %swap3A_70 = arith.constant 0 : index
        %swap3A_71 = tpu.vector_load %arg13[%swap3A, %swap3A_70] {strides = array<i32>} : memref<1000x16xf32, #tpu.memory_space<vmem>>, vector<1x16xf32>,
        %swap3A_72 = vector.shape_cast %swap3A_71 : vector<1x16xf32> to vector<16xf32>
        %swap3A_73 = vector.shape_cast %exp3A : vector<16xf32> to vector<1x16xf32>
        tpu.vector_store %arg13[%swap3A, %swap3A_70], %swap3A_73 {strides = array<i32>} : memref<1000x16xf32, #tpu.memory_space<vmem>>, vector<1x16xf32>,
        %scan3A_74 = arith.constant 1 : i32
        %scan3A_75 = arith.addi %scan3A_56, %scan3A_74 : i32
        %get3A_76 = arith.index_cast %scan3A_75 : i32 to index
        %get3A_77 = arith.constant 0 : index
        %get3A_78 = tpu.vector_load %arg11[%get3A_76, %get3A_77] {strides = array<i32>} : memref<1000x16xf32, #tpu.memory_space<vmem>>, vector<1x16xf32>,
        %get3A_79 = vector.shape_cast %get3A_78 : vector<1x16xf32> to vector<16xf32>
        %get3A_80 = arith.index_cast %scan3A_75 : i32 to index
        %get3A_81 = arith.constant 0 : index
        %get3A_82 = tpu.vector_load %arg12[%get3A_80, %get3A_81] {strides = array<i32>} : memref<1000x16xf32, #tpu.memory_space<vmem>>, vector<1x16xf32>,
        %get3A_83 = vector.shape_cast %get3A_82 : vector<1x16xf32> to vector<16xf32>
        %add3A_84 = arith.addf %get3A_79, %get3A_83 : vector<16xf32>
        %gt3A_85 = arith.constant 0.000000e+00 : f32
        %gt3A_86 = vector.broadcast %gt3A_85 : f32 to vector<16xf32>
        %gt3A_87 = arith.cmpf ogt, %add3A_84, %gt3A_86 : vector<16xf32>
        %mul3A_88 = arith.constant 2.000000e-01 : f32
        %mul3A_89 = vector.broadcast %mul3A_88 : f32 to vector<16xf32>
        %mul3A_90 = arith.mulf %mul3A_89, %add3A_84 : vector<16xf32>
        %select_n3A_91 = arith.select %gt3A_87, %add3A_84, %mul3A_90 : vector<16xi1>, vector<16xf32>
        %exp3A_92 = math.exp %select_n3A_91 : vector<16xf32>
        %swap3A_93 = arith.index_cast %scan3A_75 : i32 to index
        %swap3A_94 = arith.constant 0 : index
        %swap3A_95 = tpu.vector_load %arg13[%swap3A_93, %swap3A_94] {strides = array<i32>} : memref<1000x16xf32, #tpu.memory_space<vmem>>, vector<1x16xf32>,
        %swap3A_96 = vector.shape_cast %swap3A_95 : vector<1x16xf32> to vector<16xf32>
        %swap3A_97 = vector.shape_cast %exp3A_92 : vector<16xf32> to vector<1x16xf32>
        tpu.vector_store %arg13[%swap3A_93, %swap3A_94], %swap3A_97 {strides = array<i32>} : memref<1000x16xf32, #tpu.memory_space<vmem>>, vector<1x16xf32>,
        %scan3A_98 = arith.constant 2 : i32
        %scan3A_99 = arith.addi %scan3A_56, %scan3A_98 : i32
        %get3A_100 = arith.index_cast %scan3A_99 : i32 to index
        %get3A_101 = arith.constant 0 : index
        %get3A_102 = tpu.vector_load %arg11[%get3A_100, %get3A_101] {strides = array<i32>} : memref<1000x16xf32, #tpu.memory_space<vmem>>, vector<1x16xf32>,
        %get3A_103 = vector.shape_cast %get3A_102 : vector<1x16xf32> to vector<16xf32>
        %get3A_104 = arith.index_cast %scan3A_99 : i32 to index
        %get3A_105 = arith.constant 0 : index
        %get3A_106 = tpu.vector_load %arg12[%get3A_104, %get3A_105] {strides = array<i32>} : memref<1000x16xf32, #tpu.memory_space<vmem>>, vector<1x16xf32>,
        %get3A_107 = vector.shape_cast %get3A_106 : vector<1x16xf32> to vector<16xf32>
        %add3A_108 = arith.addf %get3A_103, %get3A_107 : vector<16xf32>
        %gt3A_109 = arith.constant 0.000000e+00 : f32
        %gt3A_110 = vector.broadcast %gt3A_109 : f32 to vector<16xf32>
        %gt3A_111 = arith.cmpf ogt, %add3A_108, %gt3A_110 : vector<16xf32>
        %mul3A_112 = arith.constant 2.000000e-01 : f32
        %mul3A_113 = vector.broadcast %mul3A_112 : f32 to vector<16xf32>
        %mul3A_114 = arith.mulf %mul3A_113, %add3A_108 : vector<16xf32>
        %select_n3A_115 = arith.select %gt3A_111, %add3A_108, %mul3A_114 : vector<16xi1>, vector<16xf32>
        %exp3A_116 = math.exp %select_n3A_115 : vector<16xf32>
        %swap3A_117 = arith.index_cast %scan3A_99 : i32 to index
        %swap3A_118 = arith.constant 0 : index
        %swap3A_119 = tpu.vector_load %arg13[%swap3A_117, %swap3A_118] {strides = array<i32>} : memref<1000x16xf32, #tpu.memory_space<vmem>>, vector<1x16xf32>,
        %swap3A_120 = vector.shape_cast %swap3A_119 : vector<1x16xf32> to vector<16xf32>
        %swap3A_121 = vector.shape_cast %exp3A_116 : vector<16xf32> to vector<1x16xf32>
        tpu.vector_store %arg13[%swap3A_117, %swap3A_118], %swap3A_121 {strides = array<i32>} : memref<1000x16xf32, #tpu.memory_space<vmem>>, vector<1x16xf32>,
        %scan3A_122 = arith.constant 3 : i32
        %scan3A_123 = arith.addi %scan3A_56, %scan3A_122 : i32
        %get3A_124 = arith.index_cast %scan3A_123 : i32 to index
        %get3A_125 = arith.constant 0 : index
        %get3A_126 = tpu.vector_load %arg11[%get3A_124, %get3A_125] {strides = array<i32>} : memref<1000x16xf32, #tpu.memory_space<vmem>>, vector<1x16xf32>,
        %get3A_127 = vector.shape_cast %get3A_126 : vector<1x16xf32> to vector<16xf32>
        %get3A_128 = arith.index_cast %scan3A_123 : i32 to index
        %get3A_129 = arith.constant 0 : index
        %get3A_130 = tpu.vector_load %arg12[%get3A_128, %get3A_129] {strides = array<i32>} : memref<1000x16xf32, #tpu.memory_space<vmem>>, vector<1x16xf32>,
        %get3A_131 = vector.shape_cast %get3A_130 : vector<1x16xf32> to vector<16xf32>
        %add3A_132 = arith.addf %get3A_127, %get3A_131 : vector<16xf32>
        %gt3A_133 = arith.constant 0.000000e+00 : f32
        %gt3A_134 = vector.broadcast %gt3A_133 : f32 to vector<16xf32>
        %gt3A_135 = arith.cmpf ogt, %add3A_132, %gt3A_134 : vector<16xf32>
        %mul3A_136 = arith.constant 2.000000e-01 : f32
        %mul3A_137 = vector.broadcast %mul3A_136 : f32 to vector<16xf32>
        %mul3A_138 = arith.mulf %mul3A_137, %add3A_132 : vector<16xf32>
        %select_n3A_139 = arith.select %gt3A_135, %add3A_132, %mul3A_138 : vector<16xi1>, vector<16xf32>
        %exp3A_140 = math.exp %select_n3A_139 : vector<16xf32>
        %swap3A_141 = arith.index_cast %scan3A_123 : i32 to index
        %swap3A_142 = arith.constant 0 : index
        %swap3A_143 = tpu.vector_load %arg13[%swap3A_141, %swap3A_142] {strides = array<i32>} : memref<1000x16xf32, #tpu.memory_space<vmem>>, vector<1x16xf32>,
        %swap3A_144 = vector.shape_cast %swap3A_143 : vector<1x16xf32> to vector<16xf32>
        %swap3A_145 = vector.shape_cast %exp3A_140 : vector<16xf32> to vector<1x16xf32>
        tpu.vector_store %arg13[%swap3A_141, %swap3A_142], %swap3A_145 {strides = array<i32>} : memref<1000x16xf32, #tpu.memory_space<vmem>>, vector<1x16xf32>,
        %scan3A_146 = arith.constant 4 : i32
        %scan3A_147 = arith.addi %scan3A_56, %scan3A_146 : i32
        %get3A_148 = arith.index_cast %scan3A_147 : i32 to index
        %get3A_149 = arith.constant 0 : index
        %get3A_150 = tpu.vector_load %arg11[%get3A_148, %get3A_149] {strides = array<i32>} : memref<1000x16xf32, #tpu.memory_space<vmem>>, vector<1x16xf32>,
        %get3A_151 = vector.shape_cast %get3A_150 : vector<1x16xf32> to vector<16xf32>
        %get3A_152 = arith.index_cast %scan3A_147 : i32 to index
        %get3A_153 = arith.constant 0 : index
        %get3A_154 = tpu.vector_load %arg12[%get3A_152, %get3A_153] {strides = array<i32>} : memref<1000x16xf32, #tpu.memory_space<vmem>>, vector<1x16xf32>,
        %get3A_155 = vector.shape_cast %get3A_154 : vector<1x16xf32> to vector<16xf32>
        %add3A_156 = arith.addf %get3A_151, %get3A_155 : vector<16xf32>
        %gt3A_157 = arith.constant 0.000000e+00 : f32
        %gt3A_158 = vector.broadcast %gt3A_157 : f32 to vector<16xf32>
        %gt3A_159 = arith.cmpf ogt, %add3A_156, %gt3A_158 : vector<16xf32>
        %mul3A_160 = arith.constant 2.000000e-01 : f32
        %mul3A_161 = vector.broadcast %mul3A_160 : f32 to vector<16xf32>
        %mul3A_162 = arith.mulf %mul3A_161, %add3A_156 : vector<16xf32>
        %select_n3A_163 = arith.select %gt3A_159, %add3A_156, %mul3A_162 : vector<16xi1>, vector<16xf32>
        %exp3A_164 = math.exp %select_n3A_163 : vector<16xf32>
        %swap3A_165 = arith.index_cast %scan3A_147 : i32 to index
        %swap3A_166 = arith.constant 0 : index
        %swap3A_167 = tpu.vector_load %arg13[%swap3A_165, %swap3A_166] {strides = array<i32>} : memref<1000x16xf32, #tpu.memory_space<vmem>>, vector<1x16xf32>,
        %swap3A_168 = vector.shape_cast %swap3A_167 : vector<1x16xf32> to vector<16xf32>
        %swap3A_169 = vector.shape_cast %exp3A_164 : vector<16xf32> to vector<1x16xf32>
        tpu.vector_store %arg13[%swap3A_165, %swap3A_166], %swap3A_169 {strides = array<i32>} : memref<1000x16xf32, #tpu.memory_space<vmem>>, vector<1x16xf32>,
        %scan3A_170 = arith.constant 5 : i32
        %scan3A_171 = arith.addi %scan3A_56, %scan3A_170 : i32
        %get3A_172 = arith.index_cast %scan3A_171 : i32 to index
        %get3A_173 = arith.constant 0 : index
        %get3A_174 = tpu.vector_load %arg11[%get3A_172, %get3A_173] {strides = array<i32>} : memref<1000x16xf32, #tpu.memory_space<vmem>>, vector<1x16xf32>,
        %get3A_175 = vector.shape_cast %get3A_174 : vector<1x16xf32> to vector<16xf32>
        %get3A_176 = arith.index_cast %scan3A_171 : i32 to index
        %get3A_177 = arith.constant 0 : index
        %get3A_178 = tpu.vector_load %arg12[%get3A_176, %get3A_177] {strides = array<i32>} : memref<1000x16xf32, #tpu.memory_space<vmem>>, vector<1x16xf32>,
        %get3A_179 = vector.shape_cast %get3A_178 : vector<1x16xf32> to vector<16xf32>
        %add3A_180 = arith.addf %get3A_175, %get3A_179 : vector<16xf32>
        %gt3A_181 = arith.constant 0.000000e+00 : f32
        %gt3A_182 = vector.broadcast %gt3A_181 : f32 to vector<16xf32>
        %gt3A_183 = arith.cmpf ogt, %add3A_180, %gt3A_182 : vector<16xf32>
        %mul3A_184 = arith.constant 2.000000e-01 : f32
        %mul3A_185 = vector.broadcast %mul3A_184 : f32 to vector<16xf32>
        %mul3A_186 = arith.mulf %mul3A_185, %add3A_180 : vector<16xf32>
        %select_n3A_187 = arith.select %gt3A_183, %add3A_180, %mul3A_186 : vector<16xi1>, vector<16xf32>
        %exp3A_188 = math.exp %select_n3A_187 : vector<16xf32>
        %swap3A_189 = arith.index_cast %scan3A_171 : i32 to index
        %swap3A_190 = arith.constant 0 : index
        %swap3A_191 = tpu.vector_load %arg13[%swap3A_189, %swap3A_190] {strides = array<i32>} : memref<1000x16xf32, #tpu.memory_space<vmem>>, vector<1x16xf32>,
        %swap3A_192 = vector.shape_cast %swap3A_191 : vector<1x16xf32> to vector<16xf32>
        %swap3A_193 = vector.shape_cast %exp3A_188 : vector<16xf32> to vector<1x16xf32>
        tpu.vector_store %arg13[%swap3A_189, %swap3A_190], %swap3A_193 {strides = array<i32>} : memref<1000x16xf32, #tpu.memory_space<vmem>>, vector<1x16xf32>,
        %scan3A_194 = arith.constant 6 : i32
        %scan3A_195 = arith.addi %scan3A_56, %scan3A_194 : i32
        %get3A_196 = arith.index_cast %scan3A_195 : i32 to index
        %get3A_197 = arith.constant 0 : index
        %get3A_198 = tpu.vector_load %arg11[%get3A_196, %get3A_197] {strides = array<i32>} : memref<1000x16xf32, #tpu.memory_space<vmem>>, vector<1x16xf32>,
        %get3A_199 = vector.shape_cast %get3A_198 : vector<1x16xf32> to vector<16xf32>
        %get3A_200 = arith.index_cast %scan3A_195 : i32 to index
        %get3A_201 = arith.constant 0 : index
        %get3A_202 = tpu.vector_load %arg12[%get3A_200, %get3A_201] {strides = array<i32>} : memref<1000x16xf32, #tpu.memory_space<vmem>>, vector<1x16xf32>,
        %get3A_203 = vector.shape_cast %get3A_202 : vector<1x16xf32> to vector<16xf32>
        %add3A_204 = arith.addf %get3A_199, %get3A_203 : vector<16xf32>
        %gt3A_205 = arith.constant 0.000000e+00 : f32
        %gt3A_206 = vector.broadcast %gt3A_205 : f32 to vector<16xf32>
        %gt3A_207 = arith.cmpf ogt, %add3A_204, %gt3A_206 : vector<16xf32>
        %mul3A_208 = arith.constant 2.000000e-01 : f32
        %mul3A_209 = vector.broadcast %mul3A_208 : f32 to vector<16xf32>
        %mul3A_210 = arith.mulf %mul3A_209, %add3A_204 : vector<16xf32>
        %select_n3A_211 = arith.select %gt3A_207, %add3A_204, %mul3A_210 : vector<16xi1>, vector<16xf32>
        %exp3A_212 = math.exp %select_n3A_211 : vector<16xf32>
        %swap3A_213 = arith.index_cast %scan3A_195 : i32 to index
        %swap3A_214 = arith.constant 0 : index
        %swap3A_215 = tpu.vector_load %arg13[%swap3A_213, %swap3A_214] {strides = array<i32>} : memref<1000x16xf32, #tpu.memory_space<vmem>>, vector<1x16xf32>,
        %swap3A_216 = vector.shape_cast %swap3A_215 : vector<1x16xf32> to vector<16xf32>
        %swap3A_217 = vector.shape_cast %exp3A_212 : vector<16xf32> to vector<1x16xf32>
        tpu.vector_store %arg13[%swap3A_213, %swap3A_214], %swap3A_217 {strides = array<i32>} : memref<1000x16xf32, #tpu.memory_space<vmem>>, vector<1x16xf32>,
        %scan3A_218 = arith.constant 7 : i32
        %scan3A_219 = arith.addi %scan3A_56, %scan3A_218 : i32
        %get3A_220 = arith.index_cast %scan3A_219 : i32 to index
        %get3A_221 = arith.constant 0 : index
        %get3A_222 = tpu.vector_load %arg11[%get3A_220, %get3A_221] {strides = array<i32>} : memref<1000x16xf32, #tpu.memory_space<vmem>>, vector<1x16xf32>,
        %get3A_223 = vector.shape_cast %get3A_222 : vector<1x16xf32> to vector<16xf32>
        %get3A_224 = arith.index_cast %scan3A_219 : i32 to index
        %get3A_225 = arith.constant 0 : index
        %get3A_226 = tpu.vector_load %arg12[%get3A_224, %get3A_225] {strides = array<i32>} : memref<1000x16xf32, #tpu.memory_space<vmem>>, vector<1x16xf32>,
        %get3A_227 = vector.shape_cast %get3A_226 : vector<1x16xf32> to vector<16xf32>
        %add3A_228 = arith.addf %get3A_223, %get3A_227 : vector<16xf32>
        %gt3A_229 = arith.constant 0.000000e+00 : f32
        %gt3A_230 = vector.broadcast %gt3A_229 : f32 to vector<16xf32>
        %gt3A_231 = arith.cmpf ogt, %add3A_228, %gt3A_230 : vector<16xf32>
        %mul3A_232 = arith.constant 2.000000e-01 : f32
        %mul3A_233 = vector.broadcast %mul3A_232 : f32 to vector<16xf32>
        %mul3A_234 = arith.mulf %mul3A_233, %add3A_228 : vector<16xf32>
        %select_n3A_235 = arith.select %gt3A_231, %add3A_228, %mul3A_234 : vector<16xi1>, vector<16xf32>
        %exp3A_236 = math.exp %select_n3A_235 : vector<16xf32>
        %swap3A_237 = arith.index_cast %scan3A_219 : i32 to index
        %swap3A_238 = arith.constant 0 : index
        %swap3A_239 = tpu.vector_load %arg13[%swap3A_237, %swap3A_238] {strides = array<i32>} : memref<1000x16xf32, #tpu.memory_space<vmem>>, vector<1x16xf32>,
        %swap3A_240 = vector.shape_cast %swap3A_239 : vector<1x16xf32> to vector<16xf32>
        %swap3A_241 = vector.shape_cast %exp3A_236 : vector<16xf32> to vector<1x16xf32>
        tpu.vector_store %arg13[%swap3A_237, %swap3A_238], %swap3A_241 {strides = array<i32>} : memref<1000x16xf32, #tpu.memory_space<vmem>>, vector<1x16xf32>,
      }
      %scan3A_47 = arith.constant 1000 : i32
      %dma_start3A_48 = arith.constant 0 : i32
      %dma_start3A_49 = tpu.memref_slice %arg7[%add3A_23, %dma_start3A_48] : memref<160000x16xf32, #tpu.memory_space<hbm>> -> memref<1000x16xf32, #tpu.memory_space<hbm>>
      %dma_start3A_50 = arith.constant 0 : i32
      %dma_start3A_51 = tpu.memref_slice %arg7[%add3A_23, %dma_start3A_50] : memref<160000x16xf32, #tpu.memory_space<hbm>> -> memref<1000x16xf32, #tpu.memory_space<hbm>>
      tpu.enqueue_dma source(%arg13 : memref<1000x16xf32, #tpu.memory_space<vmem>>) target(%dma_start3A_51 : memref<1000x16xf32, #tpu.memory_space<hbm>>) target_semaphore(%arg18 : memref<!tpu.dma_semaphore, #tpu.memory_space<semaphore_mem>>)
      "tpu.region"() ({
        %run_scoped3A = tpu.sem_alloc : memref<!tpu.dma_semaphore, #tpu.memory_space<semaphore_mem>>
        %dma_start3A_56 = arith.constant 0 : i32
        %dma_start3A_57 = arith.constant 0 : i32
        %dma_start3A_58 = tpu.memref_slice %arg14[%dma_start3A_56, %dma_start3A_57] : memref<10112x16xf32, #tpu.memory_space<vmem_shared>> -> memref<10112x16xf32, #tpu.memory_space<vmem_shared>>
        tpu.enqueue_indirect_dma source(%arg13 : memref<1000x16xf32, #tpu.memory_space<vmem>>) target(%dma_start3A_58 : memref<10112x16xf32, #tpu.memory_space<vmem_shared>>) offsets(%arg10 : memref<1000xi32, #tpu.memory_space<vmem>>) semaphore(%run_scoped3A : memref<!tpu.dma_semaphore, #tpu.memory_space<semaphore_mem>>) {add = true}
        %dma_wait3A_59 = arith.constant 0 : i32
        %dma_wait3A_60 = arith.constant 0 : i32
        %dma_wait3A_61 = tpu.memref_slice %arg14[%dma_wait3A_59, %dma_wait3A_60] : memref<10112x16xf32, #tpu.memory_space<vmem_shared>> -> memref<10112x16xf32, #tpu.memory_space<vmem_shared>>
        tpu.wait_indirect_dma semaphore(%run_scoped3A : memref<!tpu.dma_semaphore, #tpu.memory_space<semaphore_mem>>) src(%arg13 : memref<1000x16xf32, #tpu.memory_space<vmem>>) dst(%dma_wait3A_61 : memref<10112x16xf32, #tpu.memory_space<vmem_shared>>)
        tpu.yield
      }) : () -> ()
      %dma_wait3A_52 = arith.constant 0 : i32
      %dma_wait3A_53 = tpu.memref_slice %arg7[%add3A_23, %dma_wait3A_52] : memref<160000x16xf32, #tpu.memory_space<hbm>> -> memref<1000x16xf32, #tpu.memory_space<hbm>>
      %dma_wait3A_54 = arith.constant 0 : i32
      %dma_wait3A_55 = tpu.memref_slice %arg7[%add3A_23, %dma_wait3A_54] : memref<160000x16xf32, #tpu.memory_space<hbm>> -> memref<1000x16xf32, #tpu.memory_space<hbm>>
      tpu.wait_dma2 semaphore(%arg18 : memref<!tpu.dma_semaphore, #tpu.memory_space<semaphore_mem>>) src(%arg13 : memref<1000x16xf32, #tpu.memory_space<vmem>>) dst(%dma_wait3A_55 : memref<1000x16xf32, #tpu.memory_space<hbm>>)
    }
    %scan3A_11 = arith.constant 5 : i32
    %barrier3A_12 = arith.constant 0 : index
    tpu.barrier barrier_id(%barrier3A_12)
    %mul3A_13 = arith.constant 632 : i32
    %mul3A_14 = arith.muli %arg1, %mul3A_13 : i32
    %mul3A_15 = arith.constant 10112 : i32
    %mul3A_16 = arith.muli %arg0, %mul3A_15 : i32
    %mul3A_17 = arith.constant 632 : i32
    %mul3A_18 = arith.muli %arg1, %mul3A_17 : i32
    %add3A_19 = arith.addi %mul3A_16, %mul3A_18 : i32
    "tpu.region"() ({
      %run_scoped3A = tpu.sem_alloc : memref<!tpu.dma_semaphore, #tpu.memory_space<semaphore_mem>>
      %dma_start3A = arith.constant 0 : i32
      %dma_start3A_20 = tpu.memref_slice %arg8[%add3A_19, %dma_start3A] : memref<20224x16xf32, #tpu.memory_space<hbm>> -> memref<632x16xf32, #tpu.memory_space<hbm>>
      %dma_start3A_21 = arith.constant 0 : i32
      %dma_start3A_22 = tpu.memref_slice %arg14[%mul3A_14, %dma_start3A_21] : memref<10112x16xf32, #tpu.memory_space<vmem_shared>> -> memref<632x16xf32, #tpu.memory_space<vmem_shared>>
      tpu.enqueue_dma source(%dma_start3A_22 : memref<632x16xf32, #tpu.memory_space<vmem_shared>>) target(%dma_start3A_20 : memref<632x16xf32, #tpu.memory_space<hbm>>) target_semaphore(%run_scoped3A : memref<!tpu.dma_semaphore, #tpu.memory_space<semaphore_mem>>)
      %dma_wait3A = arith.constant 0 : i32
      %dma_wait3A_23 = tpu.memref_slice %arg8[%add3A_19, %dma_wait3A] : memref<20224x16xf32, #tpu.memory_space<hbm>> -> memref<632x16xf32, #tpu.memory_space<hbm>>
      %dma_wait3A_24 = arith.constant 0 : i32
      %dma_wait3A_25 = tpu.memref_slice %arg14[%mul3A_14, %dma_wait3A_24] : memref<10112x16xf32, #tpu.memory_space<vmem_shared>> -> memref<632x16xf32, #tpu.memory_space<vmem_shared>>
      tpu.wait_dma2 semaphore(%run_scoped3A : memref<!tpu.dma_semaphore, #tpu.memory_space<semaphore_mem>>) src(%dma_wait3A_25 : memref<632x16xf32, #tpu.memory_space<vmem_shared>>) dst(%dma_wait3A_23 : memref<632x16xf32, #tpu.memory_space<hbm>>)
      tpu.yield
    }) : () -> ()
    return
  }
}

module attributes {stable_mosaic.version = 14 : i64} {
  func.func @body(%arg0: i32, %arg1: memref<1000x256xf32, #tpu.memory_space<vmem>>, %arg2: memref<8x256x64xf32, #tpu.memory_space<vmem>>, %arg3: memref<8x128xf32, #tpu.memory_space<vmem>>, %arg4: memref<4x1000x128xf32, #tpu.memory_space<vmem>>, %arg5: memref<1000x16xf32, #tpu.memory_space<vmem>>, %arg6: memref<1000x16xf32, #tpu.memory_space<vmem>>) attributes {dimension_semantics = [#tpu.dimension_semantics<arbitrary>], iteration_bounds = array<i64: 10>, scalar_prefetch = 0 : i64, scratch_operands = 0 : i64, tpu.core_type = #tpu.core_type<tc>, window_params = [{transform_indices = @transform_0, window_bounds = array<i64: 1000, 256>}, {pipeline_mode = #tpu.pipeline_mode<synchronous>, transform_indices = @transform_1, window_bounds = array<i64: 8, 256, 64>}, {pipeline_mode = #tpu.pipeline_mode<synchronous>, transform_indices = @transform_2, window_bounds = array<i64: 8, 128>}, {transform_indices = @transform_3, window_bounds = array<i64: 4, 1000, 128>}, {transform_indices = @transform_4, window_bounds = array<i64: 1000, 16>}, {transform_indices = @transform_5, window_bounds = array<i64: 1000, 16>}]} {
    %get3A = arith.constant 0 : index
    %get3A_0 = arith.constant 0 : index
    %get3A_1 = vector.load %arg1[%get3A, %get3A_0] : memref<1000x256xf32, #tpu.memory_space<vmem>>, vector<1000x256xf32>
    %get3A_2 = arith.constant 0 : index
    %get3A_3 = arith.constant 0 : index
    %get3A_4 = arith.constant 0 : index
    %get3A_5 = vector.load %arg2[%get3A_2, %get3A_3, %get3A_4] : memref<8x256x64xf32, #tpu.memory_space<vmem>>, vector<1x256x64xf32>
    %get3A_6 = vector.shape_cast %get3A_5 : vector<1x256x64xf32> to vector<256x64xf32>
    %dot_general3A = arith.constant dense<0.000000e+00> : vector<1000x64xf32>
    %dot_general3A_7 = tpu.matmul %get3A_1, %get3A_6, %dot_general3A {dimension_numbers = #tpu.dot_dimension_numbers<[1], [0], [0], [1], [0, 0, 1, 1], [], []>, transpose_lhs_hint = false} : vector<1000x256xf32>, vector<256x64xf32>, vector<1000x64xf32> -> vector<1000x64xf32>
    %get3A_8 = arith.constant 0 : index
    %get3A_9 = arith.constant 0 : index
    %get3A_10 = vector.load %arg3[%get3A_8, %get3A_9] : memref<8x128xf32, #tpu.memory_space<vmem>>, vector<1x64xf32>
    %get3A_11 = vector.shape_cast %get3A_10 : vector<1x64xf32> to vector<64xf32>
    %dot_general3A_12 = arith.constant dense<0.000000e+00> : vector<1000xf32>
    %dot_general3A_13 = tpu.matmul %dot_general3A_7, %get3A_11, %dot_general3A_12 {dimension_numbers = #tpu.dot_dimension_numbers<[1], [0], [0], [], [0, 0], [], []>, transpose_lhs_hint = false} : vector<1000x64xf32>, vector<64xf32>, vector<1000xf32> -> vector<1000xf32>
    %get3A_14 = arith.constant 0 : index
    %get3A_15 = arith.constant 64 : index
    %get3A_16 = vector.load %arg3[%get3A_14, %get3A_15] : memref<8x128xf32, #tpu.memory_space<vmem>>, vector<1x64xf32>
    %get3A_17 = vector.shape_cast %get3A_16 : vector<1x64xf32> to vector<64xf32>
    %dot_general3A_18 = arith.constant dense<0.000000e+00> : vector<1000xf32>
    %dot_general3A_19 = tpu.matmul %dot_general3A_7, %get3A_17, %dot_general3A_18 {dimension_numbers = #tpu.dot_dimension_numbers<[1], [0], [0], [], [0, 0], [], []>, transpose_lhs_hint = false} : vector<1000x64xf32>, vector<64xf32>, vector<1000xf32> -> vector<1000xf32>
    %get3A_20 = arith.constant 1 : index
    %get3A_21 = arith.constant 0 : index
    %get3A_22 = arith.constant 0 : index
    %get3A_23 = vector.load %arg2[%get3A_20, %get3A_21, %get3A_22] : memref<8x256x64xf32, #tpu.memory_space<vmem>>, vector<1x256x64xf32>
    %get3A_24 = vector.shape_cast %get3A_23 : vector<1x256x64xf32> to vector<256x64xf32>
    %dot_general3A_25 = arith.constant dense<0.000000e+00> : vector<1000x64xf32>
    %dot_general3A_26 = tpu.matmul %get3A_1, %get3A_24, %dot_general3A_25 {dimension_numbers = #tpu.dot_dimension_numbers<[1], [0], [0], [1], [0, 0, 1, 1], [], []>, transpose_lhs_hint = false} : vector<1000x256xf32>, vector<256x64xf32>, vector<1000x64xf32> -> vector<1000x64xf32>
    %get3A_27 = arith.constant 1 : index
    %get3A_28 = arith.constant 0 : index
    %get3A_29 = vector.load %arg3[%get3A_27, %get3A_28] : memref<8x128xf32, #tpu.memory_space<vmem>>, vector<1x64xf32>
    %get3A_30 = vector.shape_cast %get3A_29 : vector<1x64xf32> to vector<64xf32>
    %dot_general3A_31 = arith.constant dense<0.000000e+00> : vector<1000xf32>
    %dot_general3A_32 = tpu.matmul %dot_general3A_26, %get3A_30, %dot_general3A_31 {dimension_numbers = #tpu.dot_dimension_numbers<[1], [0], [0], [], [0, 0], [], []>, transpose_lhs_hint = false} : vector<1000x64xf32>, vector<64xf32>, vector<1000xf32> -> vector<1000xf32>
    %get3A_33 = arith.constant 1 : index
    %get3A_34 = arith.constant 64 : index
    %get3A_35 = vector.load %arg3[%get3A_33, %get3A_34] : memref<8x128xf32, #tpu.memory_space<vmem>>, vector<1x64xf32>
    %get3A_36 = vector.shape_cast %get3A_35 : vector<1x64xf32> to vector<64xf32>
    %dot_general3A_37 = arith.constant dense<0.000000e+00> : vector<1000xf32>
    %dot_general3A_38 = tpu.matmul %dot_general3A_26, %get3A_36, %dot_general3A_37 {dimension_numbers = #tpu.dot_dimension_numbers<[1], [0], [0], [], [0, 0], [], []>, transpose_lhs_hint = false} : vector<1000x64xf32>, vector<64xf32>, vector<1000xf32> -> vector<1000xf32>
    %get3A_39 = arith.constant 2 : index
    %get3A_40 = arith.constant 0 : index
    %get3A_41 = arith.constant 0 : index
    %get3A_42 = vector.load %arg2[%get3A_39, %get3A_40, %get3A_41] : memref<8x256x64xf32, #tpu.memory_space<vmem>>, vector<1x256x64xf32>
    %get3A_43 = vector.shape_cast %get3A_42 : vector<1x256x64xf32> to vector<256x64xf32>
    %dot_general3A_44 = arith.constant dense<0.000000e+00> : vector<1000x64xf32>
    %dot_general3A_45 = tpu.matmul %get3A_1, %get3A_43, %dot_general3A_44 {dimension_numbers = #tpu.dot_dimension_numbers<[1], [0], [0], [1], [0, 0, 1, 1], [], []>, transpose_lhs_hint = false} : vector<1000x256xf32>, vector<256x64xf32>, vector<1000x64xf32> -> vector<1000x64xf32>
    %get3A_46 = arith.constant 2 : index
    %get3A_47 = arith.constant 0 : index
    %get3A_48 = vector.load %arg3[%get3A_46, %get3A_47] : memref<8x128xf32, #tpu.memory_space<vmem>>, vector<1x64xf32>
    %get3A_49 = vector.shape_cast %get3A_48 : vector<1x64xf32> to vector<64xf32>
    %dot_general3A_50 = arith.constant dense<0.000000e+00> : vector<1000xf32>
    %dot_general3A_51 = tpu.matmul %dot_general3A_45, %get3A_49, %dot_general3A_50 {dimension_numbers = #tpu.dot_dimension_numbers<[1], [0], [0], [], [0, 0], [], []>, transpose_lhs_hint = false} : vector<1000x64xf32>, vector<64xf32>, vector<1000xf32> -> vector<1000xf32>
    %get3A_52 = arith.constant 2 : index
    %get3A_53 = arith.constant 64 : index
    %get3A_54 = vector.load %arg3[%get3A_52, %get3A_53] : memref<8x128xf32, #tpu.memory_space<vmem>>, vector<1x64xf32>
    %get3A_55 = vector.shape_cast %get3A_54 : vector<1x64xf32> to vector<64xf32>
    %dot_general3A_56 = arith.constant dense<0.000000e+00> : vector<1000xf32>
    %dot_general3A_57 = tpu.matmul %dot_general3A_45, %get3A_55, %dot_general3A_56 {dimension_numbers = #tpu.dot_dimension_numbers<[1], [0], [0], [], [0, 0], [], []>, transpose_lhs_hint = false} : vector<1000x64xf32>, vector<64xf32>, vector<1000xf32> -> vector<1000xf32>
    %get3A_58 = arith.constant 3 : index
    %get3A_59 = arith.constant 0 : index
    %get3A_60 = arith.constant 0 : index
    %get3A_61 = vector.load %arg2[%get3A_58, %get3A_59, %get3A_60] : memref<8x256x64xf32, #tpu.memory_space<vmem>>, vector<1x256x64xf32>
    %get3A_62 = vector.shape_cast %get3A_61 : vector<1x256x64xf32> to vector<256x64xf32>
    %dot_general3A_63 = arith.constant dense<0.000000e+00> : vector<1000x64xf32>
    %dot_general3A_64 = tpu.matmul %get3A_1, %get3A_62, %dot_general3A_63 {dimension_numbers = #tpu.dot_dimension_numbers<[1], [0], [0], [1], [0, 0, 1, 1], [], []>, transpose_lhs_hint = false} : vector<1000x256xf32>, vector<256x64xf32>, vector<1000x64xf32> -> vector<1000x64xf32>
    %get3A_65 = arith.constant 3 : index
    %get3A_66 = arith.constant 0 : index
    %get3A_67 = vector.load %arg3[%get3A_65, %get3A_66] : memref<8x128xf32, #tpu.memory_space<vmem>>, vector<1x64xf32>
    %get3A_68 = vector.shape_cast %get3A_67 : vector<1x64xf32> to vector<64xf32>
    %dot_general3A_69 = arith.constant dense<0.000000e+00> : vector<1000xf32>
    %dot_general3A_70 = tpu.matmul %dot_general3A_64, %get3A_68, %dot_general3A_69 {dimension_numbers = #tpu.dot_dimension_numbers<[1], [0], [0], [], [0, 0], [], []>, transpose_lhs_hint = false} : vector<1000x64xf32>, vector<64xf32>, vector<1000xf32> -> vector<1000xf32>
    %get3A_71 = arith.constant 3 : index
    %get3A_72 = arith.constant 64 : index
    %get3A_73 = vector.load %arg3[%get3A_71, %get3A_72] : memref<8x128xf32, #tpu.memory_space<vmem>>, vector<1x64xf32>
    %get3A_74 = vector.shape_cast %get3A_73 : vector<1x64xf32> to vector<64xf32>
    %dot_general3A_75 = arith.constant dense<0.000000e+00> : vector<1000xf32>
    %dot_general3A_76 = tpu.matmul %dot_general3A_64, %get3A_74, %dot_general3A_75 {dimension_numbers = #tpu.dot_dimension_numbers<[1], [0], [0], [], [0, 0], [], []>, transpose_lhs_hint = false} : vector<1000x64xf32>, vector<64xf32>, vector<1000xf32> -> vector<1000xf32>
    %get3A_77 = arith.constant 4 : index
    %get3A_78 = arith.constant 0 : index
    %get3A_79 = arith.constant 0 : index
    %get3A_80 = vector.load %arg2[%get3A_77, %get3A_78, %get3A_79] : memref<8x256x64xf32, #tpu.memory_space<vmem>>, vector<1x256x64xf32>
    %get3A_81 = vector.shape_cast %get3A_80 : vector<1x256x64xf32> to vector<256x64xf32>
    %dot_general3A_82 = arith.constant dense<0.000000e+00> : vector<1000x64xf32>
    %dot_general3A_83 = tpu.matmul %get3A_1, %get3A_81, %dot_general3A_82 {dimension_numbers = #tpu.dot_dimension_numbers<[1], [0], [0], [1], [0, 0, 1, 1], [], []>, transpose_lhs_hint = false} : vector<1000x256xf32>, vector<256x64xf32>, vector<1000x64xf32> -> vector<1000x64xf32>
    %get3A_84 = arith.constant 4 : index
    %get3A_85 = arith.constant 0 : index
    %get3A_86 = vector.load %arg3[%get3A_84, %get3A_85] : memref<8x128xf32, #tpu.memory_space<vmem>>, vector<1x64xf32>
    %get3A_87 = vector.shape_cast %get3A_86 : vector<1x64xf32> to vector<64xf32>
    %dot_general3A_88 = arith.constant dense<0.000000e+00> : vector<1000xf32>
    %dot_general3A_89 = tpu.matmul %dot_general3A_83, %get3A_87, %dot_general3A_88 {dimension_numbers = #tpu.dot_dimension_numbers<[1], [0], [0], [], [0, 0], [], []>, transpose_lhs_hint = false} : vector<1000x64xf32>, vector<64xf32>, vector<1000xf32> -> vector<1000xf32>
    %get3A_90 = arith.constant 4 : index
    %get3A_91 = arith.constant 64 : index
    %get3A_92 = vector.load %arg3[%get3A_90, %get3A_91] : memref<8x128xf32, #tpu.memory_space<vmem>>, vector<1x64xf32>
    %get3A_93 = vector.shape_cast %get3A_92 : vector<1x64xf32> to vector<64xf32>
    %dot_general3A_94 = arith.constant dense<0.000000e+00> : vector<1000xf32>
    %dot_general3A_95 = tpu.matmul %dot_general3A_83, %get3A_93, %dot_general3A_94 {dimension_numbers = #tpu.dot_dimension_numbers<[1], [0], [0], [], [0, 0], [], []>, transpose_lhs_hint = false} : vector<1000x64xf32>, vector<64xf32>, vector<1000xf32> -> vector<1000xf32>
    %get3A_96 = arith.constant 5 : index
    %get3A_97 = arith.constant 0 : index
    %get3A_98 = arith.constant 0 : index
    %get3A_99 = vector.load %arg2[%get3A_96, %get3A_97, %get3A_98] : memref<8x256x64xf32, #tpu.memory_space<vmem>>, vector<1x256x64xf32>
    %get3A_100 = vector.shape_cast %get3A_99 : vector<1x256x64xf32> to vector<256x64xf32>
    %dot_general3A_101 = arith.constant dense<0.000000e+00> : vector<1000x64xf32>
    %dot_general3A_102 = tpu.matmul %get3A_1, %get3A_100, %dot_general3A_101 {dimension_numbers = #tpu.dot_dimension_numbers<[1], [0], [0], [1], [0, 0, 1, 1], [], []>, transpose_lhs_hint = false} : vector<1000x256xf32>, vector<256x64xf32>, vector<1000x64xf32> -> vector<1000x64xf32>
    %get3A_103 = arith.constant 5 : index
    %get3A_104 = arith.constant 0 : index
    %get3A_105 = vector.load %arg3[%get3A_103, %get3A_104] : memref<8x128xf32, #tpu.memory_space<vmem>>, vector<1x64xf32>
    %get3A_106 = vector.shape_cast %get3A_105 : vector<1x64xf32> to vector<64xf32>
    %dot_general3A_107 = arith.constant dense<0.000000e+00> : vector<1000xf32>
    %dot_general3A_108 = tpu.matmul %dot_general3A_102, %get3A_106, %dot_general3A_107 {dimension_numbers = #tpu.dot_dimension_numbers<[1], [0], [0], [], [0, 0], [], []>, transpose_lhs_hint = false} : vector<1000x64xf32>, vector<64xf32>, vector<1000xf32> -> vector<1000xf32>
    %get3A_109 = arith.constant 5 : index
    %get3A_110 = arith.constant 64 : index
    %get3A_111 = vector.load %arg3[%get3A_109, %get3A_110] : memref<8x128xf32, #tpu.memory_space<vmem>>, vector<1x64xf32>
    %get3A_112 = vector.shape_cast %get3A_111 : vector<1x64xf32> to vector<64xf32>
    %dot_general3A_113 = arith.constant dense<0.000000e+00> : vector<1000xf32>
    %dot_general3A_114 = tpu.matmul %dot_general3A_102, %get3A_112, %dot_general3A_113 {dimension_numbers = #tpu.dot_dimension_numbers<[1], [0], [0], [], [0, 0], [], []>, transpose_lhs_hint = false} : vector<1000x64xf32>, vector<64xf32>, vector<1000xf32> -> vector<1000xf32>
    %get3A_115 = arith.constant 6 : index
    %get3A_116 = arith.constant 0 : index
    %get3A_117 = arith.constant 0 : index
    %get3A_118 = vector.load %arg2[%get3A_115, %get3A_116, %get3A_117] : memref<8x256x64xf32, #tpu.memory_space<vmem>>, vector<1x256x64xf32>
    %get3A_119 = vector.shape_cast %get3A_118 : vector<1x256x64xf32> to vector<256x64xf32>
    %dot_general3A_120 = arith.constant dense<0.000000e+00> : vector<1000x64xf32>
    %dot_general3A_121 = tpu.matmul %get3A_1, %get3A_119, %dot_general3A_120 {dimension_numbers = #tpu.dot_dimension_numbers<[1], [0], [0], [1], [0, 0, 1, 1], [], []>, transpose_lhs_hint = false} : vector<1000x256xf32>, vector<256x64xf32>, vector<1000x64xf32> -> vector<1000x64xf32>
    %get3A_122 = arith.constant 6 : index
    %get3A_123 = arith.constant 0 : index
    %get3A_124 = vector.load %arg3[%get3A_122, %get3A_123] : memref<8x128xf32, #tpu.memory_space<vmem>>, vector<1x64xf32>
    %get3A_125 = vector.shape_cast %get3A_124 : vector<1x64xf32> to vector<64xf32>
    %dot_general3A_126 = arith.constant dense<0.000000e+00> : vector<1000xf32>
    %dot_general3A_127 = tpu.matmul %dot_general3A_121, %get3A_125, %dot_general3A_126 {dimension_numbers = #tpu.dot_dimension_numbers<[1], [0], [0], [], [0, 0], [], []>, transpose_lhs_hint = false} : vector<1000x64xf32>, vector<64xf32>, vector<1000xf32> -> vector<1000xf32>
    %get3A_128 = arith.constant 6 : index
    %get3A_129 = arith.constant 64 : index
    %get3A_130 = vector.load %arg3[%get3A_128, %get3A_129] : memref<8x128xf32, #tpu.memory_space<vmem>>, vector<1x64xf32>
    %get3A_131 = vector.shape_cast %get3A_130 : vector<1x64xf32> to vector<64xf32>
    %dot_general3A_132 = arith.constant dense<0.000000e+00> : vector<1000xf32>
    %dot_general3A_133 = tpu.matmul %dot_general3A_121, %get3A_131, %dot_general3A_132 {dimension_numbers = #tpu.dot_dimension_numbers<[1], [0], [0], [], [0, 0], [], []>, transpose_lhs_hint = false} : vector<1000x64xf32>, vector<64xf32>, vector<1000xf32> -> vector<1000xf32>
    %get3A_134 = arith.constant 7 : index
    %get3A_135 = arith.constant 0 : index
    %get3A_136 = arith.constant 0 : index
    %get3A_137 = vector.load %arg2[%get3A_134, %get3A_135, %get3A_136] : memref<8x256x64xf32, #tpu.memory_space<vmem>>, vector<1x256x64xf32>
    %get3A_138 = vector.shape_cast %get3A_137 : vector<1x256x64xf32> to vector<256x64xf32>
    %dot_general3A_139 = arith.constant dense<0.000000e+00> : vector<1000x64xf32>
    %dot_general3A_140 = tpu.matmul %get3A_1, %get3A_138, %dot_general3A_139 {dimension_numbers = #tpu.dot_dimension_numbers<[1], [0], [0], [1], [0, 0, 1, 1], [], []>, transpose_lhs_hint = false} : vector<1000x256xf32>, vector<256x64xf32>, vector<1000x64xf32> -> vector<1000x64xf32>
    %get3A_141 = arith.constant 7 : index
    %get3A_142 = arith.constant 0 : index
    %get3A_143 = vector.load %arg3[%get3A_141, %get3A_142] : memref<8x128xf32, #tpu.memory_space<vmem>>, vector<1x64xf32>
    %get3A_144 = vector.shape_cast %get3A_143 : vector<1x64xf32> to vector<64xf32>
    %dot_general3A_145 = arith.constant dense<0.000000e+00> : vector<1000xf32>
    %dot_general3A_146 = tpu.matmul %dot_general3A_140, %get3A_144, %dot_general3A_145 {dimension_numbers = #tpu.dot_dimension_numbers<[1], [0], [0], [], [0, 0], [], []>, transpose_lhs_hint = false} : vector<1000x64xf32>, vector<64xf32>, vector<1000xf32> -> vector<1000xf32>
    %get3A_147 = arith.constant 7 : index
    %get3A_148 = arith.constant 64 : index
    %get3A_149 = vector.load %arg3[%get3A_147, %get3A_148] : memref<8x128xf32, #tpu.memory_space<vmem>>, vector<1x64xf32>
    %get3A_150 = vector.shape_cast %get3A_149 : vector<1x64xf32> to vector<64xf32>
    %dot_general3A_151 = arith.constant dense<0.000000e+00> : vector<1000xf32>
    %dot_general3A_152 = tpu.matmul %dot_general3A_140, %get3A_150, %dot_general3A_151 {dimension_numbers = #tpu.dot_dimension_numbers<[1], [0], [0], [], [0, 0], [], []>, transpose_lhs_hint = false} : vector<1000x64xf32>, vector<64xf32>, vector<1000xf32> -> vector<1000xf32>
    %concatenate3A = tpu.concatenate %dot_general3A_7, %dot_general3A_26 in 1 : vector<1000x64xf32>, vector<1000x64xf32> -> vector<1000x128xf32>
    %swap3A = arith.constant 0 : index
    %swap3A_153 = arith.constant 0 : index
    %swap3A_154 = arith.constant 0 : index
    %swap3A_155 = vector.load %arg4[%swap3A, %swap3A_153, %swap3A_154] : memref<4x1000x128xf32, #tpu.memory_space<vmem>>, vector<1x1000x128xf32>
    %swap3A_156 = vector.shape_cast %swap3A_155 : vector<1x1000x128xf32> to vector<1000x128xf32>
    %swap3A_157 = vector.shape_cast %concatenate3A : vector<1000x128xf32> to vector<1x1000x128xf32>
    tpu.vector_store %arg4[%swap3A, %swap3A_153, %swap3A_154], %swap3A_157 {strides = array<i32>} : memref<4x1000x128xf32, #tpu.memory_space<vmem>>, vector<1x1000x128xf32>,
    %concatenate3A_158 = tpu.concatenate %dot_general3A_45, %dot_general3A_64 in 1 : vector<1000x64xf32>, vector<1000x64xf32> -> vector<1000x128xf32>
    %swap3A_159 = arith.constant 1 : index
    %swap3A_160 = arith.constant 0 : index
    %swap3A_161 = arith.constant 0 : index
    %swap3A_162 = vector.load %arg4[%swap3A_159, %swap3A_160, %swap3A_161] : memref<4x1000x128xf32, #tpu.memory_space<vmem>>, vector<1x1000x128xf32>
    %swap3A_163 = vector.shape_cast %swap3A_162 : vector<1x1000x128xf32> to vector<1000x128xf32>
    %swap3A_164 = vector.shape_cast %concatenate3A_158 : vector<1000x128xf32> to vector<1x1000x128xf32>
    tpu.vector_store %arg4[%swap3A_159, %swap3A_160, %swap3A_161], %swap3A_164 {strides = array<i32>} : memref<4x1000x128xf32, #tpu.memory_space<vmem>>, vector<1x1000x128xf32>,
    %concatenate3A_165 = tpu.concatenate %dot_general3A_83, %dot_general3A_102 in 1 : vector<1000x64xf32>, vector<1000x64xf32> -> vector<1000x128xf32>
    %swap3A_166 = arith.constant 2 : index
    %swap3A_167 = arith.constant 0 : index
    %swap3A_168 = arith.constant 0 : index
    %swap3A_169 = vector.load %arg4[%swap3A_166, %swap3A_167, %swap3A_168] : memref<4x1000x128xf32, #tpu.memory_space<vmem>>, vector<1x1000x128xf32>
    %swap3A_170 = vector.shape_cast %swap3A_169 : vector<1x1000x128xf32> to vector<1000x128xf32>
    %swap3A_171 = vector.shape_cast %concatenate3A_165 : vector<1000x128xf32> to vector<1x1000x128xf32>
    tpu.vector_store %arg4[%swap3A_166, %swap3A_167, %swap3A_168], %swap3A_171 {strides = array<i32>} : memref<4x1000x128xf32, #tpu.memory_space<vmem>>, vector<1x1000x128xf32>,
    %concatenate3A_172 = tpu.concatenate %dot_general3A_121, %dot_general3A_140 in 1 : vector<1000x64xf32>, vector<1000x64xf32> -> vector<1000x128xf32>
    %swap3A_173 = arith.constant 3 : index
    %swap3A_174 = arith.constant 0 : index
    %swap3A_175 = arith.constant 0 : index
    %swap3A_176 = vector.load %arg4[%swap3A_173, %swap3A_174, %swap3A_175] : memref<4x1000x128xf32, #tpu.memory_space<vmem>>, vector<1x1000x128xf32>
    %swap3A_177 = vector.shape_cast %swap3A_176 : vector<1x1000x128xf32> to vector<1000x128xf32>
    %swap3A_178 = vector.shape_cast %concatenate3A_172 : vector<1000x128xf32> to vector<1x1000x128xf32>
    tpu.vector_store %arg4[%swap3A_173, %swap3A_174, %swap3A_175], %swap3A_178 {strides = array<i32>} : memref<4x1000x128xf32, #tpu.memory_space<vmem>>, vector<1x1000x128xf32>,
    %broadcast_in_dim3A = arith.constant 0.000000e+00 : f32
    %broadcast_in_dim3A_179 = vector.broadcast %broadcast_in_dim3A : f32 to vector<1000x8xf32>
    %stack3A = vector.shape_cast %dot_general3A_13 : vector<1000xf32> to vector<1000x1xf32>
    %stack3A_180 = vector.shape_cast %dot_general3A_32 : vector<1000xf32> to vector<1000x1xf32>
    %stack3A_181 = vector.shape_cast %dot_general3A_51 : vector<1000xf32> to vector<1000x1xf32>
    %stack3A_182 = vector.shape_cast %dot_general3A_70 : vector<1000xf32> to vector<1000x1xf32>
    %stack3A_183 = vector.shape_cast %dot_general3A_89 : vector<1000xf32> to vector<1000x1xf32>
    %stack3A_184 = vector.shape_cast %dot_general3A_108 : vector<1000xf32> to vector<1000x1xf32>
    %stack3A_185 = vector.shape_cast %dot_general3A_127 : vector<1000xf32> to vector<1000x1xf32>
    %stack3A_186 = vector.shape_cast %dot_general3A_146 : vector<1000xf32> to vector<1000x1xf32>
    %stack3A_187 = tpu.concatenate %stack3A, %stack3A_180, %stack3A_181, %stack3A_182, %stack3A_183, %stack3A_184, %stack3A_185, %stack3A_186 in 1 : vector<1000x1xf32>, vector<1000x1xf32>, vector<1000x1xf32>, vector<1000x1xf32>, vector<1000x1xf32>, vector<1000x1xf32>, vector<1000x1xf32>, vector<1000x1xf32> -> vector<1000x8xf32>
    %concatenate3A_188 = tpu.concatenate %stack3A_187, %broadcast_in_dim3A_179 in 1 : vector<1000x8xf32>, vector<1000x8xf32> -> vector<1000x16xf32>
    %swap3A_189 = arith.constant 0 : index
    %swap3A_190 = arith.constant 0 : index
    %swap3A_191 = vector.load %arg5[%swap3A_189, %swap3A_190] : memref<1000x16xf32, #tpu.memory_space<vmem>>, vector<1000x16xf32>
    tpu.vector_store %arg5[%swap3A_189, %swap3A_190], %concatenate3A_188 {strides = array<i32>} : memref<1000x16xf32, #tpu.memory_space<vmem>>, vector<1000x16xf32>,
    %stack3A_192 = vector.shape_cast %dot_general3A_19 : vector<1000xf32> to vector<1000x1xf32>
    %stack3A_193 = vector.shape_cast %dot_general3A_38 : vector<1000xf32> to vector<1000x1xf32>
    %stack3A_194 = vector.shape_cast %dot_general3A_57 : vector<1000xf32> to vector<1000x1xf32>
    %stack3A_195 = vector.shape_cast %dot_general3A_76 : vector<1000xf32> to vector<1000x1xf32>
    %stack3A_196 = vector.shape_cast %dot_general3A_95 : vector<1000xf32> to vector<1000x1xf32>
    %stack3A_197 = vector.shape_cast %dot_general3A_114 : vector<1000xf32> to vector<1000x1xf32>
    %stack3A_198 = vector.shape_cast %dot_general3A_133 : vector<1000xf32> to vector<1000x1xf32>
    %stack3A_199 = vector.shape_cast %dot_general3A_152 : vector<1000xf32> to vector<1000x1xf32>
    %stack3A_200 = tpu.concatenate %stack3A_192, %stack3A_193, %stack3A_194, %stack3A_195, %stack3A_196, %stack3A_197, %stack3A_198, %stack3A_199 in 1 : vector<1000x1xf32>, vector<1000x1xf32>, vector<1000x1xf32>, vector<1000x1xf32>, vector<1000x1xf32>, vector<1000x1xf32>, vector<1000x1xf32>, vector<1000x1xf32> -> vector<1000x8xf32>
    %concatenate3A_201 = tpu.concatenate %stack3A_200, %broadcast_in_dim3A_179 in 1 : vector<1000x8xf32>, vector<1000x8xf32> -> vector<1000x16xf32>
    %swap3A_202 = arith.constant 0 : index
    %swap3A_203 = arith.constant 0 : index
    %swap3A_204 = vector.load %arg6[%swap3A_202, %swap3A_203] : memref<1000x16xf32, #tpu.memory_space<vmem>>, vector<1000x16xf32>
    tpu.vector_store %arg6[%swap3A_202, %swap3A_203], %concatenate3A_201 {strides = array<i32>} : memref<1000x16xf32, #tpu.memory_space<vmem>>, vector<1000x16xf32>,
    return
  }
  func.func @transform_0(%arg0: i32) -> (i32, i32) {
    %c0_i32 = arith.constant 0 : i32
    %c0_i32_0 = arith.constant 0 : i32
    return %arg0, %c0_i32 : i32, i32
  }
  func.func @transform_1(%arg0: i32) -> (i32, i32, i32) {
    %c0_i32 = arith.constant 0 : i32
    %c0_i32_0 = arith.constant 0 : i32
    %c0_i32_1 = arith.constant 0 : i32
    %c0_i32_2 = arith.constant 0 : i32
    return %c0_i32, %c0_i32_0, %c0_i32_1 : i32, i32, i32
  }
  func.func @transform_2(%arg0: i32) -> (i32, i32) {
    %c0_i32 = arith.constant 0 : i32
    %c0_i32_0 = arith.constant 0 : i32
    %c0_i32_1 = arith.constant 0 : i32
    return %c0_i32, %c0_i32_0 : i32, i32
  }
  func.func @transform_3(%arg0: i32) -> (i32, i32, i32) {
    %c0_i32 = arith.constant 0 : i32
    %c0_i32_0 = arith.constant 0 : i32
    %c0_i32_1 = arith.constant 0 : i32
    return %c0_i32, %arg0, %c0_i32_0 : i32, i32, i32
  }
  func.func @transform_4(%arg0: i32) -> (i32, i32) {
    %c0_i32 = arith.constant 0 : i32
    %c0_i32_0 = arith.constant 0 : i32
    return %arg0, %c0_i32 : i32, i32
  }
  func.func @transform_5(%arg0: i32) -> (i32, i32) {
    %c0_i32 = arith.constant 0 : i32
    %c0_i32_0 = arith.constant 0 : i32
    return %arg0, %c0_i32 : i32, i32
  }
}

module attributes {stable_mosaic.version = 14 : i64} {
  func.func @body(%arg0: i32, %arg1: memref<2x1000x128xf32, #tpu.memory_space<vmem>>, %arg2: memref<2x1000x128xf32, #tpu.memory_space<vmem>>, %arg3: memref<2x1000x128xf32, #tpu.memory_space<vmem>>, %arg4: memref<2x1000x128xf32, #tpu.memory_space<vmem>>, %arg5: memref<2x1000x16xf32, #tpu.memory_space<vmem>>, %arg6: memref<512x40xf32, #tpu.memory_space<vmem>>, %arg7: memref<80xf32, #tpu.memory_space<vmem>>, %arg8: memref<1000x48xf32, #tpu.memory_space<vmem>>, %arg9: memref<1000x16xf32, #tpu.memory_space<vmem>>, %arg10: memref<1000x16xf32, #tpu.memory_space<vmem>>) attributes {dimension_semantics = [#tpu.dimension_semantics<arbitrary>], iteration_bounds = array<i64: 10>, scalar_prefetch = 0 : i64, scratch_operands = 0 : i64, tpu.core_type = #tpu.core_type<tc>, window_params = [{transform_indices = @transform_0, window_bounds = array<i64: 2, 1000, 128>}, {transform_indices = @transform_1, window_bounds = array<i64: 2, 1000, 128>}, {transform_indices = @transform_2, window_bounds = array<i64: 2, 1000, 128>}, {transform_indices = @transform_3, window_bounds = array<i64: 2, 1000, 128>}, {transform_indices = @transform_4, window_bounds = array<i64: 2, 1000, 16>}, {pipeline_mode = #tpu.pipeline_mode<synchronous>, transform_indices = @transform_5, window_bounds = array<i64: 512, 40>}, {pipeline_mode = #tpu.pipeline_mode<synchronous>, transform_indices = @transform_6, window_bounds = array<i64: 80>}, {transform_indices = @transform_7, window_bounds = array<i64: 1000, 48>}, {transform_indices = @transform_8, window_bounds = array<i64: 1000, 16>}, {transform_indices = @transform_9, window_bounds = array<i64: 1000, 16>}]} {
    %get3A = arith.constant 0 : index
    %get3A_0 = arith.constant 0 : index
    %get3A_1 = arith.constant 0 : index
    %get3A_2 = vector.load %arg5[%get3A, %get3A_0, %get3A_1] : memref<2x1000x16xf32, #tpu.memory_space<vmem>>, vector<1x1000x16xf32>
    %get3A_3 = vector.shape_cast %get3A_2 : vector<1x1000x16xf32> to vector<1000x16xf32>
    %get3A_4 = arith.constant 1 : index
    %get3A_5 = arith.constant 0 : index
    %get3A_6 = arith.constant 0 : index
    %get3A_7 = vector.load %arg5[%get3A_4, %get3A_5, %get3A_6] : memref<2x1000x16xf32, #tpu.memory_space<vmem>>, vector<1x1000x16xf32>
    %get3A_8 = vector.shape_cast %get3A_7 : vector<1x1000x16xf32> to vector<1000x16xf32>
    %add3A = arith.addf %get3A_3, %get3A_8 : vector<1000x16xf32>
    %get3A_9 = arith.constant 0 : index
    %get3A_10 = arith.constant 0 : index
    %get3A_11 = arith.constant 0 : index
    %get3A_12 = vector.load %arg1[%get3A_9, %get3A_10, %get3A_11] : memref<2x1000x128xf32, #tpu.memory_space<vmem>>, vector<1x1000x64xf32>
    %get3A_13 = vector.shape_cast %get3A_12 : vector<1x1000x64xf32> to vector<1000x64xf32>
    %get3A_14 = arith.constant 1 : index
    %get3A_15 = arith.constant 0 : index
    %get3A_16 = arith.constant 0 : index
    %get3A_17 = vector.load %arg1[%get3A_14, %get3A_15, %get3A_16] : memref<2x1000x128xf32, #tpu.memory_space<vmem>>, vector<1x1000x64xf32>
    %get3A_18 = vector.shape_cast %get3A_17 : vector<1x1000x64xf32> to vector<1000x64xf32>
    %add3A_19 = arith.addf %get3A_13, %get3A_18 : vector<1000x64xf32>
    %slice3A = vector.extract_strided_slice %add3A {offsets = [0, 0], sizes = [1000, 1], strides = [1, 1]} : vector<1000x16xf32> to vector<1000x1xf32>
    %add3A_20 = arith.constant 1.000000e-16 : f32
    %add3A_21 = vector.broadcast %add3A_20 : f32 to vector<1000x1xf32>
    %add3A_22 = arith.addf %slice3A, %add3A_21 : vector<1000x1xf32>
    %div3A = vector.broadcast %add3A_22 : vector<1000x1xf32> to vector<1000x64xf32>
    %div3A_23 = arith.divf %add3A_19, %div3A : vector<1000x64xf32>
    %gt3A = arith.constant 0.000000e+00 : f32
    %gt3A_24 = vector.broadcast %gt3A : f32 to vector<1000x64xf32>
    %gt3A_25 = arith.cmpf ogt, %div3A_23, %gt3A_24 : vector<1000x64xf32>
    %min3A = arith.constant 0.000000e+00 : f32
    %min3A_26 = vector.broadcast %min3A : f32 to vector<1000x64xf32>
    %min3A_27 = arith.minimumf %div3A_23, %min3A_26 : vector<1000x64xf32>
    %exp3A = math.exp %min3A_27 : vector<1000x64xf32>
    %sub3A = arith.constant 1.000000e+00 : f32
    %sub3A_28 = vector.broadcast %sub3A : f32 to vector<1000x64xf32>
    %sub3A_29 = arith.subf %exp3A, %sub3A_28 : vector<1000x64xf32>
    %select_n3A = arith.select %gt3A_25, %div3A_23, %sub3A_29 : vector<1000x64xi1>, vector<1000x64xf32>
    %get3A_30 = arith.constant 0 : index
    %get3A_31 = arith.constant 0 : index
    %get3A_32 = arith.constant 64 : index
    %get3A_33 = vector.load %arg1[%get3A_30, %get3A_31, %get3A_32] : memref<2x1000x128xf32, #tpu.memory_space<vmem>>, vector<1x1000x64xf32>
    %get3A_34 = vector.shape_cast %get3A_33 : vector<1x1000x64xf32> to vector<1000x64xf32>
    %get3A_35 = arith.constant 1 : index
    %get3A_36 = arith.constant 0 : index
    %get3A_37 = arith.constant 64 : index
    %get3A_38 = vector.load %arg1[%get3A_35, %get3A_36, %get3A_37] : memref<2x1000x128xf32, #tpu.memory_space<vmem>>, vector<1x1000x64xf32>
    %get3A_39 = vector.shape_cast %get3A_38 : vector<1x1000x64xf32> to vector<1000x64xf32>
    %add3A_40 = arith.addf %get3A_34, %get3A_39 : vector<1000x64xf32>
    %slice3A_41 = vector.extract_strided_slice %add3A {offsets = [0, 1], sizes = [1000, 1], strides = [1, 1]} : vector<1000x16xf32> to vector<1000x1xf32>
    %add3A_42 = arith.constant 1.000000e-16 : f32
    %add3A_43 = vector.broadcast %add3A_42 : f32 to vector<1000x1xf32>
    %add3A_44 = arith.addf %slice3A_41, %add3A_43 : vector<1000x1xf32>
    %div3A_45 = vector.broadcast %add3A_44 : vector<1000x1xf32> to vector<1000x64xf32>
    %div3A_46 = arith.divf %add3A_40, %div3A_45 : vector<1000x64xf32>
    %gt3A_47 = arith.constant 0.000000e+00 : f32
    %gt3A_48 = vector.broadcast %gt3A_47 : f32 to vector<1000x64xf32>
    %gt3A_49 = arith.cmpf ogt, %div3A_46, %gt3A_48 : vector<1000x64xf32>
    %min3A_50 = arith.constant 0.000000e+00 : f32
    %min3A_51 = vector.broadcast %min3A_50 : f32 to vector<1000x64xf32>
    %min3A_52 = arith.minimumf %div3A_46, %min3A_51 : vector<1000x64xf32>
    %exp3A_53 = math.exp %min3A_52 : vector<1000x64xf32>
    %sub3A_54 = arith.constant 1.000000e+00 : f32
    %sub3A_55 = vector.broadcast %sub3A_54 : f32 to vector<1000x64xf32>
    %sub3A_56 = arith.subf %exp3A_53, %sub3A_55 : vector<1000x64xf32>
    %select_n3A_57 = arith.select %gt3A_49, %div3A_46, %sub3A_56 : vector<1000x64xi1>, vector<1000x64xf32>
    %get3A_58 = arith.constant 0 : index
    %get3A_59 = arith.constant 0 : index
    %get3A_60 = arith.constant 0 : index
    %get3A_61 = vector.load %arg2[%get3A_58, %get3A_59, %get3A_60] : memref<2x1000x128xf32, #tpu.memory_space<vmem>>, vector<1x1000x64xf32>
    %get3A_62 = vector.shape_cast %get3A_61 : vector<1x1000x64xf32> to vector<1000x64xf32>
    %get3A_63 = arith.constant 1 : index
    %get3A_64 = arith.constant 0 : index
    %get3A_65 = arith.constant 0 : index
    %get3A_66 = vector.load %arg2[%get3A_63, %get3A_64, %get3A_65] : memref<2x1000x128xf32, #tpu.memory_space<vmem>>, vector<1x1000x64xf32>
    %get3A_67 = vector.shape_cast %get3A_66 : vector<1x1000x64xf32> to vector<1000x64xf32>
    %add3A_68 = arith.addf %get3A_62, %get3A_67 : vector<1000x64xf32>
    %slice3A_69 = vector.extract_strided_slice %add3A {offsets = [0, 2], sizes = [1000, 1], strides = [1, 1]} : vector<1000x16xf32> to vector<1000x1xf32>
    %add3A_70 = arith.constant 1.000000e-16 : f32
    %add3A_71 = vector.broadcast %add3A_70 : f32 to vector<1000x1xf32>
    %add3A_72 = arith.addf %slice3A_69, %add3A_71 : vector<1000x1xf32>
    %div3A_73 = vector.broadcast %add3A_72 : vector<1000x1xf32> to vector<1000x64xf32>
    %div3A_74 = arith.divf %add3A_68, %div3A_73 : vector<1000x64xf32>
    %gt3A_75 = arith.constant 0.000000e+00 : f32
    %gt3A_76 = vector.broadcast %gt3A_75 : f32 to vector<1000x64xf32>
    %gt3A_77 = arith.cmpf ogt, %div3A_74, %gt3A_76 : vector<1000x64xf32>
    %min3A_78 = arith.constant 0.000000e+00 : f32
    %min3A_79 = vector.broadcast %min3A_78 : f32 to vector<1000x64xf32>
    %min3A_80 = arith.minimumf %div3A_74, %min3A_79 : vector<1000x64xf32>
    %exp3A_81 = math.exp %min3A_80 : vector<1000x64xf32>
    %sub3A_82 = arith.constant 1.000000e+00 : f32
    %sub3A_83 = vector.broadcast %sub3A_82 : f32 to vector<1000x64xf32>
    %sub3A_84 = arith.subf %exp3A_81, %sub3A_83 : vector<1000x64xf32>
    %select_n3A_85 = arith.select %gt3A_77, %div3A_74, %sub3A_84 : vector<1000x64xi1>, vector<1000x64xf32>
    %get3A_86 = arith.constant 0 : index
    %get3A_87 = arith.constant 0 : index
    %get3A_88 = arith.constant 64 : index
    %get3A_89 = vector.load %arg2[%get3A_86, %get3A_87, %get3A_88] : memref<2x1000x128xf32, #tpu.memory_space<vmem>>, vector<1x1000x64xf32>
    %get3A_90 = vector.shape_cast %get3A_89 : vector<1x1000x64xf32> to vector<1000x64xf32>
    %get3A_91 = arith.constant 1 : index
    %get3A_92 = arith.constant 0 : index
    %get3A_93 = arith.constant 64 : index
    %get3A_94 = vector.load %arg2[%get3A_91, %get3A_92, %get3A_93] : memref<2x1000x128xf32, #tpu.memory_space<vmem>>, vector<1x1000x64xf32>
    %get3A_95 = vector.shape_cast %get3A_94 : vector<1x1000x64xf32> to vector<1000x64xf32>
    %add3A_96 = arith.addf %get3A_90, %get3A_95 : vector<1000x64xf32>
    %slice3A_97 = vector.extract_strided_slice %add3A {offsets = [0, 3], sizes = [1000, 1], strides = [1, 1]} : vector<1000x16xf32> to vector<1000x1xf32>
    %add3A_98 = arith.constant 1.000000e-16 : f32
    %add3A_99 = vector.broadcast %add3A_98 : f32 to vector<1000x1xf32>
    %add3A_100 = arith.addf %slice3A_97, %add3A_99 : vector<1000x1xf32>
    %div3A_101 = vector.broadcast %add3A_100 : vector<1000x1xf32> to vector<1000x64xf32>
    %div3A_102 = arith.divf %add3A_96, %div3A_101 : vector<1000x64xf32>
    %gt3A_103 = arith.constant 0.000000e+00 : f32
    %gt3A_104 = vector.broadcast %gt3A_103 : f32 to vector<1000x64xf32>
    %gt3A_105 = arith.cmpf ogt, %div3A_102, %gt3A_104 : vector<1000x64xf32>
    %min3A_106 = arith.constant 0.000000e+00 : f32
    %min3A_107 = vector.broadcast %min3A_106 : f32 to vector<1000x64xf32>
    %min3A_108 = arith.minimumf %div3A_102, %min3A_107 : vector<1000x64xf32>
    %exp3A_109 = math.exp %min3A_108 : vector<1000x64xf32>
    %sub3A_110 = arith.constant 1.000000e+00 : f32
    %sub3A_111 = vector.broadcast %sub3A_110 : f32 to vector<1000x64xf32>
    %sub3A_112 = arith.subf %exp3A_109, %sub3A_111 : vector<1000x64xf32>
    %select_n3A_113 = arith.select %gt3A_105, %div3A_102, %sub3A_112 : vector<1000x64xi1>, vector<1000x64xf32>
    %get3A_114 = arith.constant 0 : index
    %get3A_115 = arith.constant 0 : index
    %get3A_116 = arith.constant 0 : index
    %get3A_117 = vector.load %arg3[%get3A_114, %get3A_115, %get3A_116] : memref<2x1000x128xf32, #tpu.memory_space<vmem>>, vector<1x1000x64xf32>
    %get3A_118 = vector.shape_cast %get3A_117 : vector<1x1000x64xf32> to vector<1000x64xf32>
    %get3A_119 = arith.constant 1 : index
    %get3A_120 = arith.constant 0 : index
    %get3A_121 = arith.constant 0 : index
    %get3A_122 = vector.load %arg3[%get3A_119, %get3A_120, %get3A_121] : memref<2x1000x128xf32, #tpu.memory_space<vmem>>, vector<1x1000x64xf32>
    %get3A_123 = vector.shape_cast %get3A_122 : vector<1x1000x64xf32> to vector<1000x64xf32>
    %add3A_124 = arith.addf %get3A_118, %get3A_123 : vector<1000x64xf32>
    %slice3A_125 = vector.extract_strided_slice %add3A {offsets = [0, 4], sizes = [1000, 1], strides = [1, 1]} : vector<1000x16xf32> to vector<1000x1xf32>
    %add3A_126 = arith.constant 1.000000e-16 : f32
    %add3A_127 = vector.broadcast %add3A_126 : f32 to vector<1000x1xf32>
    %add3A_128 = arith.addf %slice3A_125, %add3A_127 : vector<1000x1xf32>
    %div3A_129 = vector.broadcast %add3A_128 : vector<1000x1xf32> to vector<1000x64xf32>
    %div3A_130 = arith.divf %add3A_124, %div3A_129 : vector<1000x64xf32>
    %gt3A_131 = arith.constant 0.000000e+00 : f32
    %gt3A_132 = vector.broadcast %gt3A_131 : f32 to vector<1000x64xf32>
    %gt3A_133 = arith.cmpf ogt, %div3A_130, %gt3A_132 : vector<1000x64xf32>
    %min3A_134 = arith.constant 0.000000e+00 : f32
    %min3A_135 = vector.broadcast %min3A_134 : f32 to vector<1000x64xf32>
    %min3A_136 = arith.minimumf %div3A_130, %min3A_135 : vector<1000x64xf32>
    %exp3A_137 = math.exp %min3A_136 : vector<1000x64xf32>
    %sub3A_138 = arith.constant 1.000000e+00 : f32
    %sub3A_139 = vector.broadcast %sub3A_138 : f32 to vector<1000x64xf32>
    %sub3A_140 = arith.subf %exp3A_137, %sub3A_139 : vector<1000x64xf32>
    %select_n3A_141 = arith.select %gt3A_133, %div3A_130, %sub3A_140 : vector<1000x64xi1>, vector<1000x64xf32>
    %get3A_142 = arith.constant 0 : index
    %get3A_143 = arith.constant 0 : index
    %get3A_144 = arith.constant 64 : index
    %get3A_145 = vector.load %arg3[%get3A_142, %get3A_143, %get3A_144] : memref<2x1000x128xf32, #tpu.memory_space<vmem>>, vector<1x1000x64xf32>
    %get3A_146 = vector.shape_cast %get3A_145 : vector<1x1000x64xf32> to vector<1000x64xf32>
    %get3A_147 = arith.constant 1 : index
    %get3A_148 = arith.constant 0 : index
    %get3A_149 = arith.constant 64 : index
    %get3A_150 = vector.load %arg3[%get3A_147, %get3A_148, %get3A_149] : memref<2x1000x128xf32, #tpu.memory_space<vmem>>, vector<1x1000x64xf32>
    %get3A_151 = vector.shape_cast %get3A_150 : vector<1x1000x64xf32> to vector<1000x64xf32>
    %add3A_152 = arith.addf %get3A_146, %get3A_151 : vector<1000x64xf32>
    %slice3A_153 = vector.extract_strided_slice %add3A {offsets = [0, 5], sizes = [1000, 1], strides = [1, 1]} : vector<1000x16xf32> to vector<1000x1xf32>
    %add3A_154 = arith.constant 1.000000e-16 : f32
    %add3A_155 = vector.broadcast %add3A_154 : f32 to vector<1000x1xf32>
    %add3A_156 = arith.addf %slice3A_153, %add3A_155 : vector<1000x1xf32>
    %div3A_157 = vector.broadcast %add3A_156 : vector<1000x1xf32> to vector<1000x64xf32>
    %div3A_158 = arith.divf %add3A_152, %div3A_157 : vector<1000x64xf32>
    %gt3A_159 = arith.constant 0.000000e+00 : f32
    %gt3A_160 = vector.broadcast %gt3A_159 : f32 to vector<1000x64xf32>
    %gt3A_161 = arith.cmpf ogt, %div3A_158, %gt3A_160 : vector<1000x64xf32>
    %min3A_162 = arith.constant 0.000000e+00 : f32
    %min3A_163 = vector.broadcast %min3A_162 : f32 to vector<1000x64xf32>
    %min3A_164 = arith.minimumf %div3A_158, %min3A_163 : vector<1000x64xf32>
    %exp3A_165 = math.exp %min3A_164 : vector<1000x64xf32>
    %sub3A_166 = arith.constant 1.000000e+00 : f32
    %sub3A_167 = vector.broadcast %sub3A_166 : f32 to vector<1000x64xf32>
    %sub3A_168 = arith.subf %exp3A_165, %sub3A_167 : vector<1000x64xf32>
    %select_n3A_169 = arith.select %gt3A_161, %div3A_158, %sub3A_168 : vector<1000x64xi1>, vector<1000x64xf32>
    %get3A_170 = arith.constant 0 : index
    %get3A_171 = arith.constant 0 : index
    %get3A_172 = arith.constant 0 : index
    %get3A_173 = vector.load %arg4[%get3A_170, %get3A_171, %get3A_172] : memref<2x1000x128xf32, #tpu.memory_space<vmem>>, vector<1x1000x64xf32>
    %get3A_174 = vector.shape_cast %get3A_173 : vector<1x1000x64xf32> to vector<1000x64xf32>
    %get3A_175 = arith.constant 1 : index
    %get3A_176 = arith.constant 0 : index
    %get3A_177 = arith.constant 0 : index
    %get3A_178 = vector.load %arg4[%get3A_175, %get3A_176, %get3A_177] : memref<2x1000x128xf32, #tpu.memory_space<vmem>>, vector<1x1000x64xf32>
    %get3A_179 = vector.shape_cast %get3A_178 : vector<1x1000x64xf32> to vector<1000x64xf32>
    %add3A_180 = arith.addf %get3A_174, %get3A_179 : vector<1000x64xf32>
    %slice3A_181 = vector.extract_strided_slice %add3A {offsets = [0, 6], sizes = [1000, 1], strides = [1, 1]} : vector<1000x16xf32> to vector<1000x1xf32>
    %add3A_182 = arith.constant 1.000000e-16 : f32
    %add3A_183 = vector.broadcast %add3A_182 : f32 to vector<1000x1xf32>
    %add3A_184 = arith.addf %slice3A_181, %add3A_183 : vector<1000x1xf32>
    %div3A_185 = vector.broadcast %add3A_184 : vector<1000x1xf32> to vector<1000x64xf32>
    %div3A_186 = arith.divf %add3A_180, %div3A_185 : vector<1000x64xf32>
    %gt3A_187 = arith.constant 0.000000e+00 : f32
    %gt3A_188 = vector.broadcast %gt3A_187 : f32 to vector<1000x64xf32>
    %gt3A_189 = arith.cmpf ogt, %div3A_186, %gt3A_188 : vector<1000x64xf32>
    %min3A_190 = arith.constant 0.000000e+00 : f32
    %min3A_191 = vector.broadcast %min3A_190 : f32 to vector<1000x64xf32>
    %min3A_192 = arith.minimumf %div3A_186, %min3A_191 : vector<1000x64xf32>
    %exp3A_193 = math.exp %min3A_192 : vector<1000x64xf32>
    %sub3A_194 = arith.constant 1.000000e+00 : f32
    %sub3A_195 = vector.broadcast %sub3A_194 : f32 to vector<1000x64xf32>
    %sub3A_196 = arith.subf %exp3A_193, %sub3A_195 : vector<1000x64xf32>
    %select_n3A_197 = arith.select %gt3A_189, %div3A_186, %sub3A_196 : vector<1000x64xi1>, vector<1000x64xf32>
    %get3A_198 = arith.constant 0 : index
    %get3A_199 = arith.constant 0 : index
    %get3A_200 = arith.constant 64 : index
    %get3A_201 = vector.load %arg4[%get3A_198, %get3A_199, %get3A_200] : memref<2x1000x128xf32, #tpu.memory_space<vmem>>, vector<1x1000x64xf32>
    %get3A_202 = vector.shape_cast %get3A_201 : vector<1x1000x64xf32> to vector<1000x64xf32>
    %get3A_203 = arith.constant 1 : index
    %get3A_204 = arith.constant 0 : index
    %get3A_205 = arith.constant 64 : index
    %get3A_206 = vector.load %arg4[%get3A_203, %get3A_204, %get3A_205] : memref<2x1000x128xf32, #tpu.memory_space<vmem>>, vector<1x1000x64xf32>
    %get3A_207 = vector.shape_cast %get3A_206 : vector<1x1000x64xf32> to vector<1000x64xf32>
    %add3A_208 = arith.addf %get3A_202, %get3A_207 : vector<1000x64xf32>
    %slice3A_209 = vector.extract_strided_slice %add3A {offsets = [0, 7], sizes = [1000, 1], strides = [1, 1]} : vector<1000x16xf32> to vector<1000x1xf32>
    %add3A_210 = arith.constant 1.000000e-16 : f32
    %add3A_211 = vector.broadcast %add3A_210 : f32 to vector<1000x1xf32>
    %add3A_212 = arith.addf %slice3A_209, %add3A_211 : vector<1000x1xf32>
    %div3A_213 = vector.broadcast %add3A_212 : vector<1000x1xf32> to vector<1000x64xf32>
    %div3A_214 = arith.divf %add3A_208, %div3A_213 : vector<1000x64xf32>
    %gt3A_215 = arith.constant 0.000000e+00 : f32
    %gt3A_216 = vector.broadcast %gt3A_215 : f32 to vector<1000x64xf32>
    %gt3A_217 = arith.cmpf ogt, %div3A_214, %gt3A_216 : vector<1000x64xf32>
    %min3A_218 = arith.constant 0.000000e+00 : f32
    %min3A_219 = vector.broadcast %min3A_218 : f32 to vector<1000x64xf32>
    %min3A_220 = arith.minimumf %div3A_214, %min3A_219 : vector<1000x64xf32>
    %exp3A_221 = math.exp %min3A_220 : vector<1000x64xf32>
    %sub3A_222 = arith.constant 1.000000e+00 : f32
    %sub3A_223 = vector.broadcast %sub3A_222 : f32 to vector<1000x64xf32>
    %sub3A_224 = arith.subf %exp3A_221, %sub3A_223 : vector<1000x64xf32>
    %select_n3A_225 = arith.select %gt3A_217, %div3A_214, %sub3A_224 : vector<1000x64xi1>, vector<1000x64xf32>
    %concatenate3A = tpu.concatenate %select_n3A, %select_n3A_57, %select_n3A_85, %select_n3A_113, %select_n3A_141, %select_n3A_169, %select_n3A_197, %select_n3A_225 in 1 : vector<1000x64xf32>, vector<1000x64xf32>, vector<1000x64xf32>, vector<1000x64xf32>, vector<1000x64xf32>, vector<1000x64xf32>, vector<1000x64xf32>, vector<1000x64xf32> -> vector<1000x512xf32>
    %get3A_226 = arith.constant 0 : index
    %get3A_227 = arith.constant 0 : index
    %get3A_228 = vector.load %arg6[%get3A_226, %get3A_227] : memref<512x40xf32, #tpu.memory_space<vmem>>, vector<512x40xf32>
    %dot_general3A = arith.constant dense<0.000000e+00> : vector<1000x40xf32>
    %dot_general3A_229 = tpu.matmul %concatenate3A, %get3A_228, %dot_general3A {dimension_numbers = #tpu.dot_dimension_numbers<[1], [0], [0], [1], [0, 0, 1, 1], [], []>, transpose_lhs_hint = false} : vector<1000x512xf32>, vector<512x40xf32>, vector<1000x40xf32> -> vector<1000x40xf32>
    %get3A_230 = arith.constant 0 : index
    %get3A_231 = vector.load %arg7[%get3A_230] : memref<80xf32, #tpu.memory_space<vmem>>, vector<40xf32>
    %dot_general3A_232 = arith.constant dense<0.000000e+00> : vector<1000xf32>
    %dot_general3A_233 = tpu.matmul %dot_general3A_229, %get3A_231, %dot_general3A_232 {dimension_numbers = #tpu.dot_dimension_numbers<[1], [0], [0], [], [0, 0], [], []>, transpose_lhs_hint = false} : vector<1000x40xf32>, vector<40xf32>, vector<1000xf32> -> vector<1000xf32>
    %get3A_234 = arith.constant 40 : index
    %get3A_235 = vector.load %arg7[%get3A_234] : memref<80xf32, #tpu.memory_space<vmem>>, vector<40xf32>
    %dot_general3A_236 = arith.constant dense<0.000000e+00> : vector<1000xf32>
    %dot_general3A_237 = tpu.matmul %dot_general3A_229, %get3A_235, %dot_general3A_236 {dimension_numbers = #tpu.dot_dimension_numbers<[1], [0], [0], [], [0, 0], [], []>, transpose_lhs_hint = false} : vector<1000x40xf32>, vector<40xf32>, vector<1000xf32> -> vector<1000xf32>
    %broadcast_in_dim3A = arith.constant 0.000000e+00 : f32
    %broadcast_in_dim3A_238 = vector.broadcast %broadcast_in_dim3A : f32 to vector<1000x8xf32>
    %broadcast_in_dim3A_239 = arith.constant 0.000000e+00 : f32
    %broadcast_in_dim3A_240 = vector.broadcast %broadcast_in_dim3A_239 : f32 to vector<1000x15xf32>
    %concatenate3A_241 = tpu.concatenate %dot_general3A_229, %broadcast_in_dim3A_238 in 1 : vector<1000x40xf32>, vector<1000x8xf32> -> vector<1000x48xf32>
    %swap3A = arith.constant 0 : index
    %swap3A_242 = arith.constant 0 : index
    %swap3A_243 = vector.load %arg8[%swap3A, %swap3A_242] : memref<1000x48xf32, #tpu.memory_space<vmem>>, vector<1000x48xf32>
    tpu.vector_store %arg8[%swap3A, %swap3A_242], %concatenate3A_241 {strides = array<i32>} : memref<1000x48xf32, #tpu.memory_space<vmem>>, vector<1000x48xf32>,
    %broadcast_in_dim3A_244 = vector.shape_cast %dot_general3A_233 : vector<1000xf32> to vector<1000x1xf32>
    %concatenate3A_245 = tpu.concatenate %broadcast_in_dim3A_244, %broadcast_in_dim3A_240 in 1 : vector<1000x1xf32>, vector<1000x15xf32> -> vector<1000x16xf32>
    %swap3A_246 = arith.constant 0 : index
    %swap3A_247 = arith.constant 0 : index
    %swap3A_248 = vector.load %arg9[%swap3A_246, %swap3A_247] : memref<1000x16xf32, #tpu.memory_space<vmem>>, vector<1000x16xf32>
    tpu.vector_store %arg9[%swap3A_246, %swap3A_247], %concatenate3A_245 {strides = array<i32>} : memref<1000x16xf32, #tpu.memory_space<vmem>>, vector<1000x16xf32>,
    %broadcast_in_dim3A_249 = vector.shape_cast %dot_general3A_237 : vector<1000xf32> to vector<1000x1xf32>
    %concatenate3A_250 = tpu.concatenate %broadcast_in_dim3A_249, %broadcast_in_dim3A_240 in 1 : vector<1000x1xf32>, vector<1000x15xf32> -> vector<1000x16xf32>
    %swap3A_251 = arith.constant 0 : index
    %swap3A_252 = arith.constant 0 : index
    %swap3A_253 = vector.load %arg10[%swap3A_251, %swap3A_252] : memref<1000x16xf32, #tpu.memory_space<vmem>>, vector<1000x16xf32>
    tpu.vector_store %arg10[%swap3A_251, %swap3A_252], %concatenate3A_250 {strides = array<i32>} : memref<1000x16xf32, #tpu.memory_space<vmem>>, vector<1000x16xf32>,
    return
  }
  func.func @transform_0(%arg0: i32) -> (i32, i32, i32) {
    %c0_i32 = arith.constant 0 : i32
    %c0_i32_0 = arith.constant 0 : i32
    %c0_i32_1 = arith.constant 0 : i32
    return %c0_i32, %arg0, %c0_i32_0 : i32, i32, i32
  }
  func.func @transform_1(%arg0: i32) -> (i32, i32, i32) {
    %c0_i32 = arith.constant 0 : i32
    %c0_i32_0 = arith.constant 0 : i32
    %c0_i32_1 = arith.constant 0 : i32
    return %c0_i32, %arg0, %c0_i32_0 : i32, i32, i32
  }
  func.func @transform_2(%arg0: i32) -> (i32, i32, i32) {
    %c0_i32 = arith.constant 0 : i32
    %c0_i32_0 = arith.constant 0 : i32
    %c0_i32_1 = arith.constant 0 : i32
    return %c0_i32, %arg0, %c0_i32_0 : i32, i32, i32
  }
  func.func @transform_3(%arg0: i32) -> (i32, i32, i32) {
    %c0_i32 = arith.constant 0 : i32
    %c0_i32_0 = arith.constant 0 : i32
    %c0_i32_1 = arith.constant 0 : i32
    return %c0_i32, %arg0, %c0_i32_0 : i32, i32, i32
  }
  func.func @transform_4(%arg0: i32) -> (i32, i32, i32) {
    %c0_i32 = arith.constant 0 : i32
    %c0_i32_0 = arith.constant 0 : i32
    %c0_i32_1 = arith.constant 0 : i32
    return %c0_i32, %arg0, %c0_i32_0 : i32, i32, i32
  }
  func.func @transform_5(%arg0: i32) -> (i32, i32) {
    %c0_i32 = arith.constant 0 : i32
    %c0_i32_0 = arith.constant 0 : i32
    %c0_i32_1 = arith.constant 0 : i32
    return %c0_i32, %c0_i32_0 : i32, i32
  }
  func.func @transform_6(%arg0: i32) -> i32 {
    %c0_i32 = arith.constant 0 : i32
    %c0_i32_0 = arith.constant 0 : i32
    return %c0_i32 : i32
  }
  func.func @transform_7(%arg0: i32) -> (i32, i32) {
    %c0_i32 = arith.constant 0 : i32
    %c0_i32_0 = arith.constant 0 : i32
    return %arg0, %c0_i32 : i32, i32
  }
  func.func @transform_8(%arg0: i32) -> (i32, i32) {
    %c0_i32 = arith.constant 0 : i32
    %c0_i32_0 = arith.constant 0 : i32
    return %arg0, %c0_i32 : i32, i32
  }
  func.func @transform_9(%arg0: i32) -> (i32, i32) {
    %c0_i32 = arith.constant 0 : i32
    %c0_i32_0 = arith.constant 0 : i32
    return %arg0, %c0_i32 : i32, i32
  }
}

module attributes {stable_mosaic.version = 14 : i64} {
  func.func @body(%arg0: i32, %arg1: memref<2x1000x48xf32, #tpu.memory_space<vmem>>, %arg2: memref<2x1000x16xf32, #tpu.memory_space<vmem>>, %arg3: memref<1000x40xf32, #tpu.memory_space<vmem>>) attributes {dimension_semantics = [#tpu.dimension_semantics<arbitrary>], iteration_bounds = array<i64: 10>, scalar_prefetch = 0 : i64, scratch_operands = 0 : i64, tpu.core_type = #tpu.core_type<tc>, window_params = [{transform_indices = @transform_0, window_bounds = array<i64: 2, 1000, 48>}, {transform_indices = @transform_1, window_bounds = array<i64: 2, 1000, 16>}, {transform_indices = @transform_2, window_bounds = array<i64: 1000, 40>}]} {
    %get3A = arith.constant 0 : index
    %get3A_0 = arith.constant 0 : index
    %get3A_1 = arith.constant 0 : index
    %get3A_2 = vector.load %arg1[%get3A, %get3A_0, %get3A_1] : memref<2x1000x48xf32, #tpu.memory_space<vmem>>, vector<1x1000x48xf32>
    %get3A_3 = vector.shape_cast %get3A_2 : vector<1x1000x48xf32> to vector<1000x48xf32>
    %get3A_4 = arith.constant 1 : index
    %get3A_5 = arith.constant 0 : index
    %get3A_6 = arith.constant 0 : index
    %get3A_7 = vector.load %arg1[%get3A_4, %get3A_5, %get3A_6] : memref<2x1000x48xf32, #tpu.memory_space<vmem>>, vector<1x1000x48xf32>
    %get3A_8 = vector.shape_cast %get3A_7 : vector<1x1000x48xf32> to vector<1000x48xf32>
    %add3A = arith.addf %get3A_3, %get3A_8 : vector<1000x48xf32>
    %get3A_9 = arith.constant 0 : index
    %get3A_10 = arith.constant 0 : index
    %get3A_11 = arith.constant 0 : index
    %get3A_12 = vector.load %arg2[%get3A_9, %get3A_10, %get3A_11] : memref<2x1000x16xf32, #tpu.memory_space<vmem>>, vector<1x1000x16xf32>
    %get3A_13 = vector.shape_cast %get3A_12 : vector<1x1000x16xf32> to vector<1000x16xf32>
    %get3A_14 = arith.constant 1 : index
    %get3A_15 = arith.constant 0 : index
    %get3A_16 = arith.constant 0 : index
    %get3A_17 = vector.load %arg2[%get3A_14, %get3A_15, %get3A_16] : memref<2x1000x16xf32, #tpu.memory_space<vmem>>, vector<1x1000x16xf32>
    %get3A_18 = vector.shape_cast %get3A_17 : vector<1x1000x16xf32> to vector<1000x16xf32>
    %add3A_19 = arith.addf %get3A_13, %get3A_18 : vector<1000x16xf32>
    %slice3A = vector.extract_strided_slice %add3A {offsets = [0, 0], sizes = [1000, 40], strides = [1, 1]} : vector<1000x48xf32> to vector<1000x40xf32>
    %slice3A_20 = vector.extract_strided_slice %add3A_19 {offsets = [0, 0], sizes = [1000, 1], strides = [1, 1]} : vector<1000x16xf32> to vector<1000x1xf32>
    %add3A_21 = arith.constant 1.000000e-16 : f32
    %add3A_22 = vector.broadcast %add3A_21 : f32 to vector<1000x1xf32>
    %add3A_23 = arith.addf %slice3A_20, %add3A_22 : vector<1000x1xf32>
    %div3A = vector.broadcast %add3A_23 : vector<1000x1xf32> to vector<1000x40xf32>
    %div3A_24 = arith.divf %slice3A, %div3A : vector<1000x40xf32>
    %reduce_max3A = arith.constant dense<0xFF800000> : vector<1000xf32>
    %reduce_max3A_25 = vector.multi_reduction <maximumf>, %div3A_24, %reduce_max3A [1] : vector<1000x40xf32> to vector<1000xf32>
    %broadcast_in_dim3A = vector.shape_cast %reduce_max3A_25 : vector<1000xf32> to vector<1000x1xf32>
    %sub3A = vector.broadcast %broadcast_in_dim3A : vector<1000x1xf32> to vector<1000x40xf32>
    %sub3A_26 = arith.subf %div3A_24, %sub3A : vector<1000x40xf32>
    %sub3A_27 = vector.broadcast %broadcast_in_dim3A : vector<1000x1xf32> to vector<1000x40xf32>
    %sub3A_28 = arith.subf %div3A_24, %sub3A_27 : vector<1000x40xf32>
    %exp3A = math.exp %sub3A_28 : vector<1000x40xf32>
    %reduce_sum3A = arith.constant dense<0.000000e+00> : vector<1000xf32>
    %reduce_sum3A_29 = vector.multi_reduction <add>, %exp3A, %reduce_sum3A [1] : vector<1000x40xf32> to vector<1000xf32>
    %broadcast_in_dim3A_30 = vector.shape_cast %reduce_sum3A_29 : vector<1000xf32> to vector<1000x1xf32>
    %log3A = math.log %broadcast_in_dim3A_30 : vector<1000x1xf32>
    %sub3A_31 = vector.broadcast %log3A : vector<1000x1xf32> to vector<1000x40xf32>
    %sub3A_32 = arith.subf %sub3A_26, %sub3A_31 : vector<1000x40xf32>
    %swap3A = arith.constant 0 : index
    %swap3A_33 = arith.constant 0 : index
    %swap3A_34 = vector.load %arg3[%swap3A, %swap3A_33] : memref<1000x40xf32, #tpu.memory_space<vmem>>, vector<1000x40xf32>
    tpu.vector_store %arg3[%swap3A, %swap3A_33], %sub3A_32 {strides = array<i32>} : memref<1000x40xf32, #tpu.memory_space<vmem>>, vector<1000x40xf32>,
    return
  }
  func.func @transform_0(%arg0: i32) -> (i32, i32, i32) {
    %c0_i32 = arith.constant 0 : i32
    %c0_i32_0 = arith.constant 0 : i32
    %c0_i32_1 = arith.constant 0 : i32
    return %c0_i32, %arg0, %c0_i32_0 : i32, i32, i32
  }
  func.func @transform_1(%arg0: i32) -> (i32, i32, i32) {
    %c0_i32 = arith.constant 0 : i32
    %c0_i32_0 = arith.constant 0 : i32
    %c0_i32_1 = arith.constant 0 : i32
    return %c0_i32, %arg0, %c0_i32_0 : i32, i32, i32
  }
  func.func @transform_2(%arg0: i32) -> (i32, i32) {
    %c0_i32 = arith.constant 0 : i32
    %c0_i32_0 = arith.constant 0 : i32
    return %arg0, %c0_i32 : i32, i32
  }
}

</mosaic_0001>

<sc_bundles>
// kernel: kernel.12.cloned.1.call-start
scs
__scs_entry_jumppad:
0x0: {  	(pc) =	sbr.rel $0x88, $3  }
0x1: {  	(tag) =	ssettag $0x0;
	lr =	simm.s32 $0x1  }
0x2: {  	[smem:$0x3F9B] =	sst lr;
	_ =	strace $0xD0000000  }
0x3: {  	_ = 	snop  }
0x4: {  	_ = 	snop  }
0x5: {  	_ = 	snop  }
0x6: {  	_ = 	snop  }
0x7: {  	_ = 	snop  }
__scs_overlays_trampoline_lowered:
0x8: {  	[smem:$0x3FAA] =	sst s0  }
0x9: {  	[smem:$0x3FAB] =	sst s1  }
0xa: {  	[smem:$0x3FAC] =	sst s2  }
0xb: {  	[smem:$0x3FAD] =	sst s3  }
0xc: {  	[smem:$0x3FAE] =	sst s4  }
0xd: {  	[smem:$0x3FAF] =	sst s5  }
0xe: {  	[smem:$0x3FB0] =	sst s6  }
0xf: {  	[smem:$0x3FB1] =	sst s7  }
0x10: {  	[smem:$0x3FB2] =	sst s8  }
0x11: {  	[smem:$0x3FB3] =	sst s9;
	s0 =	simm.s32 @!p0 $0x0  }
0x12: {  	s1 =	sld [smem:$0x3F99];
	s0 =	simm.s32 @p0 $0x1  }
0x13: {  	[smem:$0x3FB4] =	sst s0;
	s0 =	simm.s32 @!p1 $0x0  }
0x14: {  	s2 =	sld [smem:$0x3F98];
	s0 =	simm.s32 @p1 $0x1  }
0x15: {  	[smem:$0x3FB5] =	sst s0;
	s0 =	simm.s32 @!p2 $0x0  }
0x16: {  	s3 =	sld [smem:$0x3FDB];
	s0 =	simm.s32 @p2 $0x1  }
0x17: {  	s4 =	simm.s32 $0x1BF5;
	[smem:$0x3FB7] =	sst s0  }
0x18: {  	s0 =	sld [smem:$0x3F9A];
	_ =	swait.ge [sflag:s4], $0x0  }
0x19: {  	s7 =	sld [smem:$0x3F9B]  }
0x1a: {  	s8 =	sadd.s32 $0xFFFFE003, lr  }
0x1b: {  	s9 =	sadd.s32 $0xFFFFFEF7, lr;
	s5 =	simm.s32 $0xFFFFFFFF;
	p2 =	slt.u32 s8, $0xFFFFF086  }
0x1c: {  	p1 =	slt.u32 s9, $0xF7A;
	s5 =	simm.s32 @!p2 $0x0  }
0x1d: {  	s5 =	simm.s32 @p1 $0x1;
	p0 =	seq.s32 s7, s2  }
0x1e: {  	s7 =	smul.u32 @!p0 $0xF7A, s2;
	p2 =	seq.s32 @!p0 s5, $0x0  }
0x1f: {  	s9 =	smul.u32 $0xF7A, s1;
	s8 =	simm.s32 @!p0 $0x1BF5;
	p2 =	por !p2, p0  }
0x20: {  	[sflag:s8] =	ssyncset.s32 @!p0 $0xFFFFF086;
	s6 =	sadd.s32 @!p0 s3, s7;
	s7 =	simm.s32 @!p0 $0x108  }
0x21: {  	s3 =	sadd.s32 s3, s9;
	s6 =	sadd.s32 @!p0 $0x88, s6;
	s7 =	simm.s32 @p2 $0x1082  }
0x22: {  	[simem:s7], [sflag:s8] =	dma.local @!p0 [hbm:s6], $0xF7A  }
0x23: {  	s9 =	sor.u32 $0xD0000000, s2;
	s6 =	simm.s32 $0x108;
	_ =	swait.ge @!p0 [sflag:s8], $0x0  }
0x24: {  	s3 =	sadd.s32 $0x88, s3;
	s6 =	simm.s32 @!p1 $0x1082;
	[sflag:s4] =	ssyncset.s32 $0xFFFFF086  }
0x25: {  	[simem:s6], [sflag:s4] =	dma.local [hbm:s3], $0xF7A  }
0x26: {  	[smem:$0x3F9B] =	sst s1;
	(tag) =	ssettag s2;
	_ =	strace s9  }
0x27: {  	s1 =	sld [smem:$0x3FAB]  }
0x28: {  	s2 =	sld [smem:$0x3FAC]  }
0x29: {  	s4 =	sld [smem:$0x3FAE]  }
0x2a: {  	p0 =	seq.s32 s5, $0x0;
	s5 =	sld [smem:$0x3FAF]  }
0x2b: {  	s6 =	sld [smem:$0x3FB0]  }
0x2c: {  	s7 =	sld [smem:$0x3FB1]  }
0x2d: {  	s3 =	simm.s32 $0x108;
	s8 =	sld [smem:$0x3FB2]  }
0x2e: {  	s3 =	simm.s32 @!p0 $0x1082;
	s9 =	sld [smem:$0x3FB3]  }
0x2f: {  	lr =	sadd.s32 s0, s3;
	s0 =	sld [smem:$0x3FAA]  }
0x30: {  	s3 =	sld [smem:$0x3FAD]  }
0x31: {  	[smem:$0x3FB6] =	sst s10  }
0x32: {  	s10 =	sld [smem:$0x3FB4];
	_ =	sdelay $0x3  }
0x33: {  	p0 =	seq.s32 s10, $0x1;
	s10 =	sld [smem:$0x3FB6];
	_ =	sdelay $0x3  }
0x34: {  	[smem:$0x3FB6] =	sst s10  }
0x35: {  	s10 =	sld [smem:$0x3FB5];
	_ =	sdelay $0x3  }
0x36: {  	p1 =	seq.s32 s10, $0x1;
	s10 =	sld [smem:$0x3FB6];
	_ =	sdelay $0x3  }
0x37: {  	[smem:$0x3FB6] =	sst s10  }
0x38: {  	s10 =	sld [smem:$0x3FB7]  }
0x39: {  	_ = 	snop;
	(pc) =	sbr.ind lr, $3  }
0x3a: {  	_ = 	snop  }
0x3b: {  	_ = 	snop  }
0x3c: {  	p2 =	seq.s32 s10, $0x1;
	s10 =	sld [smem:$0x3FB6]  }
0x3d: {  	_ =	shalt  }
0x3e: {  	_ =	shalt  }
0x3f: {  	_ =	shalt  }
0x40: {  	_ =	shalt  }
0x41: {  	_ =	shalt  }
0x42: {  	_ =	shalt  }
0x43: {  	_ =	shalt  }
0x44: {  	_ =	shalt  }
0x45: {  	_ =	shalt  }
0x46: {  	_ =	shalt  }
0x47: {  	_ =	shalt  }
0x48: {  	_ =	shalt  }
0x49: {  	_ =	shalt  }
0x4a: {  	_ =	shalt  }
0x4b: {  	_ =	shalt  }
0x4c: {  	_ =	shalt  }
0x4d: {  	_ =	shalt  }
0x4e: {  	_ =	shalt  }
0x4f: {  	_ =	shalt  }
0x50: {  	_ =	shalt  }
0x51: {  	_ =	shalt  }
0x52: {  	_ =	shalt  }
0x53: {  	_ =	shalt  }
0x54: {  	_ =	shalt  }
0x55: {  	_ =	shalt  }
0x56: {  	_ =	shalt  }
0x57: {  	_ =	shalt  }
0x58: {  	_ =	shalt  }
0x59: {  	_ =	shalt  }
0x5a: {  	_ =	shalt  }
0x5b: {  	_ =	shalt  }
0x5c: {  	_ =	shalt  }
0x5d: {  	_ =	shalt  }
0x5e: {  	_ =	shalt  }
0x5f: {  	_ =	shalt  }
0x60: {  	_ =	shalt  }
0x61: {  	_ =	shalt  }
0x62: {  	_ =	shalt  }
0x63: {  	_ =	shalt  }
0x64: {  	_ =	shalt  }
0x65: {  	_ =	shalt  }
0x66: {  	_ =	shalt  }
0x67: {  	_ =	shalt  }
0x68: {  	_ =	shalt  }
0x69: {  	_ =	shalt  }
0x6a: {  	_ =	shalt  }
0x6b: {  	_ =	shalt  }
0x6c: {  	_ =	shalt  }
0x6d: {  	_ =	shalt  }
0x6e: {  	_ =	shalt  }
0x6f: {  	_ =	shalt  }
0x70: {  	_ =	shalt  }
0x71: {  	_ =	shalt  }
0x72: {  	_ =	shalt  }
0x73: {  	_ =	shalt  }
0x74: {  	_ =	shalt  }
0x75: {  	_ =	shalt  }
0x76: {  	_ =	shalt  }
0x77: {  	_ =	shalt  }
0x78: {  	_ =	shalt  }
0x79: {  	_ =	shalt  }
0x7a: {  	_ =	shalt  }
0x7b: {  	_ =	shalt  }
0x7c: {  	_ =	shalt  }
0x7d: {  	_ =	shalt  }
0x7e: {  	_ =	shalt  }
0x7f: {  	_ =	shalt  }
0x80: {  	_ =	shalt  }
0x81: {  	_ =	shalt  }
0x82: {  	_ =	shalt  }
0x83: {  	_ =	shalt  }
0x84: {  	_ =	shalt  }
0x85: {  	_ =	shalt  }
0x86: {  	_ =	shalt  }
0x87: {  	_ =	shalt  }
.Lfunc_end0:
.L_simem_size_0:
called_computation.1_lowered:
.L_overlay_start_0:
0x88: {  	s2 =	sld [smem:$0x3FD9]  }
0x89: {  	s3 =	sld [smem:$0x3FFE];
	_ =	sdelay $0x1  }
0x8a: {  	s1 =	srdreg.scid  }
0x8b: {  	s0 =	sand.u32 $0x1, s1  }
0x8c: {  	s16 =	sshll.u32 s0, $0xA;
	s2 =	sadd.s32 s3, s2  }
0x8d: {  	s2 =	sadd.s32 s2, s16  }
0x8e: {  	[smem:$0x3FC2] =	sst s2  }
0x8f: {  	_ = 	snop  }
0x90: {  	(tm) =	ssettm $0x1  }
0x91: {  	s17 =	sld [smem:$0x3FFB];
	_ =	sdelay $0x3  }
0x92: {  	_ =	strace s17  }
0x93: {  	s2 =	sld [smem:$0x3FFC];
	_ =	sdelay $0x3  }
0x94: {  	_ =	strace s2  }
0x95: {  	s2 =	sld [smem:$0x3FFD];
	_ =	sdelay $0x3  }
0x96: {  	_ =	strace s2  }
0x97: {  	_ =	strace $0x8FFFFFFF  }
0x98: {  	s18 =	sld [smem:$0x3FDB];
	_ =	sdelay $0x1  }
0x99: {  	s19 =	simm.s32 $_scs_section_size  }
0x9a: {  	s4 =	simm.s32 $_size__tile_overlayer_lowered;
	s5 =	simm.s32 $_tile_overlayer_lowered  }
0x9b: {  	s22 =	simm.s32 $0x1BFF;
	s21 =	sshll.u32 s5, $0x1;
	s2 =	sadd.s32 s19, s18  }
0x9c: {  	s6 =	simm.s32 $0x0;
	s20 =	sshll.u32 s4, $0x1;
	s4 =	sadd.s32 s21, s2  }
0x9d: {  	[timem:s6], [sflag:s22] =	dma.local [hbm:s4], s20  }
0x9e: {  	_ =	swait.ge [sflag:s22], s20  }
0x9f: {  	s3 =	ssub.s32 $0x0, s20;
	[sflag:s22] =	ssyncset.done $0x0  }
0xa0: {  	[sflag:s22] =	ssyncadd.s32 s3;
	_ =	sdelay $0x1  }
0xa1: {  	s23 =	simm.s32 $0x1B8B  }
0xa2: {  	_ =	swait.ge [sflag:s23], $0x1  }
0xa3: {  	[sflag:s23] =	ssyncset.done $0x0  }
0xa4: {  	s25 =	simm.s32 $0x1B8E;
	s24 =	sld [smem:$0x3FFE];
	[sflag:s23] =	ssyncadd.s32 $0xFFFFFFFF  }
0xa5: {  	s26 =	simm.s32 $execute0_lowered;
	[smem:$0x3FD2] =	sst s25  }
0xa6: {  	s4 =	sshll.u32 s26, $0x1;
	_ =	strace $0x80000049;
	[dreg:$0x1] =	wrdreg $0xFFFFFFFF  }
0xa7: {  	s28 =	simm.s32 $_size_execute0_lowered;
	s2 =	sadd.s32 s2, s4;
	[dreg:$0x0] =	wrdreg $0x0  }
0xa8: {  	s4 =	sshll.u32 s28, $0x1;
	[dreg:$0x2] =	wrdreg s2  }
0xa9: {  	[dreg:$0x3] =	wrdreg s4  }
0xaa: {  	[dreg:$0x4] =	wrdreg $0xC0  }
0xab: {  	_ =	task [dreg:s6], $0x5FFFF  }
0xac: {  	[dreg:$0x1] =	wrdreg $0xFFFFFFFF  }
0xad: {  	[dreg:$0x0] =	wrdreg $0x60  }
0xae: {  	[dreg:$0x2] =	wrdreg s24  }
0xaf: {  	[dreg:$0x3] =	wrdreg $0x84D00  }
0xb0: {  	[dreg:$0x4] =	wrdreg $0x9  }
0xb1: {  	_ =	task.clear_ibuf [dreg:s6], $0x5FFFF;
	_ =	strace $0x90000049  }
0xb2: {  	s29 =	simm.s32 $0x9;
	_ =	strace $0x8000004B  }
0xb3: {  	_ =	swait.ge [sflag:s29], $0x1  }
0xb4: {  	[sflag:s29] =	ssyncadd.s32 $0xFFFFFFFF  }
0xb5: {  	_ =	strace $0x9000004B  }
0xb6: {  	_ =	sfence  }
0xb7: {  	s30 =	sld [smem:$0x0];
	_ =	sdelay $0x2  }
0xb8: {  	s31 =	sshll.u32 s1, $0xD;
	s1 =	sshrl.u32 s1, $0x2  }
0xb9: {  	s3 =	sand.u32 $0x4000, s31;
	s1 =	sadd.s32 s1, s30  }
0xba: {  	s0 =	sor.u32 s3, s0;
	s1 =	sshll.u32 s1, $0x11  }
0xbb: {  	s0 =	sor.u32 s1, s0  }
0xbc: {  	s0 =	sadd.s32 $0x8F2B, s0  }
0xbd: {  	[sflag:s0] =	ssyncadd.remote.s32 $0x1  }
0xbe: {  	_ =	sfence.sel $0xFFFF  }
0xbf: {  	[dreg:$0x0] =	wrdreg $0xFFFFFFFF;
	(pc) =	sbr.abs _section_cstart, $3  }
0xc0: {  	[dreg:$0x1] =	wrdreg $0xFFFFFFFF  }
0xc1: {  	_ =	task.clear_ibuf [dreg:s6], $0x2FFFF;
	_ =	strace $0x9FFFFFFF  }
0xc2: {  	(tm) =	ssettm $0x7FFFFFFF  }
0xc3: {  	_ =	shalt  }
tec
execute0_lowered:
.L_overlay_start_1:
0x0: {  	(tag) =	ssettag $0x1  }
0x1: {  	s0 =	srdreg.scid;
	s1 =	rddreg [dreg:$0x0]  }
0x2: {  	s17 =	stileid.u32;
	s2 =	rddreg [dreg:$0x1]  }
0x3: {  	s18 =	simm.s32 $0x4;
	s21 =	simm.s32 $0xC8;
	s22 =	simm.s32 $0x20D0  }
0x4: {  	s23 =	simm.s32 $0x1450;
	s24 =	simm.s32 $0x1388;
	s25 =	simm.s32 $0x1  }
0x5: {  	s28 =	simm.s32 $0x3;
	s29 =	simm.s32 $0x0;
	s0 =	sand.u32 $0x1, s0  }
0x6: {  	s3 =	sshll.u32 s17, $0x1;
	s8 =	smul.u32 $0x278, s17;
	s5 =	sadd.s32 $0xC200, s1  }
0x7: {  	s6 =	sadd.s32 $0xB9200, s1;
	s10 =	smul.u32 $0x13C00, s17;
	s13 =	sadd.s32 $0x5B200, s1  }
0x8: {  	s15 =	sadd.s32 $0x82A00, s1;
	s31 =	sshll.u32 s17, $0x6;
	s4 =	sor.u32 s0, s3  }
0x9: {  	s3 =	simm.s32 $0x0;
	s9 =	smul.u32 $0x2780, s0;
	s0 =	ssub.s32 $0x2, s0  }
0xa: {  	s19 =	sor.u32 $0x1C04, s31;
	s4 =	smul.u32 $0x1388, s4;
	[smem:$0x7FF] =	sst s3  }
0xb: {  	s26 =	sshrl.u32 s10, $0x3;
	s12 =	sshrl.u32 s0, $0x1;
	s10 =	sadd.s32 s10, s2  }
0xc: {  	_ =	strace $0x8000004A;
	s8 =	sadd.s32 s8, s9;
	s9 =	sadd.s32 s26, s1  }
0xd: {  	s0 =	ssub.s32 s0, s12;
	s12 =	sadd.s32 $0x33A00, s1;
	s20 =	sshrl.u32 s10, $0x3  }
0xe: {  	s26 =	simm.s32 $0x2;
	s7 =	sshrl.u32 s4, $0x3;
	s8 =	sshll.u32 s8, $0x4  }
0xf: {  	s9 =	sadd.s32 $0x107400, s9;
	s17 =	smax.u32 s0, $0x1;
	s11 =	sadd.s32 s7, s1  }
0x10: {  	s7 =	sadd.s32 $0x2200, s1;
	s8 =	sadd.s32 s8, s1;
	s11 =	sadd.s32 $0x7200, s11  }
0x11: {  	s30 =	sadd.s32 $0x12EC00, s8;
	s14 =	sadd.s32 $0x1CCC00, s8;
	[dreg:$0x3] =	wrdreg s11  }
0x12: {  	s16 =	sadd.s32 $0x21BC00, s8;
	[dreg:$0x4] =	wrdreg s30;
	s11 =	sadd.s32 $0x17DC00, s8  }
.LBB2_1:
0x13: {  	s0 =	rddreg [dreg:$0x3]  }
0x14: {  	[tilespmem:s3], [sflag:$0x4] =	stream.linear.gather [hbm4b:s0+s3], $0x1388, $0x38;
	[tilespmem:$0x1C0D0] =	vst v63  }
0x15: {  	_ =	swait.ge [sflag:s18], $0x1388  }
0x16: {  	[sflag:s18] =	ssyncset.done $0x0  }
0x17: {  	[sflag:s18] =	ssyncadd.s32 $0xFFFFEC78  }
0x18: {  	[spmem:s20], [sflag:s19] =	dma.local [hbm:s9], $0x2780  }
0x19: {  	_ =	swait.ge [sflag:s18], $0x2780  }
0x1a: {  	[sflag:s18] =	ssyncset.done $0x0  }
0x1b: {  	[sflag:s18] =	ssyncadd.s32 $0xFFFFD880  }
0x1c: {  	s30 =	simm.s32 $0x0;
	[bflag:$0x0] =	sbarrier.arrive $0xFFFF  }
.LBB2_2:
0x1d: {  	s0 =	smul.u32 $0xC8, s30;
	_ =	sdelay $0x1  }
0x1e: {  	s1 =	sadd.s32 s4, s0  }
0x1f: {  	[tilespmem:s22], [sflag:$0x1] =	stream.indirect.gather [hbm4b:s5+s21], $0x80, s0, s21, $0xb8;
	[tilespmem:$0x1C0D0] =	vst v63  }
0x20: {  	s8 =	sshll.u32 s1, $0x1  }
0x21: {  	s10 =	sshrl.u32 s1, $0x3;
	s0 =	sadd.s32 s6, s8  }
0x22: {  	[tilespmem:s23], [sflag:$0x2] =	stream.linear.gather [hbm4b:s0+s3], $0xC80, $0x38;
	[tilespmem:$0x1C0D0] =	vst v63  }
0x23: {  	s0 =	sadd.s32 s7, s10  }
0x24: {  	[tilespmem:s24], [sflag:$0x3] =	stream.linear.gather [hbm4b:s0+s3], $0xC8, $0x38;
	[tilespmem:$0x1C0D0] =	vst v63  }
0x25: {  	_ =	swait.ge [sflag:s25], $0x6400  }
0x26: {  	[sflag:s25] =	ssyncset.done $0x0  }
0x27: {  	[sflag:s25] =	ssyncadd.s32 $0xFFFF9C00  }
0x28: {  	_ =	swait.ge [sflag:s26], $0xC80  }
0x29: {  	[sflag:s26] =	ssyncset.done $0x0  }
0x2a: {  	[sflag:s26] =	ssyncadd.s32 $0xFFFFF380  }
0x2b: {  	_ =	swait.ge [sflag:s28], $0xC8  }
0x2c: {  	[sflag:s28] =	ssyncset.done $0x0  }
0x2d: {  	s31 =	simm.s32 $0x1470;
	[sflag:s28] =	ssyncadd.s32 $0xFFFFFF38  }
0x2e: {  	v0 =	vld [tilespmem:s31+$0xFFFFFFE0]  }
0x2f: {  	s1 =	simm.s32 $0x21D0  }
0x30: {  	v2 =	vld [tilespmem:s1+$0xFFFFFF70]  }
0x31: {  	v3 =	vld [tilespmem:s1+$0xFFFFFF00]  }
0x32: {  	v4 =	vld [tilespmem:s1+$0xFFFFFF20]  }
0x33: {  	v1 =	vld [tilespmem:s1+$0xFFFFFF50];
	v6 =	vbroadcast v0, $0x1  }
0x34: {  	v5 =	vld [tilespmem:s1+$0xFFFFFF30];
	v0 =	vbroadcast v0, $0x0  }
0x35: {  	v8 =	vld [tilespmem:s1+$0xFFFFFF10];
	v2 =	vmul.f32 v2, v6  }
0x36: {  	v9 =	vld [tilespmem:s1+$0xFFFFFF40];
	v3 =	vmul.f32 v0, v3  }
0x37: {  	v7 =	vld [tilespmem:s1+$0xFFFFFF60];
	v4 =	vmul.f32 v4, v0;
	[tilespmem:s1+$0xFFFFFF70] =	vst v2  }
0x38: {  	v1 =	vmul.f32 v1, v6;
	[tilespmem:s1+$0xFFFFFF00] =	vst v3  }
0x39: {  	v2 =	vmul.f32 v5, v0;
	[tilespmem:s1+$0xFFFFFF20] =	vst v4  }
0x3a: {  	v0 =	vmul.f32 v8, v0;
	[tilespmem:s1+$0xFFFFFF50] =	vst v1  }
0x3b: {  	v1 =	vmul.f32 v9, v6;
	[tilespmem:s1+$0xFFFFFF30] =	vst v2  }
0x3c: {  	v2 =	vmul.f32 v7, v6;
	[tilespmem:s1+$0xFFFFFF10] =	vst v0  }
0x3d: {  	[tilespmem:s1+$0xFFFFFF40] =	vst v1  }
0x3e: {  	[tilespmem:s1+$0xFFFFFF60] =	vst v2  }
0x3f: {  	v0 =	vld [tilespmem:s31+$0xFFFFFFF0];
	_ =	sdelay $0x1  }
0x40: {  	v1 =	vld [tilespmem:s1+$0xFFFFFF80]  }
0x41: {  	v2 =	vld [tilespmem:s1+$0xFFFFFF90]  }
0x42: {  	v3 =	vld [tilespmem:s1+$0xFFFFFFB0]  }
0x43: {  	v4 =	vld [tilespmem:s1+$0xFFFFFFD0];
	v5 =	vbroadcast v0, $0x0  }
0x44: {  	v6 =	vld [tilespmem:s1+$0xFFFFFFF0]  }
0x45: {  	v7 =	vld [tilespmem:s1+$0xFFFFFFA0];
	v1 =	vmul.f32 v5, v1  }
0x46: {  	v8 =	vld [tilespmem:s1+$0xFFFFFFC0];
	v9 =	vbroadcast v0, $0x1;
	v0 =	vmul.f32 v2, v5  }
0x47: {  	v2 =	vld [tilespmem:s1+$0xFFFFFFE0];
	v3 =	vmul.f32 v3, v5;
	[tilespmem:s1+$0xFFFFFF80] =	vst v1  }
0x48: {  	v1 =	vmul.f32 v4, v9;
	[tilespmem:s1+$0xFFFFFF90] =	vst v0  }
0x49: {  	v4 =	vmul.f32 v6, v9;
	[tilespmem:s1+$0xFFFFFFB0] =	vst v3  }
0x4a: {  	v3 =	vmul.f32 v7, v5;
	[tilespmem:s1+$0xFFFFFFD0] =	vst v1  }
0x4b: {  	v0 =	vld [tilespmem:s1+$0x60];
	v5 =	vmul.f32 v8, v9;
	[tilespmem:s1+$0xFFFFFFF0] =	vst v4  }
0x4c: {  	v7 =	vld [tilespmem:s1+$0x30];
	[tilespmem:s1+$0xFFFFFFA0] =	vst v3;
	v4 =	vmul.f32 v2, v9  }
0x4d: {  	v6 =	vld [tilespmem:s1+$0x20];
	[tilespmem:s1+$0xFFFFFFC0] =	vst v5  }
0x4e: {  	v1 =	vld [tilespmem:s1+$0x70];
	[tilespmem:s1+$0xFFFFFFE0] =	vst v4  }
0x4f: {  	v8 =	vld [tilespmem:s31+$0x0]  }
0x50: {  	v3 =	vld [tilespmem:s1+$0x40]  }
0x51: {  	v5 =	vld [tilespmem:s1+$0x0]  }
0x52: {  	v4 =	vld [tilespmem:s1+$0x10]  }
0x53: {  	s8 =	simm.s32 $0x1470;
	s10 =	simm.s32 $0x0;
	s0 =	simm.s32 $0x21D0;
	v2 =	vld [tilespmem:s1+$0x50]  }
.LBB2_3:
0x54: {  	s10 =	sadd.s32 $0x4, s10;
	v9 =	vbroadcast v8, $0x0;
	v8 =	vbroadcast v8, $0x1;
	s31 =	sadd.s32 $0x40, s31;
	s1 =	sadd.s32 $0x200, s1  }
0x55: {  	p0 =	slt.u32 s10, $0xC4  }
0x56: {  	v5 =	vmul.f32 v9, v5;
	v7 =	vmul.f32 v7, v9  }
0x57: {  	v3 =	vmul.f32 v3, v8;
	v4 =	vmul.f32 v4, v9  }
0x58: {  	v2 =	vmul.f32 v2, v8;
	v6 =	vmul.f32 v6, v9;
	[tilespmem:s0+$0x30] =	vst v7  }
0x59: {  	v0 =	vmul.f32 v0, v8;
	v1 =	vmul.f32 v1, v8;
	[tilespmem:s0+$0x40] =	vst v3  }
0x5a: {  	[tilespmem:s0+$0x50] =	vst v2  }
0x5b: {  	[tilespmem:s0+$0x60] =	vst v0;
	v2 =	vld [tilespmem:s0+$0x80]  }
0x5c: {  	v0 =	vld [tilespmem:s1+$0x60];
	[tilespmem:s0+$0x20] =	vst v6  }
0x5d: {  	[tilespmem:s0+$0x0] =	vst v5;
	v3 =	vld [tilespmem:s0+$0xD0]  }
0x5e: {  	[tilespmem:s0+$0x70] =	vst v1;
	v5 =	vld [tilespmem:s0+$0xF0]  }
0x5f: {  	v1 =	vld [tilespmem:s1+$0x70];
	[tilespmem:s0+$0x10] =	vst v4  }
0x60: {  	v4 =	vld [tilespmem:s8+$0x10];
	s8 =	smov.u32 s31  }
0x61: {  	v6 =	vld [tilespmem:s0+$0xB0]  }
0x62: {  	v7 =	vld [tilespmem:s0+$0x90]  }
0x63: {  	v8 =	vld [tilespmem:s0+$0xA0]  }
0x64: {  	v9 =	vld [tilespmem:s0+$0xC0]  }
0x65: {  	v10 =	vbroadcast v4, $0x0;
	v4 =	vbroadcast v4, $0x1;
	v11 =	vld [tilespmem:s0+$0xE0];
	_ =	sdelay $0x1  }
0x66: {  	v2 =	vmul.f32 v10, v2;
	v7 =	vmul.f32 v7, v10  }
0x67: {  	v6 =	vmul.f32 v6, v10;
	v8 =	vmul.f32 v8, v10  }
0x68: {  	v3 =	vmul.f32 v3, v4;
	[tilespmem:s0+$0x80] =	vst v2;
	v2 =	vmul.f32 v9, v4  }
0x69: {  	[tilespmem:s0+$0xB0] =	vst v6;
	v6 =	vmul.f32 v11, v4;
	v4 =	vmul.f32 v5, v4  }
0x6a: {  	[tilespmem:s0+$0xD0] =	vst v3  }
0x6b: {  	[tilespmem:s0+$0xF0] =	vst v4  }
0x6c: {  	[tilespmem:s0+$0xA0] =	vst v8  }
0x6d: {  	v3 =	vld [tilespmem:s1+$0xFFFFFF50];
	[tilespmem:s0+$0xC0] =	vst v2  }
0x6e: {  	v2 =	vld [tilespmem:s1+$0xFFFFFF30];
	[tilespmem:s0+$0xE0] =	vst v6  }
0x6f: {  	v4 =	vld [tilespmem:s1+$0xFFFFFF60];
	[tilespmem:s0+$0x90] =	vst v7;
	s0 =	smov.u32 s1  }
0x70: {  	v5 =	vld [tilespmem:s31+$0xFFFFFFE0]  }
0x71: {  	v6 =	vld [tilespmem:s1+$0xFFFFFF70]  }
0x72: {  	v7 =	vld [tilespmem:s1+$0xFFFFFF00]  }
0x73: {  	v8 =	vld [tilespmem:s1+$0xFFFFFF20]  }
0x74: {  	v9 =	vld [tilespmem:s1+$0xFFFFFF10]  }
0x75: {  	v10 =	vbroadcast v5, $0x0;
	v11 =	vld [tilespmem:s1+$0xFFFFFF40];
	v5 =	vbroadcast v5, $0x1;
	_ =	sdelay $0x1  }
0x76: {  	v7 =	vmul.f32 v10, v7;
	v6 =	vmul.f32 v6, v5  }
0x77: {  	v4 =	vmul.f32 v4, v5;
	v8 =	vmul.f32 v8, v10  }
0x78: {  	v2 =	vmul.f32 v2, v10;
	v9 =	vmul.f32 v9, v10;
	[tilespmem:s1+$0xFFFFFF70] =	vst v6  }
0x79: {  	v3 =	vmul.f32 v3, v5;
	[tilespmem:s1+$0xFFFFFF00] =	vst v7;
	v6 =	vmul.f32 v11, v5  }
0x7a: {  	[tilespmem:s1+$0xFFFFFF20] =	vst v8  }
0x7b: {  	[tilespmem:s1+$0xFFFFFF30] =	vst v2  }
0x7c: {  	[tilespmem:s1+$0xFFFFFF50] =	vst v3  }
0x7d: {  	[tilespmem:s1+$0xFFFFFF10] =	vst v9;
	v2 =	vld [tilespmem:s1+$0xFFFFFFF0]  }
0x7e: {  	[tilespmem:s1+$0xFFFFFF60] =	vst v4;
	v3 =	vld [tilespmem:s1+$0xFFFFFFE0]  }
0x7f: {  	[tilespmem:s1+$0xFFFFFF40] =	vst v6;
	v4 =	vld [tilespmem:s1+$0xFFFFFFC0]  }
0x80: {  	v5 =	vld [tilespmem:s31+$0xFFFFFFF0]  }
0x81: {  	v6 =	vld [tilespmem:s1+$0xFFFFFFB0]  }
0x82: {  	v7 =	vld [tilespmem:s1+$0xFFFFFF80]  }
0x83: {  	v8 =	vld [tilespmem:s1+$0xFFFFFF90]  }
0x84: {  	v9 =	vld [tilespmem:s1+$0xFFFFFFD0]  }
0x85: {  	v10 =	vbroadcast v5, $0x0;
	v11 =	vld [tilespmem:s1+$0xFFFFFFA0];
	v5 =	vbroadcast v5, $0x1;
	_ =	sdelay $0x1  }
0x86: {  	v7 =	vmul.f32 v10, v7;
	v6 =	vmul.f32 v6, v10  }
0x87: {  	v4 =	vmul.f32 v4, v5;
	v8 =	vmul.f32 v8, v10  }
0x88: {  	v3 =	vmul.f32 v3, v5;
	[tilespmem:s1+$0xFFFFFF80] =	vst v7;
	v7 =	vmul.f32 v9, v5  }
0x89: {  	v2 =	vmul.f32 v2, v5;
	[tilespmem:s1+$0xFFFFFF90] =	vst v8;
	v8 =	vmul.f32 v11, v10  }
0x8a: {  	[tilespmem:s1+$0xFFFFFFB0] =	vst v6  }
0x8b: {  	[tilespmem:s1+$0xFFFFFFD0] =	vst v7  }
0x8c: {  	[tilespmem:s1+$0xFFFFFFF0] =	vst v2  }
0x8d: {  	[tilespmem:s1+$0xFFFFFFA0] =	vst v8  }
0x8e: {  	[tilespmem:s1+$0xFFFFFFC0] =	vst v4;
	v2 =	vld [tilespmem:s1+$0x50]  }
0x8f: {  	[tilespmem:s1+$0xFFFFFFE0] =	vst v3;
	v3 =	vld [tilespmem:s1+$0x40]  }
.Ltmp0:
0x90: {  	v8 =	vld [tilespmem:s31+$0x0];
	(pc) =	sbr.rel @p0 .LBB2_3-.Ltmp0, $4  }
0x91: {  	v7 =	vld [tilespmem:s1+$0x30]  }
0x92: {  	v5 =	vld [tilespmem:s1+$0x0]  }
0x93: {  	v4 =	vld [tilespmem:s1+$0x10]  }
0x94: {  	v6 =	vld [tilespmem:s1+$0x20]  }
0x95: {  	v9 =	vbroadcast v8, $0x0  }
0x96: {  	v46 =	vbroadcast v8, $0x1  }
0x97: {  	v7 =	vmul.f32 v7, v9  }
0x98: {  	v3 =	vmul.f32 v3, v46  }
0x99: {  	v2 =	vmul.f32 v2, v46;
	[tilespmem:s0+$0x30] =	vst v7  }
0x9a: {  	v0 =	vmul.f32 v0, v46;
	[tilespmem:s0+$0x40] =	vst v3  }
0x9b: {  	v48 =	vmul.f32 v9, v5;
	[tilespmem:s0+$0x50] =	vst v2  }
0x9c: {  	v49 =	vmul.f32 v1, v46;
	[tilespmem:s0+$0x60] =	vst v0  }
0x9d: {  	v50 =	vmul.f32 v4, v9;
	[tilespmem:s0+$0x0] =	vst v48  }
0x9e: {  	v47 =	vmul.f32 v6, v9;
	[tilespmem:s0+$0x70] =	vst v49  }
0x9f: {  	[tilespmem:s0+$0x10] =	vst v50  }
0xa0: {  	[tilespmem:s0+$0x20] =	vst v47  }
0xa1: {  	v0 =	vld [tilespmem:s8+$0x10];
	_ =	sdelay $0x1  }
0xa2: {  	v51 =	vld [tilespmem:s0+$0x80]  }
0xa3: {  	v53 =	vld [tilespmem:s0+$0xB0]  }
0xa4: {  	v52 =	vld [tilespmem:s0+$0xD0]  }
0xa5: {  	v54 =	vld [tilespmem:s0+$0xF0];
	v56 =	vbroadcast v0, $0x0  }
0xa6: {  	v57 =	vld [tilespmem:s0+$0xA0]  }
0xa7: {  	v58 =	vld [tilespmem:s0+$0xC0];
	v0 =	vbroadcast v0, $0x1;
	v3 =	vmul.f32 v56, v51  }
0xa8: {  	v59 =	vld [tilespmem:s0+$0xE0];
	v2 =	vmul.f32 v53, v56  }
0xa9: {  	v55 =	vld [tilespmem:s0+$0x90];
	v1 =	vmul.f32 v52, v0;
	[tilespmem:s0+$0x80] =	vst v3  }
0xaa: {  	v60 =	vmul.f32 v54, v0;
	[tilespmem:s0+$0xB0] =	vst v2  }
0xab: {  	v61 =	vmul.f32 v57, v56;
	[tilespmem:s0+$0xD0] =	vst v1  }
0xac: {  	v62 =	vmul.f32 v58, v0;
	[tilespmem:s0+$0xF0] =	vst v60  }
0xad: {  	v0 =	vmul.f32 v59, v0;
	[tilespmem:s0+$0xA0] =	vst v61  }
0xae: {  	s30 =	sadd.s32 $0x1, s30;
	v63 =	vmul.f32 v55, v56;
	[tilespmem:s0+$0xC0] =	vst v62  }
0xaf: {  	p0 =	sne.s32 s30, $0x19;
	[tilespmem:s0+$0xE0] =	vst v0  }
.Ltmp1:
0xb0: {  	[tilespmem:s0+$0x90] =	vst v63;
	(pc) =	sbr.rel @p0 .LBB2_2-.Ltmp1, $4  }
0xb1: {  	[spmem:s2] =	stream.indirect.scatter.add.f32 [tilespmem:s22], [sflag:$0x4], $0x80, s24, s21, $0xb8;
	[tilespmem:$0x1C0D0] =	vst v63  }
0xb2: {  	_ =	swait.ge [sflag:s18], $0x6400  }
0xb3: {  	[sflag:s18] =	ssyncset.done $0x0  }
0xb4: {  	[sflag:s18] =	ssyncadd.s32 $0xFFFF9C00  }
0xb5: {  	[bflag:$0x0] =	sbarrier.arrive $0xFFFF  }
0xb6: {  	s0 =	rddreg [dreg:$0x4]  }
0xb7: {  	[hbm:s0], [sflag:s19] =	dma.local [spmem:s20], $0x2780  }
0xb8: {  	_ =	swait.ge [sflag:s18], $0x2780  }
0xb9: {  	[sflag:s18] =	ssyncset.done $0x0  }
0xba: {  	[sflag:s18] =	ssyncadd.s32 $0xFFFFD880  }
0xbb: {  	[bflag:$0x0] =	sbarrier.arrive $0xFFFF  }
0xbc: {  	[spmem:s20], [sflag:s19] =	dma.local [hbm:s9], $0x2780  }
0xbd: {  	_ =	swait.ge [sflag:s18], $0x2780  }
0xbe: {  	[sflag:s18] =	ssyncset.done $0x0  }
0xbf: {  	[sflag:s18] =	ssyncadd.s32 $0xFFFFD880  }
0xc0: {  	s30 =	simm.s32 $0x0;
	[bflag:$0x0] =	sbarrier.arrive $0xFFFF  }
.LBB2_6:
0xc1: {  	s0 =	smul.u32 $0xC8, s30;
	_ =	sdelay $0x1  }
0xc2: {  	s1 =	sadd.s32 s4, s0  }
0xc3: {  	[tilespmem:s22], [sflag:$0x1] =	stream.indirect.gather [hbm4b:s12+s21], $0x80, s0, s21, $0xb8;
	[tilespmem:$0x1C0D0] =	vst v63  }
0xc4: {  	s8 =	sshll.u32 s1, $0x1  }
0xc5: {  	s10 =	sshrl.u32 s1, $0x3;
	s0 =	sadd.s32 s6, s8  }
0xc6: {  	[tilespmem:s23], [sflag:$0x2] =	stream.linear.gather [hbm4b:s0+s3], $0xC80, $0x38;
	[tilespmem:$0x1C0D0] =	vst v63  }
0xc7: {  	s0 =	sadd.s32 s7, s10  }
0xc8: {  	[tilespmem:s24], [sflag:$0x3] =	stream.linear.gather [hbm4b:s0+s3], $0xC8, $0x38;
	[tilespmem:$0x1C0D0] =	vst v63  }
0xc9: {  	_ =	swait.ge [sflag:s25], $0x6400  }
0xca: {  	[sflag:s25] =	ssyncset.done $0x0  }
0xcb: {  	[sflag:s25] =	ssyncadd.s32 $0xFFFF9C00  }
0xcc: {  	_ =	swait.ge [sflag:s26], $0xC80  }
0xcd: {  	[sflag:s26] =	ssyncset.done $0x0  }
0xce: {  	[sflag:s26] =	ssyncadd.s32 $0xFFFFF380  }
0xcf: {  	_ =	swait.ge [sflag:s28], $0xC8  }
0xd0: {  	[sflag:s28] =	ssyncset.done $0x0  }
0xd1: {  	s31 =	simm.s32 $0x1470;
	[sflag:s28] =	ssyncadd.s32 $0xFFFFFF38  }
0xd2: {  	v0 =	vld [tilespmem:s31+$0xFFFFFFE0]  }
0xd3: {  	s1 =	simm.s32 $0x21D0  }
0xd4: {  	v2 =	vld [tilespmem:s1+$0xFFFFFF70]  }
0xd5: {  	v3 =	vld [tilespmem:s1+$0xFFFFFF00]  }
0xd6: {  	v4 =	vld [tilespmem:s1+$0xFFFFFF20]  }
0xd7: {  	v1 =	vld [tilespmem:s1+$0xFFFFFF50];
	v6 =	vbroadcast v0, $0x3  }
0xd8: {  	v5 =	vld [tilespmem:s1+$0xFFFFFF30];
	v0 =	vbroadcast v0, $0x2  }
0xd9: {  	v8 =	vld [tilespmem:s1+$0xFFFFFF10];
	v2 =	vmul.f32 v2, v6  }
0xda: {  	v9 =	vld [tilespmem:s1+$0xFFFFFF40];
	v3 =	vmul.f32 v0, v3  }
0xdb: {  	v7 =	vld [tilespmem:s1+$0xFFFFFF60];
	v4 =	vmul.f32 v4, v0;
	[tilespmem:s1+$0xFFFFFF70] =	vst v2  }
0xdc: {  	v1 =	vmul.f32 v1, v6;
	[tilespmem:s1+$0xFFFFFF00] =	vst v3  }
0xdd: {  	v2 =	vmul.f32 v5, v0;
	[tilespmem:s1+$0xFFFFFF20] =	vst v4  }
0xde: {  	v0 =	vmul.f32 v8, v0;
	[tilespmem:s1+$0xFFFFFF50] =	vst v1  }
0xdf: {  	v1 =	vmul.f32 v9, v6;
	[tilespmem:s1+$0xFFFFFF30] =	vst v2  }
0xe0: {  	v2 =	vmul.f32 v7, v6;
	[tilespmem:s1+$0xFFFFFF10] =	vst v0  }
0xe1: {  	[tilespmem:s1+$0xFFFFFF40] =	vst v1  }
0xe2: {  	[tilespmem:s1+$0xFFFFFF60] =	vst v2  }
0xe3: {  	v0 =	vld [tilespmem:s31+$0xFFFFFFF0];
	_ =	sdelay $0x1  }
0xe4: {  	v1 =	vld [tilespmem:s1+$0xFFFFFF80]  }
0xe5: {  	v2 =	vld [tilespmem:s1+$0xFFFFFF90]  }
0xe6: {  	v3 =	vld [tilespmem:s1+$0xFFFFFFB0]  }
0xe7: {  	v4 =	vld [tilespmem:s1+$0xFFFFFFD0];
	v5 =	vbroadcast v0, $0x2  }
0xe8: {  	v6 =	vld [tilespmem:s1+$0xFFFFFFF0]  }
0xe9: {  	v7 =	vld [tilespmem:s1+$0xFFFFFFA0];
	v1 =	vmul.f32 v5, v1  }
0xea: {  	v8 =	vld [tilespmem:s1+$0xFFFFFFC0];
	v9 =	vbroadcast v0, $0x3;
	v0 =	vmul.f32 v2, v5  }
0xeb: {  	v2 =	vld [tilespmem:s1+$0xFFFFFFE0];
	v3 =	vmul.f32 v3, v5;
	[tilespmem:s1+$0xFFFFFF80] =	vst v1  }
0xec: {  	v1 =	vmul.f32 v4, v9;
	[tilespmem:s1+$0xFFFFFF90] =	vst v0  }
0xed: {  	v4 =	vmul.f32 v6, v9;
	[tilespmem:s1+$0xFFFFFFB0] =	vst v3  }
0xee: {  	v3 =	vmul.f32 v7, v5;
	[tilespmem:s1+$0xFFFFFFD0] =	vst v1  }
0xef: {  	v0 =	vld [tilespmem:s1+$0x60];
	v5 =	vmul.f32 v8, v9;
	[tilespmem:s1+$0xFFFFFFF0] =	vst v4  }
0xf0: {  	v7 =	vld [tilespmem:s1+$0x30];
	[tilespmem:s1+$0xFFFFFFA0] =	vst v3;
	v4 =	vmul.f32 v2, v9  }
0xf1: {  	v6 =	vld [tilespmem:s1+$0x20];
	[tilespmem:s1+$0xFFFFFFC0] =	vst v5  }
0xf2: {  	v1 =	vld [tilespmem:s1+$0x70];
	[tilespmem:s1+$0xFFFFFFE0] =	vst v4  }
0xf3: {  	v8 =	vld [tilespmem:s31+$0x0]  }
0xf4: {  	v3 =	vld [tilespmem:s1+$0x40]  }
0xf5: {  	v5 =	vld [tilespmem:s1+$0x0]  }
0xf6: {  	v4 =	vld [tilespmem:s1+$0x10]  }
0xf7: {  	s8 =	simm.s32 $0x1470;
	s10 =	simm.s32 $0x0;
	s0 =	simm.s32 $0x21D0;
	v2 =	vld [tilespmem:s1+$0x50]  }
.LBB2_7:
0xf8: {  	s10 =	sadd.s32 $0x4, s10;
	v9 =	vbroadcast v8, $0x2;
	v8 =	vbroadcast v8, $0x3;
	s31 =	sadd.s32 $0x40, s31;
	s1 =	sadd.s32 $0x200, s1  }
0xf9: {  	p0 =	slt.u32 s10, $0xC4  }
0xfa: {  	v5 =	vmul.f32 v9, v5;
	v7 =	vmul.f32 v7, v9  }
0xfb: {  	v3 =	vmul.f32 v3, v8;
	v4 =	vmul.f32 v4, v9  }
0xfc: {  	v2 =	vmul.f32 v2, v8;
	v6 =	vmul.f32 v6, v9;
	[tilespmem:s0+$0x30] =	vst v7  }
0xfd: {  	v0 =	vmul.f32 v0, v8;
	v1 =	vmul.f32 v1, v8;
	[tilespmem:s0+$0x40] =	vst v3  }
0xfe: {  	[tilespmem:s0+$0x50] =	vst v2  }
0xff: {  	[tilespmem:s0+$0x60] =	vst v0;
	v2 =	vld [tilespmem:s0+$0x80]  }
0x100: {  	v0 =	vld [tilespmem:s1+$0x60];
	[tilespmem:s0+$0x20] =	vst v6  }
0x101: {  	[tilespmem:s0+$0x0] =	vst v5;
	v3 =	vld [tilespmem:s0+$0xD0]  }
0x102: {  	[tilespmem:s0+$0x70] =	vst v1;
	v5 =	vld [tilespmem:s0+$0xF0]  }
0x103: {  	v1 =	vld [tilespmem:s1+$0x70];
	[tilespmem:s0+$0x10] =	vst v4  }
0x104: {  	v4 =	vld [tilespmem:s8+$0x10];
	s8 =	smov.u32 s31  }
0x105: {  	v6 =	vld [tilespmem:s0+$0xB0]  }
0x106: {  	v7 =	vld [tilespmem:s0+$0x90]  }
0x107: {  	v8 =	vld [tilespmem:s0+$0xA0]  }
0x108: {  	v9 =	vld [tilespmem:s0+$0xC0]  }
0x109: {  	v10 =	vbroadcast v4, $0x2;
	v4 =	vbroadcast v4, $0x3;
	v11 =	vld [tilespmem:s0+$0xE0];
	_ =	sdelay $0x1  }
0x10a: {  	v2 =	vmul.f32 v10, v2;
	v7 =	vmul.f32 v7, v10  }
0x10b: {  	v6 =	vmul.f32 v6, v10;
	v8 =	vmul.f32 v8, v10  }
0x10c: {  	v3 =	vmul.f32 v3, v4;
	[tilespmem:s0+$0x80] =	vst v2;
	v2 =	vmul.f32 v9, v4  }
0x10d: {  	[tilespmem:s0+$0xB0] =	vst v6;
	v6 =	vmul.f32 v11, v4;
	v4 =	vmul.f32 v5, v4  }
0x10e: {  	[tilespmem:s0+$0xD0] =	vst v3  }
0x10f: {  	[tilespmem:s0+$0xF0] =	vst v4  }
0x110: {  	[tilespmem:s0+$0xA0] =	vst v8  }
0x111: {  	v3 =	vld [tilespmem:s1+$0xFFFFFF50];
	[tilespmem:s0+$0xC0] =	vst v2  }
0x112: {  	v2 =	vld [tilespmem:s1+$0xFFFFFF30];
	[tilespmem:s0+$0xE0] =	vst v6  }
0x113: {  	v4 =	vld [tilespmem:s1+$0xFFFFFF60];
	[tilespmem:s0+$0x90] =	vst v7;
	s0 =	smov.u32 s1  }
0x114: {  	v5 =	vld [tilespmem:s31+$0xFFFFFFE0]  }
0x115: {  	v6 =	vld [tilespmem:s1+$0xFFFFFF70]  }
0x116: {  	v7 =	vld [tilespmem:s1+$0xFFFFFF00]  }
0x117: {  	v8 =	vld [tilespmem:s1+$0xFFFFFF20]  }
0x118: {  	v9 =	vld [tilespmem:s1+$0xFFFFFF10]  }
0x119: {  	v10 =	vbroadcast v5, $0x2;
	v11 =	vld [tilespmem:s1+$0xFFFFFF40];
	v5 =	vbroadcast v5, $0x3;
	_ =	sdelay $0x1  }
0x11a: {  	v7 =	vmul.f32 v10, v7;
	v6 =	vmul.f32 v6, v5  }
0x11b: {  	v4 =	vmul.f32 v4, v5;
	v8 =	vmul.f32 v8, v10  }
0x11c: {  	v2 =	vmul.f32 v2, v10;
	v9 =	vmul.f32 v9, v10;
	[tilespmem:s1+$0xFFFFFF70] =	vst v6  }
0x11d: {  	v3 =	vmul.f32 v3, v5;
	[tilespmem:s1+$0xFFFFFF00] =	vst v7;
	v6 =	vmul.f32 v11, v5  }
0x11e: {  	[tilespmem:s1+$0xFFFFFF20] =	vst v8  }
0x11f: {  	[tilespmem:s1+$0xFFFFFF30] =	vst v2  }
0x120: {  	[tilespmem:s1+$0xFFFFFF50] =	vst v3  }
0x121: {  	[tilespmem:s1+$0xFFFFFF10] =	vst v9;
	v2 =	vld [tilespmem:s1+$0xFFFFFFF0]  }
0x122: {  	[tilespmem:s1+$0xFFFFFF60] =	vst v4;
	v3 =	vld [tilespmem:s1+$0xFFFFFFE0]  }
0x123: {  	[tilespmem:s1+$0xFFFFFF40] =	vst v6;
	v4 =	vld [tilespmem:s1+$0xFFFFFFC0]  }
0x124: {  	v5 =	vld [tilespmem:s31+$0xFFFFFFF0]  }
0x125: {  	v6 =	vld [tilespmem:s1+$0xFFFFFFB0]  }
0x126: {  	v7 =	vld [tilespmem:s1+$0xFFFFFF80]  }
0x127: {  	v8 =	vld [tilespmem:s1+$0xFFFFFF90]  }
0x128: {  	v9 =	vld [tilespmem:s1+$0xFFFFFFD0]  }
0x129: {  	v10 =	vbroadcast v5, $0x2;
	v11 =	vld [tilespmem:s1+$0xFFFFFFA0];
	v5 =	vbroadcast v5, $0x3;
	_ =	sdelay $0x1  }
0x12a: {  	v7 =	vmul.f32 v10, v7;
	v6 =	vmul.f32 v6, v10  }
0x12b: {  	v4 =	vmul.f32 v4, v5;
	v8 =	vmul.f32 v8, v10  }
0x12c: {  	v3 =	vmul.f32 v3, v5;
	[tilespmem:s1+$0xFFFFFF80] =	vst v7;
	v7 =	vmul.f32 v9, v5  }
0x12d: {  	v2 =	vmul.f32 v2, v5;
	[tilespmem:s1+$0xFFFFFF90] =	vst v8;
	v8 =	vmul.f32 v11, v10  }
0x12e: {  	[tilespmem:s1+$0xFFFFFFB0] =	vst v6  }
0x12f: {  	[tilespmem:s1+$0xFFFFFFD0] =	vst v7  }
0x130: {  	[tilespmem:s1+$0xFFFFFFF0] =	vst v2  }
0x131: {  	[tilespmem:s1+$0xFFFFFFA0] =	vst v8  }
0x132: {  	[tilespmem:s1+$0xFFFFFFC0] =	vst v4;
	v2 =	vld [tilespmem:s1+$0x50]  }
0x133: {  	[tilespmem:s1+$0xFFFFFFE0] =	vst v3;
	v3 =	vld [tilespmem:s1+$0x40]  }
.Ltmp2:
0x134: {  	v8 =	vld [tilespmem:s31+$0x0];
	(pc) =	sbr.rel @p0 .LBB2_7-.Ltmp2, $4  }
0x135: {  	v7 =	vld [tilespmem:s1+$0x30]  }
0x136: {  	v5 =	vld [tilespmem:s1+$0x0]  }
0x137: {  	v4 =	vld [tilespmem:s1+$0x10]  }
0x138: {  	v6 =	vld [tilespmem:s1+$0x20]  }
0x139: {  	v9 =	vbroadcast v8, $0x2  }
0x13a: {  	v46 =	vbroadcast v8, $0x3  }
0x13b: {  	v7 =	vmul.f32 v7, v9  }
0x13c: {  	v3 =	vmul.f32 v3, v46  }
0x13d: {  	v2 =	vmul.f32 v2, v46;
	[tilespmem:s0+$0x30] =	vst v7  }
0x13e: {  	v0 =	vmul.f32 v0, v46;
	[tilespmem:s0+$0x40] =	vst v3  }
0x13f: {  	v48 =	vmul.f32 v9, v5;
	[tilespmem:s0+$0x50] =	vst v2  }
0x140: {  	v49 =	vmul.f32 v1, v46;
	[tilespmem:s0+$0x60] =	vst v0  }
0x141: {  	v50 =	vmul.f32 v4, v9;
	[tilespmem:s0+$0x0] =	vst v48  }
0x142: {  	v47 =	vmul.f32 v6, v9;
	[tilespmem:s0+$0x70] =	vst v49  }
0x143: {  	[tilespmem:s0+$0x10] =	vst v50  }
0x144: {  	[tilespmem:s0+$0x20] =	vst v47  }
0x145: {  	v0 =	vld [tilespmem:s8+$0x10];
	_ =	sdelay $0x1  }
0x146: {  	v51 =	vld [tilespmem:s0+$0x80]  }
0x147: {  	v53 =	vld [tilespmem:s0+$0xB0]  }
0x148: {  	v52 =	vld [tilespmem:s0+$0xD0]  }
0x149: {  	v54 =	vld [tilespmem:s0+$0xF0];
	v56 =	vbroadcast v0, $0x2  }
0x14a: {  	v57 =	vld [tilespmem:s0+$0xA0]  }
0x14b: {  	v58 =	vld [tilespmem:s0+$0xC0];
	v0 =	vbroadcast v0, $0x3;
	v3 =	vmul.f32 v56, v51  }
0x14c: {  	v59 =	vld [tilespmem:s0+$0xE0];
	v2 =	vmul.f32 v53, v56  }
0x14d: {  	v55 =	vld [tilespmem:s0+$0x90];
	v1 =	vmul.f32 v52, v0;
	[tilespmem:s0+$0x80] =	vst v3  }
0x14e: {  	v60 =	vmul.f32 v54, v0;
	[tilespmem:s0+$0xB0] =	vst v2  }
0x14f: {  	v61 =	vmul.f32 v57, v56;
	[tilespmem:s0+$0xD0] =	vst v1  }
0x150: {  	v62 =	vmul.f32 v58, v0;
	[tilespmem:s0+$0xF0] =	vst v60  }
0x151: {  	v0 =	vmul.f32 v59, v0;
	[tilespmem:s0+$0xA0] =	vst v61  }
0x152: {  	s30 =	sadd.s32 $0x1, s30;
	v63 =	vmul.f32 v55, v56;
	[tilespmem:s0+$0xC0] =	vst v62  }
0x153: {  	p0 =	sne.s32 s30, $0x19;
	[tilespmem:s0+$0xE0] =	vst v0  }
.Ltmp3:
0x154: {  	[tilespmem:s0+$0x90] =	vst v63;
	(pc) =	sbr.rel @p0 .LBB2_6-.Ltmp3, $4  }
0x155: {  	[spmem:s2] =	stream.indirect.scatter.add.f32 [tilespmem:s22], [sflag:$0x4], $0x80, s24, s21, $0xb8;
	[tilespmem:$0x1C0D0] =	vst v63  }
0x156: {  	_ =	swait.ge [sflag:s18], $0x6400  }
0x157: {  	[sflag:s18] =	ssyncset.done $0x0  }
0x158: {  	[sflag:s18] =	ssyncadd.s32 $0xFFFF9C00  }
0x159: {  	[bflag:$0x0] =	sbarrier.arrive $0xFFFF  }
0x15a: {  	[hbm:s11], [sflag:s19] =	dma.local [spmem:s20], $0x2780  }
0x15b: {  	_ =	swait.ge [sflag:s18], $0x2780  }
0x15c: {  	[sflag:s18] =	ssyncset.done $0x0  }
0x15d: {  	[sflag:s18] =	ssyncadd.s32 $0xFFFFD880  }
0x15e: {  	[bflag:$0x0] =	sbarrier.arrive $0xFFFF  }
0x15f: {  	[spmem:s20], [sflag:s19] =	dma.local [hbm:s9], $0x2780  }
0x160: {  	_ =	swait.ge [sflag:s18], $0x2780  }
0x161: {  	[sflag:s18] =	ssyncset.done $0x0  }
0x162: {  	[sflag:s18] =	ssyncadd.s32 $0xFFFFD880  }
0x163: {  	s30 =	simm.s32 $0x0;
	[bflag:$0x0] =	sbarrier.arrive $0xFFFF  }
.LBB2_10:
0x164: {  	s0 =	smul.u32 $0xC8, s30;
	_ =	sdelay $0x1  }
0x165: {  	s1 =	sadd.s32 s4, s0  }
0x166: {  	[tilespmem:s22], [sflag:$0x1] =	stream.indirect.gather [hbm4b:s13+s21], $0x80, s0, s21, $0xb8;
	[tilespmem:$0x1C0D0] =	vst v63  }
0x167: {  	s8 =	sshll.u32 s1, $0x1  }
0x168: {  	s10 =	sshrl.u32 s1, $0x3;
	s0 =	sadd.s32 s6, s8  }
0x169: {  	[tilespmem:s23], [sflag:$0x2] =	stream.linear.gather [hbm4b:s0+s3], $0xC80, $0x38;
	[tilespmem:$0x1C0D0] =	vst v63  }
0x16a: {  	s0 =	sadd.s32 s7, s10  }
0x16b: {  	[tilespmem:s24], [sflag:$0x3] =	stream.linear.gather [hbm4b:s0+s3], $0xC8, $0x38;
	[tilespmem:$0x1C0D0] =	vst v63  }
0x16c: {  	_ =	swait.ge [sflag:s25], $0x6400  }
0x16d: {  	[sflag:s25] =	ssyncset.done $0x0  }
0x16e: {  	[sflag:s25] =	ssyncadd.s32 $0xFFFF9C00  }
0x16f: {  	_ =	swait.ge [sflag:s26], $0xC80  }
0x170: {  	[sflag:s26] =	ssyncset.done $0x0  }
0x171: {  	[sflag:s26] =	ssyncadd.s32 $0xFFFFF380  }
0x172: {  	_ =	swait.ge [sflag:s28], $0xC8  }
0x173: {  	[sflag:s28] =	ssyncset.done $0x0  }
0x174: {  	s31 =	simm.s32 $0x1470;
	[sflag:s28] =	ssyncadd.s32 $0xFFFFFF38  }
0x175: {  	v0 =	vld [tilespmem:s31+$0xFFFFFFE0]  }
0x176: {  	s1 =	simm.s32 $0x21D0  }
0x177: {  	v2 =	vld [tilespmem:s1+$0xFFFFFF70]  }
0x178: {  	v3 =	vld [tilespmem:s1+$0xFFFFFF00]  }
0x179: {  	v4 =	vld [tilespmem:s1+$0xFFFFFF20]  }
0x17a: {  	v1 =	vld [tilespmem:s1+$0xFFFFFF50];
	v6 =	vbroadcast v0, $0x5  }
0x17b: {  	v5 =	vld [tilespmem:s1+$0xFFFFFF30];
	v0 =	vbroadcast v0, $0x4  }
0x17c: {  	v8 =	vld [tilespmem:s1+$0xFFFFFF10];
	v2 =	vmul.f32 v2, v6  }
0x17d: {  	v9 =	vld [tilespmem:s1+$0xFFFFFF40];
	v3 =	vmul.f32 v0, v3  }
0x17e: {  	v7 =	vld [tilespmem:s1+$0xFFFFFF60];
	v4 =	vmul.f32 v4, v0;
	[tilespmem:s1+$0xFFFFFF70] =	vst v2  }
0x17f: {  	v1 =	vmul.f32 v1, v6;
	[tilespmem:s1+$0xFFFFFF00] =	vst v3  }
0x180: {  	v2 =	vmul.f32 v5, v0;
	[tilespmem:s1+$0xFFFFFF20] =	vst v4  }
0x181: {  	v0 =	vmul.f32 v8, v0;
	[tilespmem:s1+$0xFFFFFF50] =	vst v1  }
0x182: {  	v1 =	vmul.f32 v9, v6;
	[tilespmem:s1+$0xFFFFFF30] =	vst v2  }
0x183: {  	v2 =	vmul.f32 v7, v6;
	[tilespmem:s1+$0xFFFFFF10] =	vst v0  }
0x184: {  	[tilespmem:s1+$0xFFFFFF40] =	vst v1  }
0x185: {  	[tilespmem:s1+$0xFFFFFF60] =	vst v2  }
0x186: {  	v0 =	vld [tilespmem:s31+$0xFFFFFFF0];
	_ =	sdelay $0x1  }
0x187: {  	v1 =	vld [tilespmem:s1+$0xFFFFFF80]  }
0x188: {  	v2 =	vld [tilespmem:s1+$0xFFFFFF90]  }
0x189: {  	v3 =	vld [tilespmem:s1+$0xFFFFFFB0]  }
0x18a: {  	v4 =	vld [tilespmem:s1+$0xFFFFFFD0];
	v5 =	vbroadcast v0, $0x4  }
0x18b: {  	v6 =	vld [tilespmem:s1+$0xFFFFFFF0]  }
0x18c: {  	v7 =	vld [tilespmem:s1+$0xFFFFFFA0];
	v1 =	vmul.f32 v5, v1  }
0x18d: {  	v8 =	vld [tilespmem:s1+$0xFFFFFFC0];
	v9 =	vbroadcast v0, $0x5;
	v0 =	vmul.f32 v2, v5  }
0x18e: {  	v2 =	vld [tilespmem:s1+$0xFFFFFFE0];
	v3 =	vmul.f32 v3, v5;
	[tilespmem:s1+$0xFFFFFF80] =	vst v1  }
0x18f: {  	v1 =	vmul.f32 v4, v9;
	[tilespmem:s1+$0xFFFFFF90] =	vst v0  }
0x190: {  	v4 =	vmul.f32 v6, v9;
	[tilespmem:s1+$0xFFFFFFB0] =	vst v3  }
0x191: {  	v3 =	vmul.f32 v7, v5;
	[tilespmem:s1+$0xFFFFFFD0] =	vst v1  }
0x192: {  	v0 =	vld [tilespmem:s1+$0x60];
	v5 =	vmul.f32 v8, v9;
	[tilespmem:s1+$0xFFFFFFF0] =	vst v4  }
0x193: {  	v7 =	vld [tilespmem:s1+$0x30];
	[tilespmem:s1+$0xFFFFFFA0] =	vst v3;
	v4 =	vmul.f32 v2, v9  }
0x194: {  	v6 =	vld [tilespmem:s1+$0x20];
	[tilespmem:s1+$0xFFFFFFC0] =	vst v5  }
0x195: {  	v1 =	vld [tilespmem:s1+$0x70];
	[tilespmem:s1+$0xFFFFFFE0] =	vst v4  }
0x196: {  	v8 =	vld [tilespmem:s31+$0x0]  }
0x197: {  	v3 =	vld [tilespmem:s1+$0x40]  }
0x198: {  	v5 =	vld [tilespmem:s1+$0x0]  }
0x199: {  	v4 =	vld [tilespmem:s1+$0x10]  }
0x19a: {  	s8 =	simm.s32 $0x1470;
	s10 =	simm.s32 $0x0;
	s0 =	simm.s32 $0x21D0;
	v2 =	vld [tilespmem:s1+$0x50]  }
.LBB2_11:
0x19b: {  	s10 =	sadd.s32 $0x4, s10;
	v9 =	vbroadcast v8, $0x4;
	v8 =	vbroadcast v8, $0x5;
	s31 =	sadd.s32 $0x40, s31;
	s1 =	sadd.s32 $0x200, s1  }
0x19c: {  	p0 =	slt.u32 s10, $0xC4  }
0x19d: {  	v5 =	vmul.f32 v9, v5;
	v7 =	vmul.f32 v7, v9  }
0x19e: {  	v3 =	vmul.f32 v3, v8;
	v4 =	vmul.f32 v4, v9  }
0x19f: {  	v2 =	vmul.f32 v2, v8;
	v6 =	vmul.f32 v6, v9;
	[tilespmem:s0+$0x30] =	vst v7  }
0x1a0: {  	v0 =	vmul.f32 v0, v8;
	v1 =	vmul.f32 v1, v8;
	[tilespmem:s0+$0x40] =	vst v3  }
0x1a1: {  	[tilespmem:s0+$0x50] =	vst v2  }
0x1a2: {  	[tilespmem:s0+$0x60] =	vst v0;
	v2 =	vld [tilespmem:s0+$0x80]  }
0x1a3: {  	v0 =	vld [tilespmem:s1+$0x60];
	[tilespmem:s0+$0x20] =	vst v6  }
0x1a4: {  	[tilespmem:s0+$0x0] =	vst v5;
	v3 =	vld [tilespmem:s0+$0xD0]  }
0x1a5: {  	[tilespmem:s0+$0x70] =	vst v1;
	v5 =	vld [tilespmem:s0+$0xF0]  }
0x1a6: {  	v1 =	vld [tilespmem:s1+$0x70];
	[tilespmem:s0+$0x10] =	vst v4  }
0x1a7: {  	v4 =	vld [tilespmem:s8+$0x10];
	s8 =	smov.u32 s31  }
0x1a8: {  	v6 =	vld [tilespmem:s0+$0xB0]  }
0x1a9: {  	v7 =	vld [tilespmem:s0+$0x90]  }
0x1aa: {  	v8 =	vld [tilespmem:s0+$0xA0]  }
0x1ab: {  	v9 =	vld [tilespmem:s0+$0xC0]  }
0x1ac: {  	v10 =	vbroadcast v4, $0x4;
	v4 =	vbroadcast v4, $0x5;
	v11 =	vld [tilespmem:s0+$0xE0];
	_ =	sdelay $0x1  }
0x1ad: {  	v2 =	vmul.f32 v10, v2;
	v7 =	vmul.f32 v7, v10  }
0x1ae: {  	v6 =	vmul.f32 v6, v10;
	v8 =	vmul.f32 v8, v10  }
0x1af: {  	v3 =	vmul.f32 v3, v4;
	[tilespmem:s0+$0x80] =	vst v2;
	v2 =	vmul.f32 v9, v4  }
0x1b0: {  	[tilespmem:s0+$0xB0] =	vst v6;
	v6 =	vmul.f32 v11, v4;
	v4 =	vmul.f32 v5, v4  }
0x1b1: {  	[tilespmem:s0+$0xD0] =	vst v3  }
0x1b2: {  	[tilespmem:s0+$0xF0] =	vst v4  }
0x1b3: {  	[tilespmem:s0+$0xA0] =	vst v8  }
0x1b4: {  	v3 =	vld [tilespmem:s1+$0xFFFFFF50];
	[tilespmem:s0+$0xC0] =	vst v2  }
0x1b5: {  	v2 =	vld [tilespmem:s1+$0xFFFFFF30];
	[tilespmem:s0+$0xE0] =	vst v6  }
0x1b6: {  	v4 =	vld [tilespmem:s1+$0xFFFFFF60];
	[tilespmem:s0+$0x90] =	vst v7;
	s0 =	smov.u32 s1  }
0x1b7: {  	v5 =	vld [tilespmem:s31+$0xFFFFFFE0]  }
0x1b8: {  	v6 =	vld [tilespmem:s1+$0xFFFFFF70]  }
0x1b9: {  	v7 =	vld [tilespmem:s1+$0xFFFFFF00]  }
0x1ba: {  	v8 =	vld [tilespmem:s1+$0xFFFFFF20]  }
0x1bb: {  	v9 =	vld [tilespmem:s1+$0xFFFFFF10]  }
0x1bc: {  	v10 =	vbroadcast v5, $0x4;
	v11 =	vld [tilespmem:s1+$0xFFFFFF40];
	v5 =	vbroadcast v5, $0x5;
	_ =	sdelay $0x1  }
0x1bd: {  	v7 =	vmul.f32 v10, v7;
	v6 =	vmul.f32 v6, v5  }
0x1be: {  	v4 =	vmul.f32 v4, v5;
	v8 =	vmul.f32 v8, v10  }
0x1bf: {  	v2 =	vmul.f32 v2, v10;
	v9 =	vmul.f32 v9, v10;
	[tilespmem:s1+$0xFFFFFF70] =	vst v6  }
0x1c0: {  	v3 =	vmul.f32 v3, v5;
	[tilespmem:s1+$0xFFFFFF00] =	vst v7;
	v6 =	vmul.f32 v11, v5  }
0x1c1: {  	[tilespmem:s1+$0xFFFFFF20] =	vst v8  }
0x1c2: {  	[tilespmem:s1+$0xFFFFFF30] =	vst v2  }
0x1c3: {  	[tilespmem:s1+$0xFFFFFF50] =	vst v3  }
0x1c4: {  	[tilespmem:s1+$0xFFFFFF10] =	vst v9;
	v2 =	vld [tilespmem:s1+$0xFFFFFFF0]  }
0x1c5: {  	[tilespmem:s1+$0xFFFFFF60] =	vst v4;
	v3 =	vld [tilespmem:s1+$0xFFFFFFE0]  }
0x1c6: {  	[tilespmem:s1+$0xFFFFFF40] =	vst v6;
	v4 =	vld [tilespmem:s1+$0xFFFFFFC0]  }
0x1c7: {  	v5 =	vld [tilespmem:s31+$0xFFFFFFF0]  }
0x1c8: {  	v6 =	vld [tilespmem:s1+$0xFFFFFFB0]  }
0x1c9: {  	v7 =	vld [tilespmem:s1+$0xFFFFFF80]  }
0x1ca: {  	v8 =	vld [tilespmem:s1+$0xFFFFFF90]  }
0x1cb: {  	v9 =	vld [tilespmem:s1+$0xFFFFFFD0]  }
0x1cc: {  	v10 =	vbroadcast v5, $0x4;
	v11 =	vld [tilespmem:s1+$0xFFFFFFA0];
	v5 =	vbroadcast v5, $0x5;
	_ =	sdelay $0x1  }
0x1cd: {  	v7 =	vmul.f32 v10, v7;
	v6 =	vmul.f32 v6, v10  }
0x1ce: {  	v4 =	vmul.f32 v4, v5;
	v8 =	vmul.f32 v8, v10  }
0x1cf: {  	v3 =	vmul.f32 v3, v5;
	[tilespmem:s1+$0xFFFFFF80] =	vst v7;
	v7 =	vmul.f32 v9, v5  }
0x1d0: {  	v2 =	vmul.f32 v2, v5;
	[tilespmem:s1+$0xFFFFFF90] =	vst v8;
	v8 =	vmul.f32 v11, v10  }
0x1d1: {  	[tilespmem:s1+$0xFFFFFFB0] =	vst v6  }
0x1d2: {  	[tilespmem:s1+$0xFFFFFFD0] =	vst v7  }
0x1d3: {  	[tilespmem:s1+$0xFFFFFFF0] =	vst v2  }
0x1d4: {  	[tilespmem:s1+$0xFFFFFFA0] =	vst v8  }
0x1d5: {  	[tilespmem:s1+$0xFFFFFFC0] =	vst v4;
	v2 =	vld [tilespmem:s1+$0x50]  }
0x1d6: {  	[tilespmem:s1+$0xFFFFFFE0] =	vst v3;
	v3 =	vld [tilespmem:s1+$0x40]  }
.Ltmp4:
0x1d7: {  	v8 =	vld [tilespmem:s31+$0x0];
	(pc) =	sbr.rel @p0 .LBB2_11-.Ltmp4, $4  }
0x1d8: {  	v7 =	vld [tilespmem:s1+$0x30]  }
0x1d9: {  	v5 =	vld [tilespmem:s1+$0x0]  }
0x1da: {  	v4 =	vld [tilespmem:s1+$0x10]  }
0x1db: {  	v6 =	vld [tilespmem:s1+$0x20]  }
0x1dc: {  	v9 =	vbroadcast v8, $0x4  }
0x1dd: {  	v46 =	vbroadcast v8, $0x5  }
0x1de: {  	v7 =	vmul.f32 v7, v9  }
0x1df: {  	v3 =	vmul.f32 v3, v46  }
0x1e0: {  	v2 =	vmul.f32 v2, v46;
	[tilespmem:s0+$0x30] =	vst v7  }
0x1e1: {  	v0 =	vmul.f32 v0, v46;
	[tilespmem:s0+$0x40] =	vst v3  }
0x1e2: {  	v48 =	vmul.f32 v9, v5;
	[tilespmem:s0+$0x50] =	vst v2  }
0x1e3: {  	v49 =	vmul.f32 v1, v46;
	[tilespmem:s0+$0x60] =	vst v0  }
0x1e4: {  	v50 =	vmul.f32 v4, v9;
	[tilespmem:s0+$0x0] =	vst v48  }
0x1e5: {  	v47 =	vmul.f32 v6, v9;
	[tilespmem:s0+$0x70] =	vst v49  }
0x1e6: {  	[tilespmem:s0+$0x10] =	vst v50  }
0x1e7: {  	[tilespmem:s0+$0x20] =	vst v47  }
0x1e8: {  	v0 =	vld [tilespmem:s8+$0x10];
	_ =	sdelay $0x1  }
0x1e9: {  	v51 =	vld [tilespmem:s0+$0x80]  }
0x1ea: {  	v53 =	vld [tilespmem:s0+$0xB0]  }
0x1eb: {  	v52 =	vld [tilespmem:s0+$0xD0]  }
0x1ec: {  	v54 =	vld [tilespmem:s0+$0xF0];
	v56 =	vbroadcast v0, $0x4  }
0x1ed: {  	v57 =	vld [tilespmem:s0+$0xA0]  }
0x1ee: {  	v58 =	vld [tilespmem:s0+$0xC0];
	v0 =	vbroadcast v0, $0x5;
	v3 =	vmul.f32 v56, v51  }
0x1ef: {  	v59 =	vld [tilespmem:s0+$0xE0];
	v2 =	vmul.f32 v53, v56  }
0x1f0: {  	v55 =	vld [tilespmem:s0+$0x90];
	v1 =	vmul.f32 v52, v0;
	[tilespmem:s0+$0x80] =	vst v3  }
0x1f1: {  	v60 =	vmul.f32 v54, v0;
	[tilespmem:s0+$0xB0] =	vst v2  }
0x1f2: {  	v61 =	vmul.f32 v57, v56;
	[tilespmem:s0+$0xD0] =	vst v1  }
0x1f3: {  	v62 =	vmul.f32 v58, v0;
	[tilespmem:s0+$0xF0] =	vst v60  }
0x1f4: {  	v0 =	vmul.f32 v59, v0;
	[tilespmem:s0+$0xA0] =	vst v61  }
0x1f5: {  	s30 =	sadd.s32 $0x1, s30;
	v63 =	vmul.f32 v55, v56;
	[tilespmem:s0+$0xC0] =	vst v62  }
0x1f6: {  	p0 =	sne.s32 s30, $0x19;
	[tilespmem:s0+$0xE0] =	vst v0  }
.Ltmp5:
0x1f7: {  	[tilespmem:s0+$0x90] =	vst v63;
	(pc) =	sbr.rel @p0 .LBB2_10-.Ltmp5, $4  }
0x1f8: {  	[spmem:s2] =	stream.indirect.scatter.add.f32 [tilespmem:s22], [sflag:$0x4], $0x80, s24, s21, $0xb8;
	[tilespmem:$0x1C0D0] =	vst v63  }
0x1f9: {  	_ =	swait.ge [sflag:s18], $0x6400  }
0x1fa: {  	[sflag:s18] =	ssyncset.done $0x0  }
0x1fb: {  	[sflag:s18] =	ssyncadd.s32 $0xFFFF9C00  }
0x1fc: {  	[bflag:$0x0] =	sbarrier.arrive $0xFFFF  }
0x1fd: {  	[hbm:s14], [sflag:s19] =	dma.local [spmem:s20], $0x2780  }
0x1fe: {  	_ =	swait.ge [sflag:s18], $0x2780  }
0x1ff: {  	[sflag:s18] =	ssyncset.done $0x0  }
0x200: {  	[sflag:s18] =	ssyncadd.s32 $0xFFFFD880  }
0x201: {  	[bflag:$0x0] =	sbarrier.arrive $0xFFFF  }
0x202: {  	[spmem:s20], [sflag:s19] =	dma.local [hbm:s9], $0x2780  }
0x203: {  	_ =	swait.ge [sflag:s18], $0x2780  }
0x204: {  	[sflag:s18] =	ssyncset.done $0x0  }
0x205: {  	[sflag:s18] =	ssyncadd.s32 $0xFFFFD880  }
0x206: {  	s30 =	simm.s32 $0x0;
	[bflag:$0x0] =	sbarrier.arrive $0xFFFF  }
.LBB2_14:
0x207: {  	s0 =	smul.u32 $0xC8, s30;
	_ =	sdelay $0x1  }
0x208: {  	s1 =	sadd.s32 s4, s0  }
0x209: {  	[tilespmem:s22], [sflag:$0x1] =	stream.indirect.gather [hbm4b:s15+s21], $0x80, s0, s21, $0xb8;
	[tilespmem:$0x1C0D0] =	vst v63  }
0x20a: {  	s8 =	sshll.u32 s1, $0x1  }
0x20b: {  	s10 =	sshrl.u32 s1, $0x3;
	s0 =	sadd.s32 s6, s8  }
0x20c: {  	[tilespmem:s23], [sflag:$0x2] =	stream.linear.gather [hbm4b:s0+s3], $0xC80, $0x38;
	[tilespmem:$0x1C0D0] =	vst v63  }
0x20d: {  	s0 =	sadd.s32 s7, s10  }
0x20e: {  	[tilespmem:s24], [sflag:$0x3] =	stream.linear.gather [hbm4b:s0+s3], $0xC8, $0x38;
	[tilespmem:$0x1C0D0] =	vst v63  }
0x20f: {  	_ =	swait.ge [sflag:s25], $0x6400  }
0x210: {  	[sflag:s25] =	ssyncset.done $0x0  }
0x211: {  	[sflag:s25] =	ssyncadd.s32 $0xFFFF9C00  }
0x212: {  	_ =	swait.ge [sflag:s26], $0xC80  }
0x213: {  	[sflag:s26] =	ssyncset.done $0x0  }
0x214: {  	[sflag:s26] =	ssyncadd.s32 $0xFFFFF380  }
0x215: {  	_ =	swait.ge [sflag:s28], $0xC8  }
0x216: {  	[sflag:s28] =	ssyncset.done $0x0  }
0x217: {  	s31 =	simm.s32 $0x1470;
	[sflag:s28] =	ssyncadd.s32 $0xFFFFFF38  }
0x218: {  	v0 =	vld [tilespmem:s31+$0xFFFFFFE0]  }
0x219: {  	s1 =	simm.s32 $0x21D0  }
0x21a: {  	v2 =	vld [tilespmem:s1+$0xFFFFFF70]  }
0x21b: {  	v3 =	vld [tilespmem:s1+$0xFFFFFF00]  }
0x21c: {  	v4 =	vld [tilespmem:s1+$0xFFFFFF20]  }
0x21d: {  	v1 =	vld [tilespmem:s1+$0xFFFFFF50];
	v6 =	vbroadcast v0, $0x7  }
0x21e: {  	v5 =	vld [tilespmem:s1+$0xFFFFFF30];
	v0 =	vbroadcast v0, $0x6  }
0x21f: {  	v8 =	vld [tilespmem:s1+$0xFFFFFF10];
	v2 =	vmul.f32 v2, v6  }
0x220: {  	v9 =	vld [tilespmem:s1+$0xFFFFFF40];
	v3 =	vmul.f32 v0, v3  }
0x221: {  	v7 =	vld [tilespmem:s1+$0xFFFFFF60];
	v4 =	vmul.f32 v4, v0;
	[tilespmem:s1+$0xFFFFFF70] =	vst v2  }
0x222: {  	v1 =	vmul.f32 v1, v6;
	[tilespmem:s1+$0xFFFFFF00] =	vst v3  }
0x223: {  	v2 =	vmul.f32 v5, v0;
	[tilespmem:s1+$0xFFFFFF20] =	vst v4  }
0x224: {  	v0 =	vmul.f32 v8, v0;
	[tilespmem:s1+$0xFFFFFF50] =	vst v1  }
0x225: {  	v1 =	vmul.f32 v9, v6;
	[tilespmem:s1+$0xFFFFFF30] =	vst v2  }
0x226: {  	v2 =	vmul.f32 v7, v6;
	[tilespmem:s1+$0xFFFFFF10] =	vst v0  }
0x227: {  	[tilespmem:s1+$0xFFFFFF40] =	vst v1  }
0x228: {  	[tilespmem:s1+$0xFFFFFF60] =	vst v2  }
0x229: {  	v0 =	vld [tilespmem:s31+$0xFFFFFFF0];
	_ =	sdelay $0x1  }
0x22a: {  	v1 =	vld [tilespmem:s1+$0xFFFFFF80]  }
0x22b: {  	v2 =	vld [tilespmem:s1+$0xFFFFFF90]  }
0x22c: {  	v3 =	vld [tilespmem:s1+$0xFFFFFFB0]  }
0x22d: {  	v4 =	vld [tilespmem:s1+$0xFFFFFFD0];
	v5 =	vbroadcast v0, $0x6  }
0x22e: {  	v6 =	vld [tilespmem:s1+$0xFFFFFFF0]  }
0x22f: {  	v7 =	vld [tilespmem:s1+$0xFFFFFFA0];
	v1 =	vmul.f32 v5, v1  }
0x230: {  	v8 =	vld [tilespmem:s1+$0xFFFFFFC0];
	v9 =	vbroadcast v0, $0x7;
	v0 =	vmul.f32 v2, v5  }
0x231: {  	v2 =	vld [tilespmem:s1+$0xFFFFFFE0];
	v3 =	vmul.f32 v3, v5;
	[tilespmem:s1+$0xFFFFFF80] =	vst v1  }
0x232: {  	v1 =	vmul.f32 v4, v9;
	[tilespmem:s1+$0xFFFFFF90] =	vst v0  }
0x233: {  	v4 =	vmul.f32 v6, v9;
	[tilespmem:s1+$0xFFFFFFB0] =	vst v3  }
0x234: {  	v3 =	vmul.f32 v7, v5;
	[tilespmem:s1+$0xFFFFFFD0] =	vst v1  }
0x235: {  	v0 =	vld [tilespmem:s1+$0x60];
	v5 =	vmul.f32 v8, v9;
	[tilespmem:s1+$0xFFFFFFF0] =	vst v4  }
0x236: {  	v7 =	vld [tilespmem:s1+$0x30];
	[tilespmem:s1+$0xFFFFFFA0] =	vst v3;
	v4 =	vmul.f32 v2, v9  }
0x237: {  	v6 =	vld [tilespmem:s1+$0x20];
	[tilespmem:s1+$0xFFFFFFC0] =	vst v5  }
0x238: {  	v1 =	vld [tilespmem:s1+$0x70];
	[tilespmem:s1+$0xFFFFFFE0] =	vst v4  }
0x239: {  	v8 =	vld [tilespmem:s31+$0x0]  }
0x23a: {  	v3 =	vld [tilespmem:s1+$0x40]  }
0x23b: {  	v5 =	vld [tilespmem:s1+$0x0]  }
0x23c: {  	v4 =	vld [tilespmem:s1+$0x10]  }
0x23d: {  	s8 =	simm.s32 $0x1470;
	s10 =	simm.s32 $0x0;
	s0 =	simm.s32 $0x21D0;
	v2 =	vld [tilespmem:s1+$0x50]  }
.LBB2_15:
0x23e: {  	s10 =	sadd.s32 $0x4, s10;
	v9 =	vbroadcast v8, $0x6;
	v8 =	vbroadcast v8, $0x7;
	s31 =	sadd.s32 $0x40, s31;
	s1 =	sadd.s32 $0x200, s1  }
0x23f: {  	p0 =	slt.u32 s10, $0xC4  }
0x240: {  	v5 =	vmul.f32 v9, v5;
	v7 =	vmul.f32 v7, v9  }
0x241: {  	v3 =	vmul.f32 v3, v8;
	v4 =	vmul.f32 v4, v9  }
0x242: {  	v2 =	vmul.f32 v2, v8;
	v6 =	vmul.f32 v6, v9;
	[tilespmem:s0+$0x30] =	vst v7  }
0x243: {  	v0 =	vmul.f32 v0, v8;
	v1 =	vmul.f32 v1, v8;
	[tilespmem:s0+$0x40] =	vst v3  }
0x244: {  	[tilespmem:s0+$0x50] =	vst v2  }
0x245: {  	[tilespmem:s0+$0x60] =	vst v0;
	v2 =	vld [tilespmem:s0+$0x80]  }
0x246: {  	v0 =	vld [tilespmem:s1+$0x60];
	[tilespmem:s0+$0x20] =	vst v6  }
0x247: {  	[tilespmem:s0+$0x0] =	vst v5;
	v3 =	vld [tilespmem:s0+$0xD0]  }
0x248: {  	[tilespmem:s0+$0x70] =	vst v1;
	v5 =	vld [tilespmem:s0+$0xF0]  }
0x249: {  	v1 =	vld [tilespmem:s1+$0x70];
	[tilespmem:s0+$0x10] =	vst v4  }
0x24a: {  	v4 =	vld [tilespmem:s8+$0x10];
	s8 =	smov.u32 s31  }
0x24b: {  	v6 =	vld [tilespmem:s0+$0xB0]  }
0x24c: {  	v7 =	vld [tilespmem:s0+$0x90]  }
0x24d: {  	v8 =	vld [tilespmem:s0+$0xA0]  }
0x24e: {  	v9 =	vld [tilespmem:s0+$0xC0]  }
0x24f: {  	v10 =	vbroadcast v4, $0x6;
	v4 =	vbroadcast v4, $0x7;
	v11 =	vld [tilespmem:s0+$0xE0];
	_ =	sdelay $0x1  }
0x250: {  	v2 =	vmul.f32 v10, v2;
	v7 =	vmul.f32 v7, v10  }
0x251: {  	v6 =	vmul.f32 v6, v10;
	v8 =	vmul.f32 v8, v10  }
0x252: {  	v3 =	vmul.f32 v3, v4;
	[tilespmem:s0+$0x80] =	vst v2;
	v2 =	vmul.f32 v9, v4  }
0x253: {  	[tilespmem:s0+$0xB0] =	vst v6;
	v6 =	vmul.f32 v11, v4;
	v4 =	vmul.f32 v5, v4  }
0x254: {  	[tilespmem:s0+$0xD0] =	vst v3  }
0x255: {  	[tilespmem:s0+$0xF0] =	vst v4  }
0x256: {  	[tilespmem:s0+$0xA0] =	vst v8  }
0x257: {  	v3 =	vld [tilespmem:s1+$0xFFFFFF50];
	[tilespmem:s0+$0xC0] =	vst v2  }
0x258: {  	v2 =	vld [tilespmem:s1+$0xFFFFFF30];
	[tilespmem:s0+$0xE0] =	vst v6  }
0x259: {  	v4 =	vld [tilespmem:s1+$0xFFFFFF60];
	[tilespmem:s0+$0x90] =	vst v7;
	s0 =	smov.u32 s1  }
0x25a: {  	v5 =	vld [tilespmem:s31+$0xFFFFFFE0]  }
0x25b: {  	v6 =	vld [tilespmem:s1+$0xFFFFFF70]  }
0x25c: {  	v7 =	vld [tilespmem:s1+$0xFFFFFF00]  }
0x25d: {  	v8 =	vld [tilespmem:s1+$0xFFFFFF20]  }
0x25e: {  	v9 =	vld [tilespmem:s1+$0xFFFFFF10]  }
0x25f: {  	v10 =	vbroadcast v5, $0x6;
	v11 =	vld [tilespmem:s1+$0xFFFFFF40];
	v5 =	vbroadcast v5, $0x7;
	_ =	sdelay $0x1  }
0x260: {  	v7 =	vmul.f32 v10, v7;
	v6 =	vmul.f32 v6, v5  }
0x261: {  	v4 =	vmul.f32 v4, v5;
	v8 =	vmul.f32 v8, v10  }
0x262: {  	v2 =	vmul.f32 v2, v10;
	v9 =	vmul.f32 v9, v10;
	[tilespmem:s1+$0xFFFFFF70] =	vst v6  }
0x263: {  	v3 =	vmul.f32 v3, v5;
	[tilespmem:s1+$0xFFFFFF00] =	vst v7;
	v6 =	vmul.f32 v11, v5  }
0x264: {  	[tilespmem:s1+$0xFFFFFF20] =	vst v8  }
0x265: {  	[tilespmem:s1+$0xFFFFFF30] =	vst v2  }
0x266: {  	[tilespmem:s1+$0xFFFFFF50] =	vst v3  }
0x267: {  	[tilespmem:s1+$0xFFFFFF10] =	vst v9;
	v2 =	vld [tilespmem:s1+$0xFFFFFFF0]  }
0x268: {  	[tilespmem:s1+$0xFFFFFF60] =	vst v4;
	v3 =	vld [tilespmem:s1+$0xFFFFFFE0]  }
0x269: {  	[tilespmem:s1+$0xFFFFFF40] =	vst v6;
	v4 =	vld [tilespmem:s1+$0xFFFFFFC0]  }
0x26a: {  	v5 =	vld [tilespmem:s31+$0xFFFFFFF0]  }
0x26b: {  	v6 =	vld [tilespmem:s1+$0xFFFFFFB0]  }
0x26c: {  	v7 =	vld [tilespmem:s1+$0xFFFFFF80]  }
0x26d: {  	v8 =	vld [tilespmem:s1+$0xFFFFFF90]  }
0x26e: {  	v9 =	vld [tilespmem:s1+$0xFFFFFFD0]  }
0x26f: {  	v10 =	vbroadcast v5, $0x6;
	v11 =	vld [tilespmem:s1+$0xFFFFFFA0];
	v5 =	vbroadcast v5, $0x7;
	_ =	sdelay $0x1  }
0x270: {  	v7 =	vmul.f32 v10, v7;
	v6 =	vmul.f32 v6, v10  }
0x271: {  	v4 =	vmul.f32 v4, v5;
	v8 =	vmul.f32 v8, v10  }
0x272: {  	v3 =	vmul.f32 v3, v5;
	[tilespmem:s1+$0xFFFFFF80] =	vst v7;
	v7 =	vmul.f32 v9, v5  }
0x273: {  	v2 =	vmul.f32 v2, v5;
	[tilespmem:s1+$0xFFFFFF90] =	vst v8;
	v8 =	vmul.f32 v11, v10  }
0x274: {  	[tilespmem:s1+$0xFFFFFFB0] =	vst v6  }
0x275: {  	[tilespmem:s1+$0xFFFFFFD0] =	vst v7  }
0x276: {  	[tilespmem:s1+$0xFFFFFFF0] =	vst v2  }
0x277: {  	[tilespmem:s1+$0xFFFFFFA0] =	vst v8  }
0x278: {  	[tilespmem:s1+$0xFFFFFFC0] =	vst v4;
	v2 =	vld [tilespmem:s1+$0x50]  }
0x279: {  	[tilespmem:s1+$0xFFFFFFE0] =	vst v3;
	v3 =	vld [tilespmem:s1+$0x40]  }
.Ltmp6:
0x27a: {  	v8 =	vld [tilespmem:s31+$0x0];
	(pc) =	sbr.rel @p0 .LBB2_15-.Ltmp6, $4  }
0x27b: {  	v7 =	vld [tilespmem:s1+$0x30]  }
0x27c: {  	v5 =	vld [tilespmem:s1+$0x0]  }
0x27d: {  	v4 =	vld [tilespmem:s1+$0x10]  }
0x27e: {  	v6 =	vld [tilespmem:s1+$0x20]  }
0x27f: {  	v9 =	vbroadcast v8, $0x6  }
0x280: {  	v46 =	vbroadcast v8, $0x7  }
0x281: {  	v7 =	vmul.f32 v7, v9  }
0x282: {  	v3 =	vmul.f32 v3, v46  }
0x283: {  	v2 =	vmul.f32 v2, v46;
	[tilespmem:s0+$0x30] =	vst v7  }
0x284: {  	v0 =	vmul.f32 v0, v46;
	[tilespmem:s0+$0x40] =	vst v3  }
0x285: {  	v48 =	vmul.f32 v9, v5;
	[tilespmem:s0+$0x50] =	vst v2  }
0x286: {  	v49 =	vmul.f32 v1, v46;
	[tilespmem:s0+$0x60] =	vst v0  }
0x287: {  	v50 =	vmul.f32 v4, v9;
	[tilespmem:s0+$0x0] =	vst v48  }
0x288: {  	v47 =	vmul.f32 v6, v9;
	[tilespmem:s0+$0x70] =	vst v49  }
0x289: {  	[tilespmem:s0+$0x10] =	vst v50  }
0x28a: {  	[tilespmem:s0+$0x20] =	vst v47  }
0x28b: {  	v0 =	vld [tilespmem:s8+$0x10];
	_ =	sdelay $0x1  }
0x28c: {  	v51 =	vld [tilespmem:s0+$0x80]  }
0x28d: {  	v53 =	vld [tilespmem:s0+$0xB0]  }
0x28e: {  	v52 =	vld [tilespmem:s0+$0xD0]  }
0x28f: {  	v54 =	vld [tilespmem:s0+$0xF0];
	v56 =	vbroadcast v0, $0x6  }
0x290: {  	v57 =	vld [tilespmem:s0+$0xA0]  }
0x291: {  	v58 =	vld [tilespmem:s0+$0xC0];
	v0 =	vbroadcast v0, $0x7;
	v3 =	vmul.f32 v56, v51  }
0x292: {  	v59 =	vld [tilespmem:s0+$0xE0];
	v2 =	vmul.f32 v53, v56  }
0x293: {  	v55 =	vld [tilespmem:s0+$0x90];
	v1 =	vmul.f32 v52, v0;
	[tilespmem:s0+$0x80] =	vst v3  }
0x294: {  	v60 =	vmul.f32 v54, v0;
	[tilespmem:s0+$0xB0] =	vst v2  }
0x295: {  	v61 =	vmul.f32 v57, v56;
	[tilespmem:s0+$0xD0] =	vst v1  }
0x296: {  	v62 =	vmul.f32 v58, v0;
	[tilespmem:s0+$0xF0] =	vst v60  }
0x297: {  	v0 =	vmul.f32 v59, v0;
	[tilespmem:s0+$0xA0] =	vst v61  }
0x298: {  	s30 =	sadd.s32 $0x1, s30;
	v63 =	vmul.f32 v55, v56;
	[tilespmem:s0+$0xC0] =	vst v62  }
0x299: {  	p0 =	sne.s32 s30, $0x19;
	[tilespmem:s0+$0xE0] =	vst v0  }
.Ltmp7:
0x29a: {  	[tilespmem:s0+$0x90] =	vst v63;
	(pc) =	sbr.rel @p0 .LBB2_14-.Ltmp7, $4  }
0x29b: {  	[spmem:s2] =	stream.indirect.scatter.add.f32 [tilespmem:s22], [sflag:$0x4], $0x80, s24, s21, $0xb8;
	[tilespmem:$0x1C0D0] =	vst v63  }
0x29c: {  	_ =	swait.ge [sflag:s18], $0x6400  }
0x29d: {  	[sflag:s18] =	ssyncset.done $0x0  }
0x29e: {  	[sflag:s18] =	ssyncadd.s32 $0xFFFF9C00  }
0x29f: {  	[bflag:$0x0] =	sbarrier.arrive $0xFFFF;
	s29 =	sadd.s32 $0x1, s29  }
0x2a0: {  	[hbm:s16], [sflag:s19] =	dma.local [spmem:s20], $0x2780  }
0x2a1: {  	p0 =	sne.s32 s29, s17  }
.Ltmp8:
0x2a2: {  	_ =	swait.ge [sflag:s18], $0x2780;
	(pc) =	sbr.rel @p0 .LBB2_1-.Ltmp8, $3  }
0x2a3: {  	[sflag:s18] =	ssyncset.done $0x0  }
0x2a4: {  	[sflag:s18] =	ssyncadd.s32 $0xFFFFD880  }
0x2a5: {  	[bflag:$0x0] =	sbarrier.arrive $0xFFFF;
	_ =	sdelay $0x1  }
0x2a6: {  	_ =	sfence.sel $0x180000  }
0x2a7: {  	[bflag:$0x0] =	sbarrier.arrive $0xFFFF  }
0x2a8: {  	_ =	strace $0x9000004A  }
0x2a9: {  	s0 =	stileid.u32;
	[bflag:$0x2] =	sbarrier.arrive $0xFFFF  }
0x2aa: {  	p0 =	sne.s32 s0, $0x0;
	s0 =	rddreg [dreg:$0x2]  }
0x2ab: {  	s0 =	sadd.s32 @!p0 $0x100000, s0  }
0x2ac: {  	[sflag:s0] =	ssyncadd.tile.s32 @!p0 $0x1;
	_ =	shalt  }
.Lfunc_end2:
_tile_overlayer_lowered:
.L_overlay_start_2:
0x2ad: {  	(tag) =	ssettag $0x2  }
0x2ae: {  	s0 =	rddreg [dreg:$0x0];
	s2 =	stileid.u32  }
0x2af: {  	s1 =	rddreg [dreg:$0x1];
	p0 =	sne.s32 s2, $0x0  }
0x2b0: {  	s3 =	rddreg [dreg:$0x2];
	[bflag:$0x3] =	sbarrier.arrive $0xFFFF;
	s2 =	simm.s32 @!p0 $0x1C04  }
0x2b1: {  	[timem:s3], [sflag:s2] =	dma.local @!p0 [hbm:s0], s1  }
0x2b2: {  	s0 =	simm.s32 @!p0 $0x4  }
0x2b3: {  	_ =	swait.ge @!p0 [sflag:s0], s1  }
0x2b4: {  	s1 =	ssub.s32 @!p0 $0x0, s1;
	[sflag:s0] =	ssyncset.done @!p0 $0x0  }
0x2b5: {  	[sflag:s0] =	ssyncadd.s32 @!p0 s1  }
0x2b6: {  	[bflag:$0x3] =	sbarrier.arrive $0xFFFF  }
0x2b7: {  	_ =	shalt  }

// kernel: kernel.15.cloned.1.call-start
scs
__scs_entry_jumppad:
0x0: {  	(pc) =	sbr.rel $0x88, $3  }
0x1: {  	(tag) =	ssettag $0x0;
	lr =	simm.s32 $0x1  }
0x2: {  	[smem:$0x3F9B] =	sst lr;
	_ =	strace $0xD0000000  }
0x3: {  	_ = 	snop  }
0x4: {  	_ = 	snop  }
0x5: {  	_ = 	snop  }
0x6: {  	_ = 	snop  }
0x7: {  	_ = 	snop  }
__scs_overlays_trampoline_lowered:
0x8: {  	[smem:$0x3FAA] =	sst s0  }
0x9: {  	[smem:$0x3FAB] =	sst s1  }
0xa: {  	[smem:$0x3FAC] =	sst s2  }
0xb: {  	[smem:$0x3FAD] =	sst s3  }
0xc: {  	[smem:$0x3FAE] =	sst s4  }
0xd: {  	[smem:$0x3FAF] =	sst s5  }
0xe: {  	[smem:$0x3FB0] =	sst s6  }
0xf: {  	[smem:$0x3FB1] =	sst s7  }
0x10: {  	[smem:$0x3FB2] =	sst s8  }
0x11: {  	[smem:$0x3FB3] =	sst s9;
	s0 =	simm.s32 @!p0 $0x0  }
0x12: {  	s1 =	sld [smem:$0x3F99];
	s0 =	simm.s32 @p0 $0x1  }
0x13: {  	[smem:$0x3FB4] =	sst s0;
	s0 =	simm.s32 @!p1 $0x0  }
0x14: {  	s2 =	sld [smem:$0x3F98];
	s0 =	simm.s32 @p1 $0x1  }
0x15: {  	[smem:$0x3FB5] =	sst s0;
	s0 =	simm.s32 @!p2 $0x0  }
0x16: {  	s3 =	sld [smem:$0x3FDB];
	s0 =	simm.s32 @p2 $0x1  }
0x17: {  	s4 =	simm.s32 $0x1BF5;
	[smem:$0x3FB7] =	sst s0  }
0x18: {  	s0 =	sld [smem:$0x3F9A];
	_ =	swait.ge [sflag:s4], $0x0  }
0x19: {  	s7 =	sld [smem:$0x3F9B]  }
0x1a: {  	s8 =	sadd.s32 $0xFFFFE003, lr  }
0x1b: {  	s9 =	sadd.s32 $0xFFFFFEF7, lr;
	s5 =	simm.s32 $0xFFFFFFFF;
	p2 =	slt.u32 s8, $0xFFFFF086  }
0x1c: {  	p1 =	slt.u32 s9, $0xF7A;
	s5 =	simm.s32 @!p2 $0x0  }
0x1d: {  	s5 =	simm.s32 @p1 $0x1;
	p0 =	seq.s32 s7, s2  }
0x1e: {  	s7 =	smul.u32 @!p0 $0xF7A, s2;
	p2 =	seq.s32 @!p0 s5, $0x0  }
0x1f: {  	s9 =	smul.u32 $0xF7A, s1;
	s8 =	simm.s32 @!p0 $0x1BF5;
	p2 =	por !p2, p0  }
0x20: {  	[sflag:s8] =	ssyncset.s32 @!p0 $0xFFFFF086;
	s6 =	sadd.s32 @!p0 s3, s7;
	s7 =	simm.s32 @!p0 $0x108  }
0x21: {  	s3 =	sadd.s32 s3, s9;
	s6 =	sadd.s32 @!p0 $0x88, s6;
	s7 =	simm.s32 @p2 $0x1082  }
0x22: {  	[simem:s7], [sflag:s8] =	dma.local @!p0 [hbm:s6], $0xF7A  }
0x23: {  	s9 =	sor.u32 $0xD0000000, s2;
	s6 =	simm.s32 $0x108;
	_ =	swait.ge @!p0 [sflag:s8], $0x0  }
0x24: {  	s3 =	sadd.s32 $0x88, s3;
	s6 =	simm.s32 @!p1 $0x1082;
	[sflag:s4] =	ssyncset.s32 $0xFFFFF086  }
0x25: {  	[simem:s6], [sflag:s4] =	dma.local [hbm:s3], $0xF7A  }
0x26: {  	[smem:$0x3F9B] =	sst s1;
	(tag) =	ssettag s2;
	_ =	strace s9  }
0x27: {  	s1 =	sld [smem:$0x3FAB]  }
0x28: {  	s2 =	sld [smem:$0x3FAC]  }
0x29: {  	s4 =	sld [smem:$0x3FAE]  }
0x2a: {  	p0 =	seq.s32 s5, $0x0;
	s5 =	sld [smem:$0x3FAF]  }
0x2b: {  	s6 =	sld [smem:$0x3FB0]  }
0x2c: {  	s7 =	sld [smem:$0x3FB1]  }
0x2d: {  	s3 =	simm.s32 $0x108;
	s8 =	sld [smem:$0x3FB2]  }
0x2e: {  	s3 =	simm.s32 @!p0 $0x1082;
	s9 =	sld [smem:$0x3FB3]  }
0x2f: {  	lr =	sadd.s32 s0, s3;
	s0 =	sld [smem:$0x3FAA]  }
0x30: {  	s3 =	sld [smem:$0x3FAD]  }
0x31: {  	[smem:$0x3FB6] =	sst s10  }
0x32: {  	s10 =	sld [smem:$0x3FB4];
	_ =	sdelay $0x3  }
0x33: {  	p0 =	seq.s32 s10, $0x1;
	s10 =	sld [smem:$0x3FB6];
	_ =	sdelay $0x3  }
0x34: {  	[smem:$0x3FB6] =	sst s10  }
0x35: {  	s10 =	sld [smem:$0x3FB5];
	_ =	sdelay $0x3  }
0x36: {  	p1 =	seq.s32 s10, $0x1;
	s10 =	sld [smem:$0x3FB6];
	_ =	sdelay $0x3  }
0x37: {  	[smem:$0x3FB6] =	sst s10  }
0x38: {  	s10 =	sld [smem:$0x3FB7]  }
0x39: {  	_ = 	snop;
	(pc) =	sbr.ind lr, $3  }
0x3a: {  	_ = 	snop  }
0x3b: {  	_ = 	snop  }
0x3c: {  	p2 =	seq.s32 s10, $0x1;
	s10 =	sld [smem:$0x3FB6]  }
0x3d: {  	_ =	shalt  }
0x3e: {  	_ =	shalt  }
0x3f: {  	_ =	shalt  }
0x40: {  	_ =	shalt  }
0x41: {  	_ =	shalt  }
0x42: {  	_ =	shalt  }
0x43: {  	_ =	shalt  }
0x44: {  	_ =	shalt  }
0x45: {  	_ =	shalt  }
0x46: {  	_ =	shalt  }
0x47: {  	_ =	shalt  }
0x48: {  	_ =	shalt  }
0x49: {  	_ =	shalt  }
0x4a: {  	_ =	shalt  }
0x4b: {  	_ =	shalt  }
0x4c: {  	_ =	shalt  }
0x4d: {  	_ =	shalt  }
0x4e: {  	_ =	shalt  }
0x4f: {  	_ =	shalt  }
0x50: {  	_ =	shalt  }
0x51: {  	_ =	shalt  }
0x52: {  	_ =	shalt  }
0x53: {  	_ =	shalt  }
0x54: {  	_ =	shalt  }
0x55: {  	_ =	shalt  }
0x56: {  	_ =	shalt  }
0x57: {  	_ =	shalt  }
0x58: {  	_ =	shalt  }
0x59: {  	_ =	shalt  }
0x5a: {  	_ =	shalt  }
0x5b: {  	_ =	shalt  }
0x5c: {  	_ =	shalt  }
0x5d: {  	_ =	shalt  }
0x5e: {  	_ =	shalt  }
0x5f: {  	_ =	shalt  }
0x60: {  	_ =	shalt  }
0x61: {  	_ =	shalt  }
0x62: {  	_ =	shalt  }
0x63: {  	_ =	shalt  }
0x64: {  	_ =	shalt  }
0x65: {  	_ =	shalt  }
0x66: {  	_ =	shalt  }
0x67: {  	_ =	shalt  }
0x68: {  	_ =	shalt  }
0x69: {  	_ =	shalt  }
0x6a: {  	_ =	shalt  }
0x6b: {  	_ =	shalt  }
0x6c: {  	_ =	shalt  }
0x6d: {  	_ =	shalt  }
0x6e: {  	_ =	shalt  }
0x6f: {  	_ =	shalt  }
0x70: {  	_ =	shalt  }
0x71: {  	_ =	shalt  }
0x72: {  	_ =	shalt  }
0x73: {  	_ =	shalt  }
0x74: {  	_ =	shalt  }
0x75: {  	_ =	shalt  }
0x76: {  	_ =	shalt  }
0x77: {  	_ =	shalt  }
0x78: {  	_ =	shalt  }
0x79: {  	_ =	shalt  }
0x7a: {  	_ =	shalt  }
0x7b: {  	_ =	shalt  }
0x7c: {  	_ =	shalt  }
0x7d: {  	_ =	shalt  }
0x7e: {  	_ =	shalt  }
0x7f: {  	_ =	shalt  }
0x80: {  	_ =	shalt  }
0x81: {  	_ =	shalt  }
0x82: {  	_ =	shalt  }
0x83: {  	_ =	shalt  }
0x84: {  	_ =	shalt  }
0x85: {  	_ =	shalt  }
0x86: {  	_ =	shalt  }
0x87: {  	_ =	shalt  }
.Lfunc_end0:
.L_simem_size_0:
called_computation.2_lowered:
.L_overlay_start_0:
0x88: {  	s2 =	sld [smem:$0x3FD9]  }
0x89: {  	s3 =	sld [smem:$0x3FFE];
	_ =	sdelay $0x1  }
0x8a: {  	s1 =	srdreg.scid  }
0x8b: {  	s0 =	sand.u32 $0x1, s1  }
0x8c: {  	s17 =	sshll.u32 s0, $0xA;
	s2 =	sadd.s32 s3, s2  }
0x8d: {  	s2 =	sadd.s32 s2, s17  }
0x8e: {  	[smem:$0x3FC2] =	sst s2  }
0x8f: {  	_ = 	snop  }
0x90: {  	s2 =	sld [smem:$0x3FD0];
	(tm) =	ssettm $0x1  }
0x91: {  	s18 =	sld [smem:$0x3FFB];
	_ =	sdelay $0x3  }
0x92: {  	_ =	strace s18  }
0x93: {  	s3 =	sld [smem:$0x3FFC];
	_ =	sdelay $0x3  }
0x94: {  	_ =	strace s3  }
0x95: {  	s3 =	sld [smem:$0x3FFD];
	_ =	sdelay $0x3  }
0x96: {  	_ =	strace s3  }
0x97: {  	_ =	strace $0x8FFFFFFF  }
0x98: {  	s19 =	sld [smem:$0x3FDB];
	_ =	sdelay $0x1  }
0x99: {  	s4 =	simm.s32 $_scs_section_size  }
0x9a: {  	s5 =	simm.s32 $_size__tile_overlayer_lowered;
	s6 =	simm.s32 $_tile_overlayer_lowered  }
0x9b: {  	s22 =	simm.s32 $0x1BFF;
	s21 =	sshll.u32 s6, $0x1;
	s3 =	sadd.s32 s4, s19  }
0x9c: {  	s7 =	simm.s32 $0x0;
	s20 =	sshll.u32 s5, $0x1;
	s5 =	sadd.s32 s21, s3  }
0x9d: {  	[timem:s7], [sflag:s22] =	dma.local [hbm:s5], s20  }
0x9e: {  	_ =	swait.ge [sflag:s22], s20  }
0x9f: {  	s4 =	ssub.s32 $0x0, s20;
	[sflag:s22] =	ssyncset.done $0x0  }
0xa0: {  	[sflag:s22] =	ssyncadd.s32 s4;
	_ =	sdelay $0x1  }
0xa1: {  	s23 =	simm.s32 $0x1B8B  }
0xa2: {  	_ =	swait.ge [sflag:s23], $0x1  }
0xa3: {  	[sflag:s23] =	ssyncset.done $0x0  }
0xa4: {  	s25 =	simm.s32 $0x1B8E;
	s24 =	sld [smem:$0x3FFE];
	[sflag:s23] =	ssyncadd.s32 $0xFFFFFFFF  }
0xa5: {  	s26 =	simm.s32 $execute0_lowered;
	[smem:$0x3FD2] =	sst s25  }
0xa6: {  	s5 =	sshll.u32 s26, $0x1;
	_ =	strace $0x8000004C;
	[dreg:$0x1] =	wrdreg $0xFFFFFFFF  }
0xa7: {  	s28 =	simm.s32 $_size_execute0_lowered;
	s3 =	sadd.s32 s3, s5;
	[dreg:$0x0] =	wrdreg $0x0  }
0xa8: {  	s5 =	sshll.u32 s28, $0x1;
	[dreg:$0x2] =	wrdreg s3  }
0xa9: {  	[dreg:$0x3] =	wrdreg s5  }
0xaa: {  	[dreg:$0x4] =	wrdreg $0xC0  }
0xab: {  	_ =	task [dreg:s7], $0x5FFFF  }
0xac: {  	[dreg:$0x1] =	wrdreg $0xFFFFFFFF  }
0xad: {  	[dreg:$0x0] =	wrdreg $0x60  }
0xae: {  	[dreg:$0x2] =	wrdreg s24  }
0xaf: {  	[dreg:$0x3] =	wrdreg s2  }
0xb0: {  	[dreg:$0x4] =	wrdreg $0xD2F00  }
0xb1: {  	[dreg:$0x5] =	wrdreg $0x9  }
0xb2: {  	_ =	task.clear_ibuf [dreg:s7], $0x6FFFF;
	_ =	strace $0x9000004C  }
0xb3: {  	s29 =	simm.s32 $0x9;
	_ =	strace $0x8000004E  }
0xb4: {  	_ =	swait.ge [sflag:s29], $0x1  }
0xb5: {  	[sflag:s29] =	ssyncadd.s32 $0xFFFFFFFF  }
0xb6: {  	_ =	strace $0x9000004E  }
0xb7: {  	_ =	sfence  }
0xb8: {  	s30 =	sld [smem:$0x0];
	_ =	sdelay $0x2  }
0xb9: {  	s31 =	sshll.u32 s1, $0xD;
	s1 =	sshrl.u32 s1, $0x2  }
0xba: {  	s3 =	sand.u32 $0x4000, s31;
	s1 =	sadd.s32 s1, s30  }
0xbb: {  	s0 =	sor.u32 s3, s0;
	s1 =	sshll.u32 s1, $0x11  }
0xbc: {  	s0 =	sor.u32 s1, s0  }
0xbd: {  	s0 =	sadd.s32 $0x8F2B, s0  }
0xbe: {  	[sflag:s0] =	ssyncadd.remote.s32 $0x1  }
0xbf: {  	_ =	sfence.sel $0xFFFF  }
0xc0: {  	[dreg:$0x0] =	wrdreg $0xFFFFFFFF;
	(pc) =	sbr.abs _section_cstart, $3  }
0xc1: {  	[dreg:$0x1] =	wrdreg $0xFFFFFFFF  }
0xc2: {  	_ =	task.clear_ibuf [dreg:s7], $0x2FFFF;
	_ =	strace $0x9FFFFFFF  }
0xc3: {  	(tm) =	ssettm $0x7FFFFFFF  }
tec
execute0_lowered:
.L_overlay_start_1:
0x0: {  	(tag) =	ssettag $0x1  }
0x1: {  	s0 =	rddreg [dreg:$0x0]  }
0x2: {  	s1 =	rddreg [dreg:$0x1]  }
0x3: {  	s3 =	srdreg.scid;
	s17 =	stileid.u32  }
0x4: {  	s2 =	rddreg [dreg:$0x2];
	s18 =	simm.s32 $0x1388;
	s19 =	simm.s32 $0x3  }
0x5: {  	s20 =	simm.s32 $0x55F0;
	s21 =	simm.s32 $0x1;
	s22 =	simm.s32 $0x2  }
0x6: {  	s23 =	simm.s32 $0x9470;
	s24 =	simm.s32 $0x4;
	s25 =	simm.s32 $0x0  }
0x7: {  	s9 =	sand.u32 $0x1, s3;
	s4 =	sshll.u32 s17, $0x1;
	s3 =	simm.s32 $0x0  }
0x8: {  	s10 =	smul.u32 $0x2780, s17;
	s5 =	sadd.s32 $0xC200, s0;
	s6 =	sadd.s32 $0x11200, s0  }
0x9: {  	s14 =	smul.u32 $0x4F0, s17;
	s30 =	sshll.u32 s17, $0x6;
	s17 =	simm.s32 $0x1770  }
0xa: {  	s4 =	sor.u32 s9, s4;
	[smem:$0x7FF] =	sst s3;
	s15 =	smul.u32 $0x4F00, s9  }
0xb: {  	s13 =	ssub.s32 $0x2, s9;
	s4 =	smul.u32 $0x1388, s4;
	_ =	strace $0x8000004D  }
0xc: {  	s8 =	sshrl.u32 s10, $0x3;
	s29 =	sshrl.u32 s13, $0x1;
	s16 =	sadd.s32 s10, s2  }
0xd: {  	s10 =	sor.u32 $0x1C05, s30;
	s12 =	sadd.s32 s8, s0;
	s8 =	sadd.s32 $0x16200, s0  }
0xe: {  	s31 =	sadd.s32 s14, s15;
	s14 =	sshrl.u32 s16, $0x3;
	s15 =	simm.s32 $0x5  }
0xf: {  	s16 =	simm.s32 $0x3E8;
	s7 =	sshrl.u32 s4, $0x3;
	s9 =	sadd.s32 $0xB4200, s12  }
0x10: {  	s11 =	sadd.s32 s7, s0;
	s7 =	sadd.s32 $0x2200, s0;
	s0 =	ssub.s32 s13, s29  }
0x11: {  	s12 =	sadd.s32 s1, s31;
	s11 =	sadd.s32 $0x7200, s11;
	s13 =	smax.u32 s0, $0x1  }
.LBB2_1:
0x12: {  	[spmem:s14], [sflag:s10] =	dma.local [hbm:s9], $0x4F0  }
0x13: {  	_ =	swait.ge [sflag:s15], $0x4F0  }
0x14: {  	[sflag:s15] =	ssyncset.done $0x0  }
0x15: {  	[sflag:s15] =	ssyncadd.s32 $0xFFFFFB10  }
0x16: {  	[tilespmem:s3], [sflag:$0x5] =	stream.linear.gather [hbm4b:s11+s3], $0x1388, $0x38;
	[tilespmem:$0xFA70] =	vst v63  }
0x17: {  	_ =	swait.ge [sflag:s15], $0x1388  }
0x18: {  	[sflag:s15] =	ssyncset.done $0x0  }
0x19: {  	[sflag:s15] =	ssyncadd.s32 $0xFFFFEC78  }
0x1a: {  	s26 =	simm.s32 $0x0;
	[bflag:$0x0] =	sbarrier.arrive $0xFFFF  }
.LBB2_2:
0x1b: {  	s0 =	smul.u32 $0x3E8, s26;
	_ =	sdelay $0x1  }
0x1c: {  	s28 =	sadd.s32 s4, s0  }
0x1d: {  	[tilespmem:s17], [sflag:$0x1] =	stream.indirect.gather [hbm4b:s5+s16], $0x10, s0, s16, $0xb8;
	[tilespmem:$0xFA70] =	vst v63  }
0x1e: {  	s1 =	sshrl.u32 s28, $0x3  }
0x1f: {  	s0 =	sadd.s32 s7, s1  }
0x20: {  	[tilespmem:s18], [sflag:$0x3] =	stream.linear.gather [hbm4b:s0+s3], $0x3E8, $0x38;
	[tilespmem:$0xFA70] =	vst v63  }
0x21: {  	_ =	swait.ge [sflag:s19], $0x3E8  }
0x22: {  	[sflag:s19] =	ssyncset.done $0x0  }
0x23: {  	[sflag:s19] =	ssyncadd.s32 $0xFFFFFC18  }
0x24: {  	[tilespmem:s20], [sflag:$0x2] =	stream.indirect.gather [hbm4b:s6+s16], $0x10, s18, s16, $0xb8;
	[tilespmem:$0xFA70] =	vst v63  }
0x25: {  	_ =	swait.ge [sflag:s21], $0x3E80  }
0x26: {  	[sflag:s21] =	ssyncset.done $0x0  }
0x27: {  	[sflag:s21] =	ssyncadd.s32 $0xFFFFC180  }
0x28: {  	_ =	swait.ge [sflag:s22], $0x3E80  }
0x29: {  	[sflag:s22] =	ssyncset.done $0x0  }
0x2a: {  	s1 =	simm.s32 $0x17B0;
	[sflag:s22] =	ssyncadd.s32 $0xFFFFC180  }
0x2b: {  	s29 =	simm.s32 $0x5630;
	v0 =	vld [tilespmem:s1+$0xFFFFFFC0]  }
0x2c: {  	v1 =	vld [tilespmem:s29+$0xFFFFFFC0];
	_ =	sdelay $0x4  }
0x2d: {  	v0 =	vadd.f32 v1, v0;
	_ =	sdelay $0x1  }
0x2e: {  	v1 =	vmul.f32 $2.000000030e-01, v0  }
0x2f: {  	vm0 =	vgt.f32 v0, $0.0e+00  }
0x30: {  	v0 =	vsel vm0, v0, v1  }
0x31: {  	v0 =	vmul.f32 $1.442695020e+00, v0;
	_ =	sdelay $0x1  }
0x32: {  	(erf) = vpow2.f32 v0;
	_ =	sdelay $0x8  }
0x33: {  	s30 =	simm.s32 $0x94B0;
	v0 =	vpop (erf)  }
0x34: {  	[tilespmem:s30+$0xFFFFFFC0] =	vst v0  }
0x35: {  	v0 =	vld [tilespmem:s1+$0xFFFFFFD0]  }
0x36: {  	v57 =	vld [tilespmem:s29+$0xFFFFFFD0];
	_ =	sdelay $0x4  }
0x37: {  	v0 =	vadd.f32 v57, v0;
	_ =	sdelay $0x1  }
0x38: {  	v1 =	vmul.f32 $2.000000030e-01, v0  }
0x39: {  	vm9 =	vgt.f32 v0, $0.0e+00  }
0x3a: {  	v0 =	vsel vm9, v0, v1  }
0x3b: {  	v0 =	vmul.f32 $1.442695020e+00, v0;
	_ =	sdelay $0x1  }
0x3c: {  	(erf) = vpow2.f32 v0;
	_ =	sdelay $0x8  }
0x3d: {  	v0 =	vpop (erf)  }
0x3e: {  	[tilespmem:s30+$0xFFFFFFD0] =	vst v0  }
0x3f: {  	v0 =	vld [tilespmem:s1+$0xFFFFFFE0]  }
0x40: {  	v58 =	vld [tilespmem:s29+$0xFFFFFFE0];
	_ =	sdelay $0x4  }
0x41: {  	v0 =	vadd.f32 v58, v0;
	_ =	sdelay $0x1  }
0x42: {  	v1 =	vmul.f32 $2.000000030e-01, v0  }
0x43: {  	vm10 =	vgt.f32 v0, $0.0e+00  }
0x44: {  	v0 =	vsel vm10, v0, v1  }
0x45: {  	v0 =	vmul.f32 $1.442695020e+00, v0;
	_ =	sdelay $0x1  }
0x46: {  	(erf) = vpow2.f32 v0;
	_ =	sdelay $0x8  }
0x47: {  	v0 =	vpop (erf)  }
0x48: {  	[tilespmem:s30+$0xFFFFFFE0] =	vst v0  }
0x49: {  	v0 =	vld [tilespmem:s1+$0xFFFFFFF0]  }
0x4a: {  	v59 =	vld [tilespmem:s29+$0xFFFFFFF0];
	_ =	sdelay $0x4  }
0x4b: {  	v0 =	vadd.f32 v59, v0;
	_ =	sdelay $0x1  }
0x4c: {  	v1 =	vmul.f32 $2.000000030e-01, v0  }
0x4d: {  	vm11 =	vgt.f32 v0, $0.0e+00  }
0x4e: {  	v0 =	vsel vm11, v0, v1  }
0x4f: {  	v0 =	vmul.f32 $1.442695020e+00, v0;
	_ =	sdelay $0x1  }
0x50: {  	(erf) = vpow2.f32 v0;
	_ =	sdelay $0x8  }
0x51: {  	v0 =	vpop (erf)  }
0x52: {  	[tilespmem:s30+$0xFFFFFFF0] =	vst v0  }
0x53: {  	v0 =	vld [tilespmem:s1+$0x0]  }
0x54: {  	v60 =	vld [tilespmem:s29+$0x0];
	_ =	sdelay $0x4  }
0x55: {  	v0 =	vadd.f32 v60, v0;
	_ =	sdelay $0x1  }
0x56: {  	v1 =	vmul.f32 $2.000000030e-01, v0  }
0x57: {  	vm12 =	vgt.f32 v0, $0.0e+00  }
0x58: {  	v0 =	vsel vm12, v0, v1  }
0x59: {  	v0 =	vmul.f32 $1.442695020e+00, v0;
	_ =	sdelay $0x1  }
0x5a: {  	(erf) = vpow2.f32 v0;
	_ =	sdelay $0x8  }
0x5b: {  	v0 =	vpop (erf)  }
0x5c: {  	[tilespmem:s30+$0x0] =	vst v0  }
0x5d: {  	v0 =	vld [tilespmem:s1+$0x10]  }
0x5e: {  	v61 =	vld [tilespmem:s29+$0x10];
	_ =	sdelay $0x4  }
0x5f: {  	v0 =	vadd.f32 v61, v0;
	_ =	sdelay $0x1  }
0x60: {  	v1 =	vmul.f32 $2.000000030e-01, v0  }
0x61: {  	vm13 =	vgt.f32 v0, $0.0e+00  }
0x62: {  	v0 =	vsel vm13, v0, v1  }
0x63: {  	v0 =	vmul.f32 $1.442695020e+00, v0;
	_ =	sdelay $0x1  }
0x64: {  	(erf) = vpow2.f32 v0;
	_ =	sdelay $0x8  }
0x65: {  	v0 =	vpop (erf)  }
0x66: {  	[tilespmem:s30+$0x10] =	vst v0  }
0x67: {  	v0 =	vld [tilespmem:s1+$0x20]  }
0x68: {  	v62 =	vld [tilespmem:s29+$0x20];
	_ =	sdelay $0x4  }
0x69: {  	v0 =	vadd.f32 v62, v0;
	_ =	sdelay $0x1  }
0x6a: {  	v1 =	vmul.f32 $2.000000030e-01, v0  }
0x6b: {  	vm14 =	vgt.f32 v0, $0.0e+00  }
0x6c: {  	v0 =	vsel vm14, v0, v1  }
0x6d: {  	v0 =	vmul.f32 $1.442695020e+00, v0;
	_ =	sdelay $0x1  }
0x6e: {  	(erf) = vpow2.f32 v0;
	_ =	sdelay $0x8  }
0x6f: {  	v0 =	vpop (erf)  }
0x70: {  	[tilespmem:s30+$0x20] =	vst v0  }
0x71: {  	v0 =	vld [tilespmem:s1+$0x30]  }
0x72: {  	v63 =	vld [tilespmem:s29+$0x30];
	_ =	sdelay $0x4  }
0x73: {  	v0 =	vadd.f32 v63, v0;
	_ =	sdelay $0x1  }
0x74: {  	v1 =	vmul.f32 $2.000000030e-01, v0  }
0x75: {  	vm15 =	vgt.f32 v0, $0.0e+00  }
0x76: {  	v0 =	vsel vm15, v0, v1  }
0x77: {  	v0 =	vmul.f32 $1.442695020e+00, v0;
	_ =	sdelay $0x1  }
0x78: {  	(erf) = vpow2.f32 v0;
	_ =	sdelay $0x1  }
0x79: {  	s31 =	simm.s32 $0x0;
	s0 =	simm.s32 $0x1830;
	s1 =	simm.s32 $0x94B0  }
.LBB2_3:
0x7a: {  	s31 =	sadd.s32 $0x8, s31;
	s30 =	sadd.s32 $0x80, s30;
	s29 =	sadd.s32 $0x80, s29  }
0x7b: {  	p0 =	slt.u32 s31, $0x3E0;
	_ =	sdelay $0x4  }
0x7c: {  	v0 =	vpop (erf)  }
0x7d: {  	[tilespmem:s1+$0x30] =	vst v0;
	s1 =	smov.u32 s30  }
0x7e: {  	v0 =	vld [tilespmem:s0+$0xFFFFFFC0]  }
0x7f: {  	v1 =	vld [tilespmem:s29+$0xFFFFFFC0];
	_ =	sdelay $0x4  }
0x80: {  	v0 =	vadd.f32 v1, v0;
	_ =	sdelay $0x1  }
0x81: {  	v1 =	vmul.f32 $2.000000030e-01, v0  }
0x82: {  	vm0 =	vgt.f32 v0, $0.0e+00  }
0x83: {  	v0 =	vsel vm0, v0, v1  }
0x84: {  	v0 =	vmul.f32 $1.442695020e+00, v0;
	_ =	sdelay $0x1  }
0x85: {  	(erf) = vpow2.f32 v0;
	_ =	sdelay $0x8  }
0x86: {  	v0 =	vpop (erf)  }
0x87: {  	[tilespmem:s30+$0xFFFFFFC0] =	vst v0  }
0x88: {  	v0 =	vld [tilespmem:s0+$0xFFFFFFD0]  }
0x89: {  	v1 =	vld [tilespmem:s29+$0xFFFFFFD0];
	_ =	sdelay $0x4  }
0x8a: {  	v0 =	vadd.f32 v1, v0;
	_ =	sdelay $0x1  }
0x8b: {  	vm0 =	vgt.f32 v0, $0.0e+00;
	v1 =	vmul.f32 $2.000000030e-01, v0;
	_ =	sdelay $0x1  }
0x8c: {  	v0 =	vsel vm0, v0, v1  }
0x8d: {  	v0 =	vmul.f32 $1.442695020e+00, v0;
	_ =	sdelay $0x1  }
0x8e: {  	(erf) = vpow2.f32 v0;
	_ =	sdelay $0x8  }
0x8f: {  	v0 =	vpop (erf)  }
0x90: {  	[tilespmem:s30+$0xFFFFFFD0] =	vst v0  }
0x91: {  	v0 =	vld [tilespmem:s0+$0xFFFFFFE0]  }
0x92: {  	v1 =	vld [tilespmem:s29+$0xFFFFFFE0];
	_ =	sdelay $0x4  }
0x93: {  	v0 =	vadd.f32 v1, v0;
	_ =	sdelay $0x1  }
0x94: {  	vm0 =	vgt.f32 v0, $0.0e+00;
	v1 =	vmul.f32 $2.000000030e-01, v0;
	_ =	sdelay $0x1  }
0x95: {  	v0 =	vsel vm0, v0, v1  }
0x96: {  	v0 =	vmul.f32 $1.442695020e+00, v0;
	_ =	sdelay $0x1  }
0x97: {  	(erf) = vpow2.f32 v0;
	_ =	sdelay $0x8  }
0x98: {  	v0 =	vpop (erf)  }
0x99: {  	[tilespmem:s30+$0xFFFFFFE0] =	vst v0  }
0x9a: {  	v0 =	vld [tilespmem:s0+$0xFFFFFFF0]  }
0x9b: {  	v1 =	vld [tilespmem:s29+$0xFFFFFFF0];
	_ =	sdelay $0x4  }
0x9c: {  	v0 =	vadd.f32 v1, v0;
	_ =	sdelay $0x1  }
0x9d: {  	vm0 =	vgt.f32 v0, $0.0e+00;
	v1 =	vmul.f32 $2.000000030e-01, v0;
	_ =	sdelay $0x1  }
0x9e: {  	v0 =	vsel vm0, v0, v1  }
0x9f: {  	v0 =	vmul.f32 $1.442695020e+00, v0;
	_ =	sdelay $0x1  }
0xa0: {  	(erf) = vpow2.f32 v0;
	_ =	sdelay $0x8  }
0xa1: {  	v0 =	vpop (erf)  }
0xa2: {  	[tilespmem:s30+$0xFFFFFFF0] =	vst v0  }
0xa3: {  	v0 =	vld [tilespmem:s0+$0x0]  }
0xa4: {  	v1 =	vld [tilespmem:s29+$0x0];
	_ =	sdelay $0x4  }
0xa5: {  	v0 =	vadd.f32 v1, v0;
	_ =	sdelay $0x1  }
0xa6: {  	vm0 =	vgt.f32 v0, $0.0e+00;
	v1 =	vmul.f32 $2.000000030e-01, v0;
	_ =	sdelay $0x1  }
0xa7: {  	v0 =	vsel vm0, v0, v1  }
0xa8: {  	v0 =	vmul.f32 $1.442695020e+00, v0;
	_ =	sdelay $0x1  }
0xa9: {  	(erf) = vpow2.f32 v0;
	_ =	sdelay $0x8  }
0xaa: {  	v0 =	vpop (erf)  }
0xab: {  	[tilespmem:s30+$0x0] =	vst v0  }
0xac: {  	v0 =	vld [tilespmem:s0+$0x10]  }
0xad: {  	v1 =	vld [tilespmem:s29+$0x10];
	_ =	sdelay $0x4  }
0xae: {  	v0 =	vadd.f32 v1, v0;
	_ =	sdelay $0x1  }
0xaf: {  	vm0 =	vgt.f32 v0, $0.0e+00;
	v1 =	vmul.f32 $2.000000030e-01, v0;
	_ =	sdelay $0x1  }
0xb0: {  	v0 =	vsel vm0, v0, v1  }
0xb1: {  	v0 =	vmul.f32 $1.442695020e+00, v0;
	_ =	sdelay $0x1  }
0xb2: {  	(erf) = vpow2.f32 v0;
	_ =	sdelay $0x8  }
0xb3: {  	v0 =	vpop (erf)  }
0xb4: {  	[tilespmem:s30+$0x10] =	vst v0  }
0xb5: {  	v0 =	vld [tilespmem:s0+$0x20]  }
0xb6: {  	v1 =	vld [tilespmem:s29+$0x20];
	_ =	sdelay $0x4  }
0xb7: {  	v0 =	vadd.f32 v1, v0;
	_ =	sdelay $0x1  }
0xb8: {  	vm0 =	vgt.f32 v0, $0.0e+00;
	v1 =	vmul.f32 $2.000000030e-01, v0;
	_ =	sdelay $0x1  }
0xb9: {  	v0 =	vsel vm0, v0, v1  }
0xba: {  	v0 =	vmul.f32 $1.442695020e+00, v0;
	_ =	sdelay $0x1  }
0xbb: {  	(erf) = vpow2.f32 v0;
	_ =	sdelay $0x8  }
0xbc: {  	v0 =	vpop (erf)  }
0xbd: {  	[tilespmem:s30+$0x20] =	vst v0  }
0xbe: {  	v0 =	vld [tilespmem:s0+$0x30]  }
0xbf: {  	v1 =	vld [tilespmem:s29+$0x30];
	_ =	sdelay $0x4  }
0xc0: {  	v0 =	vadd.f32 v1, v0;
	_ =	sdelay $0x1  }
0xc1: {  	vm0 =	vgt.f32 v0, $0.0e+00;
	v1 =	vmul.f32 $2.000000030e-01, v0;
	_ =	sdelay $0x1  }
0xc2: {  	v0 =	vsel vm0, v0, v1  }
.Ltmp0:
0xc3: {  	v0 =	vmul.f32 $1.442695020e+00, v0;
	(pc) =	sbr.rel @p0 .LBB2_3-.Ltmp0, $3  }
0xc4: {  	_ = 	snop  }
0xc5: {  	(erf) = vpow2.f32 v0;
	_ =	sdelay $0x1  }
0xc6: {  	s0 =	sadd.s32 $0x80, s0  }
0xc7: {  	_ =	sdelay $0x5  }
0xc8: {  	s0 =	sshll.u32 s28, $0x1;
	v0 =	vpop (erf)  }
0xc9: {  	s0 =	sadd.s32 s8, s0;
	[tilespmem:s1+$0x30] =	vst v0  }
0xca: {  	[hbm4b:s0+s3] =	stream.linear.scatter [tilespmem:s23], [sflag:$0x4], $0x3E80, $0x38;
	[tilespmem:$0xFA70] =	vst v63  }
0xcb: {  	s26 =	sadd.s32 $0x1, s26  }
0xcc: {  	[spmem:s2] =	stream.indirect.scatter.add.f32 [tilespmem:s23], [sflag:$0x5], $0x10, s18, s16, $0xb8;
	[tilespmem:$0xFA70] =	vst v63  }
0xcd: {  	p0 =	sne.s32 s26, $0x5;
	_ =	swait.ge [sflag:s15], $0x3E80  }
.Ltmp1:
0xce: {  	[sflag:s15] =	ssyncset.done $0x0;
	(pc) =	sbr.rel @p0 .LBB2_2-.Ltmp1, $4  }
0xcf: {  	[sflag:s15] =	ssyncadd.s32 $0xFFFFC180  }
0xd0: {  	_ =	swait.ge [sflag:s24], $0x3E80  }
0xd1: {  	[sflag:s24] =	ssyncset.done $0x0  }
0xd2: {  	[sflag:s24] =	ssyncadd.s32 $0xFFFFC180  }
0xd3: {  	s25 =	sadd.s32 $0x1, s25  }
0xd4: {  	p0 =	sne.s32 s25, s13  }
.Ltmp2:
0xd5: {  	[bflag:$0x0] =	sbarrier.arrive $0xFFFF;
	(pc) =	sbr.rel @p0 .LBB2_1-.Ltmp2, $4  }
0xd6: {  	[hbm:s12], [sflag:s10] =	dma.local [spmem:s14], $0x4F0  }
0xd7: {  	_ =	swait.ge [sflag:s15], $0x4F0  }
0xd8: {  	[sflag:s15] =	ssyncset.done $0x0  }
0xd9: {  	[sflag:s15] =	ssyncadd.s32 $0xFFFFFB10  }
0xda: {  	_ =	sfence.sel $0x180000  }
0xdb: {  	[bflag:$0x0] =	sbarrier.arrive $0xFFFF  }
0xdc: {  	_ =	strace $0x9000004D  }
0xdd: {  	s0 =	stileid.u32;
	[bflag:$0x2] =	sbarrier.arrive $0xFFFF  }
0xde: {  	p0 =	sne.s32 s0, $0x0;
	s0 =	rddreg [dreg:$0x3]  }
0xdf: {  	s0 =	sadd.s32 @!p0 $0x100000, s0  }
0xe0: {  	[sflag:s0] =	ssyncadd.tile.s32 @!p0 $0x1;
	_ =	shalt  }
.Lfunc_end2:
_tile_overlayer_lowered:
.L_overlay_start_2:
0xe1: {  	(tag) =	ssettag $0x2  }
0xe2: {  	s0 =	rddreg [dreg:$0x0];
	s2 =	stileid.u32  }
0xe3: {  	s1 =	rddreg [dreg:$0x1];
	p0 =	sne.s32 s2, $0x0  }
0xe4: {  	s3 =	rddreg [dreg:$0x2];
	[bflag:$0x3] =	sbarrier.arrive $0xFFFF;
	s2 =	simm.s32 @!p0 $0x1C05  }
0xe5: {  	[timem:s3], [sflag:s2] =	dma.local @!p0 [hbm:s0], s1  }
0xe6: {  	s0 =	simm.s32 @!p0 $0x5  }
0xe7: {  	_ =	swait.ge @!p0 [sflag:s0], s1  }
0xe8: {  	s1 =	ssub.s32 @!p0 $0x0, s1;
	[sflag:s0] =	ssyncset.done @!p0 $0x0  }
0xe9: {  	[sflag:s0] =	ssyncadd.s32 @!p0 s1  }
0xea: {  	[bflag:$0x3] =	sbarrier.arrive $0xFFFF  }
0xeb: {  	_ =	shalt  }

// kernel: kernel.18.cloned.1.call-start
scs
__scs_entry_jumppad:
0x0: {  	(pc) =	sbr.rel $0x88, $3  }
0x1: {  	(tag) =	ssettag $0x0;
	lr =	simm.s32 $0x1  }
0x2: {  	[smem:$0x3F9B] =	sst lr;
	_ =	strace $0xD0000000  }
0x3: {  	_ = 	snop  }
0x4: {  	_ = 	snop  }
0x5: {  	_ = 	snop  }
0x6: {  	_ = 	snop  }
0x7: {  	_ = 	snop  }
__scs_overlays_trampoline_lowered:
0x8: {  	[smem:$0x3FAA] =	sst s0  }
0x9: {  	[smem:$0x3FAB] =	sst s1  }
0xa: {  	[smem:$0x3FAC] =	sst s2  }
0xb: {  	[smem:$0x3FAD] =	sst s3  }
0xc: {  	[smem:$0x3FAE] =	sst s4  }
0xd: {  	[smem:$0x3FAF] =	sst s5  }
0xe: {  	[smem:$0x3FB0] =	sst s6  }
0xf: {  	[smem:$0x3FB1] =	sst s7  }
0x10: {  	[smem:$0x3FB2] =	sst s8  }
0x11: {  	[smem:$0x3FB3] =	sst s9;
	s0 =	simm.s32 @!p0 $0x0  }
0x12: {  	s1 =	sld [smem:$0x3F99];
	s0 =	simm.s32 @p0 $0x1  }
0x13: {  	[smem:$0x3FB4] =	sst s0;
	s0 =	simm.s32 @!p1 $0x0  }
0x14: {  	s2 =	sld [smem:$0x3F98];
	s0 =	simm.s32 @p1 $0x1  }
0x15: {  	[smem:$0x3FB5] =	sst s0;
	s0 =	simm.s32 @!p2 $0x0  }
0x16: {  	s3 =	sld [smem:$0x3FDB];
	s0 =	simm.s32 @p2 $0x1  }
0x17: {  	s4 =	simm.s32 $0x1BF5;
	[smem:$0x3FB7] =	sst s0  }
0x18: {  	s0 =	sld [smem:$0x3F9A];
	_ =	swait.ge [sflag:s4], $0x0  }
0x19: {  	s7 =	sld [smem:$0x3F9B]  }
0x1a: {  	s8 =	sadd.s32 $0xFFFFE003, lr  }
0x1b: {  	s9 =	sadd.s32 $0xFFFFFEF7, lr;
	s5 =	simm.s32 $0xFFFFFFFF;
	p2 =	slt.u32 s8, $0xFFFFF086  }
0x1c: {  	p1 =	slt.u32 s9, $0xF7A;
	s5 =	simm.s32 @!p2 $0x0  }
0x1d: {  	s5 =	simm.s32 @p1 $0x1;
	p0 =	seq.s32 s7, s2  }
0x1e: {  	s7 =	smul.u32 @!p0 $0xF7A, s2;
	p2 =	seq.s32 @!p0 s5, $0x0  }
0x1f: {  	s9 =	smul.u32 $0xF7A, s1;
	s8 =	simm.s32 @!p0 $0x1BF5;
	p2 =	por !p2, p0  }
0x20: {  	[sflag:s8] =	ssyncset.s32 @!p0 $0xFFFFF086;
	s6 =	sadd.s32 @!p0 s3, s7;
	s7 =	simm.s32 @!p0 $0x108  }
0x21: {  	s3 =	sadd.s32 s3, s9;
	s6 =	sadd.s32 @!p0 $0x88, s6;
	s7 =	simm.s32 @p2 $0x1082  }
0x22: {  	[simem:s7], [sflag:s8] =	dma.local @!p0 [hbm:s6], $0xF7A  }
0x23: {  	s9 =	sor.u32 $0xD0000000, s2;
	s6 =	simm.s32 $0x108;
	_ =	swait.ge @!p0 [sflag:s8], $0x0  }
0x24: {  	s3 =	sadd.s32 $0x88, s3;
	s6 =	simm.s32 @!p1 $0x1082;
	[sflag:s4] =	ssyncset.s32 $0xFFFFF086  }
0x25: {  	[simem:s6], [sflag:s4] =	dma.local [hbm:s3], $0xF7A  }
0x26: {  	[smem:$0x3F9B] =	sst s1;
	(tag) =	ssettag s2;
	_ =	strace s9  }
0x27: {  	s1 =	sld [smem:$0x3FAB]  }
0x28: {  	s2 =	sld [smem:$0x3FAC]  }
0x29: {  	s4 =	sld [smem:$0x3FAE]  }
0x2a: {  	p0 =	seq.s32 s5, $0x0;
	s5 =	sld [smem:$0x3FAF]  }
0x2b: {  	s6 =	sld [smem:$0x3FB0]  }
0x2c: {  	s7 =	sld [smem:$0x3FB1]  }
0x2d: {  	s3 =	simm.s32 $0x108;
	s8 =	sld [smem:$0x3FB2]  }
0x2e: {  	s3 =	simm.s32 @!p0 $0x1082;
	s9 =	sld [smem:$0x3FB3]  }
0x2f: {  	lr =	sadd.s32 s0, s3;
	s0 =	sld [smem:$0x3FAA]  }
0x30: {  	s3 =	sld [smem:$0x3FAD]  }
0x31: {  	[smem:$0x3FB6] =	sst s10  }
0x32: {  	s10 =	sld [smem:$0x3FB4];
	_ =	sdelay $0x3  }
0x33: {  	p0 =	seq.s32 s10, $0x1;
	s10 =	sld [smem:$0x3FB6];
	_ =	sdelay $0x3  }
0x34: {  	[smem:$0x3FB6] =	sst s10  }
0x35: {  	s10 =	sld [smem:$0x3FB5];
	_ =	sdelay $0x3  }
0x36: {  	p1 =	seq.s32 s10, $0x1;
	s10 =	sld [smem:$0x3FB6];
	_ =	sdelay $0x3  }
0x37: {  	[smem:$0x3FB6] =	sst s10  }
0x38: {  	s10 =	sld [smem:$0x3FB7]  }
0x39: {  	_ = 	snop;
	(pc) =	sbr.ind lr, $3  }
0x3a: {  	_ = 	snop  }
0x3b: {  	_ = 	snop  }
0x3c: {  	p2 =	seq.s32 s10, $0x1;
	s10 =	sld [smem:$0x3FB6]  }
0x3d: {  	_ =	shalt  }
0x3e: {  	_ =	shalt  }
0x3f: {  	_ =	shalt  }
0x40: {  	_ =	shalt  }
0x41: {  	_ =	shalt  }
0x42: {  	_ =	shalt  }
0x43: {  	_ =	shalt  }
0x44: {  	_ =	shalt  }
0x45: {  	_ =	shalt  }
0x46: {  	_ =	shalt  }
0x47: {  	_ =	shalt  }
0x48: {  	_ =	shalt  }
0x49: {  	_ =	shalt  }
0x4a: {  	_ =	shalt  }
0x4b: {  	_ =	shalt  }
0x4c: {  	_ =	shalt  }
0x4d: {  	_ =	shalt  }
0x4e: {  	_ =	shalt  }
0x4f: {  	_ =	shalt  }
0x50: {  	_ =	shalt  }
0x51: {  	_ =	shalt  }
0x52: {  	_ =	shalt  }
0x53: {  	_ =	shalt  }
0x54: {  	_ =	shalt  }
0x55: {  	_ =	shalt  }
0x56: {  	_ =	shalt  }
0x57: {  	_ =	shalt  }
0x58: {  	_ =	shalt  }
0x59: {  	_ =	shalt  }
0x5a: {  	_ =	shalt  }
0x5b: {  	_ =	shalt  }
0x5c: {  	_ =	shalt  }
0x5d: {  	_ =	shalt  }
0x5e: {  	_ =	shalt  }
0x5f: {  	_ =	shalt  }
0x60: {  	_ =	shalt  }
0x61: {  	_ =	shalt  }
0x62: {  	_ =	shalt  }
0x63: {  	_ =	shalt  }
0x64: {  	_ =	shalt  }
0x65: {  	_ =	shalt  }
0x66: {  	_ =	shalt  }
0x67: {  	_ =	shalt  }
0x68: {  	_ =	shalt  }
0x69: {  	_ =	shalt  }
0x6a: {  	_ =	shalt  }
0x6b: {  	_ =	shalt  }
0x6c: {  	_ =	shalt  }
0x6d: {  	_ =	shalt  }
0x6e: {  	_ =	shalt  }
0x6f: {  	_ =	shalt  }
0x70: {  	_ =	shalt  }
0x71: {  	_ =	shalt  }
0x72: {  	_ =	shalt  }
0x73: {  	_ =	shalt  }
0x74: {  	_ =	shalt  }
0x75: {  	_ =	shalt  }
0x76: {  	_ =	shalt  }
0x77: {  	_ =	shalt  }
0x78: {  	_ =	shalt  }
0x79: {  	_ =	shalt  }
0x7a: {  	_ =	shalt  }
0x7b: {  	_ =	shalt  }
0x7c: {  	_ =	shalt  }
0x7d: {  	_ =	shalt  }
0x7e: {  	_ =	shalt  }
0x7f: {  	_ =	shalt  }
0x80: {  	_ =	shalt  }
0x81: {  	_ =	shalt  }
0x82: {  	_ =	shalt  }
0x83: {  	_ =	shalt  }
0x84: {  	_ =	shalt  }
0x85: {  	_ =	shalt  }
0x86: {  	_ =	shalt  }
0x87: {  	_ =	shalt  }
.Lfunc_end0:
.L_simem_size_0:
called_computation.3_lowered:
.L_overlay_start_0:
0x88: {  	s2 =	sld [smem:$0x3FD9]  }
0x89: {  	s3 =	sld [smem:$0x3FFE];
	_ =	sdelay $0x1  }
0x8a: {  	s1 =	srdreg.scid  }
0x8b: {  	s0 =	sand.u32 $0x1, s1  }
0x8c: {  	s16 =	sshll.u32 s0, $0xA;
	s2 =	sadd.s32 s3, s2  }
0x8d: {  	s2 =	sadd.s32 s2, s16  }
0x8e: {  	[smem:$0x3FC2] =	sst s2  }
0x8f: {  	_ = 	snop  }
0x90: {  	(tm) =	ssettm $0x1  }
0x91: {  	s17 =	sld [smem:$0x3FFB];
	_ =	sdelay $0x3  }
0x92: {  	_ =	strace s17  }
0x93: {  	s2 =	sld [smem:$0x3FFC];
	_ =	sdelay $0x3  }
0x94: {  	_ =	strace s2  }
0x95: {  	s2 =	sld [smem:$0x3FFD];
	_ =	sdelay $0x3  }
0x96: {  	_ =	strace s2  }
0x97: {  	_ =	strace $0x8FFFFFFF  }
0x98: {  	s18 =	sld [smem:$0x3FDB];
	_ =	sdelay $0x1  }
0x99: {  	s19 =	simm.s32 $_scs_section_size  }
0x9a: {  	s4 =	simm.s32 $_size__tile_overlayer_lowered;
	s5 =	simm.s32 $_tile_overlayer_lowered  }
0x9b: {  	s22 =	simm.s32 $0x1BFF;
	s21 =	sshll.u32 s5, $0x1;
	s2 =	sadd.s32 s19, s18  }
0x9c: {  	s6 =	simm.s32 $0x0;
	s20 =	sshll.u32 s4, $0x1;
	s4 =	sadd.s32 s21, s2  }
0x9d: {  	[timem:s6], [sflag:s22] =	dma.local [hbm:s4], s20  }
0x9e: {  	_ =	swait.ge [sflag:s22], s20  }
0x9f: {  	s3 =	ssub.s32 $0x0, s20;
	[sflag:s22] =	ssyncset.done $0x0  }
0xa0: {  	[sflag:s22] =	ssyncadd.s32 s3;
	_ =	sdelay $0x1  }
0xa1: {  	s23 =	simm.s32 $0x1B8B  }
0xa2: {  	_ =	swait.ge [sflag:s23], $0x1  }
0xa3: {  	[sflag:s23] =	ssyncset.done $0x0  }
0xa4: {  	s25 =	simm.s32 $0x1B8E;
	s24 =	sld [smem:$0x3FFE];
	[sflag:s23] =	ssyncadd.s32 $0xFFFFFFFF  }
0xa5: {  	s26 =	simm.s32 $execute0_lowered;
	[smem:$0x3FD2] =	sst s25  }
0xa6: {  	s4 =	sshll.u32 s26, $0x1;
	_ =	strace $0x8000004F;
	[dreg:$0x1] =	wrdreg $0xFFFFFFFF  }
0xa7: {  	s28 =	simm.s32 $_size_execute0_lowered;
	s2 =	sadd.s32 s2, s4;
	[dreg:$0x0] =	wrdreg $0x0  }
0xa8: {  	s4 =	sshll.u32 s28, $0x1;
	[dreg:$0x2] =	wrdreg s2  }
0xa9: {  	[dreg:$0x3] =	wrdreg s4  }
0xaa: {  	[dreg:$0x4] =	wrdreg $0xC0  }
0xab: {  	_ =	task [dreg:s6], $0x5FFFF  }
0xac: {  	[dreg:$0x1] =	wrdreg $0xFFFFFFFF  }
0xad: {  	[dreg:$0x0] =	wrdreg $0x60  }
0xae: {  	[dreg:$0x2] =	wrdreg s24  }
0xaf: {  	[dreg:$0x3] =	wrdreg $0x46500  }
0xb0: {  	[dreg:$0x4] =	wrdreg $0x9  }
0xb1: {  	_ =	task.clear_ibuf [dreg:s6], $0x5FFFF;
	_ =	strace $0x9000004F  }
0xb2: {  	s29 =	simm.s32 $0x9;
	_ =	strace $0x80000051  }
0xb3: {  	_ =	swait.ge [sflag:s29], $0x1  }
0xb4: {  	[sflag:s29] =	ssyncadd.s32 $0xFFFFFFFF  }
0xb5: {  	_ =	strace $0x90000051  }
0xb6: {  	_ =	sfence  }
0xb7: {  	s30 =	sld [smem:$0x0];
	_ =	sdelay $0x2  }
0xb8: {  	s31 =	sshll.u32 s1, $0xD;
	s1 =	sshrl.u32 s1, $0x2  }
0xb9: {  	s3 =	sand.u32 $0x4000, s31;
	s1 =	sadd.s32 s1, s30  }
0xba: {  	s0 =	sor.u32 s3, s0;
	s1 =	sshll.u32 s1, $0x11  }
0xbb: {  	s0 =	sor.u32 s1, s0  }
0xbc: {  	s0 =	sadd.s32 $0x8F2B, s0  }
0xbd: {  	[sflag:s0] =	ssyncadd.remote.s32 $0x1  }
0xbe: {  	_ =	sfence.sel $0xFFFF  }
0xbf: {  	[dreg:$0x0] =	wrdreg $0xFFFFFFFF;
	(pc) =	sbr.abs _section_cstart, $3  }
0xc0: {  	[dreg:$0x1] =	wrdreg $0xFFFFFFFF  }
0xc1: {  	_ =	task.clear_ibuf [dreg:s6], $0x2FFFF;
	_ =	strace $0x9FFFFFFF  }
0xc2: {  	(tm) =	ssettm $0x7FFFFFFF  }
0xc3: {  	_ =	shalt  }
tec
execute0_lowered:
.L_overlay_start_1:
0x0: {  	(tag) =	ssettag $0x1  }
0x1: {  	s1 =	srdreg.scid;
	s8 =	rddreg [dreg:$0x0]  }
0x2: {  	s0 =	stileid.u32;
	s2 =	rddreg [dreg:$0x1];
	s3 =	simm.s32 $0x0  }
0x3: {  	s16 =	simm.s32 $0x20D0;
	s17 =	simm.s32 $0x1450;
	s18 =	simm.s32 $0x1388  }
0x4: {  	s19 =	simm.s32 $0x1;
	s20 =	simm.s32 $0x2;
	s21 =	simm.s32 $0x3  }
0x5: {  	s22 =	simm.s32 $0x0;
	s9 =	sand.u32 $0x1, s1;
	s1 =	rddreg [dreg:$0x2]  }
0x6: {  	s26 =	sshll.u32 s0, $0x1;
	[smem:$0x7FF] =	sst s3;
	s10 =	smul.u32 $0x7680, s0  }
0x7: {  	s11 =	smul.u32 $0xED0, s0;
	s5 =	sadd.s32 $0x64400, s8;
	s6 =	sadd.s32 $0x16200, s8  }
0x8: {  	s31 =	sshll.u32 s0, $0x6;
	s4 =	sor.u32 s9, s26;
	s12 =	smul.u32 $0xED00, s9  }
0x9: {  	_ =	strace $0x80000050;
	s9 =	ssub.s32 $0x2, s9;
	s4 =	smul.u32 $0x1388, s4  }
0xa: {  	s14 =	sshrl.u32 s10, $0x3;
	s29 =	sshrl.u32 s9, $0x1;
	s15 =	sadd.s32 s10, s2  }
0xb: {  	s11 =	sadd.s32 s11, s12;
	s28 =	sadd.s32 s14, s8;
	s30 =	ssub.s32 s9, s29  }
0xc: {  	s12 =	simm.s32 $0x4;
	s14 =	sshrl.u32 s15, $0x3;
	s15 =	simm.s32 $0xC8  }
0xd: {  	s7 =	sshrl.u32 s4, $0x3;
	s11 =	sadd.s32 s11, s8;
	s9 =	sadd.s32 $0x73200, s28  }
0xe: {  	s13 =	sadd.s32 s7, s8;
	s7 =	sadd.s32 $0x2200, s8;
	s10 =	sadd.s32 $0x82000, s11  }
0xf: {  	s11 =	smax.u32 s30, $0x1;
	s8 =	sadd.s32 $0x7200, s13;
	s13 =	sor.u32 $0x1C04, s31  }
.LBB2_1:
0x10: {  	[tilespmem:s3], [sflag:$0x4] =	stream.linear.gather [hbm4b:s8+s3], $0x1388, $0x38;
	[tilespmem:$0xBCD0] =	vst v63  }
0x11: {  	_ =	swait.ge [sflag:s12], $0x1388  }
0x12: {  	[sflag:s12] =	ssyncset.done $0x0  }
0x13: {  	[sflag:s12] =	ssyncadd.s32 $0xFFFFEC78  }
0x14: {  	[spmem:s14], [sflag:s13] =	dma.local [hbm:s9], $0xED0  }
0x15: {  	_ =	swait.ge [sflag:s12], $0xED0  }
0x16: {  	[sflag:s12] =	ssyncset.done $0x0  }
0x17: {  	[sflag:s12] =	ssyncadd.s32 $0xFFFFF130  }
0x18: {  	s23 =	simm.s32 $0x0;
	[bflag:$0x0] =	sbarrier.arrive $0xFFFF  }
.LBB2_2:
0x19: {  	s24 =	smul.u32 $0xC8, s23;
	_ =	sdelay $0x1  }
0x1a: {  	s25 =	sadd.s32 s4, s24  }
0x1b: {  	[tilespmem:s16], [sflag:$0x1] =	stream.indirect.gather [hbm4b:s5+s15], $0x30, s24, s15, $0xb8;
	[tilespmem:$0xBCD0] =	vst v63  }
0x1c: {  	s29 =	sshll.u32 s25, $0x1  }
0x1d: {  	s30 =	sshrl.u32 s25, $0x3;
	s24 =	sadd.s32 s6, s29  }
0x1e: {  	[tilespmem:s17], [sflag:$0x2] =	stream.linear.gather [hbm4b:s24+s3], $0xC80, $0x38;
	[tilespmem:$0xBCD0] =	vst v63  }
0x1f: {  	s24 =	sadd.s32 s7, s30  }
0x20: {  	[tilespmem:s18], [sflag:$0x3] =	stream.linear.gather [hbm4b:s24+s3], $0xC8, $0x38;
	[tilespmem:$0xBCD0] =	vst v63  }
0x21: {  	_ =	swait.ge [sflag:s19], $0x2580  }
0x22: {  	[sflag:s19] =	ssyncset.done $0x0  }
0x23: {  	[sflag:s19] =	ssyncadd.s32 $0xFFFFDA80  }
0x24: {  	_ =	swait.ge [sflag:s20], $0xC80  }
0x25: {  	[sflag:s20] =	ssyncset.done $0x0  }
0x26: {  	[sflag:s20] =	ssyncadd.s32 $0xFFFFF380  }
0x27: {  	_ =	swait.ge [sflag:s21], $0xC8  }
0x28: {  	[sflag:s21] =	ssyncset.done $0x0  }
0x29: {  	s31 =	simm.s32 $0x1470;
	[sflag:s21] =	ssyncadd.s32 $0xFFFFFF38  }
0x2a: {  	s24 =	simm.s32 $0x2130;
	v0 =	vld.msk [tilespmem:s31+$0xFFFFFFE0 ss:$0x0], $0xffff  }
0x2b: {  	v1 =	vld [tilespmem:s24+$0xFFFFFFA0]  }
0x2c: {  	v2 =	vld [tilespmem:s24+$0xFFFFFFB0]  }
0x2d: {  	v3 =	vld [tilespmem:s24+$0xFFFFFFC0];
	_ =	sdelay $0x2  }
0x2e: {  	v1 =	vmul.f32 v0, v1  }
0x2f: {  	v2 =	vmul.f32 v2, v0  }
0x30: {  	v0 =	vmul.f32 v3, v0;
	[tilespmem:s24+$0xFFFFFFA0] =	vst v1  }
0x31: {  	[tilespmem:s24+$0xFFFFFFB0] =	vst v2  }
0x32: {  	v55 =	vld [tilespmem:s24+$0xFFFFFFD0];
	[tilespmem:s24+$0xFFFFFFC0] =	vst v0  }
0x33: {  	v0 =	vld.msk [tilespmem:s31+$0xFFFFFFF0 ss:$0x0], $0xffff  }
0x34: {  	v56 =	vld [tilespmem:s24+$0xFFFFFFE0]  }
0x35: {  	v57 =	vld [tilespmem:s24+$0xFFFFFFF0];
	_ =	sdelay $0x2  }
0x36: {  	v1 =	vmul.f32 v0, v55  }
0x37: {  	v2 =	vmul.f32 v56, v0  }
0x38: {  	v0 =	vmul.f32 v57, v0;
	[tilespmem:s24+$0xFFFFFFD0] =	vst v1  }
0x39: {  	[tilespmem:s24+$0xFFFFFFE0] =	vst v2  }
0x3a: {  	v58 =	vld [tilespmem:s24+$0x20];
	[tilespmem:s24+$0xFFFFFFF0] =	vst v0  }
0x3b: {  	v0 =	vld.msk [tilespmem:s31+$0x0 ss:$0x0], $0xffff  }
0x3c: {  	v59 =	vld [tilespmem:s24+$0x10]  }
0x3d: {  	v60 =	vld [tilespmem:s24+$0x0];
	_ =	sdelay $0x2  }
0x3e: {  	v1 =	vmul.f32 v58, v0  }
0x3f: {  	v2 =	vmul.f32 v59, v0  }
0x40: {  	v0 =	vmul.f32 v0, v60;
	[tilespmem:s24+$0x20] =	vst v1  }
0x41: {  	[tilespmem:s24+$0x10] =	vst v2  }
0x42: {  	v61 =	vld [tilespmem:s24+$0x30];
	[tilespmem:s24+$0x0] =	vst v0  }
0x43: {  	v0 =	vld.msk [tilespmem:s31+$0x10 ss:$0x0], $0xffff  }
0x44: {  	v62 =	vld [tilespmem:s24+$0x40]  }
0x45: {  	v63 =	vld [tilespmem:s24+$0x50];
	_ =	sdelay $0x2  }
0x46: {  	v1 =	vmul.f32 v0, v61  }
0x47: {  	v2 =	vmul.f32 v62, v0  }
0x48: {  	v0 =	vmul.f32 v63, v0;
	[tilespmem:s24+$0x30] =	vst v1  }
0x49: {  	[tilespmem:s24+$0x40] =	vst v2  }
0x4a: {  	s26 =	simm.s32 $0x14B0;
	s25 =	simm.s32 $0x0;
	[tilespmem:s24+$0x50] =	vst v0  }
.LBB2_3:
0x4b: {  	v0 =	vld.msk [tilespmem:s26+$0xFFFFFFE0 ss:$0x0], $0xffff;
	s24 =	sadd.s32 $0xC0, s24  }
0x4c: {  	v1 =	vld [tilespmem:s24+$0xFFFFFFA0]  }
0x4d: {  	v2 =	vld [tilespmem:s24+$0xFFFFFFB0]  }
0x4e: {  	v3 =	vld [tilespmem:s24+$0xFFFFFFC0]  }
0x4f: {  	s25 =	sadd.s32 $0x4, s25  }
0x50: {  	p0 =	slt.u32 s25, $0xC4  }
0x51: {  	v1 =	vmul.f32 v0, v1  }
0x52: {  	v2 =	vmul.f32 v2, v0  }
0x53: {  	[tilespmem:s24+$0xFFFFFFA0] =	vst v1;
	v0 =	vmul.f32 v3, v0  }
0x54: {  	[tilespmem:s24+$0xFFFFFFB0] =	vst v2  }
0x55: {  	[tilespmem:s24+$0xFFFFFFC0] =	vst v0  }
0x56: {  	v0 =	vld.msk [tilespmem:s26+$0xFFFFFFF0 ss:$0x0], $0xffff  }
0x57: {  	v1 =	vld [tilespmem:s24+$0xFFFFFFD0]  }
0x58: {  	v2 =	vld [tilespmem:s24+$0xFFFFFFE0]  }
0x59: {  	v3 =	vld [tilespmem:s24+$0xFFFFFFF0];
	_ =	sdelay $0x2  }
0x5a: {  	v1 =	vmul.f32 v0, v1  }
0x5b: {  	v2 =	vmul.f32 v2, v0  }
0x5c: {  	[tilespmem:s24+$0xFFFFFFD0] =	vst v1;
	v0 =	vmul.f32 v3, v0  }
0x5d: {  	[tilespmem:s24+$0xFFFFFFE0] =	vst v2  }
0x5e: {  	[tilespmem:s24+$0xFFFFFFF0] =	vst v0;
	v0 =	vld [tilespmem:s24+$0x10]  }
0x5f: {  	v1 =	vld.msk [tilespmem:s26+$0x0 ss:$0x0], $0xffff  }
0x60: {  	v2 =	vld [tilespmem:s24+$0x20]  }
0x61: {  	v3 =	vld [tilespmem:s24+$0x0];
	_ =	sdelay $0x3  }
0x62: {  	v0 =	vmul.f32 v0, v1;
	v2 =	vmul.f32 v2, v1  }
0x63: {  	v1 =	vmul.f32 v1, v3  }
0x64: {  	[tilespmem:s24+$0x20] =	vst v2  }
0x65: {  	[tilespmem:s24+$0x10] =	vst v0  }
0x66: {  	[tilespmem:s24+$0x0] =	vst v1;
	v0 =	vld [tilespmem:s24+$0x40]  }
0x67: {  	v1 =	vld.msk [tilespmem:s26+$0x10 ss:$0x0], $0xffff  }
0x68: {  	v2 =	vld [tilespmem:s24+$0x30]  }
0x69: {  	v3 =	vld [tilespmem:s24+$0x50];
	_ =	sdelay $0x3  }
.Ltmp0:
0x6a: {  	v0 =	vmul.f32 v0, v1;
	v2 =	vmul.f32 v1, v2;
	(pc) =	sbr.rel @p0 .LBB2_3-.Ltmp0, $4  }
0x6b: {  	v1 =	vmul.f32 v3, v1  }
0x6c: {  	[tilespmem:s24+$0x30] =	vst v2  }
0x6d: {  	[tilespmem:s24+$0x40] =	vst v0  }
0x6e: {  	s26 =	sadd.s32 $0x40, s26;
	[tilespmem:s24+$0x50] =	vst v1  }
0x6f: {  	s23 =	sadd.s32 $0x1, s23  }
0x70: {  	p0 =	sne.s32 s23, $0x19  }
.Ltmp1:
0x71: {  	_ = 	snop;
	(pc) =	sbr.rel @p0 .LBB2_2-.Ltmp1, $4  }
0x72: {  	[spmem:s2] =	stream.indirect.scatter.add.f32 [tilespmem:s16], [sflag:$0x4], $0x30, s18, s15, $0xb8;
	[tilespmem:$0xBCD0] =	vst v63  }
0x73: {  	_ =	swait.ge [sflag:s12], $0x2580  }
0x74: {  	[sflag:s12] =	ssyncset.done $0x0  }
0x75: {  	[sflag:s12] =	ssyncadd.s32 $0xFFFFDA80  }
0x76: {  	[bflag:$0x0] =	sbarrier.arrive $0xFFFF;
	s22 =	sadd.s32 $0x1, s22  }
0x77: {  	[hbm:s10], [sflag:s13] =	dma.local [spmem:s14], $0xED0  }
0x78: {  	p0 =	sne.s32 s22, s11  }
.Ltmp2:
0x79: {  	_ =	swait.ge [sflag:s12], $0xED0;
	(pc) =	sbr.rel @p0 .LBB2_1-.Ltmp2, $3  }
0x7a: {  	[sflag:s12] =	ssyncset.done $0x0  }
0x7b: {  	[sflag:s12] =	ssyncadd.s32 $0xFFFFF130  }
0x7c: {  	[bflag:$0x0] =	sbarrier.arrive $0xFFFF;
	_ =	sdelay $0x1  }
0x7d: {  	_ =	sfence.sel $0x180000  }
0x7e: {  	[bflag:$0x0] =	sbarrier.arrive $0xFFFF  }
0x7f: {  	p0 =	sne.s32 s0, $0x0;
	_ =	strace $0x90000050  }
0x80: {  	s0 =	sadd.s32 @!p0 $0x100000, s1;
	[bflag:$0x2] =	sbarrier.arrive $0xFFFF  }
0x81: {  	[sflag:s0] =	ssyncadd.tile.s32 @!p0 $0x1;
	_ =	shalt  }
.Lfunc_end2:
_tile_overlayer_lowered:
.L_overlay_start_2:
0x82: {  	(tag) =	ssettag $0x2  }
0x83: {  	s0 =	rddreg [dreg:$0x0];
	s2 =	stileid.u32  }
0x84: {  	s1 =	rddreg [dreg:$0x1];
	p0 =	sne.s32 s2, $0x0  }
0x85: {  	s3 =	rddreg [dreg:$0x2];
	[bflag:$0x3] =	sbarrier.arrive $0xFFFF;
	s2 =	simm.s32 @!p0 $0x1C04  }
0x86: {  	[timem:s3], [sflag:s2] =	dma.local @!p0 [hbm:s0], s1  }
0x87: {  	s0 =	simm.s32 @!p0 $0x4  }
0x88: {  	_ =	swait.ge @!p0 [sflag:s0], s1  }
0x89: {  	s1 =	ssub.s32 @!p0 $0x0, s1;
	[sflag:s0] =	ssyncset.done @!p0 $0x0  }
0x8a: {  	[sflag:s0] =	ssyncadd.s32 @!p0 s1  }
0x8b: {  	[bflag:$0x3] =	sbarrier.arrive $0xFFFF  }
0x8c: {  	_ =	shalt  }

// kernel: kernel.9.cloned.1.call-start
scs
__scs_entry_jumppad:
0x0: {  	(pc) =	sbr.rel $0x88, $3  }
0x1: {  	(tag) =	ssettag $0x0;
	lr =	simm.s32 $0x1  }
0x2: {  	[smem:$0x3F9B] =	sst lr;
	_ =	strace $0xD0000000  }
0x3: {  	_ = 	snop  }
0x4: {  	_ = 	snop  }
0x5: {  	_ = 	snop  }
0x6: {  	_ = 	snop  }
0x7: {  	_ = 	snop  }
__scs_overlays_trampoline_lowered:
0x8: {  	[smem:$0x3FAA] =	sst s0  }
0x9: {  	[smem:$0x3FAB] =	sst s1  }
0xa: {  	[smem:$0x3FAC] =	sst s2  }
0xb: {  	[smem:$0x3FAD] =	sst s3  }
0xc: {  	[smem:$0x3FAE] =	sst s4  }
0xd: {  	[smem:$0x3FAF] =	sst s5  }
0xe: {  	[smem:$0x3FB0] =	sst s6  }
0xf: {  	[smem:$0x3FB1] =	sst s7  }
0x10: {  	[smem:$0x3FB2] =	sst s8  }
0x11: {  	[smem:$0x3FB3] =	sst s9;
	s0 =	simm.s32 @!p0 $0x0  }
0x12: {  	s1 =	sld [smem:$0x3F99];
	s0 =	simm.s32 @p0 $0x1  }
0x13: {  	[smem:$0x3FB4] =	sst s0;
	s0 =	simm.s32 @!p1 $0x0  }
0x14: {  	s2 =	sld [smem:$0x3F98];
	s0 =	simm.s32 @p1 $0x1  }
0x15: {  	[smem:$0x3FB5] =	sst s0;
	s0 =	simm.s32 @!p2 $0x0  }
0x16: {  	s3 =	sld [smem:$0x3FDB];
	s0 =	simm.s32 @p2 $0x1  }
0x17: {  	s4 =	simm.s32 $0x1BF5;
	[smem:$0x3FB7] =	sst s0  }
0x18: {  	s0 =	sld [smem:$0x3F9A];
	_ =	swait.ge [sflag:s4], $0x0  }
0x19: {  	s7 =	sld [smem:$0x3F9B]  }
0x1a: {  	s8 =	sadd.s32 $0xFFFFE003, lr  }
0x1b: {  	s9 =	sadd.s32 $0xFFFFFEF7, lr;
	s5 =	simm.s32 $0xFFFFFFFF;
	p2 =	slt.u32 s8, $0xFFFFF086  }
0x1c: {  	p1 =	slt.u32 s9, $0xF7A;
	s5 =	simm.s32 @!p2 $0x0  }
0x1d: {  	s5 =	simm.s32 @p1 $0x1;
	p0 =	seq.s32 s7, s2  }
0x1e: {  	s7 =	smul.u32 @!p0 $0xF7A, s2;
	p2 =	seq.s32 @!p0 s5, $0x0  }
0x1f: {  	s9 =	smul.u32 $0xF7A, s1;
	s8 =	simm.s32 @!p0 $0x1BF5;
	p2 =	por !p2, p0  }
0x20: {  	[sflag:s8] =	ssyncset.s32 @!p0 $0xFFFFF086;
	s6 =	sadd.s32 @!p0 s3, s7;
	s7 =	simm.s32 @!p0 $0x108  }
0x21: {  	s3 =	sadd.s32 s3, s9;
	s6 =	sadd.s32 @!p0 $0x88, s6;
	s7 =	simm.s32 @p2 $0x1082  }
0x22: {  	[simem:s7], [sflag:s8] =	dma.local @!p0 [hbm:s6], $0xF7A  }
0x23: {  	s9 =	sor.u32 $0xD0000000, s2;
	s6 =	simm.s32 $0x108;
	_ =	swait.ge @!p0 [sflag:s8], $0x0  }
0x24: {  	s3 =	sadd.s32 $0x88, s3;
	s6 =	simm.s32 @!p1 $0x1082;
	[sflag:s4] =	ssyncset.s32 $0xFFFFF086  }
0x25: {  	[simem:s6], [sflag:s4] =	dma.local [hbm:s3], $0xF7A  }
0x26: {  	[smem:$0x3F9B] =	sst s1;
	(tag) =	ssettag s2;
	_ =	strace s9  }
0x27: {  	s1 =	sld [smem:$0x3FAB]  }
0x28: {  	s2 =	sld [smem:$0x3FAC]  }
0x29: {  	s4 =	sld [smem:$0x3FAE]  }
0x2a: {  	p0 =	seq.s32 s5, $0x0;
	s5 =	sld [smem:$0x3FAF]  }
0x2b: {  	s6 =	sld [smem:$0x3FB0]  }
0x2c: {  	s7 =	sld [smem:$0x3FB1]  }
0x2d: {  	s3 =	simm.s32 $0x108;
	s8 =	sld [smem:$0x3FB2]  }
0x2e: {  	s3 =	simm.s32 @!p0 $0x1082;
	s9 =	sld [smem:$0x3FB3]  }
0x2f: {  	lr =	sadd.s32 s0, s3;
	s0 =	sld [smem:$0x3FAA]  }
0x30: {  	s3 =	sld [smem:$0x3FAD]  }
0x31: {  	[smem:$0x3FB6] =	sst s10  }
0x32: {  	s10 =	sld [smem:$0x3FB4];
	_ =	sdelay $0x3  }
0x33: {  	p0 =	seq.s32 s10, $0x1;
	s10 =	sld [smem:$0x3FB6];
	_ =	sdelay $0x3  }
0x34: {  	[smem:$0x3FB6] =	sst s10  }
0x35: {  	s10 =	sld [smem:$0x3FB5];
	_ =	sdelay $0x3  }
0x36: {  	p1 =	seq.s32 s10, $0x1;
	s10 =	sld [smem:$0x3FB6];
	_ =	sdelay $0x3  }
0x37: {  	[smem:$0x3FB6] =	sst s10  }
0x38: {  	s10 =	sld [smem:$0x3FB7]  }
0x39: {  	_ = 	snop;
	(pc) =	sbr.ind lr, $3  }
0x3a: {  	_ = 	snop  }
0x3b: {  	_ = 	snop  }
0x3c: {  	p2 =	seq.s32 s10, $0x1;
	s10 =	sld [smem:$0x3FB6]  }
0x3d: {  	_ =	shalt  }
0x3e: {  	_ =	shalt  }
0x3f: {  	_ =	shalt  }
0x40: {  	_ =	shalt  }
0x41: {  	_ =	shalt  }
0x42: {  	_ =	shalt  }
0x43: {  	_ =	shalt  }
0x44: {  	_ =	shalt  }
0x45: {  	_ =	shalt  }
0x46: {  	_ =	shalt  }
0x47: {  	_ =	shalt  }
0x48: {  	_ =	shalt  }
0x49: {  	_ =	shalt  }
0x4a: {  	_ =	shalt  }
0x4b: {  	_ =	shalt  }
0x4c: {  	_ =	shalt  }
0x4d: {  	_ =	shalt  }
0x4e: {  	_ =	shalt  }
0x4f: {  	_ =	shalt  }
0x50: {  	_ =	shalt  }
0x51: {  	_ =	shalt  }
0x52: {  	_ =	shalt  }
0x53: {  	_ =	shalt  }
0x54: {  	_ =	shalt  }
0x55: {  	_ =	shalt  }
0x56: {  	_ =	shalt  }
0x57: {  	_ =	shalt  }
0x58: {  	_ =	shalt  }
0x59: {  	_ =	shalt  }
0x5a: {  	_ =	shalt  }
0x5b: {  	_ =	shalt  }
0x5c: {  	_ =	shalt  }
0x5d: {  	_ =	shalt  }
0x5e: {  	_ =	shalt  }
0x5f: {  	_ =	shalt  }
0x60: {  	_ =	shalt  }
0x61: {  	_ =	shalt  }
0x62: {  	_ =	shalt  }
0x63: {  	_ =	shalt  }
0x64: {  	_ =	shalt  }
0x65: {  	_ =	shalt  }
0x66: {  	_ =	shalt  }
0x67: {  	_ =	shalt  }
0x68: {  	_ =	shalt  }
0x69: {  	_ =	shalt  }
0x6a: {  	_ =	shalt  }
0x6b: {  	_ =	shalt  }
0x6c: {  	_ =	shalt  }
0x6d: {  	_ =	shalt  }
0x6e: {  	_ =	shalt  }
0x6f: {  	_ =	shalt  }
0x70: {  	_ =	shalt  }
0x71: {  	_ =	shalt  }
0x72: {  	_ =	shalt  }
0x73: {  	_ =	shalt  }
0x74: {  	_ =	shalt  }
0x75: {  	_ =	shalt  }
0x76: {  	_ =	shalt  }
0x77: {  	_ =	shalt  }
0x78: {  	_ =	shalt  }
0x79: {  	_ =	shalt  }
0x7a: {  	_ =	shalt  }
0x7b: {  	_ =	shalt  }
0x7c: {  	_ =	shalt  }
0x7d: {  	_ =	shalt  }
0x7e: {  	_ =	shalt  }
0x7f: {  	_ =	shalt  }
0x80: {  	_ =	shalt  }
0x81: {  	_ =	shalt  }
0x82: {  	_ =	shalt  }
0x83: {  	_ =	shalt  }
0x84: {  	_ =	shalt  }
0x85: {  	_ =	shalt  }
0x86: {  	_ =	shalt  }
0x87: {  	_ =	shalt  }
.Lfunc_end0:
.L_simem_size_0:
called_computation_lowered:
.L_overlay_start_0:
0x88: {  	s2 =	sld [smem:$0x3FD9]  }
0x89: {  	s3 =	sld [smem:$0x3FFE];
	_ =	sdelay $0x1  }
0x8a: {  	s1 =	srdreg.scid  }
0x8b: {  	s0 =	sand.u32 $0x1, s1  }
0x8c: {  	s17 =	sshll.u32 s0, $0xA;
	s2 =	sadd.s32 s3, s2  }
0x8d: {  	s2 =	sadd.s32 s2, s17  }
0x8e: {  	[smem:$0x3FC2] =	sst s2  }
0x8f: {  	_ = 	snop  }
0x90: {  	s2 =	sld [smem:$0x3FD0];
	(tm) =	ssettm $0x1  }
0x91: {  	s18 =	sld [smem:$0x3FFB];
	_ =	sdelay $0x3  }
0x92: {  	_ =	strace s18  }
0x93: {  	s3 =	sld [smem:$0x3FFC];
	_ =	sdelay $0x3  }
0x94: {  	_ =	strace s3  }
0x95: {  	s3 =	sld [smem:$0x3FFD];
	_ =	sdelay $0x3  }
0x96: {  	_ =	strace s3  }
0x97: {  	_ =	strace $0x8FFFFFFF  }
0x98: {  	s19 =	sld [smem:$0x3FDB];
	_ =	sdelay $0x1  }
0x99: {  	s4 =	simm.s32 $_scs_section_size  }
0x9a: {  	s5 =	simm.s32 $_size__tile_overlayer_lowered;
	s6 =	simm.s32 $_tile_overlayer_lowered  }
0x9b: {  	s22 =	simm.s32 $0x1BFF;
	s21 =	sshll.u32 s6, $0x1;
	s3 =	sadd.s32 s4, s19  }
0x9c: {  	s7 =	simm.s32 $0x0;
	s20 =	sshll.u32 s5, $0x1;
	s5 =	sadd.s32 s21, s3  }
0x9d: {  	[timem:s7], [sflag:s22] =	dma.local [hbm:s5], s20  }
0x9e: {  	_ =	swait.ge [sflag:s22], s20  }
0x9f: {  	s4 =	ssub.s32 $0x0, s20;
	[sflag:s22] =	ssyncset.done $0x0  }
0xa0: {  	[sflag:s22] =	ssyncadd.s32 s4;
	_ =	sdelay $0x1  }
0xa1: {  	s23 =	simm.s32 $0x1B8B  }
0xa2: {  	_ =	swait.ge [sflag:s23], $0x1  }
0xa3: {  	[sflag:s23] =	ssyncset.done $0x0  }
0xa4: {  	s25 =	simm.s32 $0x1B8E;
	s24 =	sld [smem:$0x3FFE];
	[sflag:s23] =	ssyncadd.s32 $0xFFFFFFFF  }
0xa5: {  	s26 =	simm.s32 $execute0_lowered;
	[smem:$0x3FD2] =	sst s25  }
0xa6: {  	s5 =	sshll.u32 s26, $0x1;
	_ =	strace $0x80000046;
	[dreg:$0x1] =	wrdreg $0xFFFFFFFF  }
0xa7: {  	s28 =	simm.s32 $_size_execute0_lowered;
	s3 =	sadd.s32 s3, s5;
	[dreg:$0x0] =	wrdreg $0x0  }
0xa8: {  	s5 =	sshll.u32 s28, $0x1;
	[dreg:$0x2] =	wrdreg s3  }
0xa9: {  	[dreg:$0x3] =	wrdreg s5  }
0xaa: {  	[dreg:$0x4] =	wrdreg $0xC0  }
0xab: {  	_ =	task [dreg:s7], $0x5FFFF  }
0xac: {  	[dreg:$0x1] =	wrdreg $0xFFFFFFFF  }
0xad: {  	[dreg:$0x0] =	wrdreg $0x60  }
0xae: {  	[dreg:$0x2] =	wrdreg s24  }
0xaf: {  	[dreg:$0x3] =	wrdreg s2  }
0xb0: {  	[dreg:$0x4] =	wrdreg $0xD2F00  }
0xb1: {  	[dreg:$0x5] =	wrdreg $0x9  }
0xb2: {  	_ =	task.clear_ibuf [dreg:s7], $0x6FFFF;
	_ =	strace $0x90000046  }
0xb3: {  	s29 =	simm.s32 $0x9;
	_ =	strace $0x80000048  }
0xb4: {  	_ =	swait.ge [sflag:s29], $0x1  }
0xb5: {  	[sflag:s29] =	ssyncadd.s32 $0xFFFFFFFF  }
0xb6: {  	_ =	strace $0x90000048  }
0xb7: {  	_ =	sfence  }
0xb8: {  	s30 =	sld [smem:$0x0];
	_ =	sdelay $0x2  }
0xb9: {  	s31 =	sshll.u32 s1, $0xD;
	s1 =	sshrl.u32 s1, $0x2  }
0xba: {  	s3 =	sand.u32 $0x4000, s31;
	s1 =	sadd.s32 s1, s30  }
0xbb: {  	s0 =	sor.u32 s3, s0;
	s1 =	sshll.u32 s1, $0x11  }
0xbc: {  	s0 =	sor.u32 s1, s0  }
0xbd: {  	s0 =	sadd.s32 $0x8F2B, s0  }
0xbe: {  	[sflag:s0] =	ssyncadd.remote.s32 $0x1  }
0xbf: {  	_ =	sfence.sel $0xFFFF  }
0xc0: {  	[dreg:$0x0] =	wrdreg $0xFFFFFFFF;
	(pc) =	sbr.abs _section_cstart, $3  }
0xc1: {  	[dreg:$0x1] =	wrdreg $0xFFFFFFFF  }
0xc2: {  	_ =	task.clear_ibuf [dreg:s7], $0x2FFFF;
	_ =	strace $0x9FFFFFFF  }
0xc3: {  	(tm) =	ssettm $0x7FFFFFFF  }
tec
execute0_lowered:
.L_overlay_start_1:
0x0: {  	(tag) =	ssettag $0x1  }
0x1: {  	s0 =	rddreg [dreg:$0x0]  }
0x2: {  	s1 =	rddreg [dreg:$0x1]  }
0x3: {  	s3 =	srdreg.scid;
	s17 =	stileid.u32  }
0x4: {  	s2 =	rddreg [dreg:$0x2];
	s18 =	simm.s32 $0x1388;
	s19 =	simm.s32 $0x3  }
0x5: {  	s20 =	simm.s32 $0x55F0;
	s21 =	simm.s32 $0x1;
	s22 =	simm.s32 $0x2  }
0x6: {  	s23 =	simm.s32 $0x9470;
	s24 =	simm.s32 $0x4;
	s25 =	simm.s32 $0x0  }
0x7: {  	s9 =	sand.u32 $0x1, s3;
	s4 =	sshll.u32 s17, $0x1;
	s3 =	simm.s32 $0x0  }
0x8: {  	s10 =	smul.u32 $0x2780, s17;
	s5 =	sadd.s32 $0xAF200, s0;
	s6 =	sadd.s32 $0xAA200, s0  }
0x9: {  	s14 =	smul.u32 $0x4F0, s17;
	s30 =	sshll.u32 s17, $0x6;
	s17 =	simm.s32 $0x1770  }
0xa: {  	s4 =	sor.u32 s9, s4;
	[smem:$0x7FF] =	sst s3;
	s15 =	smul.u32 $0x4F00, s9  }
0xb: {  	s13 =	ssub.s32 $0x2, s9;
	s4 =	smul.u32 $0x1388, s4;
	_ =	strace $0x80000047  }
0xc: {  	s8 =	sshrl.u32 s10, $0x3;
	s29 =	sshrl.u32 s13, $0x1;
	s16 =	sadd.s32 s10, s2  }
0xd: {  	s10 =	sor.u32 $0x1C05, s30;
	s12 =	sadd.s32 s8, s0;
	s8 =	sadd.s32 $0xB9200, s0  }
0xe: {  	s31 =	sadd.s32 s14, s15;
	s14 =	sshrl.u32 s16, $0x3;
	s15 =	simm.s32 $0x5  }
0xf: {  	s16 =	simm.s32 $0x3E8;
	s7 =	sshrl.u32 s4, $0x3;
	s9 =	sadd.s32 $0xB4200, s12  }
0x10: {  	s11 =	sadd.s32 s7, s0;
	s7 =	sadd.s32 $0x2200, s0;
	s0 =	ssub.s32 s13, s29  }
0x11: {  	s12 =	sadd.s32 s1, s31;
	s11 =	sadd.s32 $0x7200, s11;
	s13 =	smax.u32 s0, $0x1  }
.LBB2_1:
0x12: {  	[spmem:s14], [sflag:s10] =	dma.local [hbm:s9], $0x4F0  }
0x13: {  	_ =	swait.ge [sflag:s15], $0x4F0  }
0x14: {  	[sflag:s15] =	ssyncset.done $0x0  }
0x15: {  	[sflag:s15] =	ssyncadd.s32 $0xFFFFFB10  }
0x16: {  	[tilespmem:s3], [sflag:$0x5] =	stream.linear.gather [hbm4b:s11+s3], $0x1388, $0x38;
	[tilespmem:$0xFA70] =	vst v63  }
0x17: {  	_ =	swait.ge [sflag:s15], $0x1388  }
0x18: {  	[sflag:s15] =	ssyncset.done $0x0  }
0x19: {  	[sflag:s15] =	ssyncadd.s32 $0xFFFFEC78  }
0x1a: {  	s26 =	simm.s32 $0x0;
	[bflag:$0x0] =	sbarrier.arrive $0xFFFF  }
.LBB2_2:
0x1b: {  	s0 =	smul.u32 $0x3E8, s26;
	_ =	sdelay $0x1  }
0x1c: {  	s28 =	sadd.s32 s4, s0  }
0x1d: {  	[tilespmem:s17], [sflag:$0x1] =	stream.indirect.gather [hbm4b:s5+s16], $0x10, s0, s16, $0xb8;
	[tilespmem:$0xFA70] =	vst v63  }
0x1e: {  	s1 =	sshrl.u32 s28, $0x3  }
0x1f: {  	s0 =	sadd.s32 s7, s1  }
0x20: {  	[tilespmem:s18], [sflag:$0x3] =	stream.linear.gather [hbm4b:s0+s3], $0x3E8, $0x38;
	[tilespmem:$0xFA70] =	vst v63  }
0x21: {  	_ =	swait.ge [sflag:s19], $0x3E8  }
0x22: {  	[sflag:s19] =	ssyncset.done $0x0  }
0x23: {  	[sflag:s19] =	ssyncadd.s32 $0xFFFFFC18  }
0x24: {  	[tilespmem:s20], [sflag:$0x2] =	stream.indirect.gather [hbm4b:s6+s16], $0x10, s18, s16, $0xb8;
	[tilespmem:$0xFA70] =	vst v63  }
0x25: {  	_ =	swait.ge [sflag:s21], $0x3E80  }
0x26: {  	[sflag:s21] =	ssyncset.done $0x0  }
0x27: {  	[sflag:s21] =	ssyncadd.s32 $0xFFFFC180  }
0x28: {  	_ =	swait.ge [sflag:s22], $0x3E80  }
0x29: {  	[sflag:s22] =	ssyncset.done $0x0  }
0x2a: {  	s1 =	simm.s32 $0x17B0;
	[sflag:s22] =	ssyncadd.s32 $0xFFFFC180  }
0x2b: {  	s29 =	simm.s32 $0x5630;
	v0 =	vld [tilespmem:s1+$0xFFFFFFC0]  }
0x2c: {  	v1 =	vld [tilespmem:s29+$0xFFFFFFC0];
	_ =	sdelay $0x4  }
0x2d: {  	v0 =	vadd.f32 v1, v0;
	_ =	sdelay $0x1  }
0x2e: {  	v1 =	vmul.f32 $2.000000030e-01, v0  }
0x2f: {  	vm0 =	vgt.f32 v0, $0.0e+00  }
0x30: {  	v0 =	vsel vm0, v0, v1  }
0x31: {  	v0 =	vmul.f32 $1.442695020e+00, v0;
	_ =	sdelay $0x1  }
0x32: {  	(erf) = vpow2.f32 v0;
	_ =	sdelay $0x8  }
0x33: {  	s30 =	simm.s32 $0x94B0;
	v0 =	vpop (erf)  }
0x34: {  	[tilespmem:s30+$0xFFFFFFC0] =	vst v0  }
0x35: {  	v0 =	vld [tilespmem:s1+$0xFFFFFFD0]  }
0x36: {  	v57 =	vld [tilespmem:s29+$0xFFFFFFD0];
	_ =	sdelay $0x4  }
0x37: {  	v0 =	vadd.f32 v57, v0;
	_ =	sdelay $0x1  }
0x38: {  	v1 =	vmul.f32 $2.000000030e-01, v0  }
0x39: {  	vm9 =	vgt.f32 v0, $0.0e+00  }
0x3a: {  	v0 =	vsel vm9, v0, v1  }
0x3b: {  	v0 =	vmul.f32 $1.442695020e+00, v0;
	_ =	sdelay $0x1  }
0x3c: {  	(erf) = vpow2.f32 v0;
	_ =	sdelay $0x8  }
0x3d: {  	v0 =	vpop (erf)  }
0x3e: {  	[tilespmem:s30+$0xFFFFFFD0] =	vst v0  }
0x3f: {  	v0 =	vld [tilespmem:s1+$0xFFFFFFE0]  }
0x40: {  	v58 =	vld [tilespmem:s29+$0xFFFFFFE0];
	_ =	sdelay $0x4  }
0x41: {  	v0 =	vadd.f32 v58, v0;
	_ =	sdelay $0x1  }
0x42: {  	v1 =	vmul.f32 $2.000000030e-01, v0  }
0x43: {  	vm10 =	vgt.f32 v0, $0.0e+00  }
0x44: {  	v0 =	vsel vm10, v0, v1  }
0x45: {  	v0 =	vmul.f32 $1.442695020e+00, v0;
	_ =	sdelay $0x1  }
0x46: {  	(erf) = vpow2.f32 v0;
	_ =	sdelay $0x8  }
0x47: {  	v0 =	vpop (erf)  }
0x48: {  	[tilespmem:s30+$0xFFFFFFE0] =	vst v0  }
0x49: {  	v0 =	vld [tilespmem:s1+$0xFFFFFFF0]  }
0x4a: {  	v59 =	vld [tilespmem:s29+$0xFFFFFFF0];
	_ =	sdelay $0x4  }
0x4b: {  	v0 =	vadd.f32 v59, v0;
	_ =	sdelay $0x1  }
0x4c: {  	v1 =	vmul.f32 $2.000000030e-01, v0  }
0x4d: {  	vm11 =	vgt.f32 v0, $0.0e+00  }
0x4e: {  	v0 =	vsel vm11, v0, v1  }
0x4f: {  	v0 =	vmul.f32 $1.442695020e+00, v0;
	_ =	sdelay $0x1  }
0x50: {  	(erf) = vpow2.f32 v0;
	_ =	sdelay $0x8  }
0x51: {  	v0 =	vpop (erf)  }
0x52: {  	[tilespmem:s30+$0xFFFFFFF0] =	vst v0  }
0x53: {  	v0 =	vld [tilespmem:s1+$0x0]  }
0x54: {  	v60 =	vld [tilespmem:s29+$0x0];
	_ =	sdelay $0x4  }
0x55: {  	v0 =	vadd.f32 v60, v0;
	_ =	sdelay $0x1  }
0x56: {  	v1 =	vmul.f32 $2.000000030e-01, v0  }
0x57: {  	vm12 =	vgt.f32 v0, $0.0e+00  }
0x58: {  	v0 =	vsel vm12, v0, v1  }
0x59: {  	v0 =	vmul.f32 $1.442695020e+00, v0;
	_ =	sdelay $0x1  }
0x5a: {  	(erf) = vpow2.f32 v0;
	_ =	sdelay $0x8  }
0x5b: {  	v0 =	vpop (erf)  }
0x5c: {  	[tilespmem:s30+$0x0] =	vst v0  }
0x5d: {  	v0 =	vld [tilespmem:s1+$0x10]  }
0x5e: {  	v61 =	vld [tilespmem:s29+$0x10];
	_ =	sdelay $0x4  }
0x5f: {  	v0 =	vadd.f32 v61, v0;
	_ =	sdelay $0x1  }
0x60: {  	v1 =	vmul.f32 $2.000000030e-01, v0  }
0x61: {  	vm13 =	vgt.f32 v0, $0.0e+00  }
0x62: {  	v0 =	vsel vm13, v0, v1  }
0x63: {  	v0 =	vmul.f32 $1.442695020e+00, v0;
	_ =	sdelay $0x1  }
0x64: {  	(erf) = vpow2.f32 v0;
	_ =	sdelay $0x8  }
0x65: {  	v0 =	vpop (erf)  }
0x66: {  	[tilespmem:s30+$0x10] =	vst v0  }
0x67: {  	v0 =	vld [tilespmem:s1+$0x20]  }
0x68: {  	v62 =	vld [tilespmem:s29+$0x20];
	_ =	sdelay $0x4  }
0x69: {  	v0 =	vadd.f32 v62, v0;
	_ =	sdelay $0x1  }
0x6a: {  	v1 =	vmul.f32 $2.000000030e-01, v0  }
0x6b: {  	vm14 =	vgt.f32 v0, $0.0e+00  }
0x6c: {  	v0 =	vsel vm14, v0, v1  }
0x6d: {  	v0 =	vmul.f32 $1.442695020e+00, v0;
	_ =	sdelay $0x1  }
0x6e: {  	(erf) = vpow2.f32 v0;
	_ =	sdelay $0x8  }
0x6f: {  	v0 =	vpop (erf)  }
0x70: {  	[tilespmem:s30+$0x20] =	vst v0  }
0x71: {  	v0 =	vld [tilespmem:s1+$0x30]  }
0x72: {  	v63 =	vld [tilespmem:s29+$0x30];
	_ =	sdelay $0x4  }
0x73: {  	v0 =	vadd.f32 v63, v0;
	_ =	sdelay $0x1  }
0x74: {  	v1 =	vmul.f32 $2.000000030e-01, v0  }
0x75: {  	vm15 =	vgt.f32 v0, $0.0e+00  }
0x76: {  	v0 =	vsel vm15, v0, v1  }
0x77: {  	v0 =	vmul.f32 $1.442695020e+00, v0;
	_ =	sdelay $0x1  }
0x78: {  	(erf) = vpow2.f32 v0;
	_ =	sdelay $0x1  }
0x79: {  	s31 =	simm.s32 $0x0;
	s0 =	simm.s32 $0x1830;
	s1 =	simm.s32 $0x94B0  }
.LBB2_3:
0x7a: {  	s31 =	sadd.s32 $0x8, s31;
	s30 =	sadd.s32 $0x80, s30;
	s29 =	sadd.s32 $0x80, s29  }
0x7b: {  	p0 =	slt.u32 s31, $0x3E0;
	_ =	sdelay $0x4  }
0x7c: {  	v0 =	vpop (erf)  }
0x7d: {  	[tilespmem:s1+$0x30] =	vst v0;
	s1 =	smov.u32 s30  }
0x7e: {  	v0 =	vld [tilespmem:s0+$0xFFFFFFC0]  }
0x7f: {  	v1 =	vld [tilespmem:s29+$0xFFFFFFC0];
	_ =	sdelay $0x4  }
0x80: {  	v0 =	vadd.f32 v1, v0;
	_ =	sdelay $0x1  }
0x81: {  	v1 =	vmul.f32 $2.000000030e-01, v0  }
0x82: {  	vm0 =	vgt.f32 v0, $0.0e+00  }
0x83: {  	v0 =	vsel vm0, v0, v1  }
0x84: {  	v0 =	vmul.f32 $1.442695020e+00, v0;
	_ =	sdelay $0x1  }
0x85: {  	(erf) = vpow2.f32 v0;
	_ =	sdelay $0x8  }
0x86: {  	v0 =	vpop (erf)  }
0x87: {  	[tilespmem:s30+$0xFFFFFFC0] =	vst v0  }
0x88: {  	v0 =	vld [tilespmem:s0+$0xFFFFFFD0]  }
0x89: {  	v1 =	vld [tilespmem:s29+$0xFFFFFFD0];
	_ =	sdelay $0x4  }
0x8a: {  	v0 =	vadd.f32 v1, v0;
	_ =	sdelay $0x1  }
0x8b: {  	vm0 =	vgt.f32 v0, $0.0e+00;
	v1 =	vmul.f32 $2.000000030e-01, v0;
	_ =	sdelay $0x1  }
0x8c: {  	v0 =	vsel vm0, v0, v1  }
0x8d: {  	v0 =	vmul.f32 $1.442695020e+00, v0;
	_ =	sdelay $0x1  }
0x8e: {  	(erf) = vpow2.f32 v0;
	_ =	sdelay $0x8  }
0x8f: {  	v0 =	vpop (erf)  }
0x90: {  	[tilespmem:s30+$0xFFFFFFD0] =	vst v0  }
0x91: {  	v0 =	vld [tilespmem:s0+$0xFFFFFFE0]  }
0x92: {  	v1 =	vld [tilespmem:s29+$0xFFFFFFE0];
	_ =	sdelay $0x4  }
0x93: {  	v0 =	vadd.f32 v1, v0;
	_ =	sdelay $0x1  }
0x94: {  	vm0 =	vgt.f32 v0, $0.0e+00;
	v1 =	vmul.f32 $2.000000030e-01, v0;
	_ =	sdelay $0x1  }
0x95: {  	v0 =	vsel vm0, v0, v1  }
0x96: {  	v0 =	vmul.f32 $1.442695020e+00, v0;
	_ =	sdelay $0x1  }
0x97: {  	(erf) = vpow2.f32 v0;
	_ =	sdelay $0x8  }
0x98: {  	v0 =	vpop (erf)  }
0x99: {  	[tilespmem:s30+$0xFFFFFFE0] =	vst v0  }
0x9a: {  	v0 =	vld [tilespmem:s0+$0xFFFFFFF0]  }
0x9b: {  	v1 =	vld [tilespmem:s29+$0xFFFFFFF0];
	_ =	sdelay $0x4  }
0x9c: {  	v0 =	vadd.f32 v1, v0;
	_ =	sdelay $0x1  }
0x9d: {  	vm0 =	vgt.f32 v0, $0.0e+00;
	v1 =	vmul.f32 $2.000000030e-01, v0;
	_ =	sdelay $0x1  }
0x9e: {  	v0 =	vsel vm0, v0, v1  }
0x9f: {  	v0 =	vmul.f32 $1.442695020e+00, v0;
	_ =	sdelay $0x1  }
0xa0: {  	(erf) = vpow2.f32 v0;
	_ =	sdelay $0x8  }
0xa1: {  	v0 =	vpop (erf)  }
0xa2: {  	[tilespmem:s30+$0xFFFFFFF0] =	vst v0  }
0xa3: {  	v0 =	vld [tilespmem:s0+$0x0]  }
0xa4: {  	v1 =	vld [tilespmem:s29+$0x0];
	_ =	sdelay $0x4  }
0xa5: {  	v0 =	vadd.f32 v1, v0;
	_ =	sdelay $0x1  }
0xa6: {  	vm0 =	vgt.f32 v0, $0.0e+00;
	v1 =	vmul.f32 $2.000000030e-01, v0;
	_ =	sdelay $0x1  }
0xa7: {  	v0 =	vsel vm0, v0, v1  }
0xa8: {  	v0 =	vmul.f32 $1.442695020e+00, v0;
	_ =	sdelay $0x1  }
0xa9: {  	(erf) = vpow2.f32 v0;
	_ =	sdelay $0x8  }
0xaa: {  	v0 =	vpop (erf)  }
0xab: {  	[tilespmem:s30+$0x0] =	vst v0  }
0xac: {  	v0 =	vld [tilespmem:s0+$0x10]  }
0xad: {  	v1 =	vld [tilespmem:s29+$0x10];
	_ =	sdelay $0x4  }
0xae: {  	v0 =	vadd.f32 v1, v0;
	_ =	sdelay $0x1  }
0xaf: {  	vm0 =	vgt.f32 v0, $0.0e+00;
	v1 =	vmul.f32 $2.000000030e-01, v0;
	_ =	sdelay $0x1  }
0xb0: {  	v0 =	vsel vm0, v0, v1  }
0xb1: {  	v0 =	vmul.f32 $1.442695020e+00, v0;
	_ =	sdelay $0x1  }
0xb2: {  	(erf) = vpow2.f32 v0;
	_ =	sdelay $0x8  }
0xb3: {  	v0 =	vpop (erf)  }
0xb4: {  	[tilespmem:s30+$0x10] =	vst v0  }
0xb5: {  	v0 =	vld [tilespmem:s0+$0x20]  }
0xb6: {  	v1 =	vld [tilespmem:s29+$0x20];
	_ =	sdelay $0x4  }
0xb7: {  	v0 =	vadd.f32 v1, v0;
	_ =	sdelay $0x1  }
0xb8: {  	vm0 =	vgt.f32 v0, $0.0e+00;
	v1 =	vmul.f32 $2.000000030e-01, v0;
	_ =	sdelay $0x1  }
0xb9: {  	v0 =	vsel vm0, v0, v1  }
0xba: {  	v0 =	vmul.f32 $1.442695020e+00, v0;
	_ =	sdelay $0x1  }
0xbb: {  	(erf) = vpow2.f32 v0;
	_ =	sdelay $0x8  }
0xbc: {  	v0 =	vpop (erf)  }
0xbd: {  	[tilespmem:s30+$0x20] =	vst v0  }
0xbe: {  	v0 =	vld [tilespmem:s0+$0x30]  }
0xbf: {  	v1 =	vld [tilespmem:s29+$0x30];
	_ =	sdelay $0x4  }
0xc0: {  	v0 =	vadd.f32 v1, v0;
	_ =	sdelay $0x1  }
0xc1: {  	vm0 =	vgt.f32 v0, $0.0e+00;
	v1 =	vmul.f32 $2.000000030e-01, v0;
	_ =	sdelay $0x1  }
0xc2: {  	v0 =	vsel vm0, v0, v1  }
.Ltmp0:
0xc3: {  	v0 =	vmul.f32 $1.442695020e+00, v0;
	(pc) =	sbr.rel @p0 .LBB2_3-.Ltmp0, $3  }
0xc4: {  	_ = 	snop  }
0xc5: {  	(erf) = vpow2.f32 v0;
	_ =	sdelay $0x1  }
0xc6: {  	s0 =	sadd.s32 $0x80, s0  }
0xc7: {  	_ =	sdelay $0x5  }
0xc8: {  	s0 =	sshll.u32 s28, $0x1;
	v0 =	vpop (erf)  }
0xc9: {  	s0 =	sadd.s32 s8, s0;
	[tilespmem:s1+$0x30] =	vst v0  }
0xca: {  	[hbm4b:s0+s3] =	stream.linear.scatter [tilespmem:s23], [sflag:$0x4], $0x3E80, $0x38;
	[tilespmem:$0xFA70] =	vst v63  }
0xcb: {  	s26 =	sadd.s32 $0x1, s26  }
0xcc: {  	[spmem:s2] =	stream.indirect.scatter.add.f32 [tilespmem:s23], [sflag:$0x5], $0x10, s18, s16, $0xb8;
	[tilespmem:$0xFA70] =	vst v63  }
0xcd: {  	p0 =	sne.s32 s26, $0x5;
	_ =	swait.ge [sflag:s15], $0x3E80  }
.Ltmp1:
0xce: {  	[sflag:s15] =	ssyncset.done $0x0;
	(pc) =	sbr.rel @p0 .LBB2_2-.Ltmp1, $4  }
0xcf: {  	[sflag:s15] =	ssyncadd.s32 $0xFFFFC180  }
0xd0: {  	_ =	swait.ge [sflag:s24], $0x3E80  }
0xd1: {  	[sflag:s24] =	ssyncset.done $0x0  }
0xd2: {  	[sflag:s24] =	ssyncadd.s32 $0xFFFFC180  }
0xd3: {  	s25 =	sadd.s32 $0x1, s25  }
0xd4: {  	p0 =	sne.s32 s25, s13  }
.Ltmp2:
0xd5: {  	[bflag:$0x0] =	sbarrier.arrive $0xFFFF;
	(pc) =	sbr.rel @p0 .LBB2_1-.Ltmp2, $4  }
0xd6: {  	[hbm:s12], [sflag:s10] =	dma.local [spmem:s14], $0x4F0  }
0xd7: {  	_ =	swait.ge [sflag:s15], $0x4F0  }
0xd8: {  	[sflag:s15] =	ssyncset.done $0x0  }
0xd9: {  	[sflag:s15] =	ssyncadd.s32 $0xFFFFFB10  }
0xda: {  	_ =	sfence.sel $0x180000  }
0xdb: {  	[bflag:$0x0] =	sbarrier.arrive $0xFFFF  }
0xdc: {  	_ =	strace $0x90000047  }
0xdd: {  	s0 =	stileid.u32;
	[bflag:$0x2] =	sbarrier.arrive $0xFFFF  }
0xde: {  	p0 =	sne.s32 s0, $0x0;
	s0 =	rddreg [dreg:$0x3]  }
0xdf: {  	s0 =	sadd.s32 @!p0 $0x100000, s0  }
0xe0: {  	[sflag:s0] =	ssyncadd.tile.s32 @!p0 $0x1;
	_ =	shalt  }
.Lfunc_end2:
_tile_overlayer_lowered:
.L_overlay_start_2:
0xe1: {  	(tag) =	ssettag $0x2  }
0xe2: {  	s0 =	rddreg [dreg:$0x0];
	s2 =	stileid.u32  }
0xe3: {  	s1 =	rddreg [dreg:$0x1];
	p0 =	sne.s32 s2, $0x0  }
0xe4: {  	s3 =	rddreg [dreg:$0x2];
	[bflag:$0x3] =	sbarrier.arrive $0xFFFF;
	s2 =	simm.s32 @!p0 $0x1C05  }
0xe5: {  	[timem:s3], [sflag:s2] =	dma.local @!p0 [hbm:s0], s1  }
0xe6: {  	s0 =	simm.s32 @!p0 $0x5  }
0xe7: {  	_ =	swait.ge @!p0 [sflag:s0], s1  }
0xe8: {  	s1 =	ssub.s32 @!p0 $0x0, s1;
	[sflag:s0] =	ssyncset.done @!p0 $0x0  }
0xe9: {  	[sflag:s0] =	ssyncadd.s32 @!p0 s1  }
0xea: {  	[bflag:$0x3] =	sbarrier.arrive $0xFFFF  }
0xeb: {  	_ =	shalt  }

</sc_bundles>
